<compile_context>
chip_gen: v7x
topology: tpu7x:2x2x1
jax: 0.10.2.dev20260603
libtpu: 0.0.44.dev20260713+nightly
codegen_flags: <defaults>
</compile_context>

<pallas_src>
import jax
import jax.numpy as jnp
from jax import lax
from jax.experimental import pallas as pl
from jax.experimental.pallas import tpu as pltpu
from jax.experimental.pallas import tpu_sc as plsc

NC = 2
NS = 16
NW = NC * NS


def _wid():
    return lax.axis_index("s") * NC + lax.axis_index("c")


def _sc_emb_gather(rflat, cflat, embr_flat, embc_flat):
    NR = rflat.shape[0]
    NCH = cflat.shape[0]
    D = embr_flat.shape[1]
    r_per_w = NR // NW
    c_per_w = NCH // NW
    K = 2048
    H = K // 2
    n_r = r_per_w // K
    n_c = c_per_w // K

    def body(ridx_hbm, cidx_hbm, embr_hbm, embc_hbm, xr_hbm, xc_hbm,
             ia0, ib0, ia1, ib1, ra0, rb0, ra1, rb1,
             ga0, gb0, ga1, gb1, sa0, sb0, sa1, sb1):
        w = _wid()
        idx_v = ((ia0, ib0), (ia1, ib1))
        rows_v = ((ra0, rb0), (ra1, rb1))
        gsem = ((ga0, gb0), (ga1, gb1))
        ssem = ((sa0, sb0), (sa1, sb1))
        chunks = (
            [(ridx_hbm, embr_hbm, xr_hbm, w * r_per_w + k * K)
             for k in range(n_r)] +
            [(cidx_hbm, embc_hbm, xc_hbm, w * c_per_w + k * K)
             for k in range(n_c)])
        stores = [None, None]
        pending = None
        for t, (isrc, tbl, dst, off) in enumerate(chunks):
            s = t % 2
            if stores[s] is not None:
                stores[s][0].wait()
                stores[s][1].wait()
                stores[s] = None
            pltpu.sync_copy(isrc.at[pl.ds(off, H)], idx_v[s][0])
            pltpu.sync_copy(isrc.at[pl.ds(off + H, H)], idx_v[s][1])
            g1 = pltpu.async_copy(tbl.at[idx_v[s][0]], rows_v[s][0], gsem[s][0])
            g2 = pltpu.async_copy(tbl.at[idx_v[s][1]], rows_v[s][1], gsem[s][1])
            if pending is not None:
                p1, p2, pdst, poff, ps = pending
                p1.wait()
                p2.wait()
                stores[ps] = (
                    pltpu.async_copy(rows_v[ps][0], pdst.at[pl.ds(poff, H)],
                                     ssem[ps][0]),
                    pltpu.async_copy(rows_v[ps][1],
                                     pdst.at[pl.ds(poff + H, H)],
                                     ssem[ps][1]),
                )
            pending = (g1, g2, dst, off, s)
        p1, p2, pdst, poff, ps = pending
        p1.wait()
        p2.wait()
        pltpu.sync_copy(rows_v[ps][0], pdst.at[pl.ds(poff, H)])
        pltpu.sync_copy(rows_v[ps][1], pdst.at[pl.ds(poff + H, H)])
        for st in stores:
            if st is not None:
                st[0].wait()
                st[1].wait()

    f = pl.kernel(
        body,
        out_type=(
            jax.ShapeDtypeStruct((NR, D), jnp.float32),
            jax.ShapeDtypeStruct((NCH, D), jnp.float32),
        ),
        mesh=plsc.VectorSubcoreMesh(core_axis_name="c", subcore_axis_name="s"),
        compiler_params=pltpu.CompilerParams(use_tc_tiling_on_sc=False),
        scratch_types=[
            pltpu.VMEM((H,), jnp.int32),
            pltpu.VMEM((H,), jnp.int32),
            pltpu.VMEM((H,), jnp.int32),
            pltpu.VMEM((H,), jnp.int32),
            pltpu.VMEM((H, D), jnp.float32),
            pltpu.VMEM((H, D), jnp.float32),
            pltpu.VMEM((H, D), jnp.float32),
            pltpu.VMEM((H, D), jnp.float32),
            pltpu.SemaphoreType.DMA,
            pltpu.SemaphoreType.DMA,
            pltpu.SemaphoreType.DMA,
            pltpu.SemaphoreType.DMA,
            pltpu.SemaphoreType.DMA,
            pltpu.SemaphoreType.DMA,
            pltpu.SemaphoreType.DMA,
            pltpu.SemaphoreType.DMA,
        ],
    )
    return f(rflat, cflat, embr_flat, embc_flat)


def _tc_stats(cnum_flat, rn):
    E, NNC = cnum_flat.shape
    B, NNR = rn.shape
    BLK = 4096
    n_steps = E // BLK
    r_steps = B // BLK

    def body(cn_ref, rn_ref, sc_ref, sr_ref):
        i = pl.program_id(0)

        @pl.when(i == 0)
        def _():
            sc_ref[...] = jnp.zeros_like(sc_ref)
            sr_ref[...] = jnp.zeros_like(sr_ref)

        cn = cn_ref[...]
        sc_ref[0:1, :] += jnp.sum(cn, axis=0, keepdims=True)
        sc_ref[1:2, :] += jnp.sum(cn * cn, axis=0, keepdims=True)

        @pl.when(i < r_steps)
        def _():
            r = rn_ref[...]
            sr_ref[0:1, :] += jnp.sum(r, axis=0, keepdims=True)
            sr_ref[1:2, :] += jnp.sum(r * r, axis=0, keepdims=True)

    return pl.pallas_call(
        body,
        grid=(n_steps,),
        in_specs=[
            pl.BlockSpec((BLK, NNC), lambda i: (i, 0)),
            pl.BlockSpec((BLK, NNR), lambda i: (i % r_steps, 0)),
        ],
        out_specs=[
            pl.BlockSpec((8, NNC), lambda i: (0, 0)),
            pl.BlockSpec((8, NNR), lambda i: (0, 0)),
        ],
        out_shape=[
            jax.ShapeDtypeStruct((8, NNC), jnp.float32),
            jax.ShapeDtypeStruct((8, NNR), jnp.float32),
        ],
    )(cnum_flat, rn)


def _tc_main(xchild, cnum, rn, stats_c, stats_r, W_out, b_pad):
    B, F, XD = xchild.shape
    NNC = cnum.shape[2]
    NNR = rn.shape[1]
    OUT = W_out.shape[0]
    BLK = 512
    n_steps = B // BLK
    n_child = float(F * B)
    eps = 1e-5

    def body(xc_ref, cn_ref, rn_ref, sc_ref, sr_ref, w_ref, b_ref,
             agg_ref, rnn_ref):
        mc = sc_ref[0:1, :] / n_child
        vc = sc_ref[1:2, :] / n_child - mc * mc
        inv_c = lax.rsqrt(vc + eps)
        w1 = w_ref[:, :XD]
        w2s = w_ref[:, XD:] * inv_c
        b2 = b_ref[0:1, :] - jax.lax.dot_general(
            mc * inv_c, w2s, (((1,), (1,)), ((), ())),
            preferred_element_type=jnp.float32)
        acc = jnp.zeros((BLK, OUT), jnp.float32)
        for j in range(F):
            xj = xc_ref[:, j, :]
            nj = cn_ref[:, j, :]
            hj = jax.lax.dot_general(
                xj, w1, (((1,), (1,)), ((), ())),
                preferred_element_type=jnp.float32)
            hj += jax.lax.dot_general(
                nj, w2s, (((1,), (1,)), ((), ())),
                preferred_element_type=jnp.float32)
            acc += jnp.maximum(hj + b2, 0.0)
        agg_ref[...] = acc * (1.0 / F)
        mr = sr_ref[0:1, :] / float(B)
        vr = sr_ref[1:2, :] / float(B) - mr * mr
        rnn_ref[...] = (rn_ref[...] - mr) * lax.rsqrt(vr + eps)

    return pl.pallas_call(
        body,
        grid=(n_steps,),
        in_specs=[
            pl.BlockSpec((BLK, F, XD), lambda i: (i, 0, 0)),
            pl.BlockSpec((BLK, F, NNC), lambda i: (i, 0, 0)),
            pl.BlockSpec((BLK, NNR), lambda i: (i, 0)),
            pl.BlockSpec((8, NNC), lambda i: (0, 0)),
            pl.BlockSpec((8, NNR), lambda i: (0, 0)),
            pl.BlockSpec((OUT, XD + NNC), lambda i: (0, 0)),
            pl.BlockSpec((8, OUT), lambda i: (0, 0)),
        ],
        out_specs=[
            pl.BlockSpec((BLK, OUT), lambda i: (i, 0)),
            pl.BlockSpec((BLK, NNR), lambda i: (i, 0)),
        ],
        out_shape=[
            jax.ShapeDtypeStruct((B, OUT), jnp.float32),
            jax.ShapeDtypeStruct((B, NNR), jnp.float32),
        ],
    )(xchild, cnum, rn, stats_c, stats_r, W_out, b_pad)


def kernel(raw_idx, root_cat_feat, root_num_feat, child_map, child_cat_feat,
           child_num_feat, emb_root, emb_child, W_out, b_out):
    B = raw_idx.shape[0]
    F = child_map.shape[1]
    NCR, V, D = emb_root.shape
    NCC = emb_child.shape[0]
    NNC = child_num_feat.shape[1]

    idx = raw_idx.astype(jnp.int32)

    rcid = jnp.take(root_cat_feat.astype(jnp.int32), idx, axis=0)
    rn = jnp.take(root_num_feat, idx, axis=0)
    cm = jnp.take(child_map.astype(jnp.int32), idx, axis=0)
    expanded = cm.reshape(-1)
    ccid = jnp.take(child_cat_feat.astype(jnp.int32), expanded,
                    axis=0)
    cnum = jnp.take(child_num_feat, expanded, axis=0)

    rflat = (rcid + jnp.arange(NCR, dtype=jnp.int32) * V).reshape(-1)
    cflat = (ccid + jnp.arange(NCC, dtype=jnp.int32) * V).reshape(-1)
    xroot, xchild = _sc_emb_gather(
        rflat, cflat, emb_root.reshape(NCR * V, D),
        emb_child.reshape(NCC * V, D))

    stats_c, stats_r = _tc_stats(cnum, rn)
    b_pad = jnp.broadcast_to(b_out.reshape(1, -1), (8, b_out.shape[0]))
    agg, rn_norm = _tc_main(xchild.reshape(B, F, NCC * D),
                            cnum.reshape(B, F, NNC),
                            rn, stats_c, stats_r, W_out, b_pad)
    return jnp.concatenate([xroot.reshape(B, NCR * D), rn_norm, agg], axis=1)

# --- scband reference (transcript-rebuilt; emitter-appended) ---
"""Pipeline reference for scband-gnnnode-6640019439760 (READ-ONLY COPY).

The authoritative reference and input builder live on the scoring server;
editing this copy changes nothing except your own understanding.
"""

import jax, jax.numpy as jnp
import numpy as np


def _bn(x, eps=1e-5):
    # BatchNorm1d in training mode: normalize over the batch dimension
    m = x.mean(axis=0, keepdims=True)
    v = x.var(axis=0, keepdims=True)
    return (x - m) / jnp.sqrt(v + eps)


def setup_inputs(seed: int = 0) -> dict:
    key = jax.random.key(seed)
    ks = jax.random.split(key, 10)
    B = 16384
    N_ROOT = 100000
    N_CHILD = 1000000
    V = 100000
    D = 16
    N_CAT_ROOT = 8
    N_NUM_ROOT = 13
    N_CAT_CHILD = 4
    N_NUM_CHILD = 8
    FANOUT = 10
    OUT = 32
    CHILD_IN = N_CAT_CHILD * D + N_NUM_CHILD  # 72
    raw_idx = jax.random.randint(ks[0], (B,), 0, N_ROOT, dtype=jnp.int64) if jax.config.jax_enable_x64 else jax.random.randint(ks[0], (B,), 0, N_ROOT)
    root_cat_feat = jax.random.randint(ks[1], (N_ROOT, N_CAT_ROOT), 0, V)
    root_num_feat = jax.random.normal(ks[2], (N_ROOT, N_NUM_ROOT), dtype=jnp.float32)
    child_map = jax.random.randint(ks[3], (N_ROOT, FANOUT), 0, N_CHILD)
    child_cat_feat = jax.random.randint(ks[4], (N_CHILD, N_CAT_CHILD), 0, V)
    child_num_feat = jax.random.normal(ks[5], (N_CHILD, N_NUM_CHILD), dtype=jnp.float32)
    emb_root = jax.random.normal(ks[6], (N_CAT_ROOT, V, D), dtype=jnp.float32) * 0.05
    emb_child = jax.random.normal(ks[7], (N_CAT_CHILD, V, D), dtype=jnp.float32) * 0.05
    W_out = jax.random.normal(ks[8], (OUT, CHILD_IN), dtype=jnp.float32) * (1.0 / np.sqrt(CHILD_IN))
    b_out = jnp.zeros((OUT,), dtype=jnp.float32)
    return {
        "raw_idx": raw_idx,
        "root_cat_feat": root_cat_feat,
        "root_num_feat": root_num_feat,
        "child_map": child_map,
        "child_cat_feat": child_cat_feat,
        "child_num_feat": child_num_feat,
        "emb_root": emb_root,
        "emb_child": emb_child,
        "W_out": W_out,
        "b_out": b_out,
    }


def reference(raw_idx, root_cat_feat, root_num_feat, child_map, child_cat_feat,
              child_num_feat, emb_root, emb_child, W_out, b_out):
    # Root node: is_id=True, so idx = raw_idx directly.
    idx = raw_idx
    xs = []
    # Categorical features: per-column embedding lookup, concat (dropout = identity in eval).
    cate = jnp.take(root_cat_feat, idx, axis=0)  # [B, n_cat_root]
    x_cat = jnp.concatenate(
        [jnp.take(emb_root[i], cate[:, i], axis=0) for i in range(emb_root.shape[0])],
        axis=1)
    xs.append(x_cat)
    # Numeric features through BatchNorm1d.
    cont = _bn(jnp.take(root_num_feat, idx, axis=0))
    xs.append(cont)
    # Child GNNNode (is_id=False, is_one=False): 1:many key expansion via key index.
    B = idx.shape[0]
    fanout = child_map.shape[1]
    expanded = jnp.take(child_map, idx, axis=0).reshape(-1)  # [B * fanout]
    ccate = jnp.take(child_cat_feat, expanded, axis=0)
    cx = jnp.concatenate(
        [jnp.take(emb_child[i], ccate[:, i], axis=0) for i in range(emb_child.shape[0])],
        axis=1)
    ccont = _bn(jnp.take(child_num_feat, expanded, axis=0))
    cfeat = jnp.concatenate([cx, ccont], axis=1)  # [B*fanout, 72]
    # output_layer + activation (output dropout = identity in eval)
    h = jax.nn.relu(cfeat @ W_out.T + b_out)  # [B*fanout, 32]
    # aggregate_by_embbag with mode='mean' -> segment mean over per-key groups
    seg = jnp.repeat(jnp.arange(B), fanout)
    agg = jax.ops.segment_sum(h, seg, num_segments=B) / float(fanout)
    xs.append(agg)
    return jnp.concatenate(xs, axis=1)  # [B, 128 + 13 + 32]

if __name__ == "__main__":
    import jax
    _d = setup_inputs()
    print(jax.jit(kernel)(*tuple(_d.values())))

</pallas_src>

<mosaic_0001>
#map = affine_map<(d0, d1) -> (0)>
#map1 = affine_map<(d0, d1) -> (0, 0)>
module attributes {stable_mosaic.version = 14 : i64} {
  func.func @body(%arg0: i32, %arg1: i32, %arg2: memref<131072xi32, #tpu.memory_space<hbm>>, %arg3: memref<655360xi32, #tpu.memory_space<hbm>>, %arg4: memref<800000x16xf32, #tpu.memory_space<hbm>>, %arg5: memref<400000x16xf32, #tpu.memory_space<hbm>>, %arg6: memref<131072x16xf32, #tpu.memory_space<hbm>>, %arg7: memref<655360x16xf32, #tpu.memory_space<hbm>>, %arg8: memref<1024xi32, #tpu.memory_space<vmem>>, %arg9: memref<1024xi32, #tpu.memory_space<vmem>>, %arg10: memref<1024xi32, #tpu.memory_space<vmem>>, %arg11: memref<1024xi32, #tpu.memory_space<vmem>>, %arg12: memref<1024x16xf32, #tpu.memory_space<vmem>>, %arg13: memref<1024x16xf32, #tpu.memory_space<vmem>>, %arg14: memref<1024x16xf32, #tpu.memory_space<vmem>>, %arg15: memref<1024x16xf32, #tpu.memory_space<vmem>>, %arg16: memref<!tpu.dma_semaphore, #tpu.memory_space<semaphore_mem>>, %arg17: memref<!tpu.dma_semaphore, #tpu.memory_space<semaphore_mem>>, %arg18: memref<!tpu.dma_semaphore, #tpu.memory_space<semaphore_mem>>, %arg19: memref<!tpu.dma_semaphore, #tpu.memory_space<semaphore_mem>>, %arg20: memref<!tpu.dma_semaphore, #tpu.memory_space<semaphore_mem>>, %arg21: memref<!tpu.dma_semaphore, #tpu.memory_space<semaphore_mem>>, %arg22: memref<!tpu.dma_semaphore, #tpu.memory_space<semaphore_mem>>, %arg23: memref<!tpu.dma_semaphore, #tpu.memory_space<semaphore_mem>>) attributes {dimension_semantics = [#tpu.dimension_semantics<core_parallel>, #tpu.dimension_semantics<subcore_parallel>], iteration_bounds = array<i64: 2, 16>, scalar_prefetch = 0 : i64, scratch_operands = 16 : i64, tpu.core_type = #tpu.core_type<sc_vector_subcore>, window_params = [{transform_indices = #map}, {transform_indices = #map}, {transform_indices = #map1}, {transform_indices = #map1}, {transform_indices = #map1}, {transform_indices = #map1}]} {
    %mul3A = arith.constant 2 : i32
    %mul3A_0 = arith.muli %arg1, %mul3A : i32
    %add3A = arith.addi %mul3A_0, %arg0 : i32
    %mul3A_1 = arith.constant 4096 : i32
    %mul3A_2 = arith.muli %add3A, %mul3A_1 : i32
    %add3A_3 = arith.constant 0 : i32
    %add3A_4 = arith.addi %mul3A_2, %add3A_3 : i32
    %mul3A_5 = arith.constant 4096 : i32
    %mul3A_6 = arith.muli %add3A, %mul3A_5 : i32
    %add3A_7 = arith.constant 2048 : i32
    %add3A_8 = arith.addi %mul3A_6, %add3A_7 : i32
    %mul3A_9 = arith.constant 20480 : i32
    %mul3A_10 = arith.muli %add3A, %mul3A_9 : i32
    %add3A_11 = arith.constant 0 : i32
    %add3A_12 = arith.addi %mul3A_10, %add3A_11 : i32
    %mul3A_13 = arith.constant 20480 : i32
    %mul3A_14 = arith.muli %add3A, %mul3A_13 : i32
    %add3A_15 = arith.constant 2048 : i32
    %add3A_16 = arith.addi %mul3A_14, %add3A_15 : i32
    %mul3A_17 = arith.constant 20480 : i32
    %mul3A_18 = arith.muli %add3A, %mul3A_17 : i32
    %add3A_19 = arith.constant 4096 : i32
    %add3A_20 = arith.addi %mul3A_18, %add3A_19 : i32
    %mul3A_21 = arith.constant 20480 : i32
    %mul3A_22 = arith.muli %add3A, %mul3A_21 : i32
    %add3A_23 = arith.constant 6144 : i32
    %add3A_24 = arith.addi %mul3A_22, %add3A_23 : i32
    %mul3A_25 = arith.constant 20480 : i32
    %mul3A_26 = arith.muli %add3A, %mul3A_25 : i32
    %add3A_27 = arith.constant 8192 : i32
    %add3A_28 = arith.addi %mul3A_26, %add3A_27 : i32
    %mul3A_29 = arith.constant 20480 : i32
    %mul3A_30 = arith.muli %add3A, %mul3A_29 : i32
    %add3A_31 = arith.constant 10240 : i32
    %add3A_32 = arith.addi %mul3A_30, %add3A_31 : i32
    %mul3A_33 = arith.constant 20480 : i32
    %mul3A_34 = arith.muli %add3A, %mul3A_33 : i32
    %add3A_35 = arith.constant 12288 : i32
    %add3A_36 = arith.addi %mul3A_34, %add3A_35 : i32
    %mul3A_37 = arith.constant 20480 : i32
    %mul3A_38 = arith.muli %add3A, %mul3A_37 : i32
    %add3A_39 = arith.constant 14336 : i32
    %add3A_40 = arith.addi %mul3A_38, %add3A_39 : i32
    %mul3A_41 = arith.constant 20480 : i32
    %mul3A_42 = arith.muli %add3A, %mul3A_41 : i32
    %add3A_43 = arith.constant 16384 : i32
    %add3A_44 = arith.addi %mul3A_42, %add3A_43 : i32
    %mul3A_45 = arith.constant 20480 : i32
    %mul3A_46 = arith.muli %add3A, %mul3A_45 : i32
    %add3A_47 = arith.constant 18432 : i32
    %add3A_48 = arith.addi %mul3A_46, %add3A_47 : i32
    "tpu.region"() ({
      %run_scoped3A = tpu.sem_alloc : memref<!tpu.dma_semaphore, #tpu.memory_space<semaphore_mem>>
      %dma_start3A_415 = tpu.memref_slice %arg2[%add3A_4] : memref<131072xi32, #tpu.memory_space<hbm>> -> memref<1024xi32, #tpu.memory_space<hbm>>
      %dma_start3A_416 = tpu.memref_slice %arg2[%add3A_4] : memref<131072xi32, #tpu.memory_space<hbm>> -> memref<1024xi32, #tpu.memory_space<hbm>>
      tpu.enqueue_dma source(%dma_start3A_416 : memref<1024xi32, #tpu.memory_space<hbm>>) target(%arg8 : memref<1024xi32, #tpu.memory_space<vmem>>) target_semaphore(%run_scoped3A : memref<!tpu.dma_semaphore, #tpu.memory_space<semaphore_mem>>)
      %dma_wait3A_417 = tpu.memref_slice %arg2[%add3A_4] : memref<131072xi32, #tpu.memory_space<hbm>> -> memref<1024xi32, #tpu.memory_space<hbm>>
      %dma_wait3A_418 = tpu.memref_slice %arg2[%add3A_4] : memref<131072xi32, #tpu.memory_space<hbm>> -> memref<1024xi32, #tpu.memory_space<hbm>>
      tpu.wait_dma2 semaphore(%run_scoped3A : memref<!tpu.dma_semaphore, #tpu.memory_space<semaphore_mem>>) src(%dma_wait3A_418 : memref<1024xi32, #tpu.memory_space<hbm>>) dst(%arg8 : memref<1024xi32, #tpu.memory_space<vmem>>)
      tpu.yield
    }) : () -> ()
    %add3A_49 = arith.constant 1024 : i32
    %add3A_50 = arith.addi %add3A_4, %add3A_49 : i32
    "tpu.region"() ({
      %run_scoped3A = tpu.sem_alloc : memref<!tpu.dma_semaphore, #tpu.memory_space<semaphore_mem>>
      %dma_start3A_415 = tpu.memref_slice %arg2[%add3A_50] : memref<131072xi32, #tpu.memory_space<hbm>> -> memref<1024xi32, #tpu.memory_space<hbm>>
      %dma_start3A_416 = tpu.memref_slice %arg2[%add3A_50] : memref<131072xi32, #tpu.memory_space<hbm>> -> memref<1024xi32, #tpu.memory_space<hbm>>
      tpu.enqueue_dma source(%dma_start3A_416 : memref<1024xi32, #tpu.memory_space<hbm>>) target(%arg9 : memref<1024xi32, #tpu.memory_space<vmem>>) target_semaphore(%run_scoped3A : memref<!tpu.dma_semaphore, #tpu.memory_space<semaphore_mem>>)
      %dma_wait3A_417 = tpu.memref_slice %arg2[%add3A_50] : memref<131072xi32, #tpu.memory_space<hbm>> -> memref<1024xi32, #tpu.memory_space<hbm>>
      %dma_wait3A_418 = tpu.memref_slice %arg2[%add3A_50] : memref<131072xi32, #tpu.memory_space<hbm>> -> memref<1024xi32, #tpu.memory_space<hbm>>
      tpu.wait_dma2 semaphore(%run_scoped3A : memref<!tpu.dma_semaphore, #tpu.memory_space<semaphore_mem>>) src(%dma_wait3A_418 : memref<1024xi32, #tpu.memory_space<hbm>>) dst(%arg9 : memref<1024xi32, #tpu.memory_space<vmem>>)
      tpu.yield
    }) : () -> ()
    %dma_start3A = arith.constant 0 : i32
    %dma_start3A_51 = arith.constant 0 : i32
    %dma_start3A_52 = tpu.memref_slice %arg4[%dma_start3A, %dma_start3A_51] : memref<800000x16xf32, #tpu.memory_space<hbm>> -> memref<800000x16xf32, #tpu.memory_space<hbm>>
    tpu.enqueue_indirect_dma source(%dma_start3A_52 : memref<800000x16xf32, #tpu.memory_space<hbm>>) target(%arg12 : memref<1024x16xf32, #tpu.memory_space<vmem>>) offsets(%arg8 : memref<1024xi32, #tpu.memory_space<vmem>>) semaphore(%arg16 : memref<!tpu.dma_semaphore, #tpu.memory_space<semaphore_mem>>)
    %dma_start3A_53 = arith.constant 0 : i32
    %dma_start3A_54 = arith.constant 0 : i32
    %dma_start3A_55 = tpu.memref_slice %arg4[%dma_start3A_53, %dma_start3A_54] : memref<800000x16xf32, #tpu.memory_space<hbm>> -> memref<800000x16xf32, #tpu.memory_space<hbm>>
    tpu.enqueue_indirect_dma source(%dma_start3A_55 : memref<800000x16xf32, #tpu.memory_space<hbm>>) target(%arg13 : memref<1024x16xf32, #tpu.memory_space<vmem>>) offsets(%arg9 : memref<1024xi32, #tpu.memory_space<vmem>>) semaphore(%arg17 : memref<!tpu.dma_semaphore, #tpu.memory_space<semaphore_mem>>)
    "tpu.region"() ({
      %run_scoped3A = tpu.sem_alloc : memref<!tpu.dma_semaphore, #tpu.memory_space<semaphore_mem>>
      %dma_start3A_415 = tpu.memref_slice %arg2[%add3A_8] : memref<131072xi32, #tpu.memory_space<hbm>> -> memref<1024xi32, #tpu.memory_space<hbm>>
      %dma_start3A_416 = tpu.memref_slice %arg2[%add3A_8] : memref<131072xi32, #tpu.memory_space<hbm>> -> memref<1024xi32, #tpu.memory_space<hbm>>
      tpu.enqueue_dma source(%dma_start3A_416 : memref<1024xi32, #tpu.memory_space<hbm>>) target(%arg10 : memref<1024xi32, #tpu.memory_space<vmem>>) target_semaphore(%run_scoped3A : memref<!tpu.dma_semaphore, #tpu.memory_space<semaphore_mem>>)
      %dma_wait3A_417 = tpu.memref_slice %arg2[%add3A_8] : memref<131072xi32, #tpu.memory_space<hbm>> -> memref<1024xi32, #tpu.memory_space<hbm>>
      %dma_wait3A_418 = tpu.memref_slice %arg2[%add3A_8] : memref<131072xi32, #tpu.memory_space<hbm>> -> memref<1024xi32, #tpu.memory_space<hbm>>
      tpu.wait_dma2 semaphore(%run_scoped3A : memref<!tpu.dma_semaphore, #tpu.memory_space<semaphore_mem>>) src(%dma_wait3A_418 : memref<1024xi32, #tpu.memory_space<hbm>>) dst(%arg10 : memref<1024xi32, #tpu.memory_space<vmem>>)
      tpu.yield
    }) : () -> ()
    %add3A_56 = arith.constant 1024 : i32
    %add3A_57 = arith.addi %add3A_8, %add3A_56 : i32
    "tpu.region"() ({
      %run_scoped3A = tpu.sem_alloc : memref<!tpu.dma_semaphore, #tpu.memory_space<semaphore_mem>>
      %dma_start3A_415 = tpu.memref_slice %arg2[%add3A_57] : memref<131072xi32, #tpu.memory_space<hbm>> -> memref<1024xi32, #tpu.memory_space<hbm>>
      %dma_start3A_416 = tpu.memref_slice %arg2[%add3A_57] : memref<131072xi32, #tpu.memory_space<hbm>> -> memref<1024xi32, #tpu.memory_space<hbm>>
      tpu.enqueue_dma source(%dma_start3A_416 : memref<1024xi32, #tpu.memory_space<hbm>>) target(%arg11 : memref<1024xi32, #tpu.memory_space<vmem>>) target_semaphore(%run_scoped3A : memref<!tpu.dma_semaphore, #tpu.memory_space<semaphore_mem>>)
      %dma_wait3A_417 = tpu.memref_slice %arg2[%add3A_57] : memref<131072xi32, #tpu.memory_space<hbm>> -> memref<1024xi32, #tpu.memory_space<hbm>>
      %dma_wait3A_418 = tpu.memref_slice %arg2[%add3A_57] : memref<131072xi32, #tpu.memory_space<hbm>> -> memref<1024xi32, #tpu.memory_space<hbm>>
      tpu.wait_dma2 semaphore(%run_scoped3A : memref<!tpu.dma_semaphore, #tpu.memory_space<semaphore_mem>>) src(%dma_wait3A_418 : memref<1024xi32, #tpu.memory_space<hbm>>) dst(%arg11 : memref<1024xi32, #tpu.memory_space<vmem>>)
      tpu.yield
    }) : () -> ()
    %dma_start3A_58 = arith.constant 0 : i32
    %dma_start3A_59 = arith.constant 0 : i32
    %dma_start3A_60 = tpu.memref_slice %arg4[%dma_start3A_58, %dma_start3A_59] : memref<800000x16xf32, #tpu.memory_space<hbm>> -> memref<800000x16xf32, #tpu.memory_space<hbm>>
    tpu.enqueue_indirect_dma source(%dma_start3A_60 : memref<800000x16xf32, #tpu.memory_space<hbm>>) target(%arg14 : memref<1024x16xf32, #tpu.memory_space<vmem>>) offsets(%arg10 : memref<1024xi32, #tpu.memory_space<vmem>>) semaphore(%arg18 : memref<!tpu.dma_semaphore, #tpu.memory_space<semaphore_mem>>)
    %dma_start3A_61 = arith.constant 0 : i32
    %dma_start3A_62 = arith.constant 0 : i32
    %dma_start3A_63 = tpu.memref_slice %arg4[%dma_start3A_61, %dma_start3A_62] : memref<800000x16xf32, #tpu.memory_space<hbm>> -> memref<800000x16xf32, #tpu.memory_space<hbm>>
    tpu.enqueue_indirect_dma source(%dma_start3A_63 : memref<800000x16xf32, #tpu.memory_space<hbm>>) target(%arg15 : memref<1024x16xf32, #tpu.memory_space<vmem>>) offsets(%arg11 : memref<1024xi32, #tpu.memory_space<vmem>>) semaphore(%arg19 : memref<!tpu.dma_semaphore, #tpu.memory_space<semaphore_mem>>)
    %dma_wait3A = arith.constant 0 : i32
    %dma_wait3A_64 = arith.constant 0 : i32
    %dma_wait3A_65 = tpu.memref_slice %arg4[%dma_wait3A, %dma_wait3A_64] : memref<800000x16xf32, #tpu.memory_space<hbm>> -> memref<800000x16xf32, #tpu.memory_space<hbm>>
    tpu.wait_indirect_dma semaphore(%arg16 : memref<!tpu.dma_semaphore, #tpu.memory_space<semaphore_mem>>) src(%dma_wait3A_65 : memref<800000x16xf32, #tpu.memory_space<hbm>>) dst(%arg12 : memref<1024x16xf32, #tpu.memory_space<vmem>>)
    %dma_wait3A_66 = arith.constant 0 : i32
    %dma_wait3A_67 = arith.constant 0 : i32
    %dma_wait3A_68 = tpu.memref_slice %arg4[%dma_wait3A_66, %dma_wait3A_67] : memref<800000x16xf32, #tpu.memory_space<hbm>> -> memref<800000x16xf32, #tpu.memory_space<hbm>>
    tpu.wait_indirect_dma semaphore(%arg17 : memref<!tpu.dma_semaphore, #tpu.memory_space<semaphore_mem>>) src(%dma_wait3A_68 : memref<800000x16xf32, #tpu.memory_space<hbm>>) dst(%arg13 : memref<1024x16xf32, #tpu.memory_space<vmem>>)
    %dma_start3A_69 = arith.constant 0 : i32
    %dma_start3A_70 = tpu.memref_slice %arg6[%add3A_4, %dma_start3A_69] : memref<131072x16xf32, #tpu.memory_space<hbm>> -> memref<1024x16xf32, #tpu.memory_space<hbm>>
    %dma_start3A_71 = arith.constant 0 : i32
    %dma_start3A_72 = tpu.memref_slice %arg6[%add3A_4, %dma_start3A_71] : memref<131072x16xf32, #tpu.memory_space<hbm>> -> memref<1024x16xf32, #tpu.memory_space<hbm>>
    tpu.enqueue_dma source(%arg12 : memref<1024x16xf32, #tpu.memory_space<vmem>>) target(%dma_start3A_72 : memref<1024x16xf32, #tpu.memory_space<hbm>>) target_semaphore(%arg20 : memref<!tpu.dma_semaphore, #tpu.memory_space<semaphore_mem>>)
    %add3A_73 = arith.constant 1024 : i32
    %add3A_74 = arith.addi %add3A_4, %add3A_73 : i32
    %dma_start3A_75 = arith.constant 0 : i32
    %dma_start3A_76 = tpu.memref_slice %arg6[%add3A_74, %dma_start3A_75] : memref<131072x16xf32, #tpu.memory_space<hbm>> -> memref<1024x16xf32, #tpu.memory_space<hbm>>
    %dma_start3A_77 = arith.constant 0 : i32
    %dma_start3A_78 = tpu.memref_slice %arg6[%add3A_74, %dma_start3A_77] : memref<131072x16xf32, #tpu.memory_space<hbm>> -> memref<1024x16xf32, #tpu.memory_space<hbm>>
    tpu.enqueue_dma source(%arg13 : memref<1024x16xf32, #tpu.memory_space<vmem>>) target(%dma_start3A_78 : memref<1024x16xf32, #tpu.memory_space<hbm>>) target_semaphore(%arg21 : memref<!tpu.dma_semaphore, #tpu.memory_space<semaphore_mem>>)
    %dma_wait3A_79 = arith.constant 0 : i32
    %dma_wait3A_80 = tpu.memref_slice %arg6[%add3A_4, %dma_wait3A_79] : memref<131072x16xf32, #tpu.memory_space<hbm>> -> memref<1024x16xf32, #tpu.memory_space<hbm>>
    %dma_wait3A_81 = arith.constant 0 : i32
    %dma_wait3A_82 = tpu.memref_slice %arg6[%add3A_4, %dma_wait3A_81] : memref<131072x16xf32, #tpu.memory_space<hbm>> -> memref<1024x16xf32, #tpu.memory_space<hbm>>
    tpu.wait_dma2 semaphore(%arg20 : memref<!tpu.dma_semaphore, #tpu.memory_space<semaphore_mem>>) src(%arg12 : memref<1024x16xf32, #tpu.memory_space<vmem>>) dst(%dma_wait3A_82 : memref<1024x16xf32, #tpu.memory_space<hbm>>)
    %dma_wait3A_83 = arith.constant 0 : i32
    %dma_wait3A_84 = tpu.memref_slice %arg6[%add3A_74, %dma_wait3A_83] : memref<131072x16xf32, #tpu.memory_space<hbm>> -> memref<1024x16xf32, #tpu.memory_space<hbm>>
    %dma_wait3A_85 = arith.constant 0 : i32
    %dma_wait3A_86 = tpu.memref_slice %arg6[%add3A_74, %dma_wait3A_85] : memref<131072x16xf32, #tpu.memory_space<hbm>> -> memref<1024x16xf32, #tpu.memory_space<hbm>>
    tpu.wait_dma2 semaphore(%arg21 : memref<!tpu.dma_semaphore, #tpu.memory_space<semaphore_mem>>) src(%arg13 : memref<1024x16xf32, #tpu.memory_space<vmem>>) dst(%dma_wait3A_86 : memref<1024x16xf32, #tpu.memory_space<hbm>>)
    "tpu.region"() ({
      %run_scoped3A = tpu.sem_alloc : memref<!tpu.dma_semaphore, #tpu.memory_space<semaphore_mem>>
      %dma_start3A_415 = tpu.memref_slice %arg3[%add3A_12] : memref<655360xi32, #tpu.memory_space<hbm>> -> memref<1024xi32, #tpu.memory_space<hbm>>
      %dma_start3A_416 = tpu.memref_slice %arg3[%add3A_12] : memref<655360xi32, #tpu.memory_space<hbm>> -> memref<1024xi32, #tpu.memory_space<hbm>>
      tpu.enqueue_dma source(%dma_start3A_416 : memref<1024xi32, #tpu.memory_space<hbm>>) target(%arg8 : memref<1024xi32, #tpu.memory_space<vmem>>) target_semaphore(%run_scoped3A : memref<!tpu.dma_semaphore, #tpu.memory_space<semaphore_mem>>)
      %dma_wait3A_417 = tpu.memref_slice %arg3[%add3A_12] : memref<655360xi32, #tpu.memory_space<hbm>> -> memref<1024xi32, #tpu.memory_space<hbm>>
      %dma_wait3A_418 = tpu.memref_slice %arg3[%add3A_12] : memref<655360xi32, #tpu.memory_space<hbm>> -> memref<1024xi32, #tpu.memory_space<hbm>>
      tpu.wait_dma2 semaphore(%run_scoped3A : memref<!tpu.dma_semaphore, #tpu.memory_space<semaphore_mem>>) src(%dma_wait3A_418 : memref<1024xi32, #tpu.memory_space<hbm>>) dst(%arg8 : memref<1024xi32, #tpu.memory_space<vmem>>)
      tpu.yield
    }) : () -> ()
    %add3A_87 = arith.constant 1024 : i32
    %add3A_88 = arith.addi %add3A_12, %add3A_87 : i32
    "tpu.region"() ({
      %run_scoped3A = tpu.sem_alloc : memref<!tpu.dma_semaphore, #tpu.memory_space<semaphore_mem>>
      %dma_start3A_415 = tpu.memref_slice %arg3[%add3A_88] : memref<655360xi32, #tpu.memory_space<hbm>> -> memref<1024xi32, #tpu.memory_space<hbm>>
      %dma_start3A_416 = tpu.memref_slice %arg3[%add3A_88] : memref<655360xi32, #tpu.memory_space<hbm>> -> memref<1024xi32, #tpu.memory_space<hbm>>
      tpu.enqueue_dma source(%dma_start3A_416 : memref<1024xi32, #tpu.memory_space<hbm>>) target(%arg9 : memref<1024xi32, #tpu.memory_space<vmem>>) target_semaphore(%run_scoped3A : memref<!tpu.dma_semaphore, #tpu.memory_space<semaphore_mem>>)
      %dma_wait3A_417 = tpu.memref_slice %arg3[%add3A_88] : memref<655360xi32, #tpu.memory_space<hbm>> -> memref<1024xi32, #tpu.memory_space<hbm>>
      %dma_wait3A_418 = tpu.memref_slice %arg3[%add3A_88] : memref<655360xi32, #tpu.memory_space<hbm>> -> memref<1024xi32, #tpu.memory_space<hbm>>
      tpu.wait_dma2 semaphore(%run_scoped3A : memref<!tpu.dma_semaphore, #tpu.memory_space<semaphore_mem>>) src(%dma_wait3A_418 : memref<1024xi32, #tpu.memory_space<hbm>>) dst(%arg9 : memref<1024xi32, #tpu.memory_space<vmem>>)
      tpu.yield
    }) : () -> ()
    %dma_start3A_89 = arith.constant 0 : i32
    %dma_start3A_90 = arith.constant 0 : i32
    %dma_start3A_91 = tpu.memref_slice %arg5[%dma_start3A_89, %dma_start3A_90] : memref<400000x16xf32, #tpu.memory_space<hbm>> -> memref<400000x16xf32, #tpu.memory_space<hbm>>
    tpu.enqueue_indirect_dma source(%dma_start3A_91 : memref<400000x16xf32, #tpu.memory_space<hbm>>) target(%arg12 : memref<1024x16xf32, #tpu.memory_space<vmem>>) offsets(%arg8 : memref<1024xi32, #tpu.memory_space<vmem>>) semaphore(%arg16 : memref<!tpu.dma_semaphore, #tpu.memory_space<semaphore_mem>>)
    %dma_start3A_92 = arith.constant 0 : i32
    %dma_start3A_93 = arith.constant 0 : i32
    %dma_start3A_94 = tpu.memref_slice %arg5[%dma_start3A_92, %dma_start3A_93] : memref<400000x16xf32, #tpu.memory_space<hbm>> -> memref<400000x16xf32, #tpu.memory_space<hbm>>
    tpu.enqueue_indirect_dma source(%dma_start3A_94 : memref<400000x16xf32, #tpu.memory_space<hbm>>) target(%arg13 : memref<1024x16xf32, #tpu.memory_space<vmem>>) offsets(%arg9 : memref<1024xi32, #tpu.memory_space<vmem>>) semaphore(%arg17 : memref<!tpu.dma_semaphore, #tpu.memory_space<semaphore_mem>>)
    %dma_wait3A_95 = arith.constant 0 : i32
    %dma_wait3A_96 = arith.constant 0 : i32
    %dma_wait3A_97 = tpu.memref_slice %arg4[%dma_wait3A_95, %dma_wait3A_96] : memref<800000x16xf32, #tpu.memory_space<hbm>> -> memref<800000x16xf32, #tpu.memory_space<hbm>>
    tpu.wait_indirect_dma semaphore(%arg18 : memref<!tpu.dma_semaphore, #tpu.memory_space<semaphore_mem>>) src(%dma_wait3A_97 : memref<800000x16xf32, #tpu.memory_space<hbm>>) dst(%arg14 : memref<1024x16xf32, #tpu.memory_space<vmem>>)
    %dma_wait3A_98 = arith.constant 0 : i32
    %dma_wait3A_99 = arith.constant 0 : i32
    %dma_wait3A_100 = tpu.memref_slice %arg4[%dma_wait3A_98, %dma_wait3A_99] : memref<800000x16xf32, #tpu.memory_space<hbm>> -> memref<800000x16xf32, #tpu.memory_space<hbm>>
    tpu.wait_indirect_dma semaphore(%arg19 : memref<!tpu.dma_semaphore, #tpu.memory_space<semaphore_mem>>) src(%dma_wait3A_100 : memref<800000x16xf32, #tpu.memory_space<hbm>>) dst(%arg15 : memref<1024x16xf32, #tpu.memory_space<vmem>>)
    %dma_start3A_101 = arith.constant 0 : i32
    %dma_start3A_102 = tpu.memref_slice %arg6[%add3A_8, %dma_start3A_101] : memref<131072x16xf32, #tpu.memory_space<hbm>> -> memref<1024x16xf32, #tpu.memory_space<hbm>>
    %dma_start3A_103 = arith.constant 0 : i32
    %dma_start3A_104 = tpu.memref_slice %arg6[%add3A_8, %dma_start3A_103] : memref<131072x16xf32, #tpu.memory_space<hbm>> -> memref<1024x16xf32, #tpu.memory_space<hbm>>
    tpu.enqueue_dma source(%arg14 : memref<1024x16xf32, #tpu.memory_space<vmem>>) target(%dma_start3A_104 : memref<1024x16xf32, #tpu.memory_space<hbm>>) target_semaphore(%arg22 : memref<!tpu.dma_semaphore, #tpu.memory_space<semaphore_mem>>)
    %add3A_105 = arith.constant 1024 : i32
    %add3A_106 = arith.addi %add3A_8, %add3A_105 : i32
    %dma_start3A_107 = arith.constant 0 : i32
    %dma_start3A_108 = tpu.memref_slice %arg6[%add3A_106, %dma_start3A_107] : memref<131072x16xf32, #tpu.memory_space<hbm>> -> memref<1024x16xf32, #tpu.memory_space<hbm>>
    %dma_start3A_109 = arith.constant 0 : i32
    %dma_start3A_110 = tpu.memref_slice %arg6[%add3A_106, %dma_start3A_109] : memref<131072x16xf32, #tpu.memory_space<hbm>> -> memref<1024x16xf32, #tpu.memory_space<hbm>>
    tpu.enqueue_dma source(%arg15 : memref<1024x16xf32, #tpu.memory_space<vmem>>) target(%dma_start3A_110 : memref<1024x16xf32, #tpu.memory_space<hbm>>) target_semaphore(%arg23 : memref<!tpu.dma_semaphore, #tpu.memory_space<semaphore_mem>>)
    %dma_wait3A_111 = arith.constant 0 : i32
    %dma_wait3A_112 = tpu.memref_slice %arg6[%add3A_8, %dma_wait3A_111] : memref<131072x16xf32, #tpu.memory_space<hbm>> -> memref<1024x16xf32, #tpu.memory_space<hbm>>
    %dma_wait3A_113 = arith.constant 0 : i32
    %dma_wait3A_114 = tpu.memref_slice %arg6[%add3A_8, %dma_wait3A_113] : memref<131072x16xf32, #tpu.memory_space<hbm>> -> memref<1024x16xf32, #tpu.memory_space<hbm>>
    tpu.wait_dma2 semaphore(%arg22 : memref<!tpu.dma_semaphore, #tpu.memory_space<semaphore_mem>>) src(%arg14 : memref<1024x16xf32, #tpu.memory_space<vmem>>) dst(%dma_wait3A_114 : memref<1024x16xf32, #tpu.memory_space<hbm>>)
    %dma_wait3A_115 = arith.constant 0 : i32
    %dma_wait3A_116 = tpu.memref_slice %arg6[%add3A_106, %dma_wait3A_115] : memref<131072x16xf32, #tpu.memory_space<hbm>> -> memref<1024x16xf32, #tpu.memory_space<hbm>>
    %dma_wait3A_117 = arith.constant 0 : i32
    %dma_wait3A_118 = tpu.memref_slice %arg6[%add3A_106, %dma_wait3A_117] : memref<131072x16xf32, #tpu.memory_space<hbm>> -> memref<1024x16xf32, #tpu.memory_space<hbm>>
    tpu.wait_dma2 semaphore(%arg23 : memref<!tpu.dma_semaphore, #tpu.memory_space<semaphore_mem>>) src(%arg15 : memref<1024x16xf32, #tpu.memory_space<vmem>>) dst(%dma_wait3A_118 : memref<1024x16xf32, #tpu.memory_space<hbm>>)
    "tpu.region"() ({
      %run_scoped3A = tpu.sem_alloc : memref<!tpu.dma_semaphore, #tpu.memory_space<semaphore_mem>>
      %dma_start3A_415 = tpu.memref_slice %arg3[%add3A_16] : memref<655360xi32, #tpu.memory_space<hbm>> -> memref<1024xi32, #tpu.memory_space<hbm>>
      %dma_start3A_416 = tpu.memref_slice %arg3[%add3A_16] : memref<655360xi32, #tpu.memory_space<hbm>> -> memref<1024xi32, #tpu.memory_space<hbm>>
      tpu.enqueue_dma source(%dma_start3A_416 : memref<1024xi32, #tpu.memory_space<hbm>>) target(%arg10 : memref<1024xi32, #tpu.memory_space<vmem>>) target_semaphore(%run_scoped3A : memref<!tpu.dma_semaphore, #tpu.memory_space<semaphore_mem>>)
      %dma_wait3A_417 = tpu.memref_slice %arg3[%add3A_16] : memref<655360xi32, #tpu.memory_space<hbm>> -> memref<1024xi32, #tpu.memory_space<hbm>>
      %dma_wait3A_418 = tpu.memref_slice %arg3[%add3A_16] : memref<655360xi32, #tpu.memory_space<hbm>> -> memref<1024xi32, #tpu.memory_space<hbm>>
      tpu.wait_dma2 semaphore(%run_scoped3A : memref<!tpu.dma_semaphore, #tpu.memory_space<semaphore_mem>>) src(%dma_wait3A_418 : memref<1024xi32, #tpu.memory_space<hbm>>) dst(%arg10 : memref<1024xi32, #tpu.memory_space<vmem>>)
      tpu.yield
    }) : () -> ()
    %add3A_119 = arith.constant 1024 : i32
    %add3A_120 = arith.addi %add3A_16, %add3A_119 : i32
    "tpu.region"() ({
      %run_scoped3A = tpu.sem_alloc : memref<!tpu.dma_semaphore, #tpu.memory_space<semaphore_mem>>
      %dma_start3A_415 = tpu.memref_slice %arg3[%add3A_120] : memref<655360xi32, #tpu.memory_space<hbm>> -> memref<1024xi32, #tpu.memory_space<hbm>>
      %dma_start3A_416 = tpu.memref_slice %arg3[%add3A_120] : memref<655360xi32, #tpu.memory_space<hbm>> -> memref<1024xi32, #tpu.memory_space<hbm>>
      tpu.enqueue_dma source(%dma_start3A_416 : memref<1024xi32, #tpu.memory_space<hbm>>) target(%arg11 : memref<1024xi32, #tpu.memory_space<vmem>>) target_semaphore(%run_scoped3A : memref<!tpu.dma_semaphore, #tpu.memory_space<semaphore_mem>>)
      %dma_wait3A_417 = tpu.memref_slice %arg3[%add3A_120] : memref<655360xi32, #tpu.memory_space<hbm>> -> memref<1024xi32, #tpu.memory_space<hbm>>
      %dma_wait3A_418 = tpu.memref_slice %arg3[%add3A_120] : memref<655360xi32, #tpu.memory_space<hbm>> -> memref<1024xi32, #tpu.memory_space<hbm>>
      tpu.wait_dma2 semaphore(%run_scoped3A : memref<!tpu.dma_semaphore, #tpu.memory_space<semaphore_mem>>) src(%dma_wait3A_418 : memref<1024xi32, #tpu.memory_space<hbm>>) dst(%arg11 : memref<1024xi32, #tpu.memory_space<vmem>>)
      tpu.yield
    }) : () -> ()
    %dma_start3A_121 = arith.constant 0 : i32
    %dma_start3A_122 = arith.constant 0 : i32
    %dma_start3A_123 = tpu.memref_slice %arg5[%dma_start3A_121, %dma_start3A_122] : memref<400000x16xf32, #tpu.memory_space<hbm>> -> memref<400000x16xf32, #tpu.memory_space<hbm>>
    tpu.enqueue_indirect_dma source(%dma_start3A_123 : memref<400000x16xf32, #tpu.memory_space<hbm>>) target(%arg14 : memref<1024x16xf32, #tpu.memory_space<vmem>>) offsets(%arg10 : memref<1024xi32, #tpu.memory_space<vmem>>) semaphore(%arg18 : memref<!tpu.dma_semaphore, #tpu.memory_space<semaphore_mem>>)
    %dma_start3A_124 = arith.constant 0 : i32
    %dma_start3A_125 = arith.constant 0 : i32
    %dma_start3A_126 = tpu.memref_slice %arg5[%dma_start3A_124, %dma_start3A_125] : memref<400000x16xf32, #tpu.memory_space<hbm>> -> memref<400000x16xf32, #tpu.memory_space<hbm>>
    tpu.enqueue_indirect_dma source(%dma_start3A_126 : memref<400000x16xf32, #tpu.memory_space<hbm>>) target(%arg15 : memref<1024x16xf32, #tpu.memory_space<vmem>>) offsets(%arg11 : memref<1024xi32, #tpu.memory_space<vmem>>) semaphore(%arg19 : memref<!tpu.dma_semaphore, #tpu.memory_space<semaphore_mem>>)
    %dma_wait3A_127 = arith.constant 0 : i32
    %dma_wait3A_128 = arith.constant 0 : i32
    %dma_wait3A_129 = tpu.memref_slice %arg5[%dma_wait3A_127, %dma_wait3A_128] : memref<400000x16xf32, #tpu.memory_space<hbm>> -> memref<400000x16xf32, #tpu.memory_space<hbm>>
    tpu.wait_indirect_dma semaphore(%arg16 : memref<!tpu.dma_semaphore, #tpu.memory_space<semaphore_mem>>) src(%dma_wait3A_129 : memref<400000x16xf32, #tpu.memory_space<hbm>>) dst(%arg12 : memref<1024x16xf32, #tpu.memory_space<vmem>>)
    %dma_wait3A_130 = arith.constant 0 : i32
    %dma_wait3A_131 = arith.constant 0 : i32
    %dma_wait3A_132 = tpu.memref_slice %arg5[%dma_wait3A_130, %dma_wait3A_131] : memref<400000x16xf32, #tpu.memory_space<hbm>> -> memref<400000x16xf32, #tpu.memory_space<hbm>>
    tpu.wait_indirect_dma semaphore(%arg17 : memref<!tpu.dma_semaphore, #tpu.memory_space<semaphore_mem>>) src(%dma_wait3A_132 : memref<400000x16xf32, #tpu.memory_space<hbm>>) dst(%arg13 : memref<1024x16xf32, #tpu.memory_space<vmem>>)
    %dma_start3A_133 = arith.constant 0 : i32
    %dma_start3A_134 = tpu.memref_slice %arg7[%add3A_12, %dma_start3A_133] : memref<655360x16xf32, #tpu.memory_space<hbm>> -> memref<1024x16xf32, #tpu.memory_space<hbm>>
    %dma_start3A_135 = arith.constant 0 : i32
    %dma_start3A_136 = tpu.memref_slice %arg7[%add3A_12, %dma_start3A_135] : memref<655360x16xf32, #tpu.memory_space<hbm>> -> memref<1024x16xf32, #tpu.memory_space<hbm>>
    tpu.enqueue_dma source(%arg12 : memref<1024x16xf32, #tpu.memory_space<vmem>>) target(%dma_start3A_136 : memref<1024x16xf32, #tpu.memory_space<hbm>>) target_semaphore(%arg20 : memref<!tpu.dma_semaphore, #tpu.memory_space<semaphore_mem>>)
    %add3A_137 = arith.constant 1024 : i32
    %add3A_138 = arith.addi %add3A_12, %add3A_137 : i32
    %dma_start3A_139 = arith.constant 0 : i32
    %dma_start3A_140 = tpu.memref_slice %arg7[%add3A_138, %dma_start3A_139] : memref<655360x16xf32, #tpu.memory_space<hbm>> -> memref<1024x16xf32, #tpu.memory_space<hbm>>
    %dma_start3A_141 = arith.constant 0 : i32
    %dma_start3A_142 = tpu.memref_slice %arg7[%add3A_138, %dma_start3A_141] : memref<655360x16xf32, #tpu.memory_space<hbm>> -> memref<1024x16xf32, #tpu.memory_space<hbm>>
    tpu.enqueue_dma source(%arg13 : memref<1024x16xf32, #tpu.memory_space<vmem>>) target(%dma_start3A_142 : memref<1024x16xf32, #tpu.memory_space<hbm>>) target_semaphore(%arg21 : memref<!tpu.dma_semaphore, #tpu.memory_space<semaphore_mem>>)
    %dma_wait3A_143 = arith.constant 0 : i32
    %dma_wait3A_144 = tpu.memref_slice %arg7[%add3A_12, %dma_wait3A_143] : memref<655360x16xf32, #tpu.memory_space<hbm>> -> memref<1024x16xf32, #tpu.memory_space<hbm>>
    %dma_wait3A_145 = arith.constant 0 : i32
    %dma_wait3A_146 = tpu.memref_slice %arg7[%add3A_12, %dma_wait3A_145] : memref<655360x16xf32, #tpu.memory_space<hbm>> -> memref<1024x16xf32, #tpu.memory_space<hbm>>
    tpu.wait_dma2 semaphore(%arg20 : memref<!tpu.dma_semaphore, #tpu.memory_space<semaphore_mem>>) src(%arg12 : memref<1024x16xf32, #tpu.memory_space<vmem>>) dst(%dma_wait3A_146 : memref<1024x16xf32, #tpu.memory_space<hbm>>)
    %dma_wait3A_147 = arith.constant 0 : i32
    %dma_wait3A_148 = tpu.memref_slice %arg7[%add3A_138, %dma_wait3A_147] : memref<655360x16xf32, #tpu.memory_space<hbm>> -> memref<1024x16xf32, #tpu.memory_space<hbm>>
    %dma_wait3A_149 = arith.constant 0 : i32
    %dma_wait3A_150 = tpu.memref_slice %arg7[%add3A_138, %dma_wait3A_149] : memref<655360x16xf32, #tpu.memory_space<hbm>> -> memref<1024x16xf32, #tpu.memory_space<hbm>>
    tpu.wait_dma2 semaphore(%arg21 : memref<!tpu.dma_semaphore, #tpu.memory_space<semaphore_mem>>) src(%arg13 : memref<1024x16xf32, #tpu.memory_space<vmem>>) dst(%dma_wait3A_150 : memref<1024x16xf32, #tpu.memory_space<hbm>>)
    "tpu.region"() ({
      %run_scoped3A = tpu.sem_alloc : memref<!tpu.dma_semaphore, #tpu.memory_space<semaphore_mem>>
      %dma_start3A_415 = tpu.memref_slice %arg3[%add3A_20] : memref<655360xi32, #tpu.memory_space<hbm>> -> memref<1024xi32, #tpu.memory_space<hbm>>
      %dma_start3A_416 = tpu.memref_slice %arg3[%add3A_20] : memref<655360xi32, #tpu.memory_space<hbm>> -> memref<1024xi32, #tpu.memory_space<hbm>>
      tpu.enqueue_dma source(%dma_start3A_416 : memref<1024xi32, #tpu.memory_space<hbm>>) target(%arg8 : memref<1024xi32, #tpu.memory_space<vmem>>) target_semaphore(%run_scoped3A : memref<!tpu.dma_semaphore, #tpu.memory_space<semaphore_mem>>)
      %dma_wait3A_417 = tpu.memref_slice %arg3[%add3A_20] : memref<655360xi32, #tpu.memory_space<hbm>> -> memref<1024xi32, #tpu.memory_space<hbm>>
      %dma_wait3A_418 = tpu.memref_slice %arg3[%add3A_20] : memref<655360xi32, #tpu.memory_space<hbm>> -> memref<1024xi32, #tpu.memory_space<hbm>>
      tpu.wait_dma2 semaphore(%run_scoped3A : memref<!tpu.dma_semaphore, #tpu.memory_space<semaphore_mem>>) src(%dma_wait3A_418 : memref<1024xi32, #tpu.memory_space<hbm>>) dst(%arg8 : memref<1024xi32, #tpu.memory_space<vmem>>)
      tpu.yield
    }) : () -> ()
    %add3A_151 = arith.constant 1024 : i32
    %add3A_152 = arith.addi %add3A_20, %add3A_151 : i32
    "tpu.region"() ({
      %run_scoped3A = tpu.sem_alloc : memref<!tpu.dma_semaphore, #tpu.memory_space<semaphore_mem>>
      %dma_start3A_415 = tpu.memref_slice %arg3[%add3A_152] : memref<655360xi32, #tpu.memory_space<hbm>> -> memref<1024xi32, #tpu.memory_space<hbm>>
      %dma_start3A_416 = tpu.memref_slice %arg3[%add3A_152] : memref<655360xi32, #tpu.memory_space<hbm>> -> memref<1024xi32, #tpu.memory_space<hbm>>
      tpu.enqueue_dma source(%dma_start3A_416 : memref<1024xi32, #tpu.memory_space<hbm>>) target(%arg9 : memref<1024xi32, #tpu.memory_space<vmem>>) target_semaphore(%run_scoped3A : memref<!tpu.dma_semaphore, #tpu.memory_space<semaphore_mem>>)
      %dma_wait3A_417 = tpu.memref_slice %arg3[%add3A_152] : memref<655360xi32, #tpu.memory_space<hbm>> -> memref<1024xi32, #tpu.memory_space<hbm>>
      %dma_wait3A_418 = tpu.memref_slice %arg3[%add3A_152] : memref<655360xi32, #tpu.memory_space<hbm>> -> memref<1024xi32, #tpu.memory_space<hbm>>
      tpu.wait_dma2 semaphore(%run_scoped3A : memref<!tpu.dma_semaphore, #tpu.memory_space<semaphore_mem>>) src(%dma_wait3A_418 : memref<1024xi32, #tpu.memory_space<hbm>>) dst(%arg9 : memref<1024xi32, #tpu.memory_space<vmem>>)
      tpu.yield
    }) : () -> ()
    %dma_start3A_153 = arith.constant 0 : i32
    %dma_start3A_154 = arith.constant 0 : i32
    %dma_start3A_155 = tpu.memref_slice %arg5[%dma_start3A_153, %dma_start3A_154] : memref<400000x16xf32, #tpu.memory_space<hbm>> -> memref<400000x16xf32, #tpu.memory_space<hbm>>
    tpu.enqueue_indirect_dma source(%dma_start3A_155 : memref<400000x16xf32, #tpu.memory_space<hbm>>) target(%arg12 : memref<1024x16xf32, #tpu.memory_space<vmem>>) offsets(%arg8 : memref<1024xi32, #tpu.memory_space<vmem>>) semaphore(%arg16 : memref<!tpu.dma_semaphore, #tpu.memory_space<semaphore_mem>>)
    %dma_start3A_156 = arith.constant 0 : i32
    %dma_start3A_157 = arith.constant 0 : i32
    %dma_start3A_158 = tpu.memref_slice %arg5[%dma_start3A_156, %dma_start3A_157] : memref<400000x16xf32, #tpu.memory_space<hbm>> -> memref<400000x16xf32, #tpu.memory_space<hbm>>
    tpu.enqueue_indirect_dma source(%dma_start3A_158 : memref<400000x16xf32, #tpu.memory_space<hbm>>) target(%arg13 : memref<1024x16xf32, #tpu.memory_space<vmem>>) offsets(%arg9 : memref<1024xi32, #tpu.memory_space<vmem>>) semaphore(%arg17 : memref<!tpu.dma_semaphore, #tpu.memory_space<semaphore_mem>>)
    %dma_wait3A_159 = arith.constant 0 : i32
    %dma_wait3A_160 = arith.constant 0 : i32
    %dma_wait3A_161 = tpu.memref_slice %arg5[%dma_wait3A_159, %dma_wait3A_160] : memref<400000x16xf32, #tpu.memory_space<hbm>> -> memref<400000x16xf32, #tpu.memory_space<hbm>>
    tpu.wait_indirect_dma semaphore(%arg18 : memref<!tpu.dma_semaphore, #tpu.memory_space<semaphore_mem>>) src(%dma_wait3A_161 : memref<400000x16xf32, #tpu.memory_space<hbm>>) dst(%arg14 : memref<1024x16xf32, #tpu.memory_space<vmem>>)
    %dma_wait3A_162 = arith.constant 0 : i32
    %dma_wait3A_163 = arith.constant 0 : i32
    %dma_wait3A_164 = tpu.memref_slice %arg5[%dma_wait3A_162, %dma_wait3A_163] : memref<400000x16xf32, #tpu.memory_space<hbm>> -> memref<400000x16xf32, #tpu.memory_space<hbm>>
    tpu.wait_indirect_dma semaphore(%arg19 : memref<!tpu.dma_semaphore, #tpu.memory_space<semaphore_mem>>) src(%dma_wait3A_164 : memref<400000x16xf32, #tpu.memory_space<hbm>>) dst(%arg15 : memref<1024x16xf32, #tpu.memory_space<vmem>>)
    %dma_start3A_165 = arith.constant 0 : i32
    %dma_start3A_166 = tpu.memref_slice %arg7[%add3A_16, %dma_start3A_165] : memref<655360x16xf32, #tpu.memory_space<hbm>> -> memref<1024x16xf32, #tpu.memory_space<hbm>>
    %dma_start3A_167 = arith.constant 0 : i32
    %dma_start3A_168 = tpu.memref_slice %arg7[%add3A_16, %dma_start3A_167] : memref<655360x16xf32, #tpu.memory_space<hbm>> -> memref<1024x16xf32, #tpu.memory_space<hbm>>
    tpu.enqueue_dma source(%arg14 : memref<1024x16xf32, #tpu.memory_space<vmem>>) target(%dma_start3A_168 : memref<1024x16xf32, #tpu.memory_space<hbm>>) target_semaphore(%arg22 : memref<!tpu.dma_semaphore, #tpu.memory_space<semaphore_mem>>)
    %add3A_169 = arith.constant 1024 : i32
    %add3A_170 = arith.addi %add3A_16, %add3A_169 : i32
    %dma_start3A_171 = arith.constant 0 : i32
    %dma_start3A_172 = tpu.memref_slice %arg7[%add3A_170, %dma_start3A_171] : memref<655360x16xf32, #tpu.memory_space<hbm>> -> memref<1024x16xf32, #tpu.memory_space<hbm>>
    %dma_start3A_173 = arith.constant 0 : i32
    %dma_start3A_174 = tpu.memref_slice %arg7[%add3A_170, %dma_start3A_173] : memref<655360x16xf32, #tpu.memory_space<hbm>> -> memref<1024x16xf32, #tpu.memory_space<hbm>>
    tpu.enqueue_dma source(%arg15 : memref<1024x16xf32, #tpu.memory_space<vmem>>) target(%dma_start3A_174 : memref<1024x16xf32, #tpu.memory_space<hbm>>) target_semaphore(%arg23 : memref<!tpu.dma_semaphore, #tpu.memory_space<semaphore_mem>>)
    %dma_wait3A_175 = arith.constant 0 : i32
    %dma_wait3A_176 = tpu.memref_slice %arg7[%add3A_16, %dma_wait3A_175] : memref<655360x16xf32, #tpu.memory_space<hbm>> -> memref<1024x16xf32, #tpu.memory_space<hbm>>
    %dma_wait3A_177 = arith.constant 0 : i32
    %dma_wait3A_178 = tpu.memref_slice %arg7[%add3A_16, %dma_wait3A_177] : memref<655360x16xf32, #tpu.memory_space<hbm>> -> memref<1024x16xf32, #tpu.memory_space<hbm>>
    tpu.wait_dma2 semaphore(%arg22 : memref<!tpu.dma_semaphore, #tpu.memory_space<semaphore_mem>>) src(%arg14 : memref<1024x16xf32, #tpu.memory_space<vmem>>) dst(%dma_wait3A_178 : memref<1024x16xf32, #tpu.memory_space<hbm>>)
    %dma_wait3A_179 = arith.constant 0 : i32
    %dma_wait3A_180 = tpu.memref_slice %arg7[%add3A_170, %dma_wait3A_179] : memref<655360x16xf32, #tpu.memory_space<hbm>> -> memref<1024x16xf32, #tpu.memory_space<hbm>>
    %dma_wait3A_181 = arith.constant 0 : i32
    %dma_wait3A_182 = tpu.memref_slice %arg7[%add3A_170, %dma_wait3A_181] : memref<655360x16xf32, #tpu.memory_space<hbm>> -> memref<1024x16xf32, #tpu.memory_space<hbm>>
    tpu.wait_dma2 semaphore(%arg23 : memref<!tpu.dma_semaphore, #tpu.memory_space<semaphore_mem>>) src(%arg15 : memref<1024x16xf32, #tpu.memory_space<vmem>>) dst(%dma_wait3A_182 : memref<1024x16xf32, #tpu.memory_space<hbm>>)
    "tpu.region"() ({
      %run_scoped3A = tpu.sem_alloc : memref<!tpu.dma_semaphore, #tpu.memory_space<semaphore_mem>>
      %dma_start3A_415 = tpu.memref_slice %arg3[%add3A_24] : memref<655360xi32, #tpu.memory_space<hbm>> -> memref<1024xi32, #tpu.memory_space<hbm>>
      %dma_start3A_416 = tpu.memref_slice %arg3[%add3A_24] : memref<655360xi32, #tpu.memory_space<hbm>> -> memref<1024xi32, #tpu.memory_space<hbm>>
      tpu.enqueue_dma source(%dma_start3A_416 : memref<1024xi32, #tpu.memory_space<hbm>>) target(%arg10 : memref<1024xi32, #tpu.memory_space<vmem>>) target_semaphore(%run_scoped3A : memref<!tpu.dma_semaphore, #tpu.memory_space<semaphore_mem>>)
      %dma_wait3A_417 = tpu.memref_slice %arg3[%add3A_24] : memref<655360xi32, #tpu.memory_space<hbm>> -> memref<1024xi32, #tpu.memory_space<hbm>>
      %dma_wait3A_418 = tpu.memref_slice %arg3[%add3A_24] : memref<655360xi32, #tpu.memory_space<hbm>> -> memref<1024xi32, #tpu.memory_space<hbm>>
      tpu.wait_dma2 semaphore(%run_scoped3A : memref<!tpu.dma_semaphore, #tpu.memory_space<semaphore_mem>>) src(%dma_wait3A_418 : memref<1024xi32, #tpu.memory_space<hbm>>) dst(%arg10 : memref<1024xi32, #tpu.memory_space<vmem>>)
      tpu.yield
    }) : () -> ()
    %add3A_183 = arith.constant 1024 : i32
    %add3A_184 = arith.addi %add3A_24, %add3A_183 : i32
    "tpu.region"() ({
      %run_scoped3A = tpu.sem_alloc : memref<!tpu.dma_semaphore, #tpu.memory_space<semaphore_mem>>
      %dma_start3A_415 = tpu.memref_slice %arg3[%add3A_184] : memref<655360xi32, #tpu.memory_space<hbm>> -> memref<1024xi32, #tpu.memory_space<hbm>>
      %dma_start3A_416 = tpu.memref_slice %arg3[%add3A_184] : memref<655360xi32, #tpu.memory_space<hbm>> -> memref<1024xi32, #tpu.memory_space<hbm>>
      tpu.enqueue_dma source(%dma_start3A_416 : memref<1024xi32, #tpu.memory_space<hbm>>) target(%arg11 : memref<1024xi32, #tpu.memory_space<vmem>>) target_semaphore(%run_scoped3A : memref<!tpu.dma_semaphore, #tpu.memory_space<semaphore_mem>>)
      %dma_wait3A_417 = tpu.memref_slice %arg3[%add3A_184] : memref<655360xi32, #tpu.memory_space<hbm>> -> memref<1024xi32, #tpu.memory_space<hbm>>
      %dma_wait3A_418 = tpu.memref_slice %arg3[%add3A_184] : memref<655360xi32, #tpu.memory_space<hbm>> -> memref<1024xi32, #tpu.memory_space<hbm>>
      tpu.wait_dma2 semaphore(%run_scoped3A : memref<!tpu.dma_semaphore, #tpu.memory_space<semaphore_mem>>) src(%dma_wait3A_418 : memref<1024xi32, #tpu.memory_space<hbm>>) dst(%arg11 : memref<1024xi32, #tpu.memory_space<vmem>>)
      tpu.yield
    }) : () -> ()
    %dma_start3A_185 = arith.constant 0 : i32
    %dma_start3A_186 = arith.constant 0 : i32
    %dma_start3A_187 = tpu.memref_slice %arg5[%dma_start3A_185, %dma_start3A_186] : memref<400000x16xf32, #tpu.memory_space<hbm>> -> memref<400000x16xf32, #tpu.memory_space<hbm>>
    tpu.enqueue_indirect_dma source(%dma_start3A_187 : memref<400000x16xf32, #tpu.memory_space<hbm>>) target(%arg14 : memref<1024x16xf32, #tpu.memory_space<vmem>>) offsets(%arg10 : memref<1024xi32, #tpu.memory_space<vmem>>) semaphore(%arg18 : memref<!tpu.dma_semaphore, #tpu.memory_space<semaphore_mem>>)
    %dma_start3A_188 = arith.constant 0 : i32
    %dma_start3A_189 = arith.constant 0 : i32
    %dma_start3A_190 = tpu.memref_slice %arg5[%dma_start3A_188, %dma_start3A_189] : memref<400000x16xf32, #tpu.memory_space<hbm>> -> memref<400000x16xf32, #tpu.memory_space<hbm>>
    tpu.enqueue_indirect_dma source(%dma_start3A_190 : memref<400000x16xf32, #tpu.memory_space<hbm>>) target(%arg15 : memref<1024x16xf32, #tpu.memory_space<vmem>>) offsets(%arg11 : memref<1024xi32, #tpu.memory_space<vmem>>) semaphore(%arg19 : memref<!tpu.dma_semaphore, #tpu.memory_space<semaphore_mem>>)
    %dma_wait3A_191 = arith.constant 0 : i32
    %dma_wait3A_192 = arith.constant 0 : i32
    %dma_wait3A_193 = tpu.memref_slice %arg5[%dma_wait3A_191, %dma_wait3A_192] : memref<400000x16xf32, #tpu.memory_space<hbm>> -> memref<400000x16xf32, #tpu.memory_space<hbm>>
    tpu.wait_indirect_dma semaphore(%arg16 : memref<!tpu.dma_semaphore, #tpu.memory_space<semaphore_mem>>) src(%dma_wait3A_193 : memref<400000x16xf32, #tpu.memory_space<hbm>>) dst(%arg12 : memref<1024x16xf32, #tpu.memory_space<vmem>>)
    %dma_wait3A_194 = arith.constant 0 : i32
    %dma_wait3A_195 = arith.constant 0 : i32
    %dma_wait3A_196 = tpu.memref_slice %arg5[%dma_wait3A_194, %dma_wait3A_195] : memref<400000x16xf32, #tpu.memory_space<hbm>> -> memref<400000x16xf32, #tpu.memory_space<hbm>>
    tpu.wait_indirect_dma semaphore(%arg17 : memref<!tpu.dma_semaphore, #tpu.memory_space<semaphore_mem>>) src(%dma_wait3A_196 : memref<400000x16xf32, #tpu.memory_space<hbm>>) dst(%arg13 : memref<1024x16xf32, #tpu.memory_space<vmem>>)
    %dma_start3A_197 = arith.constant 0 : i32
    %dma_start3A_198 = tpu.memref_slice %arg7[%add3A_20, %dma_start3A_197] : memref<655360x16xf32, #tpu.memory_space<hbm>> -> memref<1024x16xf32, #tpu.memory_space<hbm>>
    %dma_start3A_199 = arith.constant 0 : i32
    %dma_start3A_200 = tpu.memref_slice %arg7[%add3A_20, %dma_start3A_199] : memref<655360x16xf32, #tpu.memory_space<hbm>> -> memref<1024x16xf32, #tpu.memory_space<hbm>>
    tpu.enqueue_dma source(%arg12 : memref<1024x16xf32, #tpu.memory_space<vmem>>) target(%dma_start3A_200 : memref<1024x16xf32, #tpu.memory_space<hbm>>) target_semaphore(%arg20 : memref<!tpu.dma_semaphore, #tpu.memory_space<semaphore_mem>>)
    %add3A_201 = arith.constant 1024 : i32
    %add3A_202 = arith.addi %add3A_20, %add3A_201 : i32
    %dma_start3A_203 = arith.constant 0 : i32
    %dma_start3A_204 = tpu.memref_slice %arg7[%add3A_202, %dma_start3A_203] : memref<655360x16xf32, #tpu.memory_space<hbm>> -> memref<1024x16xf32, #tpu.memory_space<hbm>>
    %dma_start3A_205 = arith.constant 0 : i32
    %dma_start3A_206 = tpu.memref_slice %arg7[%add3A_202, %dma_start3A_205] : memref<655360x16xf32, #tpu.memory_space<hbm>> -> memref<1024x16xf32, #tpu.memory_space<hbm>>
    tpu.enqueue_dma source(%arg13 : memref<1024x16xf32, #tpu.memory_space<vmem>>) target(%dma_start3A_206 : memref<1024x16xf32, #tpu.memory_space<hbm>>) target_semaphore(%arg21 : memref<!tpu.dma_semaphore, #tpu.memory_space<semaphore_mem>>)
    %dma_wait3A_207 = arith.constant 0 : i32
    %dma_wait3A_208 = tpu.memref_slice %arg7[%add3A_20, %dma_wait3A_207] : memref<655360x16xf32, #tpu.memory_space<hbm>> -> memref<1024x16xf32, #tpu.memory_space<hbm>>
    %dma_wait3A_209 = arith.constant 0 : i32
    %dma_wait3A_210 = tpu.memref_slice %arg7[%add3A_20, %dma_wait3A_209] : memref<655360x16xf32, #tpu.memory_space<hbm>> -> memref<1024x16xf32, #tpu.memory_space<hbm>>
    tpu.wait_dma2 semaphore(%arg20 : memref<!tpu.dma_semaphore, #tpu.memory_space<semaphore_mem>>) src(%arg12 : memref<1024x16xf32, #tpu.memory_space<vmem>>) dst(%dma_wait3A_210 : memref<1024x16xf32, #tpu.memory_space<hbm>>)
    %dma_wait3A_211 = arith.constant 0 : i32
    %dma_wait3A_212 = tpu.memref_slice %arg7[%add3A_202, %dma_wait3A_211] : memref<655360x16xf32, #tpu.memory_space<hbm>> -> memref<1024x16xf32, #tpu.memory_space<hbm>>
    %dma_wait3A_213 = arith.constant 0 : i32
    %dma_wait3A_214 = tpu.memref_slice %arg7[%add3A_202, %dma_wait3A_213] : memref<655360x16xf32, #tpu.memory_space<hbm>> -> memref<1024x16xf32, #tpu.memory_space<hbm>>
    tpu.wait_dma2 semaphore(%arg21 : memref<!tpu.dma_semaphore, #tpu.memory_space<semaphore_mem>>) src(%arg13 : memref<1024x16xf32, #tpu.memory_space<vmem>>) dst(%dma_wait3A_214 : memref<1024x16xf32, #tpu.memory_space<hbm>>)
    "tpu.region"() ({
      %run_scoped3A = tpu.sem_alloc : memref<!tpu.dma_semaphore, #tpu.memory_space<semaphore_mem>>
      %dma_start3A_415 = tpu.memref_slice %arg3[%add3A_28] : memref<655360xi32, #tpu.memory_space<hbm>> -> memref<1024xi32, #tpu.memory_space<hbm>>
      %dma_start3A_416 = tpu.memref_slice %arg3[%add3A_28] : memref<655360xi32, #tpu.memory_space<hbm>> -> memref<1024xi32, #tpu.memory_space<hbm>>
      tpu.enqueue_dma source(%dma_start3A_416 : memref<1024xi32, #tpu.memory_space<hbm>>) target(%arg8 : memref<1024xi32, #tpu.memory_space<vmem>>) target_semaphore(%run_scoped3A : memref<!tpu.dma_semaphore, #tpu.memory_space<semaphore_mem>>)
      %dma_wait3A_417 = tpu.memref_slice %arg3[%add3A_28] : memref<655360xi32, #tpu.memory_space<hbm>> -> memref<1024xi32, #tpu.memory_space<hbm>>
      %dma_wait3A_418 = tpu.memref_slice %arg3[%add3A_28] : memref<655360xi32, #tpu.memory_space<hbm>> -> memref<1024xi32, #tpu.memory_space<hbm>>
      tpu.wait_dma2 semaphore(%run_scoped3A : memref<!tpu.dma_semaphore, #tpu.memory_space<semaphore_mem>>) src(%dma_wait3A_418 : memref<1024xi32, #tpu.memory_space<hbm>>) dst(%arg8 : memref<1024xi32, #tpu.memory_space<vmem>>)
      tpu.yield
    }) : () -> ()
    %add3A_215 = arith.constant 1024 : i32
    %add3A_216 = arith.addi %add3A_28, %add3A_215 : i32
    "tpu.region"() ({
      %run_scoped3A = tpu.sem_alloc : memref<!tpu.dma_semaphore, #tpu.memory_space<semaphore_mem>>
      %dma_start3A_415 = tpu.memref_slice %arg3[%add3A_216] : memref<655360xi32, #tpu.memory_space<hbm>> -> memref<1024xi32, #tpu.memory_space<hbm>>
      %dma_start3A_416 = tpu.memref_slice %arg3[%add3A_216] : memref<655360xi32, #tpu.memory_space<hbm>> -> memref<1024xi32, #tpu.memory_space<hbm>>
      tpu.enqueue_dma source(%dma_start3A_416 : memref<1024xi32, #tpu.memory_space<hbm>>) target(%arg9 : memref<1024xi32, #tpu.memory_space<vmem>>) target_semaphore(%run_scoped3A : memref<!tpu.dma_semaphore, #tpu.memory_space<semaphore_mem>>)
      %dma_wait3A_417 = tpu.memref_slice %arg3[%add3A_216] : memref<655360xi32, #tpu.memory_space<hbm>> -> memref<1024xi32, #tpu.memory_space<hbm>>
      %dma_wait3A_418 = tpu.memref_slice %arg3[%add3A_216] : memref<655360xi32, #tpu.memory_space<hbm>> -> memref<1024xi32, #tpu.memory_space<hbm>>
      tpu.wait_dma2 semaphore(%run_scoped3A : memref<!tpu.dma_semaphore, #tpu.memory_space<semaphore_mem>>) src(%dma_wait3A_418 : memref<1024xi32, #tpu.memory_space<hbm>>) dst(%arg9 : memref<1024xi32, #tpu.memory_space<vmem>>)
      tpu.yield
    }) : () -> ()
    %dma_start3A_217 = arith.constant 0 : i32
    %dma_start3A_218 = arith.constant 0 : i32
    %dma_start3A_219 = tpu.memref_slice %arg5[%dma_start3A_217, %dma_start3A_218] : memref<400000x16xf32, #tpu.memory_space<hbm>> -> memref<400000x16xf32, #tpu.memory_space<hbm>>
    tpu.enqueue_indirect_dma source(%dma_start3A_219 : memref<400000x16xf32, #tpu.memory_space<hbm>>) target(%arg12 : memref<1024x16xf32, #tpu.memory_space<vmem>>) offsets(%arg8 : memref<1024xi32, #tpu.memory_space<vmem>>) semaphore(%arg16 : memref<!tpu.dma_semaphore, #tpu.memory_space<semaphore_mem>>)
    %dma_start3A_220 = arith.constant 0 : i32
    %dma_start3A_221 = arith.constant 0 : i32
    %dma_start3A_222 = tpu.memref_slice %arg5[%dma_start3A_220, %dma_start3A_221] : memref<400000x16xf32, #tpu.memory_space<hbm>> -> memref<400000x16xf32, #tpu.memory_space<hbm>>
    tpu.enqueue_indirect_dma source(%dma_start3A_222 : memref<400000x16xf32, #tpu.memory_space<hbm>>) target(%arg13 : memref<1024x16xf32, #tpu.memory_space<vmem>>) offsets(%arg9 : memref<1024xi32, #tpu.memory_space<vmem>>) semaphore(%arg17 : memref<!tpu.dma_semaphore, #tpu.memory_space<semaphore_mem>>)
    %dma_wait3A_223 = arith.constant 0 : i32
    %dma_wait3A_224 = arith.constant 0 : i32
    %dma_wait3A_225 = tpu.memref_slice %arg5[%dma_wait3A_223, %dma_wait3A_224] : memref<400000x16xf32, #tpu.memory_space<hbm>> -> memref<400000x16xf32, #tpu.memory_space<hbm>>
    tpu.wait_indirect_dma semaphore(%arg18 : memref<!tpu.dma_semaphore, #tpu.memory_space<semaphore_mem>>) src(%dma_wait3A_225 : memref<400000x16xf32, #tpu.memory_space<hbm>>) dst(%arg14 : memref<1024x16xf32, #tpu.memory_space<vmem>>)
    %dma_wait3A_226 = arith.constant 0 : i32
    %dma_wait3A_227 = arith.constant 0 : i32
    %dma_wait3A_228 = tpu.memref_slice %arg5[%dma_wait3A_226, %dma_wait3A_227] : memref<400000x16xf32, #tpu.memory_space<hbm>> -> memref<400000x16xf32, #tpu.memory_space<hbm>>
    tpu.wait_indirect_dma semaphore(%arg19 : memref<!tpu.dma_semaphore, #tpu.memory_space<semaphore_mem>>) src(%dma_wait3A_228 : memref<400000x16xf32, #tpu.memory_space<hbm>>) dst(%arg15 : memref<1024x16xf32, #tpu.memory_space<vmem>>)
    %dma_start3A_229 = arith.constant 0 : i32
    %dma_start3A_230 = tpu.memref_slice %arg7[%add3A_24, %dma_start3A_229] : memref<655360x16xf32, #tpu.memory_space<hbm>> -> memref<1024x16xf32, #tpu.memory_space<hbm>>
    %dma_start3A_231 = arith.constant 0 : i32
    %dma_start3A_232 = tpu.memref_slice %arg7[%add3A_24, %dma_start3A_231] : memref<655360x16xf32, #tpu.memory_space<hbm>> -> memref<1024x16xf32, #tpu.memory_space<hbm>>
    tpu.enqueue_dma source(%arg14 : memref<1024x16xf32, #tpu.memory_space<vmem>>) target(%dma_start3A_232 : memref<1024x16xf32, #tpu.memory_space<hbm>>) target_semaphore(%arg22 : memref<!tpu.dma_semaphore, #tpu.memory_space<semaphore_mem>>)
    %add3A_233 = arith.constant 1024 : i32
    %add3A_234 = arith.addi %add3A_24, %add3A_233 : i32
    %dma_start3A_235 = arith.constant 0 : i32
    %dma_start3A_236 = tpu.memref_slice %arg7[%add3A_234, %dma_start3A_235] : memref<655360x16xf32, #tpu.memory_space<hbm>> -> memref<1024x16xf32, #tpu.memory_space<hbm>>
    %dma_start3A_237 = arith.constant 0 : i32
    %dma_start3A_238 = tpu.memref_slice %arg7[%add3A_234, %dma_start3A_237] : memref<655360x16xf32, #tpu.memory_space<hbm>> -> memref<1024x16xf32, #tpu.memory_space<hbm>>
    tpu.enqueue_dma source(%arg15 : memref<1024x16xf32, #tpu.memory_space<vmem>>) target(%dma_start3A_238 : memref<1024x16xf32, #tpu.memory_space<hbm>>) target_semaphore(%arg23 : memref<!tpu.dma_semaphore, #tpu.memory_space<semaphore_mem>>)
    %dma_wait3A_239 = arith.constant 0 : i32
    %dma_wait3A_240 = tpu.memref_slice %arg7[%add3A_24, %dma_wait3A_239] : memref<655360x16xf32, #tpu.memory_space<hbm>> -> memref<1024x16xf32, #tpu.memory_space<hbm>>
    %dma_wait3A_241 = arith.constant 0 : i32
    %dma_wait3A_242 = tpu.memref_slice %arg7[%add3A_24, %dma_wait3A_241] : memref<655360x16xf32, #tpu.memory_space<hbm>> -> memref<1024x16xf32, #tpu.memory_space<hbm>>
    tpu.wait_dma2 semaphore(%arg22 : memref<!tpu.dma_semaphore, #tpu.memory_space<semaphore_mem>>) src(%arg14 : memref<1024x16xf32, #tpu.memory_space<vmem>>) dst(%dma_wait3A_242 : memref<1024x16xf32, #tpu.memory_space<hbm>>)
    %dma_wait3A_243 = arith.constant 0 : i32
    %dma_wait3A_244 = tpu.memref_slice %arg7[%add3A_234, %dma_wait3A_243] : memref<655360x16xf32, #tpu.memory_space<hbm>> -> memref<1024x16xf32, #tpu.memory_space<hbm>>
    %dma_wait3A_245 = arith.constant 0 : i32
    %dma_wait3A_246 = tpu.memref_slice %arg7[%add3A_234, %dma_wait3A_245] : memref<655360x16xf32, #tpu.memory_space<hbm>> -> memref<1024x16xf32, #tpu.memory_space<hbm>>
    tpu.wait_dma2 semaphore(%arg23 : memref<!tpu.dma_semaphore, #tpu.memory_space<semaphore_mem>>) src(%arg15 : memref<1024x16xf32, #tpu.memory_space<vmem>>) dst(%dma_wait3A_246 : memref<1024x16xf32, #tpu.memory_space<hbm>>)
    "tpu.region"() ({
      %run_scoped3A = tpu.sem_alloc : memref<!tpu.dma_semaphore, #tpu.memory_space<semaphore_mem>>
      %dma_start3A_415 = tpu.memref_slice %arg3[%add3A_32] : memref<655360xi32, #tpu.memory_space<hbm>> -> memref<1024xi32, #tpu.memory_space<hbm>>
      %dma_start3A_416 = tpu.memref_slice %arg3[%add3A_32] : memref<655360xi32, #tpu.memory_space<hbm>> -> memref<1024xi32, #tpu.memory_space<hbm>>
      tpu.enqueue_dma source(%dma_start3A_416 : memref<1024xi32, #tpu.memory_space<hbm>>) target(%arg10 : memref<1024xi32, #tpu.memory_space<vmem>>) target_semaphore(%run_scoped3A : memref<!tpu.dma_semaphore, #tpu.memory_space<semaphore_mem>>)
      %dma_wait3A_417 = tpu.memref_slice %arg3[%add3A_32] : memref<655360xi32, #tpu.memory_space<hbm>> -> memref<1024xi32, #tpu.memory_space<hbm>>
      %dma_wait3A_418 = tpu.memref_slice %arg3[%add3A_32] : memref<655360xi32, #tpu.memory_space<hbm>> -> memref<1024xi32, #tpu.memory_space<hbm>>
      tpu.wait_dma2 semaphore(%run_scoped3A : memref<!tpu.dma_semaphore, #tpu.memory_space<semaphore_mem>>) src(%dma_wait3A_418 : memref<1024xi32, #tpu.memory_space<hbm>>) dst(%arg10 : memref<1024xi32, #tpu.memory_space<vmem>>)
      tpu.yield
    }) : () -> ()
    %add3A_247 = arith.constant 1024 : i32
    %add3A_248 = arith.addi %add3A_32, %add3A_247 : i32
    "tpu.region"() ({
      %run_scoped3A = tpu.sem_alloc : memref<!tpu.dma_semaphore, #tpu.memory_space<semaphore_mem>>
      %dma_start3A_415 = tpu.memref_slice %arg3[%add3A_248] : memref<655360xi32, #tpu.memory_space<hbm>> -> memref<1024xi32, #tpu.memory_space<hbm>>
      %dma_start3A_416 = tpu.memref_slice %arg3[%add3A_248] : memref<655360xi32, #tpu.memory_space<hbm>> -> memref<1024xi32, #tpu.memory_space<hbm>>
      tpu.enqueue_dma source(%dma_start3A_416 : memref<1024xi32, #tpu.memory_space<hbm>>) target(%arg11 : memref<1024xi32, #tpu.memory_space<vmem>>) target_semaphore(%run_scoped3A : memref<!tpu.dma_semaphore, #tpu.memory_space<semaphore_mem>>)
      %dma_wait3A_417 = tpu.memref_slice %arg3[%add3A_248] : memref<655360xi32, #tpu.memory_space<hbm>> -> memref<1024xi32, #tpu.memory_space<hbm>>
      %dma_wait3A_418 = tpu.memref_slice %arg3[%add3A_248] : memref<655360xi32, #tpu.memory_space<hbm>> -> memref<1024xi32, #tpu.memory_space<hbm>>
      tpu.wait_dma2 semaphore(%run_scoped3A : memref<!tpu.dma_semaphore, #tpu.memory_space<semaphore_mem>>) src(%dma_wait3A_418 : memref<1024xi32, #tpu.memory_space<hbm>>) dst(%arg11 : memref<1024xi32, #tpu.memory_space<vmem>>)
      tpu.yield
    }) : () -> ()
    %dma_start3A_249 = arith.constant 0 : i32
    %dma_start3A_250 = arith.constant 0 : i32
    %dma_start3A_251 = tpu.memref_slice %arg5[%dma_start3A_249, %dma_start3A_250] : memref<400000x16xf32, #tpu.memory_space<hbm>> -> memref<400000x16xf32, #tpu.memory_space<hbm>>
    tpu.enqueue_indirect_dma source(%dma_start3A_251 : memref<400000x16xf32, #tpu.memory_space<hbm>>) target(%arg14 : memref<1024x16xf32, #tpu.memory_space<vmem>>) offsets(%arg10 : memref<1024xi32, #tpu.memory_space<vmem>>) semaphore(%arg18 : memref<!tpu.dma_semaphore, #tpu.memory_space<semaphore_mem>>)
    %dma_start3A_252 = arith.constant 0 : i32
    %dma_start3A_253 = arith.constant 0 : i32
    %dma_start3A_254 = tpu.memref_slice %arg5[%dma_start3A_252, %dma_start3A_253] : memref<400000x16xf32, #tpu.memory_space<hbm>> -> memref<400000x16xf32, #tpu.memory_space<hbm>>
    tpu.enqueue_indirect_dma source(%dma_start3A_254 : memref<400000x16xf32, #tpu.memory_space<hbm>>) target(%arg15 : memref<1024x16xf32, #tpu.memory_space<vmem>>) offsets(%arg11 : memref<1024xi32, #tpu.memory_space<vmem>>) semaphore(%arg19 : memref<!tpu.dma_semaphore, #tpu.memory_space<semaphore_mem>>)
    %dma_wait3A_255 = arith.constant 0 : i32
    %dma_wait3A_256 = arith.constant 0 : i32
    %dma_wait3A_257 = tpu.memref_slice %arg5[%dma_wait3A_255, %dma_wait3A_256] : memref<400000x16xf32, #tpu.memory_space<hbm>> -> memref<400000x16xf32, #tpu.memory_space<hbm>>
    tpu.wait_indirect_dma semaphore(%arg16 : memref<!tpu.dma_semaphore, #tpu.memory_space<semaphore_mem>>) src(%dma_wait3A_257 : memref<400000x16xf32, #tpu.memory_space<hbm>>) dst(%arg12 : memref<1024x16xf32, #tpu.memory_space<vmem>>)
    %dma_wait3A_258 = arith.constant 0 : i32
    %dma_wait3A_259 = arith.constant 0 : i32
    %dma_wait3A_260 = tpu.memref_slice %arg5[%dma_wait3A_258, %dma_wait3A_259] : memref<400000x16xf32, #tpu.memory_space<hbm>> -> memref<400000x16xf32, #tpu.memory_space<hbm>>
    tpu.wait_indirect_dma semaphore(%arg17 : memref<!tpu.dma_semaphore, #tpu.memory_space<semaphore_mem>>) src(%dma_wait3A_260 : memref<400000x16xf32, #tpu.memory_space<hbm>>) dst(%arg13 : memref<1024x16xf32, #tpu.memory_space<vmem>>)
    %dma_start3A_261 = arith.constant 0 : i32
    %dma_start3A_262 = tpu.memref_slice %arg7[%add3A_28, %dma_start3A_261] : memref<655360x16xf32, #tpu.memory_space<hbm>> -> memref<1024x16xf32, #tpu.memory_space<hbm>>
    %dma_start3A_263 = arith.constant 0 : i32
    %dma_start3A_264 = tpu.memref_slice %arg7[%add3A_28, %dma_start3A_263] : memref<655360x16xf32, #tpu.memory_space<hbm>> -> memref<1024x16xf32, #tpu.memory_space<hbm>>
    tpu.enqueue_dma source(%arg12 : memref<1024x16xf32, #tpu.memory_space<vmem>>) target(%dma_start3A_264 : memref<1024x16xf32, #tpu.memory_space<hbm>>) target_semaphore(%arg20 : memref<!tpu.dma_semaphore, #tpu.memory_space<semaphore_mem>>)
    %add3A_265 = arith.constant 1024 : i32
    %add3A_266 = arith.addi %add3A_28, %add3A_265 : i32
    %dma_start3A_267 = arith.constant 0 : i32
    %dma_start3A_268 = tpu.memref_slice %arg7[%add3A_266, %dma_start3A_267] : memref<655360x16xf32, #tpu.memory_space<hbm>> -> memref<1024x16xf32, #tpu.memory_space<hbm>>
    %dma_start3A_269 = arith.constant 0 : i32
    %dma_start3A_270 = tpu.memref_slice %arg7[%add3A_266, %dma_start3A_269] : memref<655360x16xf32, #tpu.memory_space<hbm>> -> memref<1024x16xf32, #tpu.memory_space<hbm>>
    tpu.enqueue_dma source(%arg13 : memref<1024x16xf32, #tpu.memory_space<vmem>>) target(%dma_start3A_270 : memref<1024x16xf32, #tpu.memory_space<hbm>>) target_semaphore(%arg21 : memref<!tpu.dma_semaphore, #tpu.memory_space<semaphore_mem>>)
    %dma_wait3A_271 = arith.constant 0 : i32
    %dma_wait3A_272 = tpu.memref_slice %arg7[%add3A_28, %dma_wait3A_271] : memref<655360x16xf32, #tpu.memory_space<hbm>> -> memref<1024x16xf32, #tpu.memory_space<hbm>>
    %dma_wait3A_273 = arith.constant 0 : i32
    %dma_wait3A_274 = tpu.memref_slice %arg7[%add3A_28, %dma_wait3A_273] : memref<655360x16xf32, #tpu.memory_space<hbm>> -> memref<1024x16xf32, #tpu.memory_space<hbm>>
    tpu.wait_dma2 semaphore(%arg20 : memref<!tpu.dma_semaphore, #tpu.memory_space<semaphore_mem>>) src(%arg12 : memref<1024x16xf32, #tpu.memory_space<vmem>>) dst(%dma_wait3A_274 : memref<1024x16xf32, #tpu.memory_space<hbm>>)
    %dma_wait3A_275 = arith.constant 0 : i32
    %dma_wait3A_276 = tpu.memref_slice %arg7[%add3A_266, %dma_wait3A_275] : memref<655360x16xf32, #tpu.memory_space<hbm>> -> memref<1024x16xf32, #tpu.memory_space<hbm>>
    %dma_wait3A_277 = arith.constant 0 : i32
    %dma_wait3A_278 = tpu.memref_slice %arg7[%add3A_266, %dma_wait3A_277] : memref<655360x16xf32, #tpu.memory_space<hbm>> -> memref<1024x16xf32, #tpu.memory_space<hbm>>
    tpu.wait_dma2 semaphore(%arg21 : memref<!tpu.dma_semaphore, #tpu.memory_space<semaphore_mem>>) src(%arg13 : memref<1024x16xf32, #tpu.memory_space<vmem>>) dst(%dma_wait3A_278 : memref<1024x16xf32, #tpu.memory_space<hbm>>)
    "tpu.region"() ({
      %run_scoped3A = tpu.sem_alloc : memref<!tpu.dma_semaphore, #tpu.memory_space<semaphore_mem>>
      %dma_start3A_415 = tpu.memref_slice %arg3[%add3A_36] : memref<655360xi32, #tpu.memory_space<hbm>> -> memref<1024xi32, #tpu.memory_space<hbm>>
      %dma_start3A_416 = tpu.memref_slice %arg3[%add3A_36] : memref<655360xi32, #tpu.memory_space<hbm>> -> memref<1024xi32, #tpu.memory_space<hbm>>
      tpu.enqueue_dma source(%dma_start3A_416 : memref<1024xi32, #tpu.memory_space<hbm>>) target(%arg8 : memref<1024xi32, #tpu.memory_space<vmem>>) target_semaphore(%run_scoped3A : memref<!tpu.dma_semaphore, #tpu.memory_space<semaphore_mem>>)
      %dma_wait3A_417 = tpu.memref_slice %arg3[%add3A_36] : memref<655360xi32, #tpu.memory_space<hbm>> -> memref<1024xi32, #tpu.memory_space<hbm>>
      %dma_wait3A_418 = tpu.memref_slice %arg3[%add3A_36] : memref<655360xi32, #tpu.memory_space<hbm>> -> memref<1024xi32, #tpu.memory_space<hbm>>
      tpu.wait_dma2 semaphore(%run_scoped3A : memref<!tpu.dma_semaphore, #tpu.memory_space<semaphore_mem>>) src(%dma_wait3A_418 : memref<1024xi32, #tpu.memory_space<hbm>>) dst(%arg8 : memref<1024xi32, #tpu.memory_space<vmem>>)
      tpu.yield
    }) : () -> ()
    %add3A_279 = arith.constant 1024 : i32
    %add3A_280 = arith.addi %add3A_36, %add3A_279 : i32
    "tpu.region"() ({
      %run_scoped3A = tpu.sem_alloc : memref<!tpu.dma_semaphore, #tpu.memory_space<semaphore_mem>>
      %dma_start3A_415 = tpu.memref_slice %arg3[%add3A_280] : memref<655360xi32, #tpu.memory_space<hbm>> -> memref<1024xi32, #tpu.memory_space<hbm>>
      %dma_start3A_416 = tpu.memref_slice %arg3[%add3A_280] : memref<655360xi32, #tpu.memory_space<hbm>> -> memref<1024xi32, #tpu.memory_space<hbm>>
      tpu.enqueue_dma source(%dma_start3A_416 : memref<1024xi32, #tpu.memory_space<hbm>>) target(%arg9 : memref<1024xi32, #tpu.memory_space<vmem>>) target_semaphore(%run_scoped3A : memref<!tpu.dma_semaphore, #tpu.memory_space<semaphore_mem>>)
      %dma_wait3A_417 = tpu.memref_slice %arg3[%add3A_280] : memref<655360xi32, #tpu.memory_space<hbm>> -> memref<1024xi32, #tpu.memory_space<hbm>>
      %dma_wait3A_418 = tpu.memref_slice %arg3[%add3A_280] : memref<655360xi32, #tpu.memory_space<hbm>> -> memref<1024xi32, #tpu.memory_space<hbm>>
      tpu.wait_dma2 semaphore(%run_scoped3A : memref<!tpu.dma_semaphore, #tpu.memory_space<semaphore_mem>>) src(%dma_wait3A_418 : memref<1024xi32, #tpu.memory_space<hbm>>) dst(%arg9 : memref<1024xi32, #tpu.memory_space<vmem>>)
      tpu.yield
    }) : () -> ()
    %dma_start3A_281 = arith.constant 0 : i32
    %dma_start3A_282 = arith.constant 0 : i32
    %dma_start3A_283 = tpu.memref_slice %arg5[%dma_start3A_281, %dma_start3A_282] : memref<400000x16xf32, #tpu.memory_space<hbm>> -> memref<400000x16xf32, #tpu.memory_space<hbm>>
    tpu.enqueue_indirect_dma source(%dma_start3A_283 : memref<400000x16xf32, #tpu.memory_space<hbm>>) target(%arg12 : memref<1024x16xf32, #tpu.memory_space<vmem>>) offsets(%arg8 : memref<1024xi32, #tpu.memory_space<vmem>>) semaphore(%arg16 : memref<!tpu.dma_semaphore, #tpu.memory_space<semaphore_mem>>)
    %dma_start3A_284 = arith.constant 0 : i32
    %dma_start3A_285 = arith.constant 0 : i32
    %dma_start3A_286 = tpu.memref_slice %arg5[%dma_start3A_284, %dma_start3A_285] : memref<400000x16xf32, #tpu.memory_space<hbm>> -> memref<400000x16xf32, #tpu.memory_space<hbm>>
    tpu.enqueue_indirect_dma source(%dma_start3A_286 : memref<400000x16xf32, #tpu.memory_space<hbm>>) target(%arg13 : memref<1024x16xf32, #tpu.memory_space<vmem>>) offsets(%arg9 : memref<1024xi32, #tpu.memory_space<vmem>>) semaphore(%arg17 : memref<!tpu.dma_semaphore, #tpu.memory_space<semaphore_mem>>)
    %dma_wait3A_287 = arith.constant 0 : i32
    %dma_wait3A_288 = arith.constant 0 : i32
    %dma_wait3A_289 = tpu.memref_slice %arg5[%dma_wait3A_287, %dma_wait3A_288] : memref<400000x16xf32, #tpu.memory_space<hbm>> -> memref<400000x16xf32, #tpu.memory_space<hbm>>
    tpu.wait_indirect_dma semaphore(%arg18 : memref<!tpu.dma_semaphore, #tpu.memory_space<semaphore_mem>>) src(%dma_wait3A_289 : memref<400000x16xf32, #tpu.memory_space<hbm>>) dst(%arg14 : memref<1024x16xf32, #tpu.memory_space<vmem>>)
    %dma_wait3A_290 = arith.constant 0 : i32
    %dma_wait3A_291 = arith.constant 0 : i32
    %dma_wait3A_292 = tpu.memref_slice %arg5[%dma_wait3A_290, %dma_wait3A_291] : memref<400000x16xf32, #tpu.memory_space<hbm>> -> memref<400000x16xf32, #tpu.memory_space<hbm>>
    tpu.wait_indirect_dma semaphore(%arg19 : memref<!tpu.dma_semaphore, #tpu.memory_space<semaphore_mem>>) src(%dma_wait3A_292 : memref<400000x16xf32, #tpu.memory_space<hbm>>) dst(%arg15 : memref<1024x16xf32, #tpu.memory_space<vmem>>)
    %dma_start3A_293 = arith.constant 0 : i32
    %dma_start3A_294 = tpu.memref_slice %arg7[%add3A_32, %dma_start3A_293] : memref<655360x16xf32, #tpu.memory_space<hbm>> -> memref<1024x16xf32, #tpu.memory_space<hbm>>
    %dma_start3A_295 = arith.constant 0 : i32
    %dma_start3A_296 = tpu.memref_slice %arg7[%add3A_32, %dma_start3A_295] : memref<655360x16xf32, #tpu.memory_space<hbm>> -> memref<1024x16xf32, #tpu.memory_space<hbm>>
    tpu.enqueue_dma source(%arg14 : memref<1024x16xf32, #tpu.memory_space<vmem>>) target(%dma_start3A_296 : memref<1024x16xf32, #tpu.memory_space<hbm>>) target_semaphore(%arg22 : memref<!tpu.dma_semaphore, #tpu.memory_space<semaphore_mem>>)
    %add3A_297 = arith.constant 1024 : i32
    %add3A_298 = arith.addi %add3A_32, %add3A_297 : i32
    %dma_start3A_299 = arith.constant 0 : i32
    %dma_start3A_300 = tpu.memref_slice %arg7[%add3A_298, %dma_start3A_299] : memref<655360x16xf32, #tpu.memory_space<hbm>> -> memref<1024x16xf32, #tpu.memory_space<hbm>>
    %dma_start3A_301 = arith.constant 0 : i32
    %dma_start3A_302 = tpu.memref_slice %arg7[%add3A_298, %dma_start3A_301] : memref<655360x16xf32, #tpu.memory_space<hbm>> -> memref<1024x16xf32, #tpu.memory_space<hbm>>
    tpu.enqueue_dma source(%arg15 : memref<1024x16xf32, #tpu.memory_space<vmem>>) target(%dma_start3A_302 : memref<1024x16xf32, #tpu.memory_space<hbm>>) target_semaphore(%arg23 : memref<!tpu.dma_semaphore, #tpu.memory_space<semaphore_mem>>)
    %dma_wait3A_303 = arith.constant 0 : i32
    %dma_wait3A_304 = tpu.memref_slice %arg7[%add3A_32, %dma_wait3A_303] : memref<655360x16xf32, #tpu.memory_space<hbm>> -> memref<1024x16xf32, #tpu.memory_space<hbm>>
    %dma_wait3A_305 = arith.constant 0 : i32
    %dma_wait3A_306 = tpu.memref_slice %arg7[%add3A_32, %dma_wait3A_305] : memref<655360x16xf32, #tpu.memory_space<hbm>> -> memref<1024x16xf32, #tpu.memory_space<hbm>>
    tpu.wait_dma2 semaphore(%arg22 : memref<!tpu.dma_semaphore, #tpu.memory_space<semaphore_mem>>) src(%arg14 : memref<1024x16xf32, #tpu.memory_space<vmem>>) dst(%dma_wait3A_306 : memref<1024x16xf32, #tpu.memory_space<hbm>>)
    %dma_wait3A_307 = arith.constant 0 : i32
    %dma_wait3A_308 = tpu.memref_slice %arg7[%add3A_298, %dma_wait3A_307] : memref<655360x16xf32, #tpu.memory_space<hbm>> -> memref<1024x16xf32, #tpu.memory_space<hbm>>
    %dma_wait3A_309 = arith.constant 0 : i32
    %dma_wait3A_310 = tpu.memref_slice %arg7[%add3A_298, %dma_wait3A_309] : memref<655360x16xf32, #tpu.memory_space<hbm>> -> memref<1024x16xf32, #tpu.memory_space<hbm>>
    tpu.wait_dma2 semaphore(%arg23 : memref<!tpu.dma_semaphore, #tpu.memory_space<semaphore_mem>>) src(%arg15 : memref<1024x16xf32, #tpu.memory_space<vmem>>) dst(%dma_wait3A_310 : memref<1024x16xf32, #tpu.memory_space<hbm>>)
    "tpu.region"() ({
      %run_scoped3A = tpu.sem_alloc : memref<!tpu.dma_semaphore, #tpu.memory_space<semaphore_mem>>
      %dma_start3A_415 = tpu.memref_slice %arg3[%add3A_40] : memref<655360xi32, #tpu.memory_space<hbm>> -> memref<1024xi32, #tpu.memory_space<hbm>>
      %dma_start3A_416 = tpu.memref_slice %arg3[%add3A_40] : memref<655360xi32, #tpu.memory_space<hbm>> -> memref<1024xi32, #tpu.memory_space<hbm>>
      tpu.enqueue_dma source(%dma_start3A_416 : memref<1024xi32, #tpu.memory_space<hbm>>) target(%arg10 : memref<1024xi32, #tpu.memory_space<vmem>>) target_semaphore(%run_scoped3A : memref<!tpu.dma_semaphore, #tpu.memory_space<semaphore_mem>>)
      %dma_wait3A_417 = tpu.memref_slice %arg3[%add3A_40] : memref<655360xi32, #tpu.memory_space<hbm>> -> memref<1024xi32, #tpu.memory_space<hbm>>
      %dma_wait3A_418 = tpu.memref_slice %arg3[%add3A_40] : memref<655360xi32, #tpu.memory_space<hbm>> -> memref<1024xi32, #tpu.memory_space<hbm>>
      tpu.wait_dma2 semaphore(%run_scoped3A : memref<!tpu.dma_semaphore, #tpu.memory_space<semaphore_mem>>) src(%dma_wait3A_418 : memref<1024xi32, #tpu.memory_space<hbm>>) dst(%arg10 : memref<1024xi32, #tpu.memory_space<vmem>>)
      tpu.yield
    }) : () -> ()
    %add3A_311 = arith.constant 1024 : i32
    %add3A_312 = arith.addi %add3A_40, %add3A_311 : i32
    "tpu.region"() ({
      %run_scoped3A = tpu.sem_alloc : memref<!tpu.dma_semaphore, #tpu.memory_space<semaphore_mem>>
      %dma_start3A_415 = tpu.memref_slice %arg3[%add3A_312] : memref<655360xi32, #tpu.memory_space<hbm>> -> memref<1024xi32, #tpu.memory_space<hbm>>
      %dma_start3A_416 = tpu.memref_slice %arg3[%add3A_312] : memref<655360xi32, #tpu.memory_space<hbm>> -> memref<1024xi32, #tpu.memory_space<hbm>>
      tpu.enqueue_dma source(%dma_start3A_416 : memref<1024xi32, #tpu.memory_space<hbm>>) target(%arg11 : memref<1024xi32, #tpu.memory_space<vmem>>) target_semaphore(%run_scoped3A : memref<!tpu.dma_semaphore, #tpu.memory_space<semaphore_mem>>)
      %dma_wait3A_417 = tpu.memref_slice %arg3[%add3A_312] : memref<655360xi32, #tpu.memory_space<hbm>> -> memref<1024xi32, #tpu.memory_space<hbm>>
      %dma_wait3A_418 = tpu.memref_slice %arg3[%add3A_312] : memref<655360xi32, #tpu.memory_space<hbm>> -> memref<1024xi32, #tpu.memory_space<hbm>>
      tpu.wait_dma2 semaphore(%run_scoped3A : memref<!tpu.dma_semaphore, #tpu.memory_space<semaphore_mem>>) src(%dma_wait3A_418 : memref<1024xi32, #tpu.memory_space<hbm>>) dst(%arg11 : memref<1024xi32, #tpu.memory_space<vmem>>)
      tpu.yield
    }) : () -> ()
    %dma_start3A_313 = arith.constant 0 : i32
    %dma_start3A_314 = arith.constant 0 : i32
    %dma_start3A_315 = tpu.memref_slice %arg5[%dma_start3A_313, %dma_start3A_314] : memref<400000x16xf32, #tpu.memory_space<hbm>> -> memref<400000x16xf32, #tpu.memory_space<hbm>>
    tpu.enqueue_indirect_dma source(%dma_start3A_315 : memref<400000x16xf32, #tpu.memory_space<hbm>>) target(%arg14 : memref<1024x16xf32, #tpu.memory_space<vmem>>) offsets(%arg10 : memref<1024xi32, #tpu.memory_space<vmem>>) semaphore(%arg18 : memref<!tpu.dma_semaphore, #tpu.memory_space<semaphore_mem>>)
    %dma_start3A_316 = arith.constant 0 : i32
    %dma_start3A_317 = arith.constant 0 : i32
    %dma_start3A_318 = tpu.memref_slice %arg5[%dma_start3A_316, %dma_start3A_317] : memref<400000x16xf32, #tpu.memory_space<hbm>> -> memref<400000x16xf32, #tpu.memory_space<hbm>>
    tpu.enqueue_indirect_dma source(%dma_start3A_318 : memref<400000x16xf32, #tpu.memory_space<hbm>>) target(%arg15 : memref<1024x16xf32, #tpu.memory_space<vmem>>) offsets(%arg11 : memref<1024xi32, #tpu.memory_space<vmem>>) semaphore(%arg19 : memref<!tpu.dma_semaphore, #tpu.memory_space<semaphore_mem>>)
    %dma_wait3A_319 = arith.constant 0 : i32
    %dma_wait3A_320 = arith.constant 0 : i32
    %dma_wait3A_321 = tpu.memref_slice %arg5[%dma_wait3A_319, %dma_wait3A_320] : memref<400000x16xf32, #tpu.memory_space<hbm>> -> memref<400000x16xf32, #tpu.memory_space<hbm>>
    tpu.wait_indirect_dma semaphore(%arg16 : memref<!tpu.dma_semaphore, #tpu.memory_space<semaphore_mem>>) src(%dma_wait3A_321 : memref<400000x16xf32, #tpu.memory_space<hbm>>) dst(%arg12 : memref<1024x16xf32, #tpu.memory_space<vmem>>)
    %dma_wait3A_322 = arith.constant 0 : i32
    %dma_wait3A_323 = arith.constant 0 : i32
    %dma_wait3A_324 = tpu.memref_slice %arg5[%dma_wait3A_322, %dma_wait3A_323] : memref<400000x16xf32, #tpu.memory_space<hbm>> -> memref<400000x16xf32, #tpu.memory_space<hbm>>
    tpu.wait_indirect_dma semaphore(%arg17 : memref<!tpu.dma_semaphore, #tpu.memory_space<semaphore_mem>>) src(%dma_wait3A_324 : memref<400000x16xf32, #tpu.memory_space<hbm>>) dst(%arg13 : memref<1024x16xf32, #tpu.memory_space<vmem>>)
    %dma_start3A_325 = arith.constant 0 : i32
    %dma_start3A_326 = tpu.memref_slice %arg7[%add3A_36, %dma_start3A_325] : memref<655360x16xf32, #tpu.memory_space<hbm>> -> memref<1024x16xf32, #tpu.memory_space<hbm>>
    %dma_start3A_327 = arith.constant 0 : i32
    %dma_start3A_328 = tpu.memref_slice %arg7[%add3A_36, %dma_start3A_327] : memref<655360x16xf32, #tpu.memory_space<hbm>> -> memref<1024x16xf32, #tpu.memory_space<hbm>>
    tpu.enqueue_dma source(%arg12 : memref<1024x16xf32, #tpu.memory_space<vmem>>) target(%dma_start3A_328 : memref<1024x16xf32, #tpu.memory_space<hbm>>) target_semaphore(%arg20 : memref<!tpu.dma_semaphore, #tpu.memory_space<semaphore_mem>>)
    %add3A_329 = arith.constant 1024 : i32
    %add3A_330 = arith.addi %add3A_36, %add3A_329 : i32
    %dma_start3A_331 = arith.constant 0 : i32
    %dma_start3A_332 = tpu.memref_slice %arg7[%add3A_330, %dma_start3A_331] : memref<655360x16xf32, #tpu.memory_space<hbm>> -> memref<1024x16xf32, #tpu.memory_space<hbm>>
    %dma_start3A_333 = arith.constant 0 : i32
    %dma_start3A_334 = tpu.memref_slice %arg7[%add3A_330, %dma_start3A_333] : memref<655360x16xf32, #tpu.memory_space<hbm>> -> memref<1024x16xf32, #tpu.memory_space<hbm>>
    tpu.enqueue_dma source(%arg13 : memref<1024x16xf32, #tpu.memory_space<vmem>>) target(%dma_start3A_334 : memref<1024x16xf32, #tpu.memory_space<hbm>>) target_semaphore(%arg21 : memref<!tpu.dma_semaphore, #tpu.memory_space<semaphore_mem>>)
    %dma_wait3A_335 = arith.constant 0 : i32
    %dma_wait3A_336 = tpu.memref_slice %arg7[%add3A_36, %dma_wait3A_335] : memref<655360x16xf32, #tpu.memory_space<hbm>> -> memref<1024x16xf32, #tpu.memory_space<hbm>>
    %dma_wait3A_337 = arith.constant 0 : i32
    %dma_wait3A_338 = tpu.memref_slice %arg7[%add3A_36, %dma_wait3A_337] : memref<655360x16xf32, #tpu.memory_space<hbm>> -> memref<1024x16xf32, #tpu.memory_space<hbm>>
    tpu.wait_dma2 semaphore(%arg20 : memref<!tpu.dma_semaphore, #tpu.memory_space<semaphore_mem>>) src(%arg12 : memref<1024x16xf32, #tpu.memory_space<vmem>>) dst(%dma_wait3A_338 : memref<1024x16xf32, #tpu.memory_space<hbm>>)
    %dma_wait3A_339 = arith.constant 0 : i32
    %dma_wait3A_340 = tpu.memref_slice %arg7[%add3A_330, %dma_wait3A_339] : memref<655360x16xf32, #tpu.memory_space<hbm>> -> memref<1024x16xf32, #tpu.memory_space<hbm>>
    %dma_wait3A_341 = arith.constant 0 : i32
    %dma_wait3A_342 = tpu.memref_slice %arg7[%add3A_330, %dma_wait3A_341] : memref<655360x16xf32, #tpu.memory_space<hbm>> -> memref<1024x16xf32, #tpu.memory_space<hbm>>
    tpu.wait_dma2 semaphore(%arg21 : memref<!tpu.dma_semaphore, #tpu.memory_space<semaphore_mem>>) src(%arg13 : memref<1024x16xf32, #tpu.memory_space<vmem>>) dst(%dma_wait3A_342 : memref<1024x16xf32, #tpu.memory_space<hbm>>)
    "tpu.region"() ({
      %run_scoped3A = tpu.sem_alloc : memref<!tpu.dma_semaphore, #tpu.memory_space<semaphore_mem>>
      %dma_start3A_415 = tpu.memref_slice %arg3[%add3A_44] : memref<655360xi32, #tpu.memory_space<hbm>> -> memref<1024xi32, #tpu.memory_space<hbm>>
      %dma_start3A_416 = tpu.memref_slice %arg3[%add3A_44] : memref<655360xi32, #tpu.memory_space<hbm>> -> memref<1024xi32, #tpu.memory_space<hbm>>
      tpu.enqueue_dma source(%dma_start3A_416 : memref<1024xi32, #tpu.memory_space<hbm>>) target(%arg8 : memref<1024xi32, #tpu.memory_space<vmem>>) target_semaphore(%run_scoped3A : memref<!tpu.dma_semaphore, #tpu.memory_space<semaphore_mem>>)
      %dma_wait3A_417 = tpu.memref_slice %arg3[%add3A_44] : memref<655360xi32, #tpu.memory_space<hbm>> -> memref<1024xi32, #tpu.memory_space<hbm>>
      %dma_wait3A_418 = tpu.memref_slice %arg3[%add3A_44] : memref<655360xi32, #tpu.memory_space<hbm>> -> memref<1024xi32, #tpu.memory_space<hbm>>
      tpu.wait_dma2 semaphore(%run_scoped3A : memref<!tpu.dma_semaphore, #tpu.memory_space<semaphore_mem>>) src(%dma_wait3A_418 : memref<1024xi32, #tpu.memory_space<hbm>>) dst(%arg8 : memref<1024xi32, #tpu.memory_space<vmem>>)
      tpu.yield
    }) : () -> ()
    %add3A_343 = arith.constant 1024 : i32
    %add3A_344 = arith.addi %add3A_44, %add3A_343 : i32
    "tpu.region"() ({
      %run_scoped3A = tpu.sem_alloc : memref<!tpu.dma_semaphore, #tpu.memory_space<semaphore_mem>>
      %dma_start3A_415 = tpu.memref_slice %arg3[%add3A_344] : memref<655360xi32, #tpu.memory_space<hbm>> -> memref<1024xi32, #tpu.memory_space<hbm>>
      %dma_start3A_416 = tpu.memref_slice %arg3[%add3A_344] : memref<655360xi32, #tpu.memory_space<hbm>> -> memref<1024xi32, #tpu.memory_space<hbm>>
      tpu.enqueue_dma source(%dma_start3A_416 : memref<1024xi32, #tpu.memory_space<hbm>>) target(%arg9 : memref<1024xi32, #tpu.memory_space<vmem>>) target_semaphore(%run_scoped3A : memref<!tpu.dma_semaphore, #tpu.memory_space<semaphore_mem>>)
      %dma_wait3A_417 = tpu.memref_slice %arg3[%add3A_344] : memref<655360xi32, #tpu.memory_space<hbm>> -> memref<1024xi32, #tpu.memory_space<hbm>>
      %dma_wait3A_418 = tpu.memref_slice %arg3[%add3A_344] : memref<655360xi32, #tpu.memory_space<hbm>> -> memref<1024xi32, #tpu.memory_space<hbm>>
      tpu.wait_dma2 semaphore(%run_scoped3A : memref<!tpu.dma_semaphore, #tpu.memory_space<semaphore_mem>>) src(%dma_wait3A_418 : memref<1024xi32, #tpu.memory_space<hbm>>) dst(%arg9 : memref<1024xi32, #tpu.memory_space<vmem>>)
      tpu.yield
    }) : () -> ()
    %dma_start3A_345 = arith.constant 0 : i32
    %dma_start3A_346 = arith.constant 0 : i32
    %dma_start3A_347 = tpu.memref_slice %arg5[%dma_start3A_345, %dma_start3A_346] : memref<400000x16xf32, #tpu.memory_space<hbm>> -> memref<400000x16xf32, #tpu.memory_space<hbm>>
    tpu.enqueue_indirect_dma source(%dma_start3A_347 : memref<400000x16xf32, #tpu.memory_space<hbm>>) target(%arg12 : memref<1024x16xf32, #tpu.memory_space<vmem>>) offsets(%arg8 : memref<1024xi32, #tpu.memory_space<vmem>>) semaphore(%arg16 : memref<!tpu.dma_semaphore, #tpu.memory_space<semaphore_mem>>)
    %dma_start3A_348 = arith.constant 0 : i32
    %dma_start3A_349 = arith.constant 0 : i32
    %dma_start3A_350 = tpu.memref_slice %arg5[%dma_start3A_348, %dma_start3A_349] : memref<400000x16xf32, #tpu.memory_space<hbm>> -> memref<400000x16xf32, #tpu.memory_space<hbm>>
    tpu.enqueue_indirect_dma source(%dma_start3A_350 : memref<400000x16xf32, #tpu.memory_space<hbm>>) target(%arg13 : memref<1024x16xf32, #tpu.memory_space<vmem>>) offsets(%arg9 : memref<1024xi32, #tpu.memory_space<vmem>>) semaphore(%arg17 : memref<!tpu.dma_semaphore, #tpu.memory_space<semaphore_mem>>)
    %dma_wait3A_351 = arith.constant 0 : i32
    %dma_wait3A_352 = arith.constant 0 : i32
    %dma_wait3A_353 = tpu.memref_slice %arg5[%dma_wait3A_351, %dma_wait3A_352] : memref<400000x16xf32, #tpu.memory_space<hbm>> -> memref<400000x16xf32, #tpu.memory_space<hbm>>
    tpu.wait_indirect_dma semaphore(%arg18 : memref<!tpu.dma_semaphore, #tpu.memory_space<semaphore_mem>>) src(%dma_wait3A_353 : memref<400000x16xf32, #tpu.memory_space<hbm>>) dst(%arg14 : memref<1024x16xf32, #tpu.memory_space<vmem>>)
    %dma_wait3A_354 = arith.constant 0 : i32
    %dma_wait3A_355 = arith.constant 0 : i32
    %dma_wait3A_356 = tpu.memref_slice %arg5[%dma_wait3A_354, %dma_wait3A_355] : memref<400000x16xf32, #tpu.memory_space<hbm>> -> memref<400000x16xf32, #tpu.memory_space<hbm>>
    tpu.wait_indirect_dma semaphore(%arg19 : memref<!tpu.dma_semaphore, #tpu.memory_space<semaphore_mem>>) src(%dma_wait3A_356 : memref<400000x16xf32, #tpu.memory_space<hbm>>) dst(%arg15 : memref<1024x16xf32, #tpu.memory_space<vmem>>)
    %dma_start3A_357 = arith.constant 0 : i32
    %dma_start3A_358 = tpu.memref_slice %arg7[%add3A_40, %dma_start3A_357] : memref<655360x16xf32, #tpu.memory_space<hbm>> -> memref<1024x16xf32, #tpu.memory_space<hbm>>
    %dma_start3A_359 = arith.constant 0 : i32
    %dma_start3A_360 = tpu.memref_slice %arg7[%add3A_40, %dma_start3A_359] : memref<655360x16xf32, #tpu.memory_space<hbm>> -> memref<1024x16xf32, #tpu.memory_space<hbm>>
    tpu.enqueue_dma source(%arg14 : memref<1024x16xf32, #tpu.memory_space<vmem>>) target(%dma_start3A_360 : memref<1024x16xf32, #tpu.memory_space<hbm>>) target_semaphore(%arg22 : memref<!tpu.dma_semaphore, #tpu.memory_space<semaphore_mem>>)
    %add3A_361 = arith.constant 1024 : i32
    %add3A_362 = arith.addi %add3A_40, %add3A_361 : i32
    %dma_start3A_363 = arith.constant 0 : i32
    %dma_start3A_364 = tpu.memref_slice %arg7[%add3A_362, %dma_start3A_363] : memref<655360x16xf32, #tpu.memory_space<hbm>> -> memref<1024x16xf32, #tpu.memory_space<hbm>>
    %dma_start3A_365 = arith.constant 0 : i32
    %dma_start3A_366 = tpu.memref_slice %arg7[%add3A_362, %dma_start3A_365] : memref<655360x16xf32, #tpu.memory_space<hbm>> -> memref<1024x16xf32, #tpu.memory_space<hbm>>
    tpu.enqueue_dma source(%arg15 : memref<1024x16xf32, #tpu.memory_space<vmem>>) target(%dma_start3A_366 : memref<1024x16xf32, #tpu.memory_space<hbm>>) target_semaphore(%arg23 : memref<!tpu.dma_semaphore, #tpu.memory_space<semaphore_mem>>)
    %dma_wait3A_367 = arith.constant 0 : i32
    %dma_wait3A_368 = tpu.memref_slice %arg7[%add3A_40, %dma_wait3A_367] : memref<655360x16xf32, #tpu.memory_space<hbm>> -> memref<1024x16xf32, #tpu.memory_space<hbm>>
    %dma_wait3A_369 = arith.constant 0 : i32
    %dma_wait3A_370 = tpu.memref_slice %arg7[%add3A_40, %dma_wait3A_369] : memref<655360x16xf32, #tpu.memory_space<hbm>> -> memref<1024x16xf32, #tpu.memory_space<hbm>>
    tpu.wait_dma2 semaphore(%arg22 : memref<!tpu.dma_semaphore, #tpu.memory_space<semaphore_mem>>) src(%arg14 : memref<1024x16xf32, #tpu.memory_space<vmem>>) dst(%dma_wait3A_370 : memref<1024x16xf32, #tpu.memory_space<hbm>>)
    %dma_wait3A_371 = arith.constant 0 : i32
    %dma_wait3A_372 = tpu.memref_slice %arg7[%add3A_362, %dma_wait3A_371] : memref<655360x16xf32, #tpu.memory_space<hbm>> -> memref<1024x16xf32, #tpu.memory_space<hbm>>
    %dma_wait3A_373 = arith.constant 0 : i32
    %dma_wait3A_374 = tpu.memref_slice %arg7[%add3A_362, %dma_wait3A_373] : memref<655360x16xf32, #tpu.memory_space<hbm>> -> memref<1024x16xf32, #tpu.memory_space<hbm>>
    tpu.wait_dma2 semaphore(%arg23 : memref<!tpu.dma_semaphore, #tpu.memory_space<semaphore_mem>>) src(%arg15 : memref<1024x16xf32, #tpu.memory_space<vmem>>) dst(%dma_wait3A_374 : memref<1024x16xf32, #tpu.memory_space<hbm>>)
    "tpu.region"() ({
      %run_scoped3A = tpu.sem_alloc : memref<!tpu.dma_semaphore, #tpu.memory_space<semaphore_mem>>
      %dma_start3A_415 = tpu.memref_slice %arg3[%add3A_48] : memref<655360xi32, #tpu.memory_space<hbm>> -> memref<1024xi32, #tpu.memory_space<hbm>>
      %dma_start3A_416 = tpu.memref_slice %arg3[%add3A_48] : memref<655360xi32, #tpu.memory_space<hbm>> -> memref<1024xi32, #tpu.memory_space<hbm>>
      tpu.enqueue_dma source(%dma_start3A_416 : memref<1024xi32, #tpu.memory_space<hbm>>) target(%arg10 : memref<1024xi32, #tpu.memory_space<vmem>>) target_semaphore(%run_scoped3A : memref<!tpu.dma_semaphore, #tpu.memory_space<semaphore_mem>>)
      %dma_wait3A_417 = tpu.memref_slice %arg3[%add3A_48] : memref<655360xi32, #tpu.memory_space<hbm>> -> memref<1024xi32, #tpu.memory_space<hbm>>
      %dma_wait3A_418 = tpu.memref_slice %arg3[%add3A_48] : memref<655360xi32, #tpu.memory_space<hbm>> -> memref<1024xi32, #tpu.memory_space<hbm>>
      tpu.wait_dma2 semaphore(%run_scoped3A : memref<!tpu.dma_semaphore, #tpu.memory_space<semaphore_mem>>) src(%dma_wait3A_418 : memref<1024xi32, #tpu.memory_space<hbm>>) dst(%arg10 : memref<1024xi32, #tpu.memory_space<vmem>>)
      tpu.yield
    }) : () -> ()
    %add3A_375 = arith.constant 1024 : i32
    %add3A_376 = arith.addi %add3A_48, %add3A_375 : i32
    "tpu.region"() ({
      %run_scoped3A = tpu.sem_alloc : memref<!tpu.dma_semaphore, #tpu.memory_space<semaphore_mem>>
      %dma_start3A_415 = tpu.memref_slice %arg3[%add3A_376] : memref<655360xi32, #tpu.memory_space<hbm>> -> memref<1024xi32, #tpu.memory_space<hbm>>
      %dma_start3A_416 = tpu.memref_slice %arg3[%add3A_376] : memref<655360xi32, #tpu.memory_space<hbm>> -> memref<1024xi32, #tpu.memory_space<hbm>>
      tpu.enqueue_dma source(%dma_start3A_416 : memref<1024xi32, #tpu.memory_space<hbm>>) target(%arg11 : memref<1024xi32, #tpu.memory_space<vmem>>) target_semaphore(%run_scoped3A : memref<!tpu.dma_semaphore, #tpu.memory_space<semaphore_mem>>)
      %dma_wait3A_417 = tpu.memref_slice %arg3[%add3A_376] : memref<655360xi32, #tpu.memory_space<hbm>> -> memref<1024xi32, #tpu.memory_space<hbm>>
      %dma_wait3A_418 = tpu.memref_slice %arg3[%add3A_376] : memref<655360xi32, #tpu.memory_space<hbm>> -> memref<1024xi32, #tpu.memory_space<hbm>>
      tpu.wait_dma2 semaphore(%run_scoped3A : memref<!tpu.dma_semaphore, #tpu.memory_space<semaphore_mem>>) src(%dma_wait3A_418 : memref<1024xi32, #tpu.memory_space<hbm>>) dst(%arg11 : memref<1024xi32, #tpu.memory_space<vmem>>)
      tpu.yield
    }) : () -> ()
    %dma_start3A_377 = arith.constant 0 : i32
    %dma_start3A_378 = arith.constant 0 : i32
    %dma_start3A_379 = tpu.memref_slice %arg5[%dma_start3A_377, %dma_start3A_378] : memref<400000x16xf32, #tpu.memory_space<hbm>> -> memref<400000x16xf32, #tpu.memory_space<hbm>>
    tpu.enqueue_indirect_dma source(%dma_start3A_379 : memref<400000x16xf32, #tpu.memory_space<hbm>>) target(%arg14 : memref<1024x16xf32, #tpu.memory_space<vmem>>) offsets(%arg10 : memref<1024xi32, #tpu.memory_space<vmem>>) semaphore(%arg18 : memref<!tpu.dma_semaphore, #tpu.memory_space<semaphore_mem>>)
    %dma_start3A_380 = arith.constant 0 : i32
    %dma_start3A_381 = arith.constant 0 : i32
    %dma_start3A_382 = tpu.memref_slice %arg5[%dma_start3A_380, %dma_start3A_381] : memref<400000x16xf32, #tpu.memory_space<hbm>> -> memref<400000x16xf32, #tpu.memory_space<hbm>>
    tpu.enqueue_indirect_dma source(%dma_start3A_382 : memref<400000x16xf32, #tpu.memory_space<hbm>>) target(%arg15 : memref<1024x16xf32, #tpu.memory_space<vmem>>) offsets(%arg11 : memref<1024xi32, #tpu.memory_space<vmem>>) semaphore(%arg19 : memref<!tpu.dma_semaphore, #tpu.memory_space<semaphore_mem>>)
    %dma_wait3A_383 = arith.constant 0 : i32
    %dma_wait3A_384 = arith.constant 0 : i32
    %dma_wait3A_385 = tpu.memref_slice %arg5[%dma_wait3A_383, %dma_wait3A_384] : memref<400000x16xf32, #tpu.memory_space<hbm>> -> memref<400000x16xf32, #tpu.memory_space<hbm>>
    tpu.wait_indirect_dma semaphore(%arg16 : memref<!tpu.dma_semaphore, #tpu.memory_space<semaphore_mem>>) src(%dma_wait3A_385 : memref<400000x16xf32, #tpu.memory_space<hbm>>) dst(%arg12 : memref<1024x16xf32, #tpu.memory_space<vmem>>)
    %dma_wait3A_386 = arith.constant 0 : i32
    %dma_wait3A_387 = arith.constant 0 : i32
    %dma_wait3A_388 = tpu.memref_slice %arg5[%dma_wait3A_386, %dma_wait3A_387] : memref<400000x16xf32, #tpu.memory_space<hbm>> -> memref<400000x16xf32, #tpu.memory_space<hbm>>
    tpu.wait_indirect_dma semaphore(%arg17 : memref<!tpu.dma_semaphore, #tpu.memory_space<semaphore_mem>>) src(%dma_wait3A_388 : memref<400000x16xf32, #tpu.memory_space<hbm>>) dst(%arg13 : memref<1024x16xf32, #tpu.memory_space<vmem>>)
    %dma_start3A_389 = arith.constant 0 : i32
    %dma_start3A_390 = tpu.memref_slice %arg7[%add3A_44, %dma_start3A_389] : memref<655360x16xf32, #tpu.memory_space<hbm>> -> memref<1024x16xf32, #tpu.memory_space<hbm>>
    %dma_start3A_391 = arith.constant 0 : i32
    %dma_start3A_392 = tpu.memref_slice %arg7[%add3A_44, %dma_start3A_391] : memref<655360x16xf32, #tpu.memory_space<hbm>> -> memref<1024x16xf32, #tpu.memory_space<hbm>>
    tpu.enqueue_dma source(%arg12 : memref<1024x16xf32, #tpu.memory_space<vmem>>) target(%dma_start3A_392 : memref<1024x16xf32, #tpu.memory_space<hbm>>) target_semaphore(%arg20 : memref<!tpu.dma_semaphore, #tpu.memory_space<semaphore_mem>>)
    %add3A_393 = arith.constant 1024 : i32
    %add3A_394 = arith.addi %add3A_44, %add3A_393 : i32
    %dma_start3A_395 = arith.constant 0 : i32
    %dma_start3A_396 = tpu.memref_slice %arg7[%add3A_394, %dma_start3A_395] : memref<655360x16xf32, #tpu.memory_space<hbm>> -> memref<1024x16xf32, #tpu.memory_space<hbm>>
    %dma_start3A_397 = arith.constant 0 : i32
    %dma_start3A_398 = tpu.memref_slice %arg7[%add3A_394, %dma_start3A_397] : memref<655360x16xf32, #tpu.memory_space<hbm>> -> memref<1024x16xf32, #tpu.memory_space<hbm>>
    tpu.enqueue_dma source(%arg13 : memref<1024x16xf32, #tpu.memory_space<vmem>>) target(%dma_start3A_398 : memref<1024x16xf32, #tpu.memory_space<hbm>>) target_semaphore(%arg21 : memref<!tpu.dma_semaphore, #tpu.memory_space<semaphore_mem>>)
    %dma_wait3A_399 = arith.constant 0 : i32
    %dma_wait3A_400 = arith.constant 0 : i32
    %dma_wait3A_401 = tpu.memref_slice %arg5[%dma_wait3A_399, %dma_wait3A_400] : memref<400000x16xf32, #tpu.memory_space<hbm>> -> memref<400000x16xf32, #tpu.memory_space<hbm>>
    tpu.wait_indirect_dma semaphore(%arg18 : memref<!tpu.dma_semaphore, #tpu.memory_space<semaphore_mem>>) src(%dma_wait3A_401 : memref<400000x16xf32, #tpu.memory_space<hbm>>) dst(%arg14 : memref<1024x16xf32, #tpu.memory_space<vmem>>)
    %dma_wait3A_402 = arith.constant 0 : i32
    %dma_wait3A_403 = arith.constant 0 : i32
    %dma_wait3A_404 = tpu.memref_slice %arg5[%dma_wait3A_402, %dma_wait3A_403] : memref<400000x16xf32, #tpu.memory_space<hbm>> -> memref<400000x16xf32, #tpu.memory_space<hbm>>
    tpu.wait_indirect_dma semaphore(%arg19 : memref<!tpu.dma_semaphore, #tpu.memory_space<semaphore_mem>>) src(%dma_wait3A_404 : memref<400000x16xf32, #tpu.memory_space<hbm>>) dst(%arg15 : memref<1024x16xf32, #tpu.memory_space<vmem>>)
    "tpu.region"() ({
      %run_scoped3A = tpu.sem_alloc : memref<!tpu.dma_semaphore, #tpu.memory_space<semaphore_mem>>
      %dma_start3A_415 = arith.constant 0 : i32
      %dma_start3A_416 = tpu.memref_slice %arg7[%add3A_48, %dma_start3A_415] : memref<655360x16xf32, #tpu.memory_space<hbm>> -> memref<1024x16xf32, #tpu.memory_space<hbm>>
      %dma_start3A_417 = arith.constant 0 : i32
      %dma_start3A_418 = tpu.memref_slice %arg7[%add3A_48, %dma_start3A_417] : memref<655360x16xf32, #tpu.memory_space<hbm>> -> memref<1024x16xf32, #tpu.memory_space<hbm>>
      tpu.enqueue_dma source(%arg14 : memref<1024x16xf32, #tpu.memory_space<vmem>>) target(%dma_start3A_418 : memref<1024x16xf32, #tpu.memory_space<hbm>>) target_semaphore(%run_scoped3A : memref<!tpu.dma_semaphore, #tpu.memory_space<semaphore_mem>>)
      %dma_wait3A_419 = arith.constant 0 : i32
      %dma_wait3A_420 = tpu.memref_slice %arg7[%add3A_48, %dma_wait3A_419] : memref<655360x16xf32, #tpu.memory_space<hbm>> -> memref<1024x16xf32, #tpu.memory_space<hbm>>
      %dma_wait3A_421 = arith.constant 0 : i32
      %dma_wait3A_422 = tpu.memref_slice %arg7[%add3A_48, %dma_wait3A_421] : memref<655360x16xf32, #tpu.memory_space<hbm>> -> memref<1024x16xf32, #tpu.memory_space<hbm>>
      tpu.wait_dma2 semaphore(%run_scoped3A : memref<!tpu.dma_semaphore, #tpu.memory_space<semaphore_mem>>) src(%arg14 : memref<1024x16xf32, #tpu.memory_space<vmem>>) dst(%dma_wait3A_422 : memref<1024x16xf32, #tpu.memory_space<hbm>>)
      tpu.yield
    }) : () -> ()
    %add3A_405 = arith.constant 1024 : i32
    %add3A_406 = arith.addi %add3A_48, %add3A_405 : i32
    "tpu.region"() ({
      %run_scoped3A = tpu.sem_alloc : memref<!tpu.dma_semaphore, #tpu.memory_space<semaphore_mem>>
      %dma_start3A_415 = arith.constant 0 : i32
      %dma_start3A_416 = tpu.memref_slice %arg7[%add3A_406, %dma_start3A_415] : memref<655360x16xf32, #tpu.memory_space<hbm>> -> memref<1024x16xf32, #tpu.memory_space<hbm>>
      %dma_start3A_417 = arith.constant 0 : i32
      %dma_start3A_418 = tpu.memref_slice %arg7[%add3A_406, %dma_start3A_417] : memref<655360x16xf32, #tpu.memory_space<hbm>> -> memref<1024x16xf32, #tpu.memory_space<hbm>>
      tpu.enqueue_dma source(%arg15 : memref<1024x16xf32, #tpu.memory_space<vmem>>) target(%dma_start3A_418 : memref<1024x16xf32, #tpu.memory_space<hbm>>) target_semaphore(%run_scoped3A : memref<!tpu.dma_semaphore, #tpu.memory_space<semaphore_mem>>)
      %dma_wait3A_419 = arith.constant 0 : i32
      %dma_wait3A_420 = tpu.memref_slice %arg7[%add3A_406, %dma_wait3A_419] : memref<655360x16xf32, #tpu.memory_space<hbm>> -> memref<1024x16xf32, #tpu.memory_space<hbm>>
      %dma_wait3A_421 = arith.constant 0 : i32
      %dma_wait3A_422 = tpu.memref_slice %arg7[%add3A_406, %dma_wait3A_421] : memref<655360x16xf32, #tpu.memory_space<hbm>> -> memref<1024x16xf32, #tpu.memory_space<hbm>>
      tpu.wait_dma2 semaphore(%run_scoped3A : memref<!tpu.dma_semaphore, #tpu.memory_space<semaphore_mem>>) src(%arg15 : memref<1024x16xf32, #tpu.memory_space<vmem>>) dst(%dma_wait3A_422 : memref<1024x16xf32, #tpu.memory_space<hbm>>)
      tpu.yield
    }) : () -> ()
    %dma_wait3A_407 = arith.constant 0 : i32
    %dma_wait3A_408 = tpu.memref_slice %arg7[%add3A_44, %dma_wait3A_407] : memref<655360x16xf32, #tpu.memory_space<hbm>> -> memref<1024x16xf32, #tpu.memory_space<hbm>>
    %dma_wait3A_409 = arith.constant 0 : i32
    %dma_wait3A_410 = tpu.memref_slice %arg7[%add3A_44, %dma_wait3A_409] : memref<655360x16xf32, #tpu.memory_space<hbm>> -> memref<1024x16xf32, #tpu.memory_space<hbm>>
    tpu.wait_dma2 semaphore(%arg20 : memref<!tpu.dma_semaphore, #tpu.memory_space<semaphore_mem>>) src(%arg12 : memref<1024x16xf32, #tpu.memory_space<vmem>>) dst(%dma_wait3A_410 : memref<1024x16xf32, #tpu.memory_space<hbm>>)
    %dma_wait3A_411 = arith.constant 0 : i32
    %dma_wait3A_412 = tpu.memref_slice %arg7[%add3A_394, %dma_wait3A_411] : memref<655360x16xf32, #tpu.memory_space<hbm>> -> memref<1024x16xf32, #tpu.memory_space<hbm>>
    %dma_wait3A_413 = arith.constant 0 : i32
    %dma_wait3A_414 = tpu.memref_slice %arg7[%add3A_394, %dma_wait3A_413] : memref<655360x16xf32, #tpu.memory_space<hbm>> -> memref<1024x16xf32, #tpu.memory_space<hbm>>
    tpu.wait_dma2 semaphore(%arg21 : memref<!tpu.dma_semaphore, #tpu.memory_space<semaphore_mem>>) src(%arg13 : memref<1024x16xf32, #tpu.memory_space<vmem>>) dst(%dma_wait3A_414 : memref<1024x16xf32, #tpu.memory_space<hbm>>)
    return
  }
}

module attributes {stable_mosaic.version = 14 : i64} {
  func.func @body(%arg0: i32, %arg1: memref<4096x8xf32, #tpu.memory_space<vmem>>, %arg2: memref<4096x13xf32, #tpu.memory_space<vmem>>, %arg3: memref<8x8xf32, #tpu.memory_space<vmem>>, %arg4: memref<8x13xf32, #tpu.memory_space<vmem>>) attributes {dimension_semantics = [#tpu.dimension_semantics<arbitrary>], iteration_bounds = array<i64: 40>, scalar_prefetch = 0 : i64, scratch_operands = 0 : i64, tpu.core_type = #tpu.core_type<tc>, window_params = [{transform_indices = @transform_0, window_bounds = array<i64: 4096, 8>}, {transform_indices = @transform_1, window_bounds = array<i64: 4096, 13>}, {pipeline_mode = #tpu.pipeline_mode<synchronous>, transform_indices = @transform_2, window_bounds = array<i64: 8, 8>}, {pipeline_mode = #tpu.pipeline_mode<synchronous>, transform_indices = @transform_3, window_bounds = array<i64: 8, 13>}]} {
    %eq3A = arith.constant 0 : i32
    %eq3A_0 = arith.cmpi eq, %arg0, %eq3A : i32
    %convert_element_type3A = arith.extui %eq3A_0 : i1 to i32
    %cond3A = arith.constant 0 : i32
    %cond3A_1 = arith.cmpi ne, %convert_element_type3A, %cond3A : i32
    scf.if %cond3A_1 {
      %broadcast_in_dim3A_24 = arith.constant 0.000000e+00 : f32
      %broadcast_in_dim3A_25 = vector.broadcast %broadcast_in_dim3A_24 : f32 to vector<8x8xf32>
      %swap3A_26 = arith.constant 0 : index
      %swap3A_27 = arith.constant 0 : index
      %swap3A_28 = vector.load %arg3[%swap3A_26, %swap3A_27] : memref<8x8xf32, #tpu.memory_space<vmem>>, vector<8x8xf32>
      tpu.vector_store %arg3[%swap3A_26, %swap3A_27], %broadcast_in_dim3A_25 {strides = array<i32>} : memref<8x8xf32, #tpu.memory_space<vmem>>, vector<8x8xf32>,
      %broadcast_in_dim3A_29 = arith.constant 0.000000e+00 : f32
      %broadcast_in_dim3A_30 = vector.broadcast %broadcast_in_dim3A_29 : f32 to vector<8x13xf32>
      %swap3A_31 = arith.constant 0 : index
      %swap3A_32 = arith.constant 0 : index
      %swap3A_33 = vector.load %arg4[%swap3A_31, %swap3A_32] : memref<8x13xf32, #tpu.memory_space<vmem>>, vector<8x13xf32>
      tpu.vector_store %arg4[%swap3A_31, %swap3A_32], %broadcast_in_dim3A_30 {strides = array<i32>} : memref<8x13xf32, #tpu.memory_space<vmem>>, vector<8x13xf32>,
    } else {
    }
    %get3A = arith.constant 0 : index
    %get3A_2 = arith.constant 0 : index
    %get3A_3 = vector.load %arg1[%get3A, %get3A_2] : memref<4096x8xf32, #tpu.memory_space<vmem>>, vector<4096x8xf32>
    %get3A_4 = arith.constant 0 : index
    %get3A_5 = arith.constant 0 : index
    %get3A_6 = vector.load %arg3[%get3A_4, %get3A_5] : memref<8x8xf32, #tpu.memory_space<vmem>>, vector<1x8xf32>
    %reduce_sum3A = arith.constant dense<0.000000e+00> : vector<8xf32>
    %reduce_sum3A_7 = vector.multi_reduction <add>, %get3A_3, %reduce_sum3A [0] : vector<4096x8xf32> to vector<8xf32>
    %broadcast_in_dim3A = vector.shape_cast %reduce_sum3A_7 : vector<8xf32> to vector<1x8xf32>
    %add3A = arith.addf %get3A_6, %broadcast_in_dim3A : vector<1x8xf32>
    %swap3A = arith.constant 0 : index
    %swap3A_8 = arith.constant 0 : index
    %swap3A_9 = vector.load %arg3[%swap3A, %swap3A_8] : memref<8x8xf32, #tpu.memory_space<vmem>>, vector<1x8xf32>
    tpu.vector_store %arg3[%swap3A, %swap3A_8], %add3A {strides = array<i32>} : memref<8x8xf32, #tpu.memory_space<vmem>>, vector<1x8xf32>,
    %get3A_10 = arith.constant 1 : index
    %get3A_11 = arith.constant 0 : index
    %get3A_12 = vector.load %arg3[%get3A_10, %get3A_11] : memref<8x8xf32, #tpu.memory_space<vmem>>, vector<1x8xf32>
    %mul3A = arith.mulf %get3A_3, %get3A_3 : vector<4096x8xf32>
    %reduce_sum3A_13 = arith.constant dense<0.000000e+00> : vector<8xf32>
    %reduce_sum3A_14 = vector.multi_reduction <add>, %mul3A, %reduce_sum3A_13 [0] : vector<4096x8xf32> to vector<8xf32>
    %broadcast_in_dim3A_15 = vector.shape_cast %reduce_sum3A_14 : vector<8xf32> to vector<1x8xf32>
    %add3A_16 = arith.addf %get3A_12, %broadcast_in_dim3A_15 : vector<1x8xf32>
    %swap3A_17 = arith.constant 1 : index
    %swap3A_18 = arith.constant 0 : index
    %swap3A_19 = vector.load %arg3[%swap3A_17, %swap3A_18] : memref<8x8xf32, #tpu.memory_space<vmem>>, vector<1x8xf32>
    tpu.vector_store %arg3[%swap3A_17, %swap3A_18], %add3A_16 {strides = array<i32>} : memref<8x8xf32, #tpu.memory_space<vmem>>, vector<1x8xf32>,
    %lt3A = arith.constant 4 : i32
    %lt3A_20 = arith.cmpi slt, %arg0, %lt3A : i32
    %convert_element_type3A_21 = arith.extui %lt3A_20 : i1 to i32
    %cond3A_22 = arith.constant 0 : i32
    %cond3A_23 = arith.cmpi ne, %convert_element_type3A_21, %cond3A_22 : i32
    scf.if %cond3A_23 {
      %get3A_24 = arith.constant 0 : index
      %get3A_25 = arith.constant 0 : index
      %get3A_26 = vector.load %arg2[%get3A_24, %get3A_25] : memref<4096x13xf32, #tpu.memory_space<vmem>>, vector<4096x13xf32>
      %get3A_27 = arith.constant 0 : index
      %get3A_28 = arith.constant 0 : index
      %get3A_29 = vector.load %arg4[%get3A_27, %get3A_28] : memref<8x13xf32, #tpu.memory_space<vmem>>, vector<1x13xf32>
      %reduce_sum3A_30 = arith.constant dense<0.000000e+00> : vector<13xf32>
      %reduce_sum3A_31 = vector.multi_reduction <add>, %get3A_26, %reduce_sum3A_30 [0] : vector<4096x13xf32> to vector<13xf32>
      %broadcast_in_dim3A_32 = vector.shape_cast %reduce_sum3A_31 : vector<13xf32> to vector<1x13xf32>
      %add3A_33 = arith.addf %get3A_29, %broadcast_in_dim3A_32 : vector<1x13xf32>
      %swap3A_34 = arith.constant 0 : index
      %swap3A_35 = arith.constant 0 : index
      %swap3A_36 = vector.load %arg4[%swap3A_34, %swap3A_35] : memref<8x13xf32, #tpu.memory_space<vmem>>, vector<1x13xf32>
      tpu.vector_store %arg4[%swap3A_34, %swap3A_35], %add3A_33 {strides = array<i32>} : memref<8x13xf32, #tpu.memory_space<vmem>>, vector<1x13xf32>,
      %get3A_37 = arith.constant 1 : index
      %get3A_38 = arith.constant 0 : index
      %get3A_39 = vector.load %arg4[%get3A_37, %get3A_38] : memref<8x13xf32, #tpu.memory_space<vmem>>, vector<1x13xf32>
      %mul3A_40 = arith.mulf %get3A_26, %get3A_26 : vector<4096x13xf32>
      %reduce_sum3A_41 = arith.constant dense<0.000000e+00> : vector<13xf32>
      %reduce_sum3A_42 = vector.multi_reduction <add>, %mul3A_40, %reduce_sum3A_41 [0] : vector<4096x13xf32> to vector<13xf32>
      %broadcast_in_dim3A_43 = vector.shape_cast %reduce_sum3A_42 : vector<13xf32> to vector<1x13xf32>
      %add3A_44 = arith.addf %get3A_39, %broadcast_in_dim3A_43 : vector<1x13xf32>
      %swap3A_45 = arith.constant 1 : index
      %swap3A_46 = arith.constant 0 : index
      %swap3A_47 = vector.load %arg4[%swap3A_45, %swap3A_46] : memref<8x13xf32, #tpu.memory_space<vmem>>, vector<1x13xf32>
      tpu.vector_store %arg4[%swap3A_45, %swap3A_46], %add3A_44 {strides = array<i32>} : memref<8x13xf32, #tpu.memory_space<vmem>>, vector<1x13xf32>,
    } else {
    }
    return
  }
  func.func @transform_0(%arg0: i32) -> (i32, i32) {
    %c0_i32 = arith.constant 0 : i32
    %c0_i32_0 = arith.constant 0 : i32
    return %arg0, %c0_i32 : i32, i32
  }
  func.func @transform_1(%arg0: i32) -> (i32, i32) {
    %jit3A = arith.constant 4 : i32
    %eq3A = arith.constant 0 : i32
    %eq3A_0 = arith.cmpi eq, %jit3A, %eq3A : i32
    %jit3A_1 = arith.constant 1 : i32
    %select_n3A = arith.select %eq3A_0, %jit3A_1, %jit3A : i32
    %rem3A = arith.remsi %arg0, %select_n3A : i32
    %ne3A = arith.constant 0 : i32
    %ne3A_2 = arith.cmpi ne, %rem3A, %ne3A : i32
    %lt3A = arith.constant 0 : i32
    %lt3A_3 = arith.cmpi slt, %rem3A, %lt3A : i32
    %lt3A_4 = arith.constant 0 : i32
    %lt3A_5 = arith.cmpi slt, %select_n3A, %lt3A_4 : i32
    %ne3A_6 = arith.xori %lt3A_3, %lt3A_5 : i1
    %and3A = arith.andi %ne3A_6, %ne3A_2 : i1
    %add3A = arith.addi %rem3A, %select_n3A : i32
    %select_n3A_7 = arith.select %and3A, %add3A, %rem3A : i32
    %c0_i32 = arith.constant 0 : i32
    %c0_i32_8 = arith.constant 0 : i32
    return %select_n3A_7, %c0_i32 : i32, i32
  }
  func.func @transform_2(%arg0: i32) -> (i32, i32) {
    %c0_i32 = arith.constant 0 : i32
    %c0_i32_0 = arith.constant 0 : i32
    %c0_i32_1 = arith.constant 0 : i32
    return %c0_i32, %c0_i32_0 : i32, i32
  }
  func.func @transform_3(%arg0: i32) -> (i32, i32) {
    %c0_i32 = arith.constant 0 : i32
    %c0_i32_0 = arith.constant 0 : i32
    %c0_i32_1 = arith.constant 0 : i32
    return %c0_i32, %c0_i32_0 : i32, i32
  }
}

module attributes {stable_mosaic.version = 14 : i64} {
  func.func @body(%arg0: i32, %arg1: memref<512x10x64xf32, #tpu.memory_space<vmem>>, %arg2: memref<512x10x8xf32, #tpu.memory_space<vmem>>, %arg3: memref<512x13xf32, #tpu.memory_space<vmem>>, %arg4: memref<8x8xf32, #tpu.memory_space<vmem>>, %arg5: memref<8x13xf32, #tpu.memory_space<vmem>>, %arg6: memref<32x72xf32, #tpu.memory_space<vmem>>, %arg7: memref<8x32xf32, #tpu.memory_space<vmem>>, %arg8: memref<512x32xf32, #tpu.memory_space<vmem>>, %arg9: memref<512x13xf32, #tpu.memory_space<vmem>>) attributes {dimension_semantics = [#tpu.dimension_semantics<arbitrary>], iteration_bounds = array<i64: 32>, scalar_prefetch = 0 : i64, scratch_operands = 0 : i64, tpu.core_type = #tpu.core_type<tc>, window_params = [{transform_indices = @transform_0, window_bounds = array<i64: 512, 10, 64>}, {transform_indices = @transform_1, window_bounds = array<i64: 512, 10, 8>}, {transform_indices = @transform_2, window_bounds = array<i64: 512, 13>}, {pipeline_mode = #tpu.pipeline_mode<synchronous>, transform_indices = @transform_3, window_bounds = array<i64: 8, 8>}, {pipeline_mode = #tpu.pipeline_mode<synchronous>, transform_indices = @transform_4, window_bounds = array<i64: 8, 13>}, {pipeline_mode = #tpu.pipeline_mode<synchronous>, transform_indices = @transform_5, window_bounds = array<i64: 32, 72>}, {pipeline_mode = #tpu.pipeline_mode<synchronous>, transform_indices = @transform_6, window_bounds = array<i64: 8, 32>}, {transform_indices = @transform_7, window_bounds = array<i64: 512, 32>}, {transform_indices = @transform_8, window_bounds = array<i64: 512, 13>}]} {
    %get3A = arith.constant 0 : index
    %get3A_0 = arith.constant 0 : index
    %get3A_1 = vector.load %arg4[%get3A, %get3A_0] : memref<8x8xf32, #tpu.memory_space<vmem>>, vector<1x8xf32>
    %div3A = arith.constant 1.638400e+05 : f32
    %div3A_2 = vector.broadcast %div3A : f32 to vector<1x8xf32>
    %div3A_3 = arith.divf %get3A_1, %div3A_2 : vector<1x8xf32>
    %get3A_4 = arith.constant 1 : index
    %get3A_5 = arith.constant 0 : index
    %get3A_6 = vector.load %arg4[%get3A_4, %get3A_5] : memref<8x8xf32, #tpu.memory_space<vmem>>, vector<1x8xf32>
    %div3A_7 = arith.constant 1.638400e+05 : f32
    %div3A_8 = vector.broadcast %div3A_7 : f32 to vector<1x8xf32>
    %div3A_9 = arith.divf %get3A_6, %div3A_8 : vector<1x8xf32>
    %mul3A = arith.mulf %div3A_3, %div3A_3 : vector<1x8xf32>
    %sub3A = arith.subf %div3A_9, %mul3A : vector<1x8xf32>
    %add3A = arith.constant 9.99999974E-6 : f32
    %add3A_10 = vector.broadcast %add3A : f32 to vector<1x8xf32>
    %add3A_11 = arith.addf %sub3A, %add3A_10 : vector<1x8xf32>
    %rsqrt3A = math.rsqrt %add3A_11 : vector<1x8xf32>
    %get3A_12 = arith.constant 0 : index
    %get3A_13 = arith.constant 0 : index
    %get3A_14 = vector.load %arg6[%get3A_12, %get3A_13] : memref<32x72xf32, #tpu.memory_space<vmem>>, vector<32x64xf32>
    %get3A_15 = arith.constant 0 : index
    %get3A_16 = arith.constant 64 : index
    %get3A_17 = vector.load %arg6[%get3A_15, %get3A_16] : memref<32x72xf32, #tpu.memory_space<vmem>>, vector<32x8xf32>
    %mul3A_18 = vector.broadcast %rsqrt3A : vector<1x8xf32> to vector<32x8xf32>
    %mul3A_19 = arith.mulf %get3A_17, %mul3A_18 : vector<32x8xf32>
    %get3A_20 = arith.constant 0 : index
    %get3A_21 = arith.constant 0 : index
    %get3A_22 = vector.load %arg7[%get3A_20, %get3A_21] : memref<8x32xf32, #tpu.memory_space<vmem>>, vector<1x32xf32>
    %mul3A_23 = arith.mulf %div3A_3, %rsqrt3A : vector<1x8xf32>
    %dot_general3A = arith.constant dense<0.000000e+00> : vector<1x32xf32>
    %dot_general3A_24 = tpu.matmul %mul3A_23, %mul3A_19, %dot_general3A {dimension_numbers = #tpu.dot_dimension_numbers<[1], [1], [0], [0], [0, 0, 1, 0], [], []>, transpose_lhs_hint = false} : vector<1x8xf32>, vector<32x8xf32>, vector<1x32xf32> -> vector<1x32xf32>
    %sub3A_25 = arith.subf %get3A_22, %dot_general3A_24 : vector<1x32xf32>
    %broadcast_in_dim3A = arith.constant 0.000000e+00 : f32
    %broadcast_in_dim3A_26 = vector.broadcast %broadcast_in_dim3A : f32 to vector<512x32xf32>
    %get3A_27 = arith.constant 0 : index
    %get3A_28 = arith.constant 0 : index
    %get3A_29 = arith.constant 0 : index
    %get3A_30 = vector.load %arg1[%get3A_27, %get3A_28, %get3A_29] : memref<512x10x64xf32, #tpu.memory_space<vmem>>, vector<512x1x64xf32>
    %get3A_31 = vector.shape_cast %get3A_30 : vector<512x1x64xf32> to vector<512x64xf32>
    %get3A_32 = arith.constant 0 : index
    %get3A_33 = arith.constant 0 : index
    %get3A_34 = arith.constant 0 : index
    %get3A_35 = vector.load %arg2[%get3A_32, %get3A_33, %get3A_34] : memref<512x10x8xf32, #tpu.memory_space<vmem>>, vector<512x1x8xf32>
    %get3A_36 = vector.shape_cast %get3A_35 : vector<512x1x8xf32> to vector<512x8xf32>
    %dot_general3A_37 = arith.constant dense<0.000000e+00> : vector<512x32xf32>
    %dot_general3A_38 = tpu.matmul %get3A_31, %get3A_14, %dot_general3A_37 {dimension_numbers = #tpu.dot_dimension_numbers<[1], [1], [0], [0], [0, 0, 1, 0], [], []>, transpose_lhs_hint = false} : vector<512x64xf32>, vector<32x64xf32>, vector<512x32xf32> -> vector<512x32xf32>
    %dot_general3A_39 = arith.constant dense<0.000000e+00> : vector<512x32xf32>
    %dot_general3A_40 = tpu.matmul %get3A_36, %mul3A_19, %dot_general3A_39 {dimension_numbers = #tpu.dot_dimension_numbers<[1], [1], [0], [0], [0, 0, 1, 0], [], []>, transpose_lhs_hint = false} : vector<512x8xf32>, vector<32x8xf32>, vector<512x32xf32> -> vector<512x32xf32>
    %add3A_41 = arith.addf %dot_general3A_38, %dot_general3A_40 : vector<512x32xf32>
    %add3A_42 = vector.broadcast %sub3A_25 : vector<1x32xf32> to vector<512x32xf32>
    %add3A_43 = arith.addf %add3A_41, %add3A_42 : vector<512x32xf32>
    %max3A = arith.constant 0.000000e+00 : f32
    %max3A_44 = vector.broadcast %max3A : f32 to vector<512x32xf32>
    %max3A_45 = arith.maximumf %add3A_43, %max3A_44 : vector<512x32xf32>
    %add3A_46 = arith.addf %broadcast_in_dim3A_26, %max3A_45 : vector<512x32xf32>
    %get3A_47 = arith.constant 0 : index
    %get3A_48 = arith.constant 1 : index
    %get3A_49 = arith.constant 0 : index
    %get3A_50 = vector.load %arg1[%get3A_47, %get3A_48, %get3A_49] : memref<512x10x64xf32, #tpu.memory_space<vmem>>, vector<512x1x64xf32>
    %get3A_51 = vector.shape_cast %get3A_50 : vector<512x1x64xf32> to vector<512x64xf32>
    %get3A_52 = arith.constant 0 : index
    %get3A_53 = arith.constant 1 : index
    %get3A_54 = arith.constant 0 : index
    %get3A_55 = vector.load %arg2[%get3A_52, %get3A_53, %get3A_54] : memref<512x10x8xf32, #tpu.memory_space<vmem>>, vector<512x1x8xf32>
    %get3A_56 = vector.shape_cast %get3A_55 : vector<512x1x8xf32> to vector<512x8xf32>
    %dot_general3A_57 = arith.constant dense<0.000000e+00> : vector<512x32xf32>
    %dot_general3A_58 = tpu.matmul %get3A_51, %get3A_14, %dot_general3A_57 {dimension_numbers = #tpu.dot_dimension_numbers<[1], [1], [0], [0], [0, 0, 1, 0], [], []>, transpose_lhs_hint = false} : vector<512x64xf32>, vector<32x64xf32>, vector<512x32xf32> -> vector<512x32xf32>
    %dot_general3A_59 = arith.constant dense<0.000000e+00> : vector<512x32xf32>
    %dot_general3A_60 = tpu.matmul %get3A_56, %mul3A_19, %dot_general3A_59 {dimension_numbers = #tpu.dot_dimension_numbers<[1], [1], [0], [0], [0, 0, 1, 0], [], []>, transpose_lhs_hint = false} : vector<512x8xf32>, vector<32x8xf32>, vector<512x32xf32> -> vector<512x32xf32>
    %add3A_61 = arith.addf %dot_general3A_58, %dot_general3A_60 : vector<512x32xf32>
    %add3A_62 = vector.broadcast %sub3A_25 : vector<1x32xf32> to vector<512x32xf32>
    %add3A_63 = arith.addf %add3A_61, %add3A_62 : vector<512x32xf32>
    %max3A_64 = arith.constant 0.000000e+00 : f32
    %max3A_65 = vector.broadcast %max3A_64 : f32 to vector<512x32xf32>
    %max3A_66 = arith.maximumf %add3A_63, %max3A_65 : vector<512x32xf32>
    %add3A_67 = arith.addf %add3A_46, %max3A_66 : vector<512x32xf32>
    %get3A_68 = arith.constant 0 : index
    %get3A_69 = arith.constant 2 : index
    %get3A_70 = arith.constant 0 : index
    %get3A_71 = vector.load %arg1[%get3A_68, %get3A_69, %get3A_70] : memref<512x10x64xf32, #tpu.memory_space<vmem>>, vector<512x1x64xf32>
    %get3A_72 = vector.shape_cast %get3A_71 : vector<512x1x64xf32> to vector<512x64xf32>
    %get3A_73 = arith.constant 0 : index
    %get3A_74 = arith.constant 2 : index
    %get3A_75 = arith.constant 0 : index
    %get3A_76 = vector.load %arg2[%get3A_73, %get3A_74, %get3A_75] : memref<512x10x8xf32, #tpu.memory_space<vmem>>, vector<512x1x8xf32>
    %get3A_77 = vector.shape_cast %get3A_76 : vector<512x1x8xf32> to vector<512x8xf32>
    %dot_general3A_78 = arith.constant dense<0.000000e+00> : vector<512x32xf32>
    %dot_general3A_79 = tpu.matmul %get3A_72, %get3A_14, %dot_general3A_78 {dimension_numbers = #tpu.dot_dimension_numbers<[1], [1], [0], [0], [0, 0, 1, 0], [], []>, transpose_lhs_hint = false} : vector<512x64xf32>, vector<32x64xf32>, vector<512x32xf32> -> vector<512x32xf32>
    %dot_general3A_80 = arith.constant dense<0.000000e+00> : vector<512x32xf32>
    %dot_general3A_81 = tpu.matmul %get3A_77, %mul3A_19, %dot_general3A_80 {dimension_numbers = #tpu.dot_dimension_numbers<[1], [1], [0], [0], [0, 0, 1, 0], [], []>, transpose_lhs_hint = false} : vector<512x8xf32>, vector<32x8xf32>, vector<512x32xf32> -> vector<512x32xf32>
    %add3A_82 = arith.addf %dot_general3A_79, %dot_general3A_81 : vector<512x32xf32>
    %add3A_83 = vector.broadcast %sub3A_25 : vector<1x32xf32> to vector<512x32xf32>
    %add3A_84 = arith.addf %add3A_82, %add3A_83 : vector<512x32xf32>
    %max3A_85 = arith.constant 0.000000e+00 : f32
    %max3A_86 = vector.broadcast %max3A_85 : f32 to vector<512x32xf32>
    %max3A_87 = arith.maximumf %add3A_84, %max3A_86 : vector<512x32xf32>
    %add3A_88 = arith.addf %add3A_67, %max3A_87 : vector<512x32xf32>
    %get3A_89 = arith.constant 0 : index
    %get3A_90 = arith.constant 3 : index
    %get3A_91 = arith.constant 0 : index
    %get3A_92 = vector.load %arg1[%get3A_89, %get3A_90, %get3A_91] : memref<512x10x64xf32, #tpu.memory_space<vmem>>, vector<512x1x64xf32>
    %get3A_93 = vector.shape_cast %get3A_92 : vector<512x1x64xf32> to vector<512x64xf32>
    %get3A_94 = arith.constant 0 : index
    %get3A_95 = arith.constant 3 : index
    %get3A_96 = arith.constant 0 : index
    %get3A_97 = vector.load %arg2[%get3A_94, %get3A_95, %get3A_96] : memref<512x10x8xf32, #tpu.memory_space<vmem>>, vector<512x1x8xf32>
    %get3A_98 = vector.shape_cast %get3A_97 : vector<512x1x8xf32> to vector<512x8xf32>
    %dot_general3A_99 = arith.constant dense<0.000000e+00> : vector<512x32xf32>
    %dot_general3A_100 = tpu.matmul %get3A_93, %get3A_14, %dot_general3A_99 {dimension_numbers = #tpu.dot_dimension_numbers<[1], [1], [0], [0], [0, 0, 1, 0], [], []>, transpose_lhs_hint = false} : vector<512x64xf32>, vector<32x64xf32>, vector<512x32xf32> -> vector<512x32xf32>
    %dot_general3A_101 = arith.constant dense<0.000000e+00> : vector<512x32xf32>
    %dot_general3A_102 = tpu.matmul %get3A_98, %mul3A_19, %dot_general3A_101 {dimension_numbers = #tpu.dot_dimension_numbers<[1], [1], [0], [0], [0, 0, 1, 0], [], []>, transpose_lhs_hint = false} : vector<512x8xf32>, vector<32x8xf32>, vector<512x32xf32> -> vector<512x32xf32>
    %add3A_103 = arith.addf %dot_general3A_100, %dot_general3A_102 : vector<512x32xf32>
    %add3A_104 = vector.broadcast %sub3A_25 : vector<1x32xf32> to vector<512x32xf32>
    %add3A_105 = arith.addf %add3A_103, %add3A_104 : vector<512x32xf32>
    %max3A_106 = arith.constant 0.000000e+00 : f32
    %max3A_107 = vector.broadcast %max3A_106 : f32 to vector<512x32xf32>
    %max3A_108 = arith.maximumf %add3A_105, %max3A_107 : vector<512x32xf32>
    %add3A_109 = arith.addf %add3A_88, %max3A_108 : vector<512x32xf32>
    %get3A_110 = arith.constant 0 : index
    %get3A_111 = arith.constant 4 : index
    %get3A_112 = arith.constant 0 : index
    %get3A_113 = vector.load %arg1[%get3A_110, %get3A_111, %get3A_112] : memref<512x10x64xf32, #tpu.memory_space<vmem>>, vector<512x1x64xf32>
    %get3A_114 = vector.shape_cast %get3A_113 : vector<512x1x64xf32> to vector<512x64xf32>
    %get3A_115 = arith.constant 0 : index
    %get3A_116 = arith.constant 4 : index
    %get3A_117 = arith.constant 0 : index
    %get3A_118 = vector.load %arg2[%get3A_115, %get3A_116, %get3A_117] : memref<512x10x8xf32, #tpu.memory_space<vmem>>, vector<512x1x8xf32>
    %get3A_119 = vector.shape_cast %get3A_118 : vector<512x1x8xf32> to vector<512x8xf32>
    %dot_general3A_120 = arith.constant dense<0.000000e+00> : vector<512x32xf32>
    %dot_general3A_121 = tpu.matmul %get3A_114, %get3A_14, %dot_general3A_120 {dimension_numbers = #tpu.dot_dimension_numbers<[1], [1], [0], [0], [0, 0, 1, 0], [], []>, transpose_lhs_hint = false} : vector<512x64xf32>, vector<32x64xf32>, vector<512x32xf32> -> vector<512x32xf32>
    %dot_general3A_122 = arith.constant dense<0.000000e+00> : vector<512x32xf32>
    %dot_general3A_123 = tpu.matmul %get3A_119, %mul3A_19, %dot_general3A_122 {dimension_numbers = #tpu.dot_dimension_numbers<[1], [1], [0], [0], [0, 0, 1, 0], [], []>, transpose_lhs_hint = false} : vector<512x8xf32>, vector<32x8xf32>, vector<512x32xf32> -> vector<512x32xf32>
    %add3A_124 = arith.addf %dot_general3A_121, %dot_general3A_123 : vector<512x32xf32>
    %add3A_125 = vector.broadcast %sub3A_25 : vector<1x32xf32> to vector<512x32xf32>
    %add3A_126 = arith.addf %add3A_124, %add3A_125 : vector<512x32xf32>
    %max3A_127 = arith.constant 0.000000e+00 : f32
    %max3A_128 = vector.broadcast %max3A_127 : f32 to vector<512x32xf32>
    %max3A_129 = arith.maximumf %add3A_126, %max3A_128 : vector<512x32xf32>
    %add3A_130 = arith.addf %add3A_109, %max3A_129 : vector<512x32xf32>
    %get3A_131 = arith.constant 0 : index
    %get3A_132 = arith.constant 5 : index
    %get3A_133 = arith.constant 0 : index
    %get3A_134 = vector.load %arg1[%get3A_131, %get3A_132, %get3A_133] : memref<512x10x64xf32, #tpu.memory_space<vmem>>, vector<512x1x64xf32>
    %get3A_135 = vector.shape_cast %get3A_134 : vector<512x1x64xf32> to vector<512x64xf32>
    %get3A_136 = arith.constant 0 : index
    %get3A_137 = arith.constant 5 : index
    %get3A_138 = arith.constant 0 : index
    %get3A_139 = vector.load %arg2[%get3A_136, %get3A_137, %get3A_138] : memref<512x10x8xf32, #tpu.memory_space<vmem>>, vector<512x1x8xf32>
    %get3A_140 = vector.shape_cast %get3A_139 : vector<512x1x8xf32> to vector<512x8xf32>
    %dot_general3A_141 = arith.constant dense<0.000000e+00> : vector<512x32xf32>
    %dot_general3A_142 = tpu.matmul %get3A_135, %get3A_14, %dot_general3A_141 {dimension_numbers = #tpu.dot_dimension_numbers<[1], [1], [0], [0], [0, 0, 1, 0], [], []>, transpose_lhs_hint = false} : vector<512x64xf32>, vector<32x64xf32>, vector<512x32xf32> -> vector<512x32xf32>
    %dot_general3A_143 = arith.constant dense<0.000000e+00> : vector<512x32xf32>
    %dot_general3A_144 = tpu.matmul %get3A_140, %mul3A_19, %dot_general3A_143 {dimension_numbers = #tpu.dot_dimension_numbers<[1], [1], [0], [0], [0, 0, 1, 0], [], []>, transpose_lhs_hint = false} : vector<512x8xf32>, vector<32x8xf32>, vector<512x32xf32> -> vector<512x32xf32>
    %add3A_145 = arith.addf %dot_general3A_142, %dot_general3A_144 : vector<512x32xf32>
    %add3A_146 = vector.broadcast %sub3A_25 : vector<1x32xf32> to vector<512x32xf32>
    %add3A_147 = arith.addf %add3A_145, %add3A_146 : vector<512x32xf32>
    %max3A_148 = arith.constant 0.000000e+00 : f32
    %max3A_149 = vector.broadcast %max3A_148 : f32 to vector<512x32xf32>
    %max3A_150 = arith.maximumf %add3A_147, %max3A_149 : vector<512x32xf32>
    %add3A_151 = arith.addf %add3A_130, %max3A_150 : vector<512x32xf32>
    %get3A_152 = arith.constant 0 : index
    %get3A_153 = arith.constant 6 : index
    %get3A_154 = arith.constant 0 : index
    %get3A_155 = vector.load %arg1[%get3A_152, %get3A_153, %get3A_154] : memref<512x10x64xf32, #tpu.memory_space<vmem>>, vector<512x1x64xf32>
    %get3A_156 = vector.shape_cast %get3A_155 : vector<512x1x64xf32> to vector<512x64xf32>
    %get3A_157 = arith.constant 0 : index
    %get3A_158 = arith.constant 6 : index
    %get3A_159 = arith.constant 0 : index
    %get3A_160 = vector.load %arg2[%get3A_157, %get3A_158, %get3A_159] : memref<512x10x8xf32, #tpu.memory_space<vmem>>, vector<512x1x8xf32>
    %get3A_161 = vector.shape_cast %get3A_160 : vector<512x1x8xf32> to vector<512x8xf32>
    %dot_general3A_162 = arith.constant dense<0.000000e+00> : vector<512x32xf32>
    %dot_general3A_163 = tpu.matmul %get3A_156, %get3A_14, %dot_general3A_162 {dimension_numbers = #tpu.dot_dimension_numbers<[1], [1], [0], [0], [0, 0, 1, 0], [], []>, transpose_lhs_hint = false} : vector<512x64xf32>, vector<32x64xf32>, vector<512x32xf32> -> vector<512x32xf32>
    %dot_general3A_164 = arith.constant dense<0.000000e+00> : vector<512x32xf32>
    %dot_general3A_165 = tpu.matmul %get3A_161, %mul3A_19, %dot_general3A_164 {dimension_numbers = #tpu.dot_dimension_numbers<[1], [1], [0], [0], [0, 0, 1, 0], [], []>, transpose_lhs_hint = false} : vector<512x8xf32>, vector<32x8xf32>, vector<512x32xf32> -> vector<512x32xf32>
    %add3A_166 = arith.addf %dot_general3A_163, %dot_general3A_165 : vector<512x32xf32>
    %add3A_167 = vector.broadcast %sub3A_25 : vector<1x32xf32> to vector<512x32xf32>
    %add3A_168 = arith.addf %add3A_166, %add3A_167 : vector<512x32xf32>
    %max3A_169 = arith.constant 0.000000e+00 : f32
    %max3A_170 = vector.broadcast %max3A_169 : f32 to vector<512x32xf32>
    %max3A_171 = arith.maximumf %add3A_168, %max3A_170 : vector<512x32xf32>
    %add3A_172 = arith.addf %add3A_151, %max3A_171 : vector<512x32xf32>
    %get3A_173 = arith.constant 0 : index
    %get3A_174 = arith.constant 7 : index
    %get3A_175 = arith.constant 0 : index
    %get3A_176 = vector.load %arg1[%get3A_173, %get3A_174, %get3A_175] : memref<512x10x64xf32, #tpu.memory_space<vmem>>, vector<512x1x64xf32>
    %get3A_177 = vector.shape_cast %get3A_176 : vector<512x1x64xf32> to vector<512x64xf32>
    %get3A_178 = arith.constant 0 : index
    %get3A_179 = arith.constant 7 : index
    %get3A_180 = arith.constant 0 : index
    %get3A_181 = vector.load %arg2[%get3A_178, %get3A_179, %get3A_180] : memref<512x10x8xf32, #tpu.memory_space<vmem>>, vector<512x1x8xf32>
    %get3A_182 = vector.shape_cast %get3A_181 : vector<512x1x8xf32> to vector<512x8xf32>
    %dot_general3A_183 = arith.constant dense<0.000000e+00> : vector<512x32xf32>
    %dot_general3A_184 = tpu.matmul %get3A_177, %get3A_14, %dot_general3A_183 {dimension_numbers = #tpu.dot_dimension_numbers<[1], [1], [0], [0], [0, 0, 1, 0], [], []>, transpose_lhs_hint = false} : vector<512x64xf32>, vector<32x64xf32>, vector<512x32xf32> -> vector<512x32xf32>
    %dot_general3A_185 = arith.constant dense<0.000000e+00> : vector<512x32xf32>
    %dot_general3A_186 = tpu.matmul %get3A_182, %mul3A_19, %dot_general3A_185 {dimension_numbers = #tpu.dot_dimension_numbers<[1], [1], [0], [0], [0, 0, 1, 0], [], []>, transpose_lhs_hint = false} : vector<512x8xf32>, vector<32x8xf32>, vector<512x32xf32> -> vector<512x32xf32>
    %add3A_187 = arith.addf %dot_general3A_184, %dot_general3A_186 : vector<512x32xf32>
    %add3A_188 = vector.broadcast %sub3A_25 : vector<1x32xf32> to vector<512x32xf32>
    %add3A_189 = arith.addf %add3A_187, %add3A_188 : vector<512x32xf32>
    %max3A_190 = arith.constant 0.000000e+00 : f32
    %max3A_191 = vector.broadcast %max3A_190 : f32 to vector<512x32xf32>
    %max3A_192 = arith.maximumf %add3A_189, %max3A_191 : vector<512x32xf32>
    %add3A_193 = arith.addf %add3A_172, %max3A_192 : vector<512x32xf32>
    %get3A_194 = arith.constant 0 : index
    %get3A_195 = arith.constant 8 : index
    %get3A_196 = arith.constant 0 : index
    %get3A_197 = vector.load %arg1[%get3A_194, %get3A_195, %get3A_196] : memref<512x10x64xf32, #tpu.memory_space<vmem>>, vector<512x1x64xf32>
    %get3A_198 = vector.shape_cast %get3A_197 : vector<512x1x64xf32> to vector<512x64xf32>
    %get3A_199 = arith.constant 0 : index
    %get3A_200 = arith.constant 8 : index
    %get3A_201 = arith.constant 0 : index
    %get3A_202 = vector.load %arg2[%get3A_199, %get3A_200, %get3A_201] : memref<512x10x8xf32, #tpu.memory_space<vmem>>, vector<512x1x8xf32>
    %get3A_203 = vector.shape_cast %get3A_202 : vector<512x1x8xf32> to vector<512x8xf32>
    %dot_general3A_204 = arith.constant dense<0.000000e+00> : vector<512x32xf32>
    %dot_general3A_205 = tpu.matmul %get3A_198, %get3A_14, %dot_general3A_204 {dimension_numbers = #tpu.dot_dimension_numbers<[1], [1], [0], [0], [0, 0, 1, 0], [], []>, transpose_lhs_hint = false} : vector<512x64xf32>, vector<32x64xf32>, vector<512x32xf32> -> vector<512x32xf32>
    %dot_general3A_206 = arith.constant dense<0.000000e+00> : vector<512x32xf32>
    %dot_general3A_207 = tpu.matmul %get3A_203, %mul3A_19, %dot_general3A_206 {dimension_numbers = #tpu.dot_dimension_numbers<[1], [1], [0], [0], [0, 0, 1, 0], [], []>, transpose_lhs_hint = false} : vector<512x8xf32>, vector<32x8xf32>, vector<512x32xf32> -> vector<512x32xf32>
    %add3A_208 = arith.addf %dot_general3A_205, %dot_general3A_207 : vector<512x32xf32>
    %add3A_209 = vector.broadcast %sub3A_25 : vector<1x32xf32> to vector<512x32xf32>
    %add3A_210 = arith.addf %add3A_208, %add3A_209 : vector<512x32xf32>
    %max3A_211 = arith.constant 0.000000e+00 : f32
    %max3A_212 = vector.broadcast %max3A_211 : f32 to vector<512x32xf32>
    %max3A_213 = arith.maximumf %add3A_210, %max3A_212 : vector<512x32xf32>
    %add3A_214 = arith.addf %add3A_193, %max3A_213 : vector<512x32xf32>
    %get3A_215 = arith.constant 0 : index
    %get3A_216 = arith.constant 9 : index
    %get3A_217 = arith.constant 0 : index
    %get3A_218 = vector.load %arg1[%get3A_215, %get3A_216, %get3A_217] : memref<512x10x64xf32, #tpu.memory_space<vmem>>, vector<512x1x64xf32>
    %get3A_219 = vector.shape_cast %get3A_218 : vector<512x1x64xf32> to vector<512x64xf32>
    %get3A_220 = arith.constant 0 : index
    %get3A_221 = arith.constant 9 : index
    %get3A_222 = arith.constant 0 : index
    %get3A_223 = vector.load %arg2[%get3A_220, %get3A_221, %get3A_222] : memref<512x10x8xf32, #tpu.memory_space<vmem>>, vector<512x1x8xf32>
    %get3A_224 = vector.shape_cast %get3A_223 : vector<512x1x8xf32> to vector<512x8xf32>
    %dot_general3A_225 = arith.constant dense<0.000000e+00> : vector<512x32xf32>
    %dot_general3A_226 = tpu.matmul %get3A_219, %get3A_14, %dot_general3A_225 {dimension_numbers = #tpu.dot_dimension_numbers<[1], [1], [0], [0], [0, 0, 1, 0], [], []>, transpose_lhs_hint = false} : vector<512x64xf32>, vector<32x64xf32>, vector<512x32xf32> -> vector<512x32xf32>
    %dot_general3A_227 = arith.constant dense<0.000000e+00> : vector<512x32xf32>
    %dot_general3A_228 = tpu.matmul %get3A_224, %mul3A_19, %dot_general3A_227 {dimension_numbers = #tpu.dot_dimension_numbers<[1], [1], [0], [0], [0, 0, 1, 0], [], []>, transpose_lhs_hint = false} : vector<512x8xf32>, vector<32x8xf32>, vector<512x32xf32> -> vector<512x32xf32>
    %add3A_229 = arith.addf %dot_general3A_226, %dot_general3A_228 : vector<512x32xf32>
    %add3A_230 = vector.broadcast %sub3A_25 : vector<1x32xf32> to vector<512x32xf32>
    %add3A_231 = arith.addf %add3A_229, %add3A_230 : vector<512x32xf32>
    %max3A_232 = arith.constant 0.000000e+00 : f32
    %max3A_233 = vector.broadcast %max3A_232 : f32 to vector<512x32xf32>
    %max3A_234 = arith.maximumf %add3A_231, %max3A_233 : vector<512x32xf32>
    %add3A_235 = arith.addf %add3A_214, %max3A_234 : vector<512x32xf32>
    %mul3A_236 = arith.constant 1.000000e-01 : f32
    %mul3A_237 = vector.broadcast %mul3A_236 : f32 to vector<512x32xf32>
    %mul3A_238 = arith.mulf %add3A_235, %mul3A_237 : vector<512x32xf32>
    %swap3A = arith.constant 0 : index
    %swap3A_239 = arith.constant 0 : index
    %swap3A_240 = vector.load %arg8[%swap3A, %swap3A_239] : memref<512x32xf32, #tpu.memory_space<vmem>>, vector<512x32xf32>
    tpu.vector_store %arg8[%swap3A, %swap3A_239], %mul3A_238 {strides = array<i32>} : memref<512x32xf32, #tpu.memory_space<vmem>>, vector<512x32xf32>,
    %get3A_241 = arith.constant 0 : index
    %get3A_242 = arith.constant 0 : index
    %get3A_243 = vector.load %arg5[%get3A_241, %get3A_242] : memref<8x13xf32, #tpu.memory_space<vmem>>, vector<1x13xf32>
    %div3A_244 = arith.constant 1.638400e+04 : f32
    %div3A_245 = vector.broadcast %div3A_244 : f32 to vector<1x13xf32>
    %div3A_246 = arith.divf %get3A_243, %div3A_245 : vector<1x13xf32>
    %get3A_247 = arith.constant 1 : index
    %get3A_248 = arith.constant 0 : index
    %get3A_249 = vector.load %arg5[%get3A_247, %get3A_248] : memref<8x13xf32, #tpu.memory_space<vmem>>, vector<1x13xf32>
    %div3A_250 = arith.constant 1.638400e+04 : f32
    %div3A_251 = vector.broadcast %div3A_250 : f32 to vector<1x13xf32>
    %div3A_252 = arith.divf %get3A_249, %div3A_251 : vector<1x13xf32>
    %mul3A_253 = arith.mulf %div3A_246, %div3A_246 : vector<1x13xf32>
    %sub3A_254 = arith.subf %div3A_252, %mul3A_253 : vector<1x13xf32>
    %get3A_255 = arith.constant 0 : index
    %get3A_256 = arith.constant 0 : index
    %get3A_257 = vector.load %arg3[%get3A_255, %get3A_256] : memref<512x13xf32, #tpu.memory_space<vmem>>, vector<512x13xf32>
    %sub3A_258 = vector.broadcast %div3A_246 : vector<1x13xf32> to vector<512x13xf32>
    %sub3A_259 = arith.subf %get3A_257, %sub3A_258 : vector<512x13xf32>
    %add3A_260 = arith.constant 9.99999974E-6 : f32
    %add3A_261 = vector.broadcast %add3A_260 : f32 to vector<1x13xf32>
    %add3A_262 = arith.addf %sub3A_254, %add3A_261 : vector<1x13xf32>
    %rsqrt3A_263 = math.rsqrt %add3A_262 : vector<1x13xf32>
    %mul3A_264 = vector.broadcast %rsqrt3A_263 : vector<1x13xf32> to vector<512x13xf32>
    %mul3A_265 = arith.mulf %sub3A_259, %mul3A_264 : vector<512x13xf32>
    %swap3A_266 = arith.constant 0 : index
    %swap3A_267 = arith.constant 0 : index
    %swap3A_268 = vector.load %arg9[%swap3A_266, %swap3A_267] : memref<512x13xf32, #tpu.memory_space<vmem>>, vector<512x13xf32>
    tpu.vector_store %arg9[%swap3A_266, %swap3A_267], %mul3A_265 {strides = array<i32>} : memref<512x13xf32, #tpu.memory_space<vmem>>, vector<512x13xf32>,
    return
  }
  func.func @transform_0(%arg0: i32) -> (i32, i32, i32) {
    %c0_i32 = arith.constant 0 : i32
    %c0_i32_0 = arith.constant 0 : i32
    %c0_i32_1 = arith.constant 0 : i32
    return %arg0, %c0_i32, %c0_i32_0 : i32, i32, i32
  }
  func.func @transform_1(%arg0: i32) -> (i32, i32, i32) {
    %c0_i32 = arith.constant 0 : i32
    %c0_i32_0 = arith.constant 0 : i32
    %c0_i32_1 = arith.constant 0 : i32
    return %arg0, %c0_i32, %c0_i32_0 : i32, i32, i32
  }
  func.func @transform_2(%arg0: i32) -> (i32, i32) {
    %c0_i32 = arith.constant 0 : i32
    %c0_i32_0 = arith.constant 0 : i32
    return %arg0, %c0_i32 : i32, i32
  }
  func.func @transform_3(%arg0: i32) -> (i32, i32) {
    %c0_i32 = arith.constant 0 : i32
    %c0_i32_0 = arith.constant 0 : i32
    %c0_i32_1 = arith.constant 0 : i32
    return %c0_i32, %c0_i32_0 : i32, i32
  }
  func.func @transform_4(%arg0: i32) -> (i32, i32) {
    %c0_i32 = arith.constant 0 : i32
    %c0_i32_0 = arith.constant 0 : i32
    %c0_i32_1 = arith.constant 0 : i32
    return %c0_i32, %c0_i32_0 : i32, i32
  }
  func.func @transform_5(%arg0: i32) -> (i32, i32) {
    %c0_i32 = arith.constant 0 : i32
    %c0_i32_0 = arith.constant 0 : i32
    %c0_i32_1 = arith.constant 0 : i32
    return %c0_i32, %c0_i32_0 : i32, i32
  }
  func.func @transform_6(%arg0: i32) -> (i32, i32) {
    %c0_i32 = arith.constant 0 : i32
    %c0_i32_0 = arith.constant 0 : i32
    %c0_i32_1 = arith.constant 0 : i32
    return %c0_i32, %c0_i32_0 : i32, i32
  }
  func.func @transform_7(%arg0: i32) -> (i32, i32) {
    %c0_i32 = arith.constant 0 : i32
    %c0_i32_0 = arith.constant 0 : i32
    return %arg0, %c0_i32 : i32, i32
  }
  func.func @transform_8(%arg0: i32) -> (i32, i32) {
    %c0_i32 = arith.constant 0 : i32
    %c0_i32_0 = arith.constant 0 : i32
    return %arg0, %c0_i32 : i32, i32
  }
}

</mosaic_0001>

<sc_bundles>
// kernel: gather_offload_async_start.1
scs
__scs_entry_jumppad:
0x0: {  	(pc) =	sbr.rel $0x88, $3  }
0x1: {  	(tag) =	ssettag $0x0;
	lr =	simm.s32 $0x1  }
0x2: {  	[smem:$0x3F97] =	sst lr;
	_ =	strace $0xD0000000  }
0x3: {  	_ = 	snop  }
0x4: {  	_ = 	snop  }
0x5: {  	_ = 	snop  }
0x6: {  	_ = 	snop  }
0x7: {  	_ = 	snop  }
__scs_overlays_trampoline_lowered:
0x8: {  	[smem:$0x3FA6] =	sst s0  }
0x9: {  	[smem:$0x3FA7] =	sst s1  }
0xa: {  	[smem:$0x3FA8] =	sst s2  }
0xb: {  	[smem:$0x3FA9] =	sst s3  }
0xc: {  	[smem:$0x3FAA] =	sst s4  }
0xd: {  	[smem:$0x3FAB] =	sst s5  }
0xe: {  	[smem:$0x3FAC] =	sst s6  }
0xf: {  	[smem:$0x3FAD] =	sst s7  }
0x10: {  	[smem:$0x3FAE] =	sst s8  }
0x11: {  	[smem:$0x3FAF] =	sst s9;
	s0 =	simm.s32 @!p0 $0x0  }
0x12: {  	s1 =	sld [smem:$0x3F95];
	s0 =	simm.s32 @p0 $0x1  }
0x13: {  	[smem:$0x3FB0] =	sst s0;
	s0 =	simm.s32 @!p1 $0x0  }
0x14: {  	s2 =	sld [smem:$0x3F94];
	s0 =	simm.s32 @p1 $0x1  }
0x15: {  	[smem:$0x3FB1] =	sst s0;
	s0 =	simm.s32 @!p2 $0x0  }
0x16: {  	s3 =	sld [smem:$0x3FDB];
	s0 =	simm.s32 @p2 $0x1  }
0x17: {  	s4 =	simm.s32 $0x1BF5;
	[smem:$0x3FB3] =	sst s0  }
0x18: {  	s0 =	sld [smem:$0x3F96];
	_ =	swait.ge [sflag:s4], $0x0  }
0x19: {  	s7 =	sld [smem:$0x3F97]  }
0x1a: {  	s8 =	sadd.s32 $0xFFFFE003, lr  }
0x1b: {  	s9 =	sadd.s32 $0xFFFFFEF7, lr;
	s5 =	simm.s32 $0xFFFFFFFF;
	p2 =	slt.u32 s8, $0xFFFFF086  }
0x1c: {  	p1 =	slt.u32 s9, $0xF7A;
	s5 =	simm.s32 @!p2 $0x0  }
0x1d: {  	s5 =	simm.s32 @p1 $0x1;
	p0 =	seq.s32 s7, s2  }
0x1e: {  	s7 =	smul.u32 @!p0 $0xF7A, s2;
	p2 =	seq.s32 @!p0 s5, $0x0  }
0x1f: {  	s9 =	smul.u32 $0xF7A, s1;
	s8 =	simm.s32 @!p0 $0x1BF5;
	p2 =	por !p2, p0  }
0x20: {  	[sflag:s8] =	ssyncset.s32 @!p0 $0xFFFFF086;
	s6 =	sadd.s32 @!p0 s3, s7;
	s7 =	simm.s32 @!p0 $0x108  }
0x21: {  	s3 =	sadd.s32 s3, s9;
	s6 =	sadd.s32 @!p0 $0x88, s6;
	s7 =	simm.s32 @p2 $0x1082  }
0x22: {  	[simem:s7], [sflag:s8] =	dma.local @!p0 [hbm:s6], $0xF7A  }
0x23: {  	s9 =	sor.u32 $0xD0000000, s2;
	s6 =	simm.s32 $0x108;
	_ =	swait.ge @!p0 [sflag:s8], $0x0  }
0x24: {  	s3 =	sadd.s32 $0x88, s3;
	s6 =	simm.s32 @!p1 $0x1082;
	[sflag:s4] =	ssyncset.s32 $0xFFFFF086  }
0x25: {  	[simem:s6], [sflag:s4] =	dma.local [hbm:s3], $0xF7A  }
0x26: {  	[smem:$0x3F97] =	sst s1;
	(tag) =	ssettag s2;
	_ =	strace s9  }
0x27: {  	s1 =	sld [smem:$0x3FA7]  }
0x28: {  	s2 =	sld [smem:$0x3FA8]  }
0x29: {  	s4 =	sld [smem:$0x3FAA]  }
0x2a: {  	p0 =	seq.s32 s5, $0x0;
	s5 =	sld [smem:$0x3FAB]  }
0x2b: {  	s6 =	sld [smem:$0x3FAC]  }
0x2c: {  	s7 =	sld [smem:$0x3FAD]  }
0x2d: {  	s3 =	simm.s32 $0x108;
	s8 =	sld [smem:$0x3FAE]  }
0x2e: {  	s3 =	simm.s32 @!p0 $0x1082;
	s9 =	sld [smem:$0x3FAF]  }
0x2f: {  	lr =	sadd.s32 s0, s3;
	s0 =	sld [smem:$0x3FA6]  }
0x30: {  	s3 =	sld [smem:$0x3FA9]  }
0x31: {  	[smem:$0x3FB2] =	sst s10  }
0x32: {  	s10 =	sld [smem:$0x3FB0];
	_ =	sdelay $0x3  }
0x33: {  	p0 =	seq.s32 s10, $0x1;
	s10 =	sld [smem:$0x3FB2];
	_ =	sdelay $0x3  }
0x34: {  	[smem:$0x3FB2] =	sst s10  }
0x35: {  	s10 =	sld [smem:$0x3FB1];
	_ =	sdelay $0x3  }
0x36: {  	p1 =	seq.s32 s10, $0x1;
	s10 =	sld [smem:$0x3FB2];
	_ =	sdelay $0x3  }
0x37: {  	[smem:$0x3FB2] =	sst s10  }
0x38: {  	s10 =	sld [smem:$0x3FB3]  }
0x39: {  	_ = 	snop;
	(pc) =	sbr.ind lr, $3  }
0x3a: {  	_ = 	snop  }
0x3b: {  	_ = 	snop  }
0x3c: {  	p2 =	seq.s32 s10, $0x1;
	s10 =	sld [smem:$0x3FB2]  }
0x3d: {  	_ =	shalt  }
0x3e: {  	_ =	shalt  }
0x3f: {  	_ =	shalt  }
0x40: {  	_ =	shalt  }
0x41: {  	_ =	shalt  }
0x42: {  	_ =	shalt  }
0x43: {  	_ =	shalt  }
0x44: {  	_ =	shalt  }
0x45: {  	_ =	shalt  }
0x46: {  	_ =	shalt  }
0x47: {  	_ =	shalt  }
0x48: {  	_ =	shalt  }
0x49: {  	_ =	shalt  }
0x4a: {  	_ =	shalt  }
0x4b: {  	_ =	shalt  }
0x4c: {  	_ =	shalt  }
0x4d: {  	_ =	shalt  }
0x4e: {  	_ =	shalt  }
0x4f: {  	_ =	shalt  }
0x50: {  	_ =	shalt  }
0x51: {  	_ =	shalt  }
0x52: {  	_ =	shalt  }
0x53: {  	_ =	shalt  }
0x54: {  	_ =	shalt  }
0x55: {  	_ =	shalt  }
0x56: {  	_ =	shalt  }
0x57: {  	_ =	shalt  }
0x58: {  	_ =	shalt  }
0x59: {  	_ =	shalt  }
0x5a: {  	_ =	shalt  }
0x5b: {  	_ =	shalt  }
0x5c: {  	_ =	shalt  }
0x5d: {  	_ =	shalt  }
0x5e: {  	_ =	shalt  }
0x5f: {  	_ =	shalt  }
0x60: {  	_ =	shalt  }
0x61: {  	_ =	shalt  }
0x62: {  	_ =	shalt  }
0x63: {  	_ =	shalt  }
0x64: {  	_ =	shalt  }
0x65: {  	_ =	shalt  }
0x66: {  	_ =	shalt  }
0x67: {  	_ =	shalt  }
0x68: {  	_ =	shalt  }
0x69: {  	_ =	shalt  }
0x6a: {  	_ =	shalt  }
0x6b: {  	_ =	shalt  }
0x6c: {  	_ =	shalt  }
0x6d: {  	_ =	shalt  }
0x6e: {  	_ =	shalt  }
0x6f: {  	_ =	shalt  }
0x70: {  	_ =	shalt  }
0x71: {  	_ =	shalt  }
0x72: {  	_ =	shalt  }
0x73: {  	_ =	shalt  }
0x74: {  	_ =	shalt  }
0x75: {  	_ =	shalt  }
0x76: {  	_ =	shalt  }
0x77: {  	_ =	shalt  }
0x78: {  	_ =	shalt  }
0x79: {  	_ =	shalt  }
0x7a: {  	_ =	shalt  }
0x7b: {  	_ =	shalt  }
0x7c: {  	_ =	shalt  }
0x7d: {  	_ =	shalt  }
0x7e: {  	_ =	shalt  }
0x7f: {  	_ =	shalt  }
0x80: {  	_ =	shalt  }
0x81: {  	_ =	shalt  }
0x82: {  	_ =	shalt  }
0x83: {  	_ =	shalt  }
0x84: {  	_ =	shalt  }
0x85: {  	_ =	shalt  }
0x86: {  	_ =	shalt  }
0x87: {  	_ =	shalt  }
.Lfunc_end0:
.L_simem_size_0:
called_computation.1_lowered:
.L_overlay_start_0:
0x88: {  	s2 =	sld [smem:$0x3FD9]  }
0x89: {  	s3 =	sld [smem:$0x3FFE];
	_ =	sdelay $0x1  }
0x8a: {  	s1 =	srdreg.scid  }
0x8b: {  	s0 =	sand.u32 $0x1, s1  }
0x8c: {  	s17 =	sshll.u32 s0, $0xA;
	s2 =	sadd.s32 s3, s2  }
0x8d: {  	s2 =	sadd.s32 s2, s17  }
0x8e: {  	[smem:$0x3FBE] =	sst s2  }
0x8f: {  	_ = 	snop  }
0x90: {  	s2 =	sld [smem:$0x3FD0];
	(tm) =	ssettm $0x1  }
0x91: {  	s18 =	sld [smem:$0x3FFB];
	_ =	sdelay $0x3  }
0x92: {  	_ =	strace s18  }
0x93: {  	s3 =	sld [smem:$0x3FFC];
	_ =	sdelay $0x3  }
0x94: {  	_ =	strace s3  }
0x95: {  	s3 =	sld [smem:$0x3FFD];
	_ =	sdelay $0x3  }
0x96: {  	_ =	strace s3  }
0x97: {  	_ =	strace $0x8FFFFFFF  }
0x98: {  	s19 =	sld [smem:$0x3FDB];
	_ =	sdelay $0x1  }
0x99: {  	s4 =	simm.s32 $_scs_section_size  }
0x9a: {  	s5 =	simm.s32 $_size__tile_overlayer_lowered;
	s6 =	simm.s32 $_tile_overlayer_lowered  }
0x9b: {  	s22 =	simm.s32 $0x1BFF;
	s21 =	sshll.u32 s6, $0x1;
	s3 =	sadd.s32 s4, s19  }
0x9c: {  	s7 =	simm.s32 $0x0;
	s20 =	sshll.u32 s5, $0x1;
	s5 =	sadd.s32 s21, s3  }
0x9d: {  	[timem:s7], [sflag:s22] =	dma.local [hbm:s5], s20  }
0x9e: {  	_ =	swait.ge [sflag:s22], s20  }
0x9f: {  	s4 =	ssub.s32 $0x0, s20;
	[sflag:s22] =	ssyncset.done $0x0  }
0xa0: {  	[sflag:s22] =	ssyncadd.s32 s4;
	_ =	sdelay $0x1  }
0xa1: {  	s23 =	simm.s32 $0x1B8B  }
0xa2: {  	_ =	swait.ge [sflag:s23], $0x1  }
0xa3: {  	[sflag:s23] =	ssyncset.done $0x0  }
0xa4: {  	s25 =	simm.s32 $0x1B8E;
	s24 =	sld [smem:$0x3FFE];
	[sflag:s23] =	ssyncadd.s32 $0xFFFFFFFF  }
0xa5: {  	s26 =	simm.s32 $execute0_lowered;
	[smem:$0x3FD2] =	sst s25  }
0xa6: {  	s5 =	sshll.u32 s26, $0x1;
	_ =	strace $0x80000046;
	[dreg:$0x1] =	wrdreg $0xFFFFFFFF  }
0xa7: {  	s28 =	simm.s32 $_size_execute0_lowered;
	s3 =	sadd.s32 s3, s5;
	[dreg:$0x0] =	wrdreg $0x0  }
0xa8: {  	s5 =	sshll.u32 s28, $0x1;
	[dreg:$0x2] =	wrdreg s3  }
0xa9: {  	[dreg:$0x3] =	wrdreg s5  }
0xaa: {  	[dreg:$0x4] =	wrdreg $0xC0  }
0xab: {  	_ =	task [dreg:s7], $0x5FFFF  }
0xac: {  	[dreg:$0x1] =	wrdreg $0xFFFFFFFF  }
0xad: {  	[dreg:$0x0] =	wrdreg $0x60  }
0xae: {  	[dreg:$0x2] =	wrdreg s24  }
0xaf: {  	[dreg:$0x3] =	wrdreg s2  }
0xb0: {  	[dreg:$0x4] =	wrdreg $0x9  }
0xb1: {  	_ =	task.clear_ibuf [dreg:s7], $0x5FFFF;
	_ =	strace $0x90000046  }
0xb2: {  	s29 =	simm.s32 $0x9;
	_ =	strace $0x80000048  }
0xb3: {  	_ =	swait.ge [sflag:s29], $0x1  }
0xb4: {  	[sflag:s29] =	ssyncadd.s32 $0xFFFFFFFF  }
0xb5: {  	_ =	strace $0x90000048  }
0xb6: {  	_ =	sfence  }
0xb7: {  	s30 =	sld [smem:$0x0];
	_ =	sdelay $0x2  }
0xb8: {  	s31 =	sshll.u32 s1, $0xD;
	s1 =	sshrl.u32 s1, $0x2  }
0xb9: {  	s3 =	sand.u32 $0x4000, s31;
	s1 =	sadd.s32 s1, s30  }
0xba: {  	s0 =	sor.u32 s3, s0;
	s1 =	sshll.u32 s1, $0x11  }
0xbb: {  	s0 =	sor.u32 s1, s0  }
0xbc: {  	s0 =	sadd.s32 $0x8F2B, s0  }
0xbd: {  	[sflag:s0] =	ssyncadd.remote.s32 $0x1  }
0xbe: {  	_ =	sfence.sel $0xFFFF  }
0xbf: {  	[dreg:$0x0] =	wrdreg $0xFFFFFFFF;
	(pc) =	sbr.abs _section_cstart, $3  }
0xc0: {  	[dreg:$0x1] =	wrdreg $0xFFFFFFFF  }
0xc1: {  	_ =	task.clear_ibuf [dreg:s7], $0x2FFFF;
	_ =	strace $0x9FFFFFFF  }
0xc2: {  	(tm) =	ssettm $0x7FFFFFFF  }
0xc3: {  	_ =	shalt  }
tec
execute0_lowered:
.L_overlay_start_1:
0x0: {  	(tag) =	ssettag $0x1  }
0x1: {  	s7 =	rddreg [dreg:$0x0]  }
0x2: {  	s2 =	rddreg [dreg:$0x1]  }
0x3: {  	s0 =	rddreg [dreg:$0x2]  }
0x4: {  	s1 =	srdreg.scid;
	_ =	strace $0x80000047;
	s4 =	simm.s32 $0x1  }
0x5: {  	s9 =	simm.s32 $0x3;
	s11 =	simm.s32 $0x0;
	s5 =	sshll.u32 s1, $0x4  }
.Ltmp0:
0x6: {  	s1 =	stileid.u32;
	s5 =	sand.u32 $0x10, s5;
	(pc) =	sbr.rel .LBB2_1-.Ltmp0, $4  }
0x7: {  	p0 =	por $0x0, $0x0;
	s3 =	sadd.s32 $0x18C200, s7;
	s6 =	sor.u32 s1, s5  }
0x8: {  	[sflag:s4] =	ssyncpa.u1 $0x0;
	s5 =	simm.s32 $0x2;
	s6 =	sshll.u32 s6, $0x9  }
0x9: {  	s7 =	sadd.s32 $0x4E00, s7;
	[sflag:s5] =	ssyncpa.u1 $0x0;
	s8 =	sadd.s32 $0x200, s6  }
0xa: {  	vm0 =	vmmov $0xff;
	vm1 =	vcmask $0x3F20;
	[sflag:s9] =	ssyncpa.u1 $0x0;
	s10 =	smov.u32 s6;
	s9 =	simm.s32 $0x0  }
.LBB2_7:
0xb: {  	p1 =	slt.u32 s9, $0x2;
	s11 =	sadd.s32 $0x100, s10  }
0xc: {  	s13 =	smov.u32 s6;
	s9 =	sadd.s32 $0x1, s9;
	p2 =	slt.s32 s11, s8  }
0xd: {  	s13 =	smov.u32 @p2 s11;
	p2 =	sne.s32 s9, $0x4  }
.Ltmp1:
0xe: {  	_ = 	snop;
	(pc) =	sbr.rel @!p2 .LBB2_8-.Ltmp1, $4  }
0xf: {  	s12 =	simm.s32 @!p1 $0x3  }
0x10: {  	_ =	swait.ge @!p1 [sflag:s12], $0x8000  }
0x11: {  	p0 =	por !p0, !p0;
	[sflag:s12] =	ssyncset.done @!p1 $0x0  }
0x12: {  	s11 =	smov.u32 s10;
	s10 =	smov.u32 s13;
	[sflag:s12] =	ssyncadd.s32 @!p1 $0xFFFF8000  }
.LBB2_1:
0x13: {  	p1 =	sgt.u32 s9, $0x1  }
0x14: {  	s12 =	sshll.u32 @!p1 s9, $0x8;
	s13 =	sshrl.u32 @!p1 s10, $0x3  }
0x15: {  	s14 =	sand.u32 @!p1 $0x7, s10;
	s12 =	sxor.u32 @!p1 $0x100, s12;
	s13 =	sadd.s32 @!p1 s7, s13  }
0x16: {  	[tilespmem:s12], [sflag:$0x2] =	stream.linear.gather @!p1 [hbm4b:s13+s14], $0x100, $0x38;
	[tilespmem:$0x10200] =	vst v63  }
0x17: {  	p1 =	seq.s32 s9, $0x0  }
0x18: {  	p2 =	seq.s32 @!p1 s9, $0x3  }
0x19: {  	p1 =	por p1, p2  }
.Ltmp2:
0x1a: {  	_ = 	snop;
	(pc) =	sbr.rel @p1 .LBB2_7-.Ltmp2, $1  }
0x1b: {  	_ =	sdelay $0x3  }
0x1c: {  	s12 =	simm.s32 $0x1  }
0x1d: {  	_ =	swait.ge [sflag:s5], $0x100;
	s12 =	simm.s32 @!p0 $0x0  }
0x1e: {  	[sflag:s5] =	ssyncset.done $0x0;
	s14 =	sshll.u32 s12, $0x8  }
0x1f: {  	[sflag:s5] =	ssyncadd.s32 $0xFFFFFF00;
	s13 =	sadd.s32 $0x0, s14  }
0x20: {  	v0 =	vld.msk [tilespmem:s13+$0x0 ss:$0x1], $0xffff;
	_ =	sdelay $0x4  }
0x21: {  	vm2 =	vgt.s32 v0, $0x0  }
0x22: {  	v0 =	vnsel vm2, $0x0, v0  }
0x23: {  	v0 =	vmin.u32 v0, $0x1869F  }
0x24: {  	v0 =	vshll.u32 v0, $0x4;
	_ =	sdelay $0x2  }
0x25: {  	s12 =	sshll.u32 s12, $0xF  }
0x26: {  	s12 =	sor.u32 $0x200, s12  }
0x27: {  	[tilespmem:s12], [sflag:$0x1] =	stream.indirect_vreg.gather [hbm:s3], $0x80, v0, vm0, $0x38;
	[tilespmem:$0x10200] =	vst v63  }
0x28: {  	s15 =	sadd.s32 $0x10, s14;
	s13 =	sadd.s32 $0x400, s12  }
0x29: {  	[tilespmem:s13], [sflag:$0x1] =	stream.indirect_vreg.gather [hbm:s3], $0x80, v0, vm1, $0x38;
	[tilespmem:$0x10200] =	vst v63  }
0x2a: {  	s16 =	simm.s32 $0x80;
	v0 =	vld.msk [tilespmem:s15+$0x0 ss:$0x1], $0xffff;
	s15 =	smov.u32 s12  }
.LBB2_3:
0x2b: {  	p1 =	sne.s32 s16, $0x3C0;
	_ =	sdelay $0x4  }
0x2c: {  	vm2 =	vgt.s32 v0, $0x0  }
0x2d: {  	v0 =	vnsel vm2, $0x0, v0  }
0x2e: {  	v0 =	vmin.u32 v0, $0x1869F  }
0x2f: {  	v0 =	vshll.u32 v0, $0x4;
	_ =	sdelay $0x3  }
.Ltmp3:
0x30: {  	s17 =	sshra.s32 s16, $0x2;
	s15 =	sadd.s32 $0x800, s15;
	(pc) =	sbr.rel @p1 .LBB2_3-.Ltmp3, $4  }
0x31: {  	[tilespmem:s15], [sflag:$0x1] =	stream.indirect_vreg.gather [hbm:s3], $0x80, v0, vm0, $0x38;
	[tilespmem:$0x10200] =	vst v63  }
0x32: {  	s17 =	sadd.s32 s17, s14;
	s18 =	sadd.s32 $0x400, s15  }
0x33: {  	[tilespmem:s18], [sflag:$0x1] =	stream.indirect_vreg.gather [hbm:s3], $0x80, v0, vm1, $0x38;
	[tilespmem:$0x10200] =	vst v63  }
0x34: {  	s16 =	sadd.s32 $0x40, s16;
	v0 =	vld.msk [tilespmem:s17+$0x0 ss:$0x1], $0xffff  }
0x35: {  	_ =	sdelay $0x3  }
0x36: {  	vm2 =	vgt.s32 v0, $0x0  }
0x37: {  	v0 =	vnsel vm2, $0x0, v0  }
0x38: {  	v0 =	vmin.u32 v0, $0x1869F  }
0x39: {  	v0 =	vshll.u32 v0, $0x4;
	_ =	sdelay $0x3  }
0x3a: {  	s14 =	sadd.s32 $0x800, s15  }
0x3b: {  	[tilespmem:s14], [sflag:$0x1] =	stream.indirect_vreg.gather [hbm:s3], $0x80, v0, vm0, $0x38;
	[tilespmem:$0x10200] =	vst v63  }
0x3c: {  	s14 =	sadd.s32 $0x400, s14  }
0x3d: {  	[tilespmem:s14], [sflag:$0x1] =	stream.indirect_vreg.gather [hbm:s3], $0x80, v0, vm1, $0x38;
	[tilespmem:$0x10200] =	vst v63  }
0x3e: {  	s11 =	sshll.u32 s11, $0x4;
	_ =	swait.ge [sflag:s4], $0x8000  }
0x3f: {  	s11 =	sadd.s32 s11, s2;
	[sflag:s4] =	ssyncset.done $0x0  }
0x40: {  	s15 =	sadd.s32 $0x0, s11;
	s14 =	simm.s32 $0x80;
	[sflag:s4] =	ssyncadd.s32 $0xFFFF8000  }
.LBB2_5:
0x41: {  	[hbm:s15] =	stream.linear.scatter [tilespmem:s12], [sflag:$0x3], $0x400, $0x38;
	[tilespmem:$0x10200] =	vst v63  }
0x42: {  	s15 =	smov.u32 s14;
	s12 =	smov.u32 s13;
	p1 =	sne.s32 s14, $0xF80  }
.Ltmp4:
0x43: {  	s14 =	sadd.s32 $0x80, s14;
	(pc) =	sbr.rel @p1 .LBB2_5-.Ltmp4, $2  }
0x44: {  	_ =	sdelay $0x2  }
0x45: {  	s13 =	sadd.s32 $0x400, s13;
	s15 =	sadd.s32 s15, s11  }
.Ltmp5:
0x46: {  	(pc) =	sbr.rel .LBB2_7-.Ltmp5, $2  }
0x47: {  	_ =	sdelay $0x2  }
0x48: {  	[hbm:s15] =	stream.linear.scatter [tilespmem:s12], [sflag:$0x3], $0x400, $0x38;
	[tilespmem:$0x10200] =	vst v63  }
.LBB2_8:
0x49: {  	_ =	sfence.sel $0x180000  }
0x4a: {  	s2 =	simm.s32 $0x2;
	[bflag:$0x0] =	sbarrier.arrive $0xFFFF  }
0x4b: {  	s30 =	simm.s32 $0x3;
	[sflag:s2] =	ssyncpa.u1 $0x1  }
0x4c: {  	s31 =	simm.s32 $0x1;
	[sflag:s30] =	ssyncpa.u1 $0x1  }
0x4d: {  	[sflag:s31] =	ssyncpa.u1 $0x1  }
0x4e: {  	p0 =	sne.s32 s1, $0x0;
	_ =	strace $0x90000047  }
0x4f: {  	s0 =	sadd.s32 @!p0 $0x100000, s0;
	[bflag:$0x2] =	sbarrier.arrive $0xFFFF  }
0x50: {  	[sflag:s0] =	ssyncadd.tile.s32 @!p0 $0x1;
	_ =	shalt  }
.Lfunc_end2:
_tile_overlayer_lowered:
.L_overlay_start_2:
0x51: {  	(tag) =	ssettag $0x2  }
0x52: {  	s0 =	rddreg [dreg:$0x0];
	s2 =	stileid.u32  }
0x53: {  	s1 =	rddreg [dreg:$0x1];
	p0 =	sne.s32 s2, $0x0  }
0x54: {  	s3 =	rddreg [dreg:$0x2];
	[bflag:$0x3] =	sbarrier.arrive $0xFFFF;
	s2 =	simm.s32 @!p0 $0x1C01  }
0x55: {  	[timem:s3], [sflag:s2] =	dma.local @!p0 [hbm:s0], s1  }
0x56: {  	s0 =	simm.s32 @!p0 $0x1  }
0x57: {  	_ =	swait.ge @!p0 [sflag:s0], s1  }
0x58: {  	s1 =	ssub.s32 @!p0 $0x0, s1;
	[sflag:s0] =	ssyncset.done @!p0 $0x0  }
0x59: {  	[sflag:s0] =	ssyncadd.s32 @!p0 s1  }
0x5a: {  	[bflag:$0x3] =	sbarrier.arrive $0xFFFF  }
0x5b: {  	_ =	shalt  }

// kernel: gather_offload_async_start.2
scs
__scs_entry_jumppad:
0x0: {  	(pc) =	sbr.rel $0x88, $3  }
0x1: {  	(tag) =	ssettag $0x0;
	lr =	simm.s32 $0x1  }
0x2: {  	[smem:$0x3F97] =	sst lr;
	_ =	strace $0xD0000000  }
0x3: {  	_ = 	snop  }
0x4: {  	_ = 	snop  }
0x5: {  	_ = 	snop  }
0x6: {  	_ = 	snop  }
0x7: {  	_ = 	snop  }
__scs_overlays_trampoline_lowered:
0x8: {  	[smem:$0x3FA6] =	sst s0  }
0x9: {  	[smem:$0x3FA7] =	sst s1  }
0xa: {  	[smem:$0x3FA8] =	sst s2  }
0xb: {  	[smem:$0x3FA9] =	sst s3  }
0xc: {  	[smem:$0x3FAA] =	sst s4  }
0xd: {  	[smem:$0x3FAB] =	sst s5  }
0xe: {  	[smem:$0x3FAC] =	sst s6  }
0xf: {  	[smem:$0x3FAD] =	sst s7  }
0x10: {  	[smem:$0x3FAE] =	sst s8  }
0x11: {  	[smem:$0x3FAF] =	sst s9;
	s0 =	simm.s32 @!p0 $0x0  }
0x12: {  	s1 =	sld [smem:$0x3F95];
	s0 =	simm.s32 @p0 $0x1  }
0x13: {  	[smem:$0x3FB0] =	sst s0;
	s0 =	simm.s32 @!p1 $0x0  }
0x14: {  	s2 =	sld [smem:$0x3F94];
	s0 =	simm.s32 @p1 $0x1  }
0x15: {  	[smem:$0x3FB1] =	sst s0;
	s0 =	simm.s32 @!p2 $0x0  }
0x16: {  	s3 =	sld [smem:$0x3FDB];
	s0 =	simm.s32 @p2 $0x1  }
0x17: {  	s4 =	simm.s32 $0x1BF5;
	[smem:$0x3FB3] =	sst s0  }
0x18: {  	s0 =	sld [smem:$0x3F96];
	_ =	swait.ge [sflag:s4], $0x0  }
0x19: {  	s7 =	sld [smem:$0x3F97]  }
0x1a: {  	s8 =	sadd.s32 $0xFFFFE003, lr  }
0x1b: {  	s9 =	sadd.s32 $0xFFFFFEF7, lr;
	s5 =	simm.s32 $0xFFFFFFFF;
	p2 =	slt.u32 s8, $0xFFFFF086  }
0x1c: {  	p1 =	slt.u32 s9, $0xF7A;
	s5 =	simm.s32 @!p2 $0x0  }
0x1d: {  	s5 =	simm.s32 @p1 $0x1;
	p0 =	seq.s32 s7, s2  }
0x1e: {  	s7 =	smul.u32 @!p0 $0xF7A, s2;
	p2 =	seq.s32 @!p0 s5, $0x0  }
0x1f: {  	s9 =	smul.u32 $0xF7A, s1;
	s8 =	simm.s32 @!p0 $0x1BF5;
	p2 =	por !p2, p0  }
0x20: {  	[sflag:s8] =	ssyncset.s32 @!p0 $0xFFFFF086;
	s6 =	sadd.s32 @!p0 s3, s7;
	s7 =	simm.s32 @!p0 $0x108  }
0x21: {  	s3 =	sadd.s32 s3, s9;
	s6 =	sadd.s32 @!p0 $0x88, s6;
	s7 =	simm.s32 @p2 $0x1082  }
0x22: {  	[simem:s7], [sflag:s8] =	dma.local @!p0 [hbm:s6], $0xF7A  }
0x23: {  	s9 =	sor.u32 $0xD0000000, s2;
	s6 =	simm.s32 $0x108;
	_ =	swait.ge @!p0 [sflag:s8], $0x0  }
0x24: {  	s3 =	sadd.s32 $0x88, s3;
	s6 =	simm.s32 @!p1 $0x1082;
	[sflag:s4] =	ssyncset.s32 $0xFFFFF086  }
0x25: {  	[simem:s6], [sflag:s4] =	dma.local [hbm:s3], $0xF7A  }
0x26: {  	[smem:$0x3F97] =	sst s1;
	(tag) =	ssettag s2;
	_ =	strace s9  }
0x27: {  	s1 =	sld [smem:$0x3FA7]  }
0x28: {  	s2 =	sld [smem:$0x3FA8]  }
0x29: {  	s4 =	sld [smem:$0x3FAA]  }
0x2a: {  	p0 =	seq.s32 s5, $0x0;
	s5 =	sld [smem:$0x3FAB]  }
0x2b: {  	s6 =	sld [smem:$0x3FAC]  }
0x2c: {  	s7 =	sld [smem:$0x3FAD]  }
0x2d: {  	s3 =	simm.s32 $0x108;
	s8 =	sld [smem:$0x3FAE]  }
0x2e: {  	s3 =	simm.s32 @!p0 $0x1082;
	s9 =	sld [smem:$0x3FAF]  }
0x2f: {  	lr =	sadd.s32 s0, s3;
	s0 =	sld [smem:$0x3FA6]  }
0x30: {  	s3 =	sld [smem:$0x3FA9]  }
0x31: {  	[smem:$0x3FB2] =	sst s10  }
0x32: {  	s10 =	sld [smem:$0x3FB0];
	_ =	sdelay $0x3  }
0x33: {  	p0 =	seq.s32 s10, $0x1;
	s10 =	sld [smem:$0x3FB2];
	_ =	sdelay $0x3  }
0x34: {  	[smem:$0x3FB2] =	sst s10  }
0x35: {  	s10 =	sld [smem:$0x3FB1];
	_ =	sdelay $0x3  }
0x36: {  	p1 =	seq.s32 s10, $0x1;
	s10 =	sld [smem:$0x3FB2];
	_ =	sdelay $0x3  }
0x37: {  	[smem:$0x3FB2] =	sst s10  }
0x38: {  	s10 =	sld [smem:$0x3FB3]  }
0x39: {  	_ = 	snop;
	(pc) =	sbr.ind lr, $3  }
0x3a: {  	_ = 	snop  }
0x3b: {  	_ = 	snop  }
0x3c: {  	p2 =	seq.s32 s10, $0x1;
	s10 =	sld [smem:$0x3FB2]  }
0x3d: {  	_ =	shalt  }
0x3e: {  	_ =	shalt  }
0x3f: {  	_ =	shalt  }
0x40: {  	_ =	shalt  }
0x41: {  	_ =	shalt  }
0x42: {  	_ =	shalt  }
0x43: {  	_ =	shalt  }
0x44: {  	_ =	shalt  }
0x45: {  	_ =	shalt  }
0x46: {  	_ =	shalt  }
0x47: {  	_ =	shalt  }
0x48: {  	_ =	shalt  }
0x49: {  	_ =	shalt  }
0x4a: {  	_ =	shalt  }
0x4b: {  	_ =	shalt  }
0x4c: {  	_ =	shalt  }
0x4d: {  	_ =	shalt  }
0x4e: {  	_ =	shalt  }
0x4f: {  	_ =	shalt  }
0x50: {  	_ =	shalt  }
0x51: {  	_ =	shalt  }
0x52: {  	_ =	shalt  }
0x53: {  	_ =	shalt  }
0x54: {  	_ =	shalt  }
0x55: {  	_ =	shalt  }
0x56: {  	_ =	shalt  }
0x57: {  	_ =	shalt  }
0x58: {  	_ =	shalt  }
0x59: {  	_ =	shalt  }
0x5a: {  	_ =	shalt  }
0x5b: {  	_ =	shalt  }
0x5c: {  	_ =	shalt  }
0x5d: {  	_ =	shalt  }
0x5e: {  	_ =	shalt  }
0x5f: {  	_ =	shalt  }
0x60: {  	_ =	shalt  }
0x61: {  	_ =	shalt  }
0x62: {  	_ =	shalt  }
0x63: {  	_ =	shalt  }
0x64: {  	_ =	shalt  }
0x65: {  	_ =	shalt  }
0x66: {  	_ =	shalt  }
0x67: {  	_ =	shalt  }
0x68: {  	_ =	shalt  }
0x69: {  	_ =	shalt  }
0x6a: {  	_ =	shalt  }
0x6b: {  	_ =	shalt  }
0x6c: {  	_ =	shalt  }
0x6d: {  	_ =	shalt  }
0x6e: {  	_ =	shalt  }
0x6f: {  	_ =	shalt  }
0x70: {  	_ =	shalt  }
0x71: {  	_ =	shalt  }
0x72: {  	_ =	shalt  }
0x73: {  	_ =	shalt  }
0x74: {  	_ =	shalt  }
0x75: {  	_ =	shalt  }
0x76: {  	_ =	shalt  }
0x77: {  	_ =	shalt  }
0x78: {  	_ =	shalt  }
0x79: {  	_ =	shalt  }
0x7a: {  	_ =	shalt  }
0x7b: {  	_ =	shalt  }
0x7c: {  	_ =	shalt  }
0x7d: {  	_ =	shalt  }
0x7e: {  	_ =	shalt  }
0x7f: {  	_ =	shalt  }
0x80: {  	_ =	shalt  }
0x81: {  	_ =	shalt  }
0x82: {  	_ =	shalt  }
0x83: {  	_ =	shalt  }
0x84: {  	_ =	shalt  }
0x85: {  	_ =	shalt  }
0x86: {  	_ =	shalt  }
0x87: {  	_ =	shalt  }
.Lfunc_end0:
.L_simem_size_0:
called_computation.2_lowered:
.L_overlay_start_0:
0x88: {  	s2 =	sld [smem:$0x3FD9]  }
0x89: {  	s3 =	sld [smem:$0x3FFE];
	_ =	sdelay $0x1  }
0x8a: {  	s1 =	srdreg.scid  }
0x8b: {  	s0 =	sand.u32 $0x1, s1  }
0x8c: {  	s17 =	sshll.u32 s0, $0xA;
	s2 =	sadd.s32 s3, s2  }
0x8d: {  	s2 =	sadd.s32 s2, s17  }
0x8e: {  	[smem:$0x3FBE] =	sst s2  }
0x8f: {  	_ = 	snop  }
0x90: {  	s18 =	sld [smem:$0x3FC5];
	(tm) =	ssettm $0x1  }
0x91: {  	s19 =	sld [smem:$0x3FFB];
	_ =	sdelay $0x3  }
0x92: {  	_ =	strace s19  }
0x93: {  	s2 =	sld [smem:$0x3FFC];
	_ =	sdelay $0x3  }
0x94: {  	_ =	strace s2  }
0x95: {  	s2 =	sld [smem:$0x3FFD];
	_ =	sdelay $0x3  }
0x96: {  	_ =	strace s2  }
0x97: {  	_ =	strace $0x8FFFFFFF  }
0x98: {  	s20 =	sld [smem:$0x3FDB];
	_ =	sdelay $0x1  }
0x99: {  	s4 =	simm.s32 $_scs_section_size  }
0x9a: {  	s5 =	simm.s32 $_size__tile_overlayer_lowered;
	s6 =	simm.s32 $_tile_overlayer_lowered  }
0x9b: {  	s7 =	simm.s32 $0x1BFF;
	s21 =	sshll.u32 s6, $0x1;
	s4 =	sadd.s32 s4, s20  }
0x9c: {  	s22 =	simm.s32 $0x0;
	s5 =	sshll.u32 s5, $0x1;
	s6 =	sadd.s32 s21, s4  }
0x9d: {  	[timem:s22], [sflag:s7] =	dma.local [hbm:s6], s5  }
0x9e: {  	_ =	swait.ge [sflag:s7], s5  }
0x9f: {  	s5 =	ssub.s32 $0x0, s5;
	[sflag:s7] =	ssyncset.done $0x0  }
0xa0: {  	[sflag:s7] =	ssyncadd.s32 s5;
	_ =	sdelay $0x1  }
0xa1: {  	s23 =	simm.s32 $0x1B8B  }
0xa2: {  	_ =	swait.ge [sflag:s23], $0x1  }
0xa3: {  	[sflag:s23] =	ssyncset.done $0x0  }
0xa4: {  	[sflag:s23] =	ssyncadd.s32 $0xFFFFFFFF  }
0xa5: {  	s5 =	sld [smem:$0x0]  }
0xa6: {  	s6 =	sand.u32 $0xFFFFFFFE, s1  }
0xa7: {  	p0 =	sne.s32 s1, s6  }
0xa8: {  	s6 =	sshll.u32 @p0 s6, $0xE  }
0xa9: {  	s6 =	sadd.s32 @p0 $0x11B8D, s6;
	s7 =	sshll.u32 @p0 s5, $0x11  }
0xaa: {  	s6 =	sor.u32 @p0 s7, s6  }
0xab: {  	[sflag:s6] =	ssyncadd.remote.s32 @p0 $0x1;
	_ =	sdelay $0x1  }
0xac: {  	s6 =	simm.s32 @p0 $0x1B8D  }
0xad: {  	_ =	swait.eq @p0 [sflag:s6], $0x1  }
0xae: {  	[sflag:s6] =	ssyncadd.s32 @p0 $0xFFFFFFFF  }
0xaf: {  	s7 =	sshll.u32 @!p0 s1, $0xE  }
0xb0: {  	s7 =	sor.u32 @!p0 $0x4000, s7;
	s6 =	simm.s32 @!p0 $0x1B8D  }
0xb1: {  	s5 =	sshll.u32 @!p0 s5, $0x11;
	s7 =	sadd.s32 @!p0 $0x11B8D, s7;
	_ =	swait.eq @!p0 [sflag:s6], $0x1  }
0xb2: {  	s5 =	sor.u32 @!p0 s5, s7;
	[sflag:s6] =	ssyncadd.s32 @!p0 $0xFFFFFFFF  }
0xb3: {  	s25 =	simm.s32 $0x1B8E;
	s24 =	sld [smem:$0x3FFE];
	[sflag:s5] =	ssyncadd.remote.s32 @!p0 $0x1  }
0xb4: {  	s26 =	simm.s32 $execute0_lowered;
	[smem:$0x3FD2] =	sst s25  }
0xb5: {  	s6 =	sshll.u32 s26, $0x1;
	_ =	strace $0x8000004C;
	[dreg:$0x1] =	wrdreg $0xFFFFFFFF  }
0xb6: {  	s28 =	simm.s32 $_size_execute0_lowered;
	s4 =	sadd.s32 s4, s6;
	[dreg:$0x0] =	wrdreg $0x0  }
0xb7: {  	s6 =	sshll.u32 s28, $0x1;
	[dreg:$0x2] =	wrdreg s4  }
0xb8: {  	[dreg:$0x3] =	wrdreg s6  }
0xb9: {  	[dreg:$0x4] =	wrdreg $0xC0  }
0xba: {  	_ =	task [dreg:s22], $0x5FFFF  }
0xbb: {  	[dreg:$0x1] =	wrdreg $0xFFFFFFFF  }
0xbc: {  	[dreg:$0x0] =	wrdreg $0x60  }
0xbd: {  	[dreg:$0x2] =	wrdreg s18  }
0xbe: {  	[dreg:$0x3] =	wrdreg s24  }
0xbf: {  	[dreg:$0x4] =	wrdreg $0x9  }
0xc0: {  	_ =	task.clear_ibuf [dreg:s22], $0x5FFFF;
	_ =	strace $0x9000004C  }
0xc1: {  	s29 =	simm.s32 $0x9;
	_ =	strace $0x8000004E  }
0xc2: {  	_ =	swait.ge [sflag:s29], $0x1  }
0xc3: {  	[sflag:s29] =	ssyncadd.s32 $0xFFFFFFFF  }
0xc4: {  	_ =	strace $0x9000004E  }
0xc5: {  	_ =	sfence  }
0xc6: {  	s30 =	sld [smem:$0x0];
	_ =	sdelay $0x2  }
0xc7: {  	s31 =	sshll.u32 s1, $0xD;
	s1 =	sshrl.u32 s1, $0x2  }
0xc8: {  	s4 =	sand.u32 $0x4000, s31;
	s1 =	sadd.s32 s1, s30  }
0xc9: {  	s0 =	sor.u32 s4, s0;
	s1 =	sshll.u32 s1, $0x11  }
0xca: {  	s0 =	sor.u32 s1, s0  }
0xcb: {  	s0 =	sadd.s32 $0x8F2B, s0  }
0xcc: {  	[sflag:s0] =	ssyncadd.remote.s32 $0x1  }
0xcd: {  	_ =	sfence.sel $0xFFFF  }
0xce: {  	[dreg:$0x0] =	wrdreg $0xFFFFFFFF;
	(pc) =	sbr.abs _section_cstart, $3  }
0xcf: {  	[dreg:$0x1] =	wrdreg $0xFFFFFFFF  }
0xd0: {  	_ =	task.clear_ibuf [dreg:s22], $0x2FFFF;
	_ =	strace $0x9FFFFFFF  }
0xd1: {  	(tm) =	ssettm $0x7FFFFFFF  }
tec
execute0_lowered:
.L_overlay_start_1:
0x0: {  	(tag) =	ssettag $0x1  }
0x1: {  	s0 =	stileid.u32;
	s1 =	srdreg.scid  }
0x2: {  	s4 =	rddreg [dreg:$0x1];
	s9 =	simm.s32 $0x1;
	s10 =	simm.s32 $0x3  }
0x3: {  	s12 =	simm.s32 $0x0;
	s1 =	sand.u32 $0x1, s1;
	s2 =	sshll.u32 s0, $0x1  }
0x4: {  	s11 =	simm.s32 $0x0;
	s6 =	sor.u32 s2, s1;
	s2 =	rddreg [dreg:$0x0]  }
0x5: {  	s3 =	smul.u32 $0x1400, s6;
	p0 =	seq.s32 s6, $0x0;
	s6 =	simm.s32 $0x28000  }
0x6: {  	s1 =	rddreg [dreg:$0x2];
	_ =	strace $0x8000004D;
	s6 =	simm.s32 @!p0 $0x0  }
0x7: {  	s9 =	simm.s32 @!p0 $0x0;
	s5 =	sshrl.u32 s3, $0x3;
	s7 =	ssub.s32 $0x28000, s3  }
.Ltmp0:
0x8: {  	s8 =	sadd.s32 s5, s4;
	s4 =	sadd.s32 $0xBCC600, s4;
	(pc) =	sbr.rel .LBB2_1-.Ltmp0, $4  }
0x9: {  	s5 =	simm.s32 $0x1;
	p0 =	sne.s32 s7, s6;
	s7 =	simm.s32 $0x1  }
0xa: {  	s6 =	simm.s32 $0x2;
	[sflag:s5] =	ssyncpa.u1 $0x0;
	s7 =	simm.s32 @!p0 $0x0  }
0xb: {  	s8 =	sadd.s32 $0xBC7600, s8;
	[sflag:s6] =	ssyncpa.u1 $0x0;
	s7 =	sadd.s32 s9, s7  }
0xc: {  	vm0 =	vmmov $0xffff;
	[sflag:s10] =	ssyncpa.u1 $0x0;
	s9 =	sadd.s32 $0x1, s7;
	s10 =	simm.s32 $0x0  }
.LBB2_4:
0xd: {  	_ =	sdelay $0x3  }
0xe: {  	[tilespmem:s20], [sflag:$0x1] =	stream.indirect_vreg.gather [hbm4b:s2+s10], $0x1, v0, vm0, $0x4038;
	[tilespmem:$0xC800] =	vst v63  }
0xf: {  	s14 =	sadd.s32 s17, s14  }
0x10: {  	v0 =	vld.msk [tilespmem:s14+$0x0 ss:$0x1], $0xffff;
	_ =	sdelay $0x4  }
0x11: {  	vm1 =	vgt.s32 v0, $0x0  }
0x12: {  	v0 =	vnsel vm1, $0x0, v0  }
0x13: {  	v0 =	vmin.u32 v0, $0xF423F  }
0x14: {  	v1 =	vshll.u32 v0, $0x2  }
0x15: {  	v0 =	vand.u32 $0x7F, v0;
	v1 =	vand.u32 $0x3FFE00, v1  }
0x16: {  	v0 =	vor.u32 v0, v1;
	_ =	sdelay $0x1  }
0x17: {  	s30 =	sand.u32 $0x7E00, s16  }
0x18: {  	s15 =	sand.u32 $0x70, s15;
	(ifvalue) =	ssetifvalue $0x7FFFFFFF;
	s14 =	sadd.s32 s30, s13;
	v1 =	vor.u32 $0x80, v0  }
0x19: {  	s14 =	sadd.s32 s15, s14;
	(ifvalue) =	ssetifvalue $0x7FFFFFFF  }
0x1a: {  	[tilespmem:s14], [sflag:$0x1] =	stream.indirect_vreg.gather [hbm4b:s2+s10], $0x1, v0, vm0, $0x4038;
	[tilespmem:$0xC800] =	vst v63  }
0x1b: {  	v2 =	vor.u32 $0x100, v0;
	(ifvalue) =	ssetifvalue $0x7FFFFFFF  }
0x1c: {  	s15 =	sadd.s32 $0x80, s14;
	(ifvalue) =	ssetifvalue $0x7FFFFFFF  }
0x1d: {  	[tilespmem:s15], [sflag:$0x1] =	stream.indirect_vreg.gather [hbm4b:s2+s10], $0x1, v1, vm0, $0x4038;
	[tilespmem:$0xC800] =	vst v63  }
0x1e: {  	v0 =	vor.u32 $0x180, v0;
	(ifvalue) =	ssetifvalue $0x7FFFFFFF  }
0x1f: {  	s31 =	sadd.s32 $0x100, s14;
	(ifvalue) =	ssetifvalue $0x7FFFFFFF  }
0x20: {  	[tilespmem:s31], [sflag:$0x1] =	stream.indirect_vreg.gather [hbm4b:s2+s10], $0x1, v2, vm0, $0x4038;
	[tilespmem:$0xC800] =	vst v63  }
0x21: {  	(ifvalue) =	ssetifvalue $0x7FFFFFFF  }
0x22: {  	s14 =	sadd.s32 $0x180, s14;
	(ifvalue) =	ssetifvalue $0x7FFFFFFF  }
0x23: {  	[tilespmem:s14], [sflag:$0x1] =	stream.indirect_vreg.gather [hbm4b:s2+s10], $0x1, v0, vm0, $0x4038;
	[tilespmem:$0xC800] =	vst v63  }
0x24: {  	_ =	swait.ge [sflag:s5], $0x5000  }
0x25: {  	s12 =	sshrl.u32 s12, $0x1;
	[sflag:s5] =	ssyncset.done $0x0  }
0x26: {  	s12 =	sadd.s32 s4, s12;
	[sflag:s5] =	ssyncadd.s32 $0xFFFFB000  }
0x27: {  	[hbm:s12] =	stream.linear.scatter [tilespmem:s13], [sflag:$0x3], $0x5000, $0x38;
	[tilespmem:$0xC800] =	vst v63  }
.LBB2_5:
0x28: {  	p1 =	sne.s32 s11, s9  }
.Ltmp1:
0x29: {  	p0 =	slt.u32 s11, $0x2;
	(pc) =	sbr.rel @!p1 .LBB2_6-.Ltmp1, $4  }
0x2a: {  	s12 =	simm.s32 @!p0 $0x3  }
0x2b: {  	_ =	swait.ge @!p0 [sflag:s12], $0x5000  }
0x2c: {  	s13 =	sadd.s32 $0x1, s11;
	[sflag:s12] =	ssyncset.done @!p0 $0x0  }
0x2d: {  	s11 =	smov.u32 s13;
	[sflag:s12] =	ssyncadd.s32 @!p0 $0xFFFFB000;
	s12 =	smov.u32 s3  }
.LBB2_1:
0x2e: {  	p0 =	sge.u32 s11, s7  }
0x2f: {  	s13 =	sxor.u32 @!p0 $0x1, s11  }
0x30: {  	s13 =	smul.u32 @!p0 $0x5000, s13;
	_ =	sdelay $0x1  }
0x31: {  	s31 =	sadd.s32 $0xFFFFFFFF, s11;
	s14 =	simm.s32 @!p0 $0x0;
	s13 =	sshra.s32 @!p0 s13, $0x2  }
0x32: {  	[tilespmem:s13], [sflag:$0x2] =	stream.linear.gather @!p0 [hbm4b:s8+s14], $0x1400, $0x38;
	[tilespmem:$0xC800] =	vst v63  }
0x33: {  	p0 =	sge.u32 s31, s7  }
.Ltmp2:
0x34: {  	_ = 	snop;
	(pc) =	sbr.rel @p0 .LBB2_5-.Ltmp2, $1  }
0x35: {  	_ =	sdelay $0x3  }
0x36: {  	s13 =	sand.u32 $0x1, s11  }
0x37: {  	p0 =	seq.s32 s13, $0x1;
	s13 =	simm.s32 $0x5000  }
0x38: {  	_ =	swait.ge [sflag:s6], $0x1400;
	s13 =	simm.s32 @!p0 $0x0  }
0x39: {  	[sflag:s6] =	ssyncset.done $0x0;
	s14 =	sshrl.u32 s13, $0x2  }
0x3a: {  	[sflag:s6] =	ssyncadd.s32 $0xFFFFEC00;
	s15 =	sadd.s32 $0x0, s14  }
0x3b: {  	v0 =	vld.msk [tilespmem:s15+$0x0 ss:$0x1], $0xffff;
	_ =	sdelay $0x4  }
0x3c: {  	vm1 =	vgt.s32 v0, $0x0  }
0x3d: {  	v0 =	vnsel vm1, $0x0, v0  }
0x3e: {  	v0 =	vmin.u32 v0, $0xF423F  }
0x3f: {  	v1 =	vshll.u32 v0, $0x2  }
0x40: {  	v0 =	vand.u32 $0x7F, v0;
	v1 =	vand.u32 $0x3FFE00, v1  }
0x41: {  	v0 =	vor.u32 v0, v1  }
0x42: {  	s31 =	simm.s32 $0x0  }
0x43: {  	s16 =	sand.u32 $0x7E00, s31;
	s13 =	sor.u32 $0x2800, s13  }
0x44: {  	s16 =	sadd.s32 s16, s13;
	(ifvalue) =	ssetifvalue $0x7FFFFFFF;
	s15 =	sand.u32 $0x70, s31;
	v1 =	vor.u32 $0x80, v0  }
0x45: {  	s20 =	sadd.s32 s15, s16;
	(ifvalue) =	ssetifvalue $0x7FFFFFFF  }
0x46: {  	[tilespmem:s20], [sflag:$0x1] =	stream.indirect_vreg.gather [hbm4b:s2+s10], $0x1, v0, vm0, $0x4038;
	[tilespmem:$0xC800] =	vst v63  }
0x47: {  	v2 =	vor.u32 $0x100, v0;
	(ifvalue) =	ssetifvalue $0x7FFFFFFF  }
0x48: {  	s15 =	sadd.s32 $0x80, s20;
	(ifvalue) =	ssetifvalue $0x7FFFFFFF  }
0x49: {  	[tilespmem:s15], [sflag:$0x1] =	stream.indirect_vreg.gather [hbm4b:s2+s10], $0x1, v1, vm0, $0x4038;
	[tilespmem:$0xC800] =	vst v63  }
0x4a: {  	s18 =	simm.s32 $0x20;
	v0 =	vor.u32 $0x180, v0;
	(ifvalue) =	ssetifvalue $0x7FFFFFFF  }
0x4b: {  	s19 =	simm.s32 $0x80;
	s17 =	sadd.s32 $0x100, s20;
	(ifvalue) =	ssetifvalue $0x7FFFFFFF  }
0x4c: {  	[tilespmem:s17], [sflag:$0x1] =	stream.indirect_vreg.gather [hbm4b:s2+s10], $0x1, v2, vm0, $0x4038;
	[tilespmem:$0xC800] =	vst v63  }
0x4d: {  	s16 =	simm.s32 $0x40;
	s20 =	sadd.s32 $0x180, s20;
	(ifvalue) =	ssetifvalue $0x7FFFFFFF  }
0x4e: {  	s15 =	simm.s32 $0x10;
	s17 =	simm.s32 $0x10;
	(ifvalue) =	ssetifvalue $0x7FFFFFFF  }
.LBB2_3:
0x4f: {  	[tilespmem:s20], [sflag:$0x1] =	stream.indirect_vreg.gather [hbm4b:s2+s10], $0x1, v0, vm0, $0x4038;
	[tilespmem:$0xC800] =	vst v63  }
0x50: {  	p0 =	sne.s32 s18, $0x13F0;
	s20 =	sadd.s32 s17, s14;
	s17 =	sshra.s32 s19, $0x2  }
0x51: {  	v0 =	vld.msk [tilespmem:s20+$0x0 ss:$0x1], $0xffff;
	s20 =	smov.u32 s18;
	s18 =	sadd.s32 $0x10, s18  }
0x52: {  	(ifvalue) =	ssetifvalue $0x7FFFFFFF;
	_ =	sdelay $0x4  }
0x53: {  	vm1 =	vgt.s32 v0, $0x0  }
0x54: {  	v0 =	vnsel vm1, $0x0, v0  }
0x55: {  	v0 =	vmin.u32 v0, $0xF423F  }
0x56: {  	v1 =	vshll.u32 v0, $0x2  }
0x57: {  	v0 =	vand.u32 $0x7F, v0;
	v1 =	vand.u32 $0x3FFE00, v1  }
0x58: {  	v0 =	vor.u32 v0, v1;
	_ =	sdelay $0x1  }
0x59: {  	s21 =	sand.u32 $0x7E00, s16;
	s16 =	smov.u32 s19  }
0x5a: {  	s22 =	sand.u32 $0x70, s15;
	s21 =	sadd.s32 s21, s13;
	s15 =	smov.u32 s20;
	v1 =	vor.u32 $0x80, v0  }
0x5b: {  	s20 =	sadd.s32 s22, s21;
	(ifvalue) =	ssetifvalue $0x7FFFFFFF  }
0x5c: {  	[tilespmem:s20], [sflag:$0x1] =	stream.indirect_vreg.gather [hbm4b:s2+s10], $0x1, v0, vm0, $0x4038;
	[tilespmem:$0xC800] =	vst v63  }
0x5d: {  	v2 =	vor.u32 $0x100, v0;
	(ifvalue) =	ssetifvalue $0x7FFFFFFF  }
0x5e: {  	s21 =	sadd.s32 $0x80, s20;
	(ifvalue) =	ssetifvalue $0x7FFFFFFF  }
0x5f: {  	[tilespmem:s21], [sflag:$0x1] =	stream.indirect_vreg.gather [hbm4b:s2+s10], $0x1, v1, vm0, $0x4038;
	[tilespmem:$0xC800] =	vst v63  }
.Ltmp3:
0x60: {  	v0 =	vor.u32 $0x180, v0;
	(ifvalue) =	ssetifvalue $0x7FFFFFFF;
	(pc) =	sbr.rel @p0 .LBB2_3-.Ltmp3, $4  }
0x61: {  	s21 =	sadd.s32 $0x100, s20;
	(ifvalue) =	ssetifvalue $0x7FFFFFFF  }
0x62: {  	[tilespmem:s21], [sflag:$0x1] =	stream.indirect_vreg.gather [hbm4b:s2+s10], $0x1, v2, vm0, $0x4038;
	[tilespmem:$0xC800] =	vst v63  }
0x63: {  	(ifvalue) =	ssetifvalue $0x7FFFFFFF  }
0x64: {  	s19 =	sadd.s32 $0x40, s19;
	s20 =	sadd.s32 $0x180, s20;
	(ifvalue) =	ssetifvalue $0x7FFFFFFF  }
.Ltmp4:
0x65: {  	_ = 	snop;
	(pc) =	sbr.rel .LBB2_4-.Ltmp4, $1  }
0x66: {  	_ =	sdelay $0x3  }
.LBB2_6:
0x67: {  	_ =	sfence.sel $0x180000  }
0x68: {  	s2 =	simm.s32 $0x2;
	[bflag:$0x0] =	sbarrier.arrive $0xFFFF  }
0x69: {  	s30 =	simm.s32 $0x3;
	[sflag:s2] =	ssyncpa.u1 $0x1  }
0x6a: {  	s31 =	simm.s32 $0x1;
	[sflag:s30] =	ssyncpa.u1 $0x1  }
0x6b: {  	[sflag:s31] =	ssyncpa.u1 $0x1  }
0x6c: {  	p0 =	sne.s32 s0, $0x0;
	_ =	strace $0x9000004D  }
0x6d: {  	s0 =	sadd.s32 @!p0 $0x100000, s1;
	[bflag:$0x2] =	sbarrier.arrive $0xFFFF  }
0x6e: {  	[sflag:s0] =	ssyncadd.tile.s32 @!p0 $0x1;
	_ =	shalt  }
.Lfunc_end2:
_tile_overlayer_lowered:
.L_overlay_start_2:
0x6f: {  	(tag) =	ssettag $0x2  }
0x70: {  	s0 =	rddreg [dreg:$0x0];
	s2 =	stileid.u32  }
0x71: {  	s1 =	rddreg [dreg:$0x1];
	p0 =	sne.s32 s2, $0x0  }
0x72: {  	s3 =	rddreg [dreg:$0x2];
	[bflag:$0x3] =	sbarrier.arrive $0xFFFF;
	s2 =	simm.s32 @!p0 $0x1C01  }
0x73: {  	[timem:s3], [sflag:s2] =	dma.local @!p0 [hbm:s0], s1  }
0x74: {  	s0 =	simm.s32 @!p0 $0x1  }
0x75: {  	_ =	swait.ge @!p0 [sflag:s0], s1  }
0x76: {  	s1 =	ssub.s32 @!p0 $0x0, s1;
	[sflag:s0] =	ssyncset.done @!p0 $0x0  }
0x77: {  	[sflag:s0] =	ssyncadd.s32 @!p0 s1  }
0x78: {  	[bflag:$0x3] =	sbarrier.arrive $0xFFFF  }
0x79: {  	_ =	shalt  }

// kernel: gather_offload_async_start.3
scs
__scs_entry_jumppad:
0x0: {  	(pc) =	sbr.rel $0x88, $3  }
0x1: {  	(tag) =	ssettag $0x0;
	lr =	simm.s32 $0x1  }
0x2: {  	[smem:$0x3F97] =	sst lr;
	_ =	strace $0xD0000000  }
0x3: {  	_ = 	snop  }
0x4: {  	_ = 	snop  }
0x5: {  	_ = 	snop  }
0x6: {  	_ = 	snop  }
0x7: {  	_ = 	snop  }
__scs_overlays_trampoline_lowered:
0x8: {  	[smem:$0x3FA6] =	sst s0  }
0x9: {  	[smem:$0x3FA7] =	sst s1  }
0xa: {  	[smem:$0x3FA8] =	sst s2  }
0xb: {  	[smem:$0x3FA9] =	sst s3  }
0xc: {  	[smem:$0x3FAA] =	sst s4  }
0xd: {  	[smem:$0x3FAB] =	sst s5  }
0xe: {  	[smem:$0x3FAC] =	sst s6  }
0xf: {  	[smem:$0x3FAD] =	sst s7  }
0x10: {  	[smem:$0x3FAE] =	sst s8  }
0x11: {  	[smem:$0x3FAF] =	sst s9;
	s0 =	simm.s32 @!p0 $0x0  }
0x12: {  	s1 =	sld [smem:$0x3F95];
	s0 =	simm.s32 @p0 $0x1  }
0x13: {  	[smem:$0x3FB0] =	sst s0;
	s0 =	simm.s32 @!p1 $0x0  }
0x14: {  	s2 =	sld [smem:$0x3F94];
	s0 =	simm.s32 @p1 $0x1  }
0x15: {  	[smem:$0x3FB1] =	sst s0;
	s0 =	simm.s32 @!p2 $0x0  }
0x16: {  	s3 =	sld [smem:$0x3FDB];
	s0 =	simm.s32 @p2 $0x1  }
0x17: {  	s4 =	simm.s32 $0x1BF5;
	[smem:$0x3FB3] =	sst s0  }
0x18: {  	s0 =	sld [smem:$0x3F96];
	_ =	swait.ge [sflag:s4], $0x0  }
0x19: {  	s7 =	sld [smem:$0x3F97]  }
0x1a: {  	s8 =	sadd.s32 $0xFFFFE003, lr  }
0x1b: {  	s9 =	sadd.s32 $0xFFFFFEF7, lr;
	s5 =	simm.s32 $0xFFFFFFFF;
	p2 =	slt.u32 s8, $0xFFFFF086  }
0x1c: {  	p1 =	slt.u32 s9, $0xF7A;
	s5 =	simm.s32 @!p2 $0x0  }
0x1d: {  	s5 =	simm.s32 @p1 $0x1;
	p0 =	seq.s32 s7, s2  }
0x1e: {  	s7 =	smul.u32 @!p0 $0xF7A, s2;
	p2 =	seq.s32 @!p0 s5, $0x0  }
0x1f: {  	s9 =	smul.u32 $0xF7A, s1;
	s8 =	simm.s32 @!p0 $0x1BF5;
	p2 =	por !p2, p0  }
0x20: {  	[sflag:s8] =	ssyncset.s32 @!p0 $0xFFFFF086;
	s6 =	sadd.s32 @!p0 s3, s7;
	s7 =	simm.s32 @!p0 $0x108  }
0x21: {  	s3 =	sadd.s32 s3, s9;
	s6 =	sadd.s32 @!p0 $0x88, s6;
	s7 =	simm.s32 @p2 $0x1082  }
0x22: {  	[simem:s7], [sflag:s8] =	dma.local @!p0 [hbm:s6], $0xF7A  }
0x23: {  	s9 =	sor.u32 $0xD0000000, s2;
	s6 =	simm.s32 $0x108;
	_ =	swait.ge @!p0 [sflag:s8], $0x0  }
0x24: {  	s3 =	sadd.s32 $0x88, s3;
	s6 =	simm.s32 @!p1 $0x1082;
	[sflag:s4] =	ssyncset.s32 $0xFFFFF086  }
0x25: {  	[simem:s6], [sflag:s4] =	dma.local [hbm:s3], $0xF7A  }
0x26: {  	[smem:$0x3F97] =	sst s1;
	(tag) =	ssettag s2;
	_ =	strace s9  }
0x27: {  	s1 =	sld [smem:$0x3FA7]  }
0x28: {  	s2 =	sld [smem:$0x3FA8]  }
0x29: {  	s4 =	sld [smem:$0x3FAA]  }
0x2a: {  	p0 =	seq.s32 s5, $0x0;
	s5 =	sld [smem:$0x3FAB]  }
0x2b: {  	s6 =	sld [smem:$0x3FAC]  }
0x2c: {  	s7 =	sld [smem:$0x3FAD]  }
0x2d: {  	s3 =	simm.s32 $0x108;
	s8 =	sld [smem:$0x3FAE]  }
0x2e: {  	s3 =	simm.s32 @!p0 $0x1082;
	s9 =	sld [smem:$0x3FAF]  }
0x2f: {  	lr =	sadd.s32 s0, s3;
	s0 =	sld [smem:$0x3FA6]  }
0x30: {  	s3 =	sld [smem:$0x3FA9]  }
0x31: {  	[smem:$0x3FB2] =	sst s10  }
0x32: {  	s10 =	sld [smem:$0x3FB0];
	_ =	sdelay $0x3  }
0x33: {  	p0 =	seq.s32 s10, $0x1;
	s10 =	sld [smem:$0x3FB2];
	_ =	sdelay $0x3  }
0x34: {  	[smem:$0x3FB2] =	sst s10  }
0x35: {  	s10 =	sld [smem:$0x3FB1];
	_ =	sdelay $0x3  }
0x36: {  	p1 =	seq.s32 s10, $0x1;
	s10 =	sld [smem:$0x3FB2];
	_ =	sdelay $0x3  }
0x37: {  	[smem:$0x3FB2] =	sst s10  }
0x38: {  	s10 =	sld [smem:$0x3FB3]  }
0x39: {  	_ = 	snop;
	(pc) =	sbr.ind lr, $3  }
0x3a: {  	_ = 	snop  }
0x3b: {  	_ = 	snop  }
0x3c: {  	p2 =	seq.s32 s10, $0x1;
	s10 =	sld [smem:$0x3FB2]  }
0x3d: {  	_ =	shalt  }
0x3e: {  	_ =	shalt  }
0x3f: {  	_ =	shalt  }
0x40: {  	_ =	shalt  }
0x41: {  	_ =	shalt  }
0x42: {  	_ =	shalt  }
0x43: {  	_ =	shalt  }
0x44: {  	_ =	shalt  }
0x45: {  	_ =	shalt  }
0x46: {  	_ =	shalt  }
0x47: {  	_ =	shalt  }
0x48: {  	_ =	shalt  }
0x49: {  	_ =	shalt  }
0x4a: {  	_ =	shalt  }
0x4b: {  	_ =	shalt  }
0x4c: {  	_ =	shalt  }
0x4d: {  	_ =	shalt  }
0x4e: {  	_ =	shalt  }
0x4f: {  	_ =	shalt  }
0x50: {  	_ =	shalt  }
0x51: {  	_ =	shalt  }
0x52: {  	_ =	shalt  }
0x53: {  	_ =	shalt  }
0x54: {  	_ =	shalt  }
0x55: {  	_ =	shalt  }
0x56: {  	_ =	shalt  }
0x57: {  	_ =	shalt  }
0x58: {  	_ =	shalt  }
0x59: {  	_ =	shalt  }
0x5a: {  	_ =	shalt  }
0x5b: {  	_ =	shalt  }
0x5c: {  	_ =	shalt  }
0x5d: {  	_ =	shalt  }
0x5e: {  	_ =	shalt  }
0x5f: {  	_ =	shalt  }
0x60: {  	_ =	shalt  }
0x61: {  	_ =	shalt  }
0x62: {  	_ =	shalt  }
0x63: {  	_ =	shalt  }
0x64: {  	_ =	shalt  }
0x65: {  	_ =	shalt  }
0x66: {  	_ =	shalt  }
0x67: {  	_ =	shalt  }
0x68: {  	_ =	shalt  }
0x69: {  	_ =	shalt  }
0x6a: {  	_ =	shalt  }
0x6b: {  	_ =	shalt  }
0x6c: {  	_ =	shalt  }
0x6d: {  	_ =	shalt  }
0x6e: {  	_ =	shalt  }
0x6f: {  	_ =	shalt  }
0x70: {  	_ =	shalt  }
0x71: {  	_ =	shalt  }
0x72: {  	_ =	shalt  }
0x73: {  	_ =	shalt  }
0x74: {  	_ =	shalt  }
0x75: {  	_ =	shalt  }
0x76: {  	_ =	shalt  }
0x77: {  	_ =	shalt  }
0x78: {  	_ =	shalt  }
0x79: {  	_ =	shalt  }
0x7a: {  	_ =	shalt  }
0x7b: {  	_ =	shalt  }
0x7c: {  	_ =	shalt  }
0x7d: {  	_ =	shalt  }
0x7e: {  	_ =	shalt  }
0x7f: {  	_ =	shalt  }
0x80: {  	_ =	shalt  }
0x81: {  	_ =	shalt  }
0x82: {  	_ =	shalt  }
0x83: {  	_ =	shalt  }
0x84: {  	_ =	shalt  }
0x85: {  	_ =	shalt  }
0x86: {  	_ =	shalt  }
0x87: {  	_ =	shalt  }
.Lfunc_end0:
.L_simem_size_0:
called_computation.3_lowered:
.L_overlay_start_0:
0x88: {  	s2 =	sld [smem:$0x3FD9]  }
0x89: {  	s3 =	sld [smem:$0x3FFE];
	_ =	sdelay $0x1  }
0x8a: {  	s1 =	srdreg.scid  }
0x8b: {  	s0 =	sand.u32 $0x1, s1  }
0x8c: {  	s17 =	sshll.u32 s0, $0xA;
	s2 =	sadd.s32 s3, s2  }
0x8d: {  	s2 =	sadd.s32 s2, s17  }
0x8e: {  	[smem:$0x3FBE] =	sst s2  }
0x8f: {  	_ = 	snop  }
0x90: {  	s18 =	sld [smem:$0x3FC4];
	(tm) =	ssettm $0x1  }
0x91: {  	s19 =	sld [smem:$0x3FFB];
	_ =	sdelay $0x3  }
0x92: {  	_ =	strace s19  }
0x93: {  	s2 =	sld [smem:$0x3FFC];
	_ =	sdelay $0x3  }
0x94: {  	_ =	strace s2  }
0x95: {  	s2 =	sld [smem:$0x3FFD];
	_ =	sdelay $0x3  }
0x96: {  	_ =	strace s2  }
0x97: {  	_ =	strace $0x8FFFFFFF  }
0x98: {  	s20 =	sld [smem:$0x3FDB];
	_ =	sdelay $0x1  }
0x99: {  	s4 =	simm.s32 $_scs_section_size  }
0x9a: {  	s5 =	simm.s32 $_size__tile_overlayer_lowered;
	s6 =	simm.s32 $_tile_overlayer_lowered  }
0x9b: {  	s7 =	simm.s32 $0x1BFF;
	s21 =	sshll.u32 s6, $0x1;
	s4 =	sadd.s32 s4, s20  }
0x9c: {  	s22 =	simm.s32 $0x0;
	s5 =	sshll.u32 s5, $0x1;
	s6 =	sadd.s32 s21, s4  }
0x9d: {  	[timem:s22], [sflag:s7] =	dma.local [hbm:s6], s5  }
0x9e: {  	_ =	swait.ge [sflag:s7], s5  }
0x9f: {  	s5 =	ssub.s32 $0x0, s5;
	[sflag:s7] =	ssyncset.done $0x0  }
0xa0: {  	[sflag:s7] =	ssyncadd.s32 s5;
	_ =	sdelay $0x1  }
0xa1: {  	s23 =	simm.s32 $0x1B8B  }
0xa2: {  	_ =	swait.ge [sflag:s23], $0x1  }
0xa3: {  	[sflag:s23] =	ssyncset.done $0x0  }
0xa4: {  	[sflag:s23] =	ssyncadd.s32 $0xFFFFFFFF  }
0xa5: {  	s5 =	sld [smem:$0x0]  }
0xa6: {  	s6 =	sand.u32 $0xFFFFFFFE, s1  }
0xa7: {  	p0 =	sne.s32 s1, s6  }
0xa8: {  	s6 =	sshll.u32 @p0 s6, $0xE  }
0xa9: {  	s6 =	sadd.s32 @p0 $0x11B8D, s6;
	s7 =	sshll.u32 @p0 s5, $0x11  }
0xaa: {  	s6 =	sor.u32 @p0 s7, s6  }
0xab: {  	[sflag:s6] =	ssyncadd.remote.s32 @p0 $0x1;
	_ =	sdelay $0x1  }
0xac: {  	s6 =	simm.s32 @p0 $0x1B8D  }
0xad: {  	_ =	swait.eq @p0 [sflag:s6], $0x1  }
0xae: {  	[sflag:s6] =	ssyncadd.s32 @p0 $0xFFFFFFFF  }
0xaf: {  	s7 =	sshll.u32 @!p0 s1, $0xE  }
0xb0: {  	s7 =	sor.u32 @!p0 $0x4000, s7;
	s6 =	simm.s32 @!p0 $0x1B8D  }
0xb1: {  	s5 =	sshll.u32 @!p0 s5, $0x11;
	s7 =	sadd.s32 @!p0 $0x11B8D, s7;
	_ =	swait.eq @!p0 [sflag:s6], $0x1  }
0xb2: {  	s5 =	sor.u32 @!p0 s5, s7;
	[sflag:s6] =	ssyncadd.s32 @!p0 $0xFFFFFFFF  }
0xb3: {  	s25 =	simm.s32 $0x1B8E;
	s24 =	sld [smem:$0x3FFE];
	[sflag:s5] =	ssyncadd.remote.s32 @!p0 $0x1  }
0xb4: {  	s26 =	simm.s32 $execute0_lowered;
	[smem:$0x3FD2] =	sst s25  }
0xb5: {  	s6 =	sshll.u32 s26, $0x1;
	_ =	strace $0x80000052;
	[dreg:$0x1] =	wrdreg $0xFFFFFFFF  }
0xb6: {  	s28 =	simm.s32 $_size_execute0_lowered;
	s4 =	sadd.s32 s4, s6;
	[dreg:$0x0] =	wrdreg $0x0  }
0xb7: {  	s6 =	sshll.u32 s28, $0x1;
	[dreg:$0x2] =	wrdreg s4  }
0xb8: {  	[dreg:$0x3] =	wrdreg s6  }
0xb9: {  	[dreg:$0x4] =	wrdreg $0xC0  }
0xba: {  	_ =	task [dreg:s22], $0x5FFFF  }
0xbb: {  	[dreg:$0x1] =	wrdreg $0xFFFFFFFF  }
0xbc: {  	[dreg:$0x0] =	wrdreg $0x60  }
0xbd: {  	[dreg:$0x2] =	wrdreg s18  }
0xbe: {  	[dreg:$0x3] =	wrdreg s24  }
0xbf: {  	[dreg:$0x4] =	wrdreg $0xA  }
0xc0: {  	_ =	task.clear_ibuf [dreg:s22], $0x5FFFF;
	_ =	strace $0x90000052  }
0xc1: {  	s29 =	simm.s32 $0xA;
	_ =	strace $0x80000054  }
0xc2: {  	_ =	swait.ge [sflag:s29], $0x1  }
0xc3: {  	[sflag:s29] =	ssyncadd.s32 $0xFFFFFFFF  }
0xc4: {  	_ =	strace $0x90000054  }
0xc5: {  	_ =	sfence  }
0xc6: {  	s30 =	sld [smem:$0x0];
	_ =	sdelay $0x2  }
0xc7: {  	s31 =	sshll.u32 s1, $0xD;
	s1 =	sshrl.u32 s1, $0x2  }
0xc8: {  	s4 =	sand.u32 $0x4000, s31;
	s1 =	sadd.s32 s1, s30  }
0xc9: {  	s0 =	sor.u32 s4, s0;
	s1 =	sshll.u32 s1, $0x11  }
0xca: {  	s0 =	sor.u32 s1, s0  }
0xcb: {  	s0 =	sadd.s32 $0x8F2B, s0  }
0xcc: {  	[sflag:s0] =	ssyncadd.remote.s32 $0x1  }
0xcd: {  	_ =	sfence.sel $0xFFFF  }
0xce: {  	[dreg:$0x0] =	wrdreg $0xFFFFFFFF;
	(pc) =	sbr.abs _section_cstart, $3  }
0xcf: {  	[dreg:$0x1] =	wrdreg $0xFFFFFFFF  }
0xd0: {  	_ =	task.clear_ibuf [dreg:s22], $0x2FFFF;
	_ =	strace $0x9FFFFFFF  }
0xd1: {  	(tm) =	ssettm $0x7FFFFFFF  }
tec
execute0_lowered:
.L_overlay_start_1:
0x0: {  	(tag) =	ssettag $0x1  }
0x1: {  	s0 =	stileid.u32  }
0x2: {  	s1 =	srdreg.scid;
	s2 =	rddreg [dreg:$0x0]  }
0x3: {  	s7 =	rddreg [dreg:$0x1];
	s4 =	simm.s32 $0x1;
	s10 =	simm.s32 $0x1  }
0x4: {  	s11 =	simm.s32 $0x3;
	s1 =	sand.u32 $0x1, s1;
	s3 =	sshll.u32 s0, $0x1  }
0x5: {  	s6 =	sor.u32 s3, s1;
	s1 =	rddreg [dreg:$0x2];
	_ =	strace $0x80000053  }
0x6: {  	s3 =	smul.u32 $0x1400, s6;
	p0 =	seq.s32 s6, $0x0;
	s6 =	simm.s32 $0x28000  }
0x7: {  	s12 =	simm.s32 $0x0;
	[sflag:s4] =	ssyncpa.u1 $0x0;
	s6 =	simm.s32 @!p0 $0x0  }
0x8: {  	s10 =	simm.s32 @!p0 $0x0;
	s5 =	sshrl.u32 s3, $0x3;
	s9 =	ssub.s32 $0x28000, s3  }
.Ltmp0:
0x9: {  	s8 =	sadd.s32 s5, s7;
	s5 =	simm.s32 $0x2;
	(pc) =	sbr.rel .LBB2_1-.Ltmp0, $4  }
0xa: {  	p0 =	sne.s32 s9, s6;
	s9 =	simm.s32 $0x1;
	s6 =	sadd.s32 $0xB8CA00, s7  }
0xb: {  	[sflag:s5] =	ssyncpa.u1 $0x0;
	s9 =	simm.s32 @!p0 $0x0;
	s8 =	sadd.s32 $0xBC7600, s8  }
0xc: {  	p0 =	por $0x0, $0x0;
	[sflag:s11] =	ssyncpa.u1 $0x0;
	s7 =	sadd.s32 s10, s9  }
0xd: {  	vm0 =	vmmov $0xffff;
	s10 =	simm.s32 $0x0;
	s11 =	simm.s32 $0x0;
	s9 =	sadd.s32 $0x1, s7  }
.LBB2_4:
0xe: {  	_ =	sdelay $0x2  }
0xf: {  	s14 =	sadd.s32 s18, s13  }
0x10: {  	[tilespmem:s14], [sflag:$0x1] =	stream.indirect_vreg.gather [hbm4b:s2+s10], $0x1, v0, vm0, $0x4038;
	[tilespmem:$0x16800] =	vst v63  }
0x11: {  	_ =	swait.ge [sflag:s4], $0xA000  }
0x12: {  	[sflag:s4] =	ssyncset.done $0x0  }
0x13: {  	s12 =	sadd.s32 s6, s12;
	[sflag:s4] =	ssyncadd.s32 $0xFFFF6000  }
0x14: {  	[hbm:s12] =	stream.linear.scatter [tilespmem:s13], [sflag:$0x3], $0xA000, $0x38;
	[tilespmem:$0x16800] =	vst v63  }
.LBB2_5:
0x15: {  	p2 =	sne.s32 s11, s9  }
.Ltmp1:
0x16: {  	p1 =	slt.u32 s11, $0x2;
	(pc) =	sbr.rel @!p2 .LBB2_6-.Ltmp1, $4  }
0x17: {  	s12 =	simm.s32 @!p1 $0x3  }
0x18: {  	_ =	swait.ge @!p1 [sflag:s12], $0xA000  }
0x19: {  	s13 =	sadd.s32 $0x1, s11;
	p0 =	por !p0, !p0;
	[sflag:s12] =	ssyncset.done @!p1 $0x0  }
0x1a: {  	s11 =	smov.u32 s13;
	[sflag:s12] =	ssyncadd.s32 @!p1 $0xFFFF6000;
	s12 =	smov.u32 s3  }
.LBB2_1:
0x1b: {  	p1 =	sge.u32 s11, s7  }
0x1c: {  	s13 =	sxor.u32 @!p1 $0x1, s11  }
0x1d: {  	s13 =	smul.u32 @!p1 $0x5000, s13;
	_ =	sdelay $0x1  }
0x1e: {  	s31 =	sadd.s32 $0xFFFFFFFF, s11;
	s14 =	simm.s32 @!p1 $0x0;
	s13 =	sshra.s32 @!p1 s13, $0x2  }
0x1f: {  	[tilespmem:s13], [sflag:$0x2] =	stream.linear.gather @!p1 [hbm4b:s8+s14], $0x1400, $0x38;
	[tilespmem:$0x16800] =	vst v63  }
0x20: {  	p1 =	sge.u32 s31, s7  }
.Ltmp2:
0x21: {  	_ = 	snop;
	(pc) =	sbr.rel @p1 .LBB2_5-.Ltmp2, $1  }
0x22: {  	_ =	sdelay $0x3  }
0x23: {  	s13 =	simm.s32 $0x1  }
0x24: {  	s13 =	simm.s32 @!p0 $0x0  }
0x25: {  	_ =	swait.ge [sflag:s5], $0x1400;
	s13 =	smul.u32 $0x5000, s13  }
0x26: {  	[sflag:s5] =	ssyncset.done $0x0  }
0x27: {  	[sflag:s5] =	ssyncadd.s32 $0xFFFFEC00;
	s16 =	sshrl.u32 s13, $0x2  }
0x28: {  	v0 =	vld.msk [tilespmem:s16+$0x0 ss:$0x1], $0xffff;
	_ =	sdelay $0x4  }
0x29: {  	vm1 =	vgt.s32 v0, $0x0  }
0x2a: {  	v0 =	vnsel vm1, $0x0, v0  }
0x2b: {  	v0 =	vmin.u32 v0, $0xF423F  }
0x2c: {  	s25 =	sand.u32 $0x1, s11;
	v1 =	vshll.u32 v0, $0x3  }
0x2d: {  	s13 =	smul.u32 $0x28000, s25;
	v0 =	vand.u32 $0x7F, v0;
	v1 =	vand.u32 $0x7FFC00, v1  }
0x2e: {  	v0 =	vor.u32 v0, v1  }
0x2f: {  	s14 =	simm.s32 $0x0;
	s13 =	sshrl.u32 s13, $0x2  }
0x30: {  	s15 =	sand.u32 $0xFC00, s14;
	s13 =	sadd.s32 $0x2800, s13  }
0x31: {  	s17 =	sand.u32 $0x70, s14;
	(ifvalue) =	ssetifvalue $0x7FFFFFFF;
	s15 =	sadd.s32 s15, s13;
	v1 =	vor.u32 $0x80, v0  }
0x32: {  	(ifvalue) =	ssetifvalue $0x7FFFFFFF;
	s15 =	sadd.s32 s17, s15  }
0x33: {  	[tilespmem:s15], [sflag:$0x1] =	stream.indirect_vreg.gather [hbm4b:s2+s10], $0x1, v0, vm0, $0x4038;
	[tilespmem:$0x16800] =	vst v63  }
0x34: {  	v2 =	vor.u32 $0x100, v0;
	(ifvalue) =	ssetifvalue $0x7FFFFFFF  }
0x35: {  	s17 =	sadd.s32 $0x80, s15;
	(ifvalue) =	ssetifvalue $0x7FFFFFFF  }
0x36: {  	[tilespmem:s17], [sflag:$0x1] =	stream.indirect_vreg.gather [hbm4b:s2+s10], $0x1, v1, vm0, $0x4038;
	[tilespmem:$0x16800] =	vst v63  }
0x37: {  	v1 =	vor.u32 $0x180, v0;
	(ifvalue) =	ssetifvalue $0x7FFFFFFF  }
0x38: {  	s26 =	sadd.s32 $0x100, s15;
	(ifvalue) =	ssetifvalue $0x7FFFFFFF  }
0x39: {  	[tilespmem:s26], [sflag:$0x1] =	stream.indirect_vreg.gather [hbm4b:s2+s10], $0x1, v2, vm0, $0x4038;
	[tilespmem:$0x16800] =	vst v63  }
0x3a: {  	v2 =	vor.u32 $0x200, v0;
	(ifvalue) =	ssetifvalue $0x7FFFFFFF  }
0x3b: {  	s28 =	sadd.s32 $0x180, s15;
	(ifvalue) =	ssetifvalue $0x7FFFFFFF  }
0x3c: {  	[tilespmem:s28], [sflag:$0x1] =	stream.indirect_vreg.gather [hbm4b:s2+s10], $0x1, v1, vm0, $0x4038;
	[tilespmem:$0x16800] =	vst v63  }
0x3d: {  	(ifvalue) =	ssetifvalue $0x7FFFFFFF;
	v1 =	vor.u32 $0x280, v0  }
0x3e: {  	s29 =	sadd.s32 $0x200, s15;
	(ifvalue) =	ssetifvalue $0x7FFFFFFF  }
0x3f: {  	[tilespmem:s29], [sflag:$0x1] =	stream.indirect_vreg.gather [hbm4b:s2+s10], $0x1, v2, vm0, $0x4038;
	[tilespmem:$0x16800] =	vst v63  }
0x40: {  	(ifvalue) =	ssetifvalue $0x7FFFFFFF;
	v2 =	vor.u32 $0x300, v0  }
0x41: {  	s31 =	sand.u32 $0x7, s14;
	s30 =	sadd.s32 $0x280, s15;
	(ifvalue) =	ssetifvalue $0x7FFFFFFF  }
0x42: {  	[tilespmem:s30], [sflag:$0x1] =	stream.indirect_vreg.gather [hbm4b:s2+s10], $0x1, v1, vm0, $0x4038;
	[tilespmem:$0x16800] =	vst v63  }
0x43: {  	s17 =	sshll.u32 s31, $0x4;
	(ifvalue) =	ssetifvalue $0x7FFFFFFF  }
0x44: {  	s15 =	sadd.s32 $0x300, s15;
	s17 =	sadd.s32 $0x0, s17;
	v0 =	vor.u32 $0x380, v0;
	(ifvalue) =	ssetifvalue $0x7FFFFFFF  }
0x45: {  	[tilespmem:s15], [sflag:$0x1] =	stream.indirect_vreg.gather [hbm4b:s2+s10], $0x1, v2, vm0, $0x4038;
	[tilespmem:$0x16800] =	vst v63  }
0x46: {  	s16 =	sadd.s32 $0x10, s16;
	s18 =	sor.u32 $0x380, s17;
	(ifvalue) =	ssetifvalue $0x7FFFFFFF  }
0x47: {  	s17 =	simm.s32 $0x0;
	s15 =	simm.s32 $0x10;
	(ifvalue) =	ssetifvalue $0x7FFFFFFF  }
.LBB2_3:
0x48: {  	s18 =	sadd.s32 s18, s13;
	s14 =	sadd.s32 $0x80, s14;
	s17 =	sadd.s32 $0x1, s17  }
0x49: {  	[tilespmem:s18], [sflag:$0x1] =	stream.indirect_vreg.gather [hbm4b:s2+s10], $0x1, v0, vm0, $0x4038;
	[tilespmem:$0x16800] =	vst v63  }
0x4a: {  	p1 =	sne.s32 s15, $0x13F0;
	s18 =	smov.u32 s15;
	s15 =	sadd.s32 $0x10, s15;
	v0 =	vld.msk [tilespmem:s16+$0x0 ss:$0x1], $0xffff  }
0x4b: {  	(ifvalue) =	ssetifvalue $0x7FFFFFFF;
	_ =	sdelay $0x4  }
0x4c: {  	vm1 =	vgt.s32 v0, $0x0  }
0x4d: {  	v0 =	vnsel vm1, $0x0, v0  }
0x4e: {  	v0 =	vmin.u32 v0, $0xF423F  }
0x4f: {  	v1 =	vshll.u32 v0, $0x3  }
0x50: {  	v0 =	vand.u32 $0x7F, v0;
	v1 =	vand.u32 $0x7FFC00, v1  }
0x51: {  	v0 =	vor.u32 v0, v1;
	_ =	sdelay $0x1  }
0x52: {  	s19 =	sand.u32 $0xFC00, s14  }
0x53: {  	s18 =	sand.u32 $0x70, s18;
	s19 =	sadd.s32 s19, s13;
	v1 =	vor.u32 $0x80, v0  }
0x54: {  	s18 =	sadd.s32 s18, s19;
	(ifvalue) =	ssetifvalue $0x7FFFFFFF  }
0x55: {  	[tilespmem:s18], [sflag:$0x1] =	stream.indirect_vreg.gather [hbm4b:s2+s10], $0x1, v0, vm0, $0x4038;
	[tilespmem:$0x16800] =	vst v63  }
0x56: {  	v2 =	vor.u32 $0x100, v0;
	(ifvalue) =	ssetifvalue $0x7FFFFFFF  }
0x57: {  	s19 =	sadd.s32 $0x80, s18;
	(ifvalue) =	ssetifvalue $0x7FFFFFFF  }
0x58: {  	[tilespmem:s19], [sflag:$0x1] =	stream.indirect_vreg.gather [hbm4b:s2+s10], $0x1, v1, vm0, $0x4038;
	[tilespmem:$0x16800] =	vst v63  }
0x59: {  	v1 =	vor.u32 $0x180, v0;
	(ifvalue) =	ssetifvalue $0x7FFFFFFF  }
0x5a: {  	s19 =	sadd.s32 $0x100, s18;
	(ifvalue) =	ssetifvalue $0x7FFFFFFF  }
0x5b: {  	[tilespmem:s19], [sflag:$0x1] =	stream.indirect_vreg.gather [hbm4b:s2+s10], $0x1, v2, vm0, $0x4038;
	[tilespmem:$0x16800] =	vst v63  }
0x5c: {  	v2 =	vor.u32 $0x200, v0;
	(ifvalue) =	ssetifvalue $0x7FFFFFFF  }
0x5d: {  	s19 =	sadd.s32 $0x180, s18;
	(ifvalue) =	ssetifvalue $0x7FFFFFFF  }
0x5e: {  	[tilespmem:s19], [sflag:$0x1] =	stream.indirect_vreg.gather [hbm4b:s2+s10], $0x1, v1, vm0, $0x4038;
	[tilespmem:$0x16800] =	vst v63  }
0x5f: {  	v1 =	vor.u32 $0x280, v0;
	(ifvalue) =	ssetifvalue $0x7FFFFFFF  }
0x60: {  	s19 =	sadd.s32 $0x200, s18;
	(ifvalue) =	ssetifvalue $0x7FFFFFFF  }
0x61: {  	[tilespmem:s19], [sflag:$0x1] =	stream.indirect_vreg.gather [hbm4b:s2+s10], $0x1, v2, vm0, $0x4038;
	[tilespmem:$0x16800] =	vst v63  }
0x62: {  	v2 =	vor.u32 $0x300, v0;
	(ifvalue) =	ssetifvalue $0x7FFFFFFF  }
0x63: {  	s19 =	sadd.s32 $0x280, s18;
	(ifvalue) =	ssetifvalue $0x7FFFFFFF  }
0x64: {  	[tilespmem:s19], [sflag:$0x1] =	stream.indirect_vreg.gather [hbm4b:s2+s10], $0x1, v1, vm0, $0x4038;
	[tilespmem:$0x16800] =	vst v63  }
.Ltmp3:
0x65: {  	v0 =	vor.u32 $0x380, v0;
	s19 =	sand.u32 $0x7, s17;
	(ifvalue) =	ssetifvalue $0x7FFFFFFF;
	(pc) =	sbr.rel @p1 .LBB2_3-.Ltmp3, $4  }
0x66: {  	s18 =	sadd.s32 $0x300, s18;
	s19 =	sshll.u32 s19, $0x4;
	(ifvalue) =	ssetifvalue $0x7FFFFFFF  }
0x67: {  	[tilespmem:s18], [sflag:$0x1] =	stream.indirect_vreg.gather [hbm4b:s2+s10], $0x1, v2, vm0, $0x4038;
	[tilespmem:$0x16800] =	vst v63  }
0x68: {  	s18 =	sadd.s32 s19, s14;
	(ifvalue) =	ssetifvalue $0x7FFFFFFF  }
0x69: {  	s16 =	sadd.s32 $0x10, s16;
	s18 =	sor.u32 $0x380, s18;
	(ifvalue) =	ssetifvalue $0x7FFFFFFF  }
.Ltmp4:
0x6a: {  	_ = 	snop;
	(pc) =	sbr.rel .LBB2_4-.Ltmp4, $1  }
0x6b: {  	_ =	sdelay $0x3  }
.LBB2_6:
0x6c: {  	_ =	sfence.sel $0x180000  }
0x6d: {  	s2 =	simm.s32 $0x2;
	[bflag:$0x0] =	sbarrier.arrive $0xFFFF  }
0x6e: {  	s30 =	simm.s32 $0x3;
	[sflag:s2] =	ssyncpa.u1 $0x1  }
0x6f: {  	s31 =	simm.s32 $0x1;
	[sflag:s30] =	ssyncpa.u1 $0x1  }
0x70: {  	[sflag:s31] =	ssyncpa.u1 $0x1  }
0x71: {  	p0 =	sne.s32 s0, $0x0;
	_ =	strace $0x90000053  }
0x72: {  	s0 =	sadd.s32 @!p0 $0x100000, s1;
	[bflag:$0x2] =	sbarrier.arrive $0xFFFF  }
0x73: {  	[sflag:s0] =	ssyncadd.tile.s32 @!p0 $0x1;
	_ =	shalt  }
.Lfunc_end2:
_tile_overlayer_lowered:
.L_overlay_start_2:
0x74: {  	(tag) =	ssettag $0x2  }
0x75: {  	s0 =	rddreg [dreg:$0x0];
	s2 =	stileid.u32  }
0x76: {  	s1 =	rddreg [dreg:$0x1];
	p0 =	sne.s32 s2, $0x0  }
0x77: {  	s3 =	rddreg [dreg:$0x2];
	[bflag:$0x3] =	sbarrier.arrive $0xFFFF;
	s2 =	simm.s32 @!p0 $0x1C01  }
0x78: {  	[timem:s3], [sflag:s2] =	dma.local @!p0 [hbm:s0], s1  }
0x79: {  	s0 =	simm.s32 @!p0 $0x1  }
0x7a: {  	_ =	swait.ge @!p0 [sflag:s0], s1  }
0x7b: {  	s1 =	ssub.s32 @!p0 $0x0, s1;
	[sflag:s0] =	ssyncset.done @!p0 $0x0  }
0x7c: {  	[sflag:s0] =	ssyncadd.s32 @!p0 s1  }
0x7d: {  	[bflag:$0x3] =	sbarrier.arrive $0xFFFF  }
0x7e: {  	_ =	shalt  }

// kernel: gather_offload_async_start.4
scs
__scs_entry_jumppad:
0x0: {  	(pc) =	sbr.rel $0x88, $3  }
0x1: {  	(tag) =	ssettag $0x0;
	lr =	simm.s32 $0x1  }
0x2: {  	[smem:$0x3F97] =	sst lr;
	_ =	strace $0xD0000000  }
0x3: {  	_ = 	snop  }
0x4: {  	_ = 	snop  }
0x5: {  	_ = 	snop  }
0x6: {  	_ = 	snop  }
0x7: {  	_ = 	snop  }
__scs_overlays_trampoline_lowered:
0x8: {  	[smem:$0x3FA6] =	sst s0  }
0x9: {  	[smem:$0x3FA7] =	sst s1  }
0xa: {  	[smem:$0x3FA8] =	sst s2  }
0xb: {  	[smem:$0x3FA9] =	sst s3  }
0xc: {  	[smem:$0x3FAA] =	sst s4  }
0xd: {  	[smem:$0x3FAB] =	sst s5  }
0xe: {  	[smem:$0x3FAC] =	sst s6  }
0xf: {  	[smem:$0x3FAD] =	sst s7  }
0x10: {  	[smem:$0x3FAE] =	sst s8  }
0x11: {  	[smem:$0x3FAF] =	sst s9;
	s0 =	simm.s32 @!p0 $0x0  }
0x12: {  	s1 =	sld [smem:$0x3F95];
	s0 =	simm.s32 @p0 $0x1  }
0x13: {  	[smem:$0x3FB0] =	sst s0;
	s0 =	simm.s32 @!p1 $0x0  }
0x14: {  	s2 =	sld [smem:$0x3F94];
	s0 =	simm.s32 @p1 $0x1  }
0x15: {  	[smem:$0x3FB1] =	sst s0;
	s0 =	simm.s32 @!p2 $0x0  }
0x16: {  	s3 =	sld [smem:$0x3FDB];
	s0 =	simm.s32 @p2 $0x1  }
0x17: {  	s4 =	simm.s32 $0x1BF5;
	[smem:$0x3FB3] =	sst s0  }
0x18: {  	s0 =	sld [smem:$0x3F96];
	_ =	swait.ge [sflag:s4], $0x0  }
0x19: {  	s7 =	sld [smem:$0x3F97]  }
0x1a: {  	s8 =	sadd.s32 $0xFFFFE003, lr  }
0x1b: {  	s9 =	sadd.s32 $0xFFFFFEF7, lr;
	s5 =	simm.s32 $0xFFFFFFFF;
	p2 =	slt.u32 s8, $0xFFFFF086  }
0x1c: {  	p1 =	slt.u32 s9, $0xF7A;
	s5 =	simm.s32 @!p2 $0x0  }
0x1d: {  	s5 =	simm.s32 @p1 $0x1;
	p0 =	seq.s32 s7, s2  }
0x1e: {  	s7 =	smul.u32 @!p0 $0xF7A, s2;
	p2 =	seq.s32 @!p0 s5, $0x0  }
0x1f: {  	s9 =	smul.u32 $0xF7A, s1;
	s8 =	simm.s32 @!p0 $0x1BF5;
	p2 =	por !p2, p0  }
0x20: {  	[sflag:s8] =	ssyncset.s32 @!p0 $0xFFFFF086;
	s6 =	sadd.s32 @!p0 s3, s7;
	s7 =	simm.s32 @!p0 $0x108  }
0x21: {  	s3 =	sadd.s32 s3, s9;
	s6 =	sadd.s32 @!p0 $0x88, s6;
	s7 =	simm.s32 @p2 $0x1082  }
0x22: {  	[simem:s7], [sflag:s8] =	dma.local @!p0 [hbm:s6], $0xF7A  }
0x23: {  	s9 =	sor.u32 $0xD0000000, s2;
	s6 =	simm.s32 $0x108;
	_ =	swait.ge @!p0 [sflag:s8], $0x0  }
0x24: {  	s3 =	sadd.s32 $0x88, s3;
	s6 =	simm.s32 @!p1 $0x1082;
	[sflag:s4] =	ssyncset.s32 $0xFFFFF086  }
0x25: {  	[simem:s6], [sflag:s4] =	dma.local [hbm:s3], $0xF7A  }
0x26: {  	[smem:$0x3F97] =	sst s1;
	(tag) =	ssettag s2;
	_ =	strace s9  }
0x27: {  	s1 =	sld [smem:$0x3FA7]  }
0x28: {  	s2 =	sld [smem:$0x3FA8]  }
0x29: {  	s4 =	sld [smem:$0x3FAA]  }
0x2a: {  	p0 =	seq.s32 s5, $0x0;
	s5 =	sld [smem:$0x3FAB]  }
0x2b: {  	s6 =	sld [smem:$0x3FAC]  }
0x2c: {  	s7 =	sld [smem:$0x3FAD]  }
0x2d: {  	s3 =	simm.s32 $0x108;
	s8 =	sld [smem:$0x3FAE]  }
0x2e: {  	s3 =	simm.s32 @!p0 $0x1082;
	s9 =	sld [smem:$0x3FAF]  }
0x2f: {  	lr =	sadd.s32 s0, s3;
	s0 =	sld [smem:$0x3FA6]  }
0x30: {  	s3 =	sld [smem:$0x3FA9]  }
0x31: {  	[smem:$0x3FB2] =	sst s10  }
0x32: {  	s10 =	sld [smem:$0x3FB0];
	_ =	sdelay $0x3  }
0x33: {  	p0 =	seq.s32 s10, $0x1;
	s10 =	sld [smem:$0x3FB2];
	_ =	sdelay $0x3  }
0x34: {  	[smem:$0x3FB2] =	sst s10  }
0x35: {  	s10 =	sld [smem:$0x3FB1];
	_ =	sdelay $0x3  }
0x36: {  	p1 =	seq.s32 s10, $0x1;
	s10 =	sld [smem:$0x3FB2];
	_ =	sdelay $0x3  }
0x37: {  	[smem:$0x3FB2] =	sst s10  }
0x38: {  	s10 =	sld [smem:$0x3FB3]  }
0x39: {  	_ = 	snop;
	(pc) =	sbr.ind lr, $3  }
0x3a: {  	_ = 	snop  }
0x3b: {  	_ = 	snop  }
0x3c: {  	p2 =	seq.s32 s10, $0x1;
	s10 =	sld [smem:$0x3FB2]  }
0x3d: {  	_ =	shalt  }
0x3e: {  	_ =	shalt  }
0x3f: {  	_ =	shalt  }
0x40: {  	_ =	shalt  }
0x41: {  	_ =	shalt  }
0x42: {  	_ =	shalt  }
0x43: {  	_ =	shalt  }
0x44: {  	_ =	shalt  }
0x45: {  	_ =	shalt  }
0x46: {  	_ =	shalt  }
0x47: {  	_ =	shalt  }
0x48: {  	_ =	shalt  }
0x49: {  	_ =	shalt  }
0x4a: {  	_ =	shalt  }
0x4b: {  	_ =	shalt  }
0x4c: {  	_ =	shalt  }
0x4d: {  	_ =	shalt  }
0x4e: {  	_ =	shalt  }
0x4f: {  	_ =	shalt  }
0x50: {  	_ =	shalt  }
0x51: {  	_ =	shalt  }
0x52: {  	_ =	shalt  }
0x53: {  	_ =	shalt  }
0x54: {  	_ =	shalt  }
0x55: {  	_ =	shalt  }
0x56: {  	_ =	shalt  }
0x57: {  	_ =	shalt  }
0x58: {  	_ =	shalt  }
0x59: {  	_ =	shalt  }
0x5a: {  	_ =	shalt  }
0x5b: {  	_ =	shalt  }
0x5c: {  	_ =	shalt  }
0x5d: {  	_ =	shalt  }
0x5e: {  	_ =	shalt  }
0x5f: {  	_ =	shalt  }
0x60: {  	_ =	shalt  }
0x61: {  	_ =	shalt  }
0x62: {  	_ =	shalt  }
0x63: {  	_ =	shalt  }
0x64: {  	_ =	shalt  }
0x65: {  	_ =	shalt  }
0x66: {  	_ =	shalt  }
0x67: {  	_ =	shalt  }
0x68: {  	_ =	shalt  }
0x69: {  	_ =	shalt  }
0x6a: {  	_ =	shalt  }
0x6b: {  	_ =	shalt  }
0x6c: {  	_ =	shalt  }
0x6d: {  	_ =	shalt  }
0x6e: {  	_ =	shalt  }
0x6f: {  	_ =	shalt  }
0x70: {  	_ =	shalt  }
0x71: {  	_ =	shalt  }
0x72: {  	_ =	shalt  }
0x73: {  	_ =	shalt  }
0x74: {  	_ =	shalt  }
0x75: {  	_ =	shalt  }
0x76: {  	_ =	shalt  }
0x77: {  	_ =	shalt  }
0x78: {  	_ =	shalt  }
0x79: {  	_ =	shalt  }
0x7a: {  	_ =	shalt  }
0x7b: {  	_ =	shalt  }
0x7c: {  	_ =	shalt  }
0x7d: {  	_ =	shalt  }
0x7e: {  	_ =	shalt  }
0x7f: {  	_ =	shalt  }
0x80: {  	_ =	shalt  }
0x81: {  	_ =	shalt  }
0x82: {  	_ =	shalt  }
0x83: {  	_ =	shalt  }
0x84: {  	_ =	shalt  }
0x85: {  	_ =	shalt  }
0x86: {  	_ =	shalt  }
0x87: {  	_ =	shalt  }
.Lfunc_end0:
.L_simem_size_0:
called_computation.4_lowered:
.L_overlay_start_0:
0x88: {  	s2 =	sld [smem:$0x3FD9]  }
0x89: {  	s3 =	sld [smem:$0x3FFE];
	_ =	sdelay $0x1  }
0x8a: {  	s1 =	srdreg.scid  }
0x8b: {  	s0 =	sand.u32 $0x1, s1  }
0x8c: {  	s17 =	sshll.u32 s0, $0xA;
	s2 =	sadd.s32 s3, s2  }
0x8d: {  	s2 =	sadd.s32 s2, s17  }
0x8e: {  	[smem:$0x3FBE] =	sst s2  }
0x8f: {  	_ = 	snop  }
0x90: {  	s18 =	sld [smem:$0x3FD0];
	(tm) =	ssettm $0x1  }
0x91: {  	s19 =	sld [smem:$0x3FFB];
	_ =	sdelay $0x3  }
0x92: {  	_ =	strace s19  }
0x93: {  	s2 =	sld [smem:$0x3FFC];
	_ =	sdelay $0x3  }
0x94: {  	_ =	strace s2  }
0x95: {  	s2 =	sld [smem:$0x3FFD];
	_ =	sdelay $0x3  }
0x96: {  	_ =	strace s2  }
0x97: {  	_ =	strace $0x8FFFFFFF  }
0x98: {  	s20 =	sld [smem:$0x3FDB];
	_ =	sdelay $0x1  }
0x99: {  	s4 =	simm.s32 $_scs_section_size  }
0x9a: {  	s5 =	simm.s32 $_size__tile_overlayer_lowered;
	s6 =	simm.s32 $_tile_overlayer_lowered  }
0x9b: {  	s7 =	simm.s32 $0x1BFF;
	s21 =	sshll.u32 s6, $0x1;
	s4 =	sadd.s32 s4, s20  }
0x9c: {  	s22 =	simm.s32 $0x0;
	s5 =	sshll.u32 s5, $0x1;
	s6 =	sadd.s32 s21, s4  }
0x9d: {  	[timem:s22], [sflag:s7] =	dma.local [hbm:s6], s5  }
0x9e: {  	_ =	swait.ge [sflag:s7], s5  }
0x9f: {  	s5 =	ssub.s32 $0x0, s5;
	[sflag:s7] =	ssyncset.done $0x0  }
0xa0: {  	[sflag:s7] =	ssyncadd.s32 s5;
	_ =	sdelay $0x1  }
0xa1: {  	s23 =	simm.s32 $0x1B8B  }
0xa2: {  	_ =	swait.ge [sflag:s23], $0x1  }
0xa3: {  	[sflag:s23] =	ssyncset.done $0x0  }
0xa4: {  	[sflag:s23] =	ssyncadd.s32 $0xFFFFFFFF  }
0xa5: {  	s5 =	sld [smem:$0x0]  }
0xa6: {  	s6 =	sand.u32 $0xFFFFFFFE, s1  }
0xa7: {  	p0 =	sne.s32 s1, s6  }
0xa8: {  	s6 =	sshll.u32 @p0 s6, $0xE  }
0xa9: {  	s6 =	sadd.s32 @p0 $0x11B8D, s6;
	s7 =	sshll.u32 @p0 s5, $0x11  }
0xaa: {  	s6 =	sor.u32 @p0 s7, s6  }
0xab: {  	[sflag:s6] =	ssyncadd.remote.s32 @p0 $0x1;
	_ =	sdelay $0x1  }
0xac: {  	s6 =	simm.s32 @p0 $0x1B8D  }
0xad: {  	_ =	swait.eq @p0 [sflag:s6], $0x1  }
0xae: {  	[sflag:s6] =	ssyncadd.s32 @p0 $0xFFFFFFFF  }
0xaf: {  	s7 =	sshll.u32 @!p0 s1, $0xE  }
0xb0: {  	s7 =	sor.u32 @!p0 $0x4000, s7;
	s6 =	simm.s32 @!p0 $0x1B8D  }
0xb1: {  	s5 =	sshll.u32 @!p0 s5, $0x11;
	s7 =	sadd.s32 @!p0 $0x11B8D, s7;
	_ =	swait.eq @!p0 [sflag:s6], $0x1  }
0xb2: {  	s5 =	sor.u32 @!p0 s5, s7;
	[sflag:s6] =	ssyncadd.s32 @!p0 $0xFFFFFFFF  }
0xb3: {  	s25 =	simm.s32 $0x1B8E;
	s24 =	sld [smem:$0x3FFE];
	[sflag:s5] =	ssyncadd.remote.s32 @!p0 $0x1  }
0xb4: {  	s26 =	simm.s32 $execute0_lowered;
	[smem:$0x3FD2] =	sst s25  }
0xb5: {  	s6 =	sshll.u32 s26, $0x1;
	_ =	strace $0x8000004F;
	[dreg:$0x1] =	wrdreg $0xFFFFFFFF  }
0xb6: {  	s28 =	simm.s32 $_size_execute0_lowered;
	s4 =	sadd.s32 s4, s6;
	[dreg:$0x0] =	wrdreg $0x0  }
0xb7: {  	s6 =	sshll.u32 s28, $0x1;
	[dreg:$0x2] =	wrdreg s4  }
0xb8: {  	[dreg:$0x3] =	wrdreg s6  }
0xb9: {  	[dreg:$0x4] =	wrdreg $0xC0  }
0xba: {  	_ =	task [dreg:s22], $0x5FFFF  }
0xbb: {  	[dreg:$0x1] =	wrdreg $0xFFFFFFFF  }
0xbc: {  	[dreg:$0x0] =	wrdreg $0x60  }
0xbd: {  	[dreg:$0x2] =	wrdreg s24  }
0xbe: {  	[dreg:$0x3] =	wrdreg s18  }
0xbf: {  	[dreg:$0x4] =	wrdreg $0xB  }
0xc0: {  	_ =	task.clear_ibuf [dreg:s22], $0x5FFFF;
	_ =	strace $0x9000004F  }
0xc1: {  	s29 =	simm.s32 $0xB;
	_ =	strace $0x80000051  }
0xc2: {  	_ =	swait.ge [sflag:s29], $0x1  }
0xc3: {  	[sflag:s29] =	ssyncadd.s32 $0xFFFFFFFF  }
0xc4: {  	_ =	strace $0x90000051  }
0xc5: {  	_ =	sfence  }
0xc6: {  	s30 =	sld [smem:$0x0];
	_ =	sdelay $0x2  }
0xc7: {  	s31 =	sshll.u32 s1, $0xD;
	s1 =	sshrl.u32 s1, $0x2  }
0xc8: {  	s4 =	sand.u32 $0x4000, s31;
	s1 =	sadd.s32 s1, s30  }
0xc9: {  	s0 =	sor.u32 s4, s0;
	s1 =	sshll.u32 s1, $0x11  }
0xca: {  	s0 =	sor.u32 s1, s0  }
0xcb: {  	s0 =	sadd.s32 $0x8F2B, s0  }
0xcc: {  	[sflag:s0] =	ssyncadd.remote.s32 $0x1  }
0xcd: {  	_ =	sfence.sel $0xFFFF  }
0xce: {  	[dreg:$0x0] =	wrdreg $0xFFFFFFFF;
	(pc) =	sbr.abs _section_cstart, $3  }
0xcf: {  	[dreg:$0x1] =	wrdreg $0xFFFFFFFF  }
0xd0: {  	_ =	task.clear_ibuf [dreg:s22], $0x2FFFF;
	_ =	strace $0x9FFFFFFF  }
0xd1: {  	(tm) =	ssettm $0x7FFFFFFF  }
tec
execute0_lowered:
.L_overlay_start_1:
0x0: {  	(tag) =	ssettag $0x1  }
0x1: {  	s7 =	rddreg [dreg:$0x0]  }
0x2: {  	s2 =	rddreg [dreg:$0x1]  }
0x3: {  	s0 =	rddreg [dreg:$0x2]  }
0x4: {  	s1 =	srdreg.scid;
	_ =	strace $0x80000050;
	s4 =	simm.s32 $0x1  }
0x5: {  	s9 =	simm.s32 $0x3;
	s11 =	simm.s32 $0x0;
	s5 =	sshll.u32 s1, $0x4  }
.Ltmp0:
0x6: {  	s1 =	stileid.u32;
	s5 =	sand.u32 $0x10, s5;
	(pc) =	sbr.rel .LBB2_1-.Ltmp0, $4  }
0x7: {  	p0 =	por $0x0, $0x0;
	s3 =	sadd.s32 $0x9F0A00, s7;
	s6 =	sor.u32 s1, s5  }
0x8: {  	[sflag:s4] =	ssyncpa.u1 $0x0;
	s5 =	simm.s32 $0x2;
	s6 =	sshll.u32 s6, $0x9  }
0x9: {  	s7 =	sadd.s32 $0x4E00, s7;
	[sflag:s5] =	ssyncpa.u1 $0x0;
	s8 =	sadd.s32 $0x200, s6  }
0xa: {  	vm0 =	vmmov $0xff;
	vm1 =	vcmask $0x3F20;
	[sflag:s9] =	ssyncpa.u1 $0x0;
	s10 =	smov.u32 s6;
	s9 =	simm.s32 $0x0  }
.LBB2_7:
0xb: {  	p1 =	slt.u32 s9, $0x2;
	s11 =	sadd.s32 $0x100, s10  }
0xc: {  	s13 =	smov.u32 s6;
	s9 =	sadd.s32 $0x1, s9;
	p2 =	slt.s32 s11, s8  }
0xd: {  	s13 =	smov.u32 @p2 s11;
	p2 =	sne.s32 s9, $0x4  }
.Ltmp1:
0xe: {  	_ = 	snop;
	(pc) =	sbr.rel @!p2 .LBB2_8-.Ltmp1, $4  }
0xf: {  	s12 =	simm.s32 @!p1 $0x3  }
0x10: {  	_ =	swait.ge @!p1 [sflag:s12], $0x8000  }
0x11: {  	p0 =	por !p0, !p0;
	[sflag:s12] =	ssyncset.done @!p1 $0x0  }
0x12: {  	s11 =	smov.u32 s10;
	s10 =	smov.u32 s13;
	[sflag:s12] =	ssyncadd.s32 @!p1 $0xFFFF8000  }
.LBB2_1:
0x13: {  	p1 =	sgt.u32 s9, $0x1  }
0x14: {  	s12 =	sshll.u32 @!p1 s9, $0x8;
	s13 =	sshrl.u32 @!p1 s10, $0x3  }
0x15: {  	s14 =	sand.u32 @!p1 $0x7, s10;
	s12 =	sxor.u32 @!p1 $0x100, s12;
	s13 =	sadd.s32 @!p1 s7, s13  }
0x16: {  	[tilespmem:s12], [sflag:$0x2] =	stream.linear.gather @!p1 [hbm4b:s13+s14], $0x100, $0x38;
	[tilespmem:$0x10200] =	vst v63  }
0x17: {  	p1 =	seq.s32 s9, $0x0  }
0x18: {  	p2 =	seq.s32 @!p1 s9, $0x3  }
0x19: {  	p1 =	por p1, p2  }
.Ltmp2:
0x1a: {  	_ = 	snop;
	(pc) =	sbr.rel @p1 .LBB2_7-.Ltmp2, $1  }
0x1b: {  	_ =	sdelay $0x3  }
0x1c: {  	s12 =	simm.s32 $0x1  }
0x1d: {  	_ =	swait.ge [sflag:s5], $0x100;
	s12 =	simm.s32 @!p0 $0x0  }
0x1e: {  	[sflag:s5] =	ssyncset.done $0x0;
	s14 =	sshll.u32 s12, $0x8  }
0x1f: {  	[sflag:s5] =	ssyncadd.s32 $0xFFFFFF00;
	s13 =	sadd.s32 $0x0, s14  }
0x20: {  	v0 =	vld.msk [tilespmem:s13+$0x0 ss:$0x1], $0xffff;
	_ =	sdelay $0x4  }
0x21: {  	vm2 =	vgt.s32 v0, $0x0  }
0x22: {  	v0 =	vnsel vm2, $0x0, v0  }
0x23: {  	v0 =	vmin.u32 v0, $0x1869F  }
0x24: {  	v0 =	vshll.u32 v0, $0x4;
	_ =	sdelay $0x2  }
0x25: {  	s12 =	sshll.u32 s12, $0xF  }
0x26: {  	s12 =	sor.u32 $0x200, s12  }
0x27: {  	[tilespmem:s12], [sflag:$0x1] =	stream.indirect_vreg.gather [hbm:s3], $0x80, v0, vm0, $0x38;
	[tilespmem:$0x10200] =	vst v63  }
0x28: {  	s15 =	sadd.s32 $0x10, s14;
	s13 =	sadd.s32 $0x400, s12  }
0x29: {  	[tilespmem:s13], [sflag:$0x1] =	stream.indirect_vreg.gather [hbm:s3], $0x80, v0, vm1, $0x38;
	[tilespmem:$0x10200] =	vst v63  }
0x2a: {  	s16 =	simm.s32 $0x80;
	v0 =	vld.msk [tilespmem:s15+$0x0 ss:$0x1], $0xffff;
	s15 =	smov.u32 s12  }
.LBB2_3:
0x2b: {  	p1 =	sne.s32 s16, $0x3C0;
	_ =	sdelay $0x4  }
0x2c: {  	vm2 =	vgt.s32 v0, $0x0  }
0x2d: {  	v0 =	vnsel vm2, $0x0, v0  }
0x2e: {  	v0 =	vmin.u32 v0, $0x1869F  }
0x2f: {  	v0 =	vshll.u32 v0, $0x4;
	_ =	sdelay $0x3  }
.Ltmp3:
0x30: {  	s17 =	sshra.s32 s16, $0x2;
	s15 =	sadd.s32 $0x800, s15;
	(pc) =	sbr.rel @p1 .LBB2_3-.Ltmp3, $4  }
0x31: {  	[tilespmem:s15], [sflag:$0x1] =	stream.indirect_vreg.gather [hbm:s3], $0x80, v0, vm0, $0x38;
	[tilespmem:$0x10200] =	vst v63  }
0x32: {  	s17 =	sadd.s32 s17, s14;
	s18 =	sadd.s32 $0x400, s15  }
0x33: {  	[tilespmem:s18], [sflag:$0x1] =	stream.indirect_vreg.gather [hbm:s3], $0x80, v0, vm1, $0x38;
	[tilespmem:$0x10200] =	vst v63  }
0x34: {  	s16 =	sadd.s32 $0x40, s16;
	v0 =	vld.msk [tilespmem:s17+$0x0 ss:$0x1], $0xffff  }
0x35: {  	_ =	sdelay $0x3  }
0x36: {  	vm2 =	vgt.s32 v0, $0x0  }
0x37: {  	v0 =	vnsel vm2, $0x0, v0  }
0x38: {  	v0 =	vmin.u32 v0, $0x1869F  }
0x39: {  	v0 =	vshll.u32 v0, $0x4;
	_ =	sdelay $0x3  }
0x3a: {  	s14 =	sadd.s32 $0x800, s15  }
0x3b: {  	[tilespmem:s14], [sflag:$0x1] =	stream.indirect_vreg.gather [hbm:s3], $0x80, v0, vm0, $0x38;
	[tilespmem:$0x10200] =	vst v63  }
0x3c: {  	s14 =	sadd.s32 $0x400, s14  }
0x3d: {  	[tilespmem:s14], [sflag:$0x1] =	stream.indirect_vreg.gather [hbm:s3], $0x80, v0, vm1, $0x38;
	[tilespmem:$0x10200] =	vst v63  }
0x3e: {  	s11 =	sshll.u32 s11, $0x4;
	_ =	swait.ge [sflag:s4], $0x8000  }
0x3f: {  	s11 =	sadd.s32 s11, s2;
	[sflag:s4] =	ssyncset.done $0x0  }
0x40: {  	s15 =	sadd.s32 $0x0, s11;
	s14 =	simm.s32 $0x80;
	[sflag:s4] =	ssyncadd.s32 $0xFFFF8000  }
.LBB2_5:
0x41: {  	[hbm:s15] =	stream.linear.scatter [tilespmem:s12], [sflag:$0x3], $0x400, $0x38;
	[tilespmem:$0x10200] =	vst v63  }
0x42: {  	s15 =	smov.u32 s14;
	s12 =	smov.u32 s13;
	p1 =	sne.s32 s14, $0xF80  }
.Ltmp4:
0x43: {  	s14 =	sadd.s32 $0x80, s14;
	(pc) =	sbr.rel @p1 .LBB2_5-.Ltmp4, $2  }
0x44: {  	_ =	sdelay $0x2  }
0x45: {  	s13 =	sadd.s32 $0x400, s13;
	s15 =	sadd.s32 s15, s11  }
.Ltmp5:
0x46: {  	(pc) =	sbr.rel .LBB2_7-.Ltmp5, $2  }
0x47: {  	_ =	sdelay $0x2  }
0x48: {  	[hbm:s15] =	stream.linear.scatter [tilespmem:s12], [sflag:$0x3], $0x400, $0x38;
	[tilespmem:$0x10200] =	vst v63  }
.LBB2_8:
0x49: {  	_ =	sfence.sel $0x180000  }
0x4a: {  	s2 =	simm.s32 $0x2;
	[bflag:$0x0] =	sbarrier.arrive $0xFFFF  }
0x4b: {  	s30 =	simm.s32 $0x3;
	[sflag:s2] =	ssyncpa.u1 $0x1  }
0x4c: {  	s31 =	simm.s32 $0x1;
	[sflag:s30] =	ssyncpa.u1 $0x1  }
0x4d: {  	[sflag:s31] =	ssyncpa.u1 $0x1  }
0x4e: {  	p0 =	sne.s32 s1, $0x0;
	_ =	strace $0x90000050  }
0x4f: {  	s0 =	sadd.s32 @!p0 $0x100000, s0;
	[bflag:$0x2] =	sbarrier.arrive $0xFFFF  }
0x50: {  	[sflag:s0] =	ssyncadd.tile.s32 @!p0 $0x1;
	_ =	shalt  }
.Lfunc_end2:
_tile_overlayer_lowered:
.L_overlay_start_2:
0x51: {  	(tag) =	ssettag $0x2  }
0x52: {  	s0 =	rddreg [dreg:$0x0];
	s2 =	stileid.u32  }
0x53: {  	s1 =	rddreg [dreg:$0x1];
	p0 =	sne.s32 s2, $0x0  }
0x54: {  	s3 =	rddreg [dreg:$0x2];
	[bflag:$0x3] =	sbarrier.arrive $0xFFFF;
	s2 =	simm.s32 @!p0 $0x1C01  }
0x55: {  	[timem:s3], [sflag:s2] =	dma.local @!p0 [hbm:s0], s1  }
0x56: {  	s0 =	simm.s32 @!p0 $0x1  }
0x57: {  	_ =	swait.ge @!p0 [sflag:s0], s1  }
0x58: {  	s1 =	ssub.s32 @!p0 $0x0, s1;
	[sflag:s0] =	ssyncset.done @!p0 $0x0  }
0x59: {  	[sflag:s0] =	ssyncadd.s32 @!p0 s1  }
0x5a: {  	[bflag:$0x3] =	sbarrier.arrive $0xFFFF  }
0x5b: {  	_ =	shalt  }

// kernel: gather_offload_async_start
scs
__scs_entry_jumppad:
0x0: {  	(pc) =	sbr.rel $0x88, $3  }
0x1: {  	(tag) =	ssettag $0x0;
	lr =	simm.s32 $0x1  }
0x2: {  	[smem:$0x3F97] =	sst lr;
	_ =	strace $0xD0000000  }
0x3: {  	_ = 	snop  }
0x4: {  	_ = 	snop  }
0x5: {  	_ = 	snop  }
0x6: {  	_ = 	snop  }
0x7: {  	_ = 	snop  }
__scs_overlays_trampoline_lowered:
0x8: {  	[smem:$0x3FA6] =	sst s0  }
0x9: {  	[smem:$0x3FA7] =	sst s1  }
0xa: {  	[smem:$0x3FA8] =	sst s2  }
0xb: {  	[smem:$0x3FA9] =	sst s3  }
0xc: {  	[smem:$0x3FAA] =	sst s4  }
0xd: {  	[smem:$0x3FAB] =	sst s5  }
0xe: {  	[smem:$0x3FAC] =	sst s6  }
0xf: {  	[smem:$0x3FAD] =	sst s7  }
0x10: {  	[smem:$0x3FAE] =	sst s8  }
0x11: {  	[smem:$0x3FAF] =	sst s9;
	s0 =	simm.s32 @!p0 $0x0  }
0x12: {  	s1 =	sld [smem:$0x3F95];
	s0 =	simm.s32 @p0 $0x1  }
0x13: {  	[smem:$0x3FB0] =	sst s0;
	s0 =	simm.s32 @!p1 $0x0  }
0x14: {  	s2 =	sld [smem:$0x3F94];
	s0 =	simm.s32 @p1 $0x1  }
0x15: {  	[smem:$0x3FB1] =	sst s0;
	s0 =	simm.s32 @!p2 $0x0  }
0x16: {  	s3 =	sld [smem:$0x3FDB];
	s0 =	simm.s32 @p2 $0x1  }
0x17: {  	s4 =	simm.s32 $0x1BF5;
	[smem:$0x3FB3] =	sst s0  }
0x18: {  	s0 =	sld [smem:$0x3F96];
	_ =	swait.ge [sflag:s4], $0x0  }
0x19: {  	s7 =	sld [smem:$0x3F97]  }
0x1a: {  	s8 =	sadd.s32 $0xFFFFE003, lr  }
0x1b: {  	s9 =	sadd.s32 $0xFFFFFEF7, lr;
	s5 =	simm.s32 $0xFFFFFFFF;
	p2 =	slt.u32 s8, $0xFFFFF086  }
0x1c: {  	p1 =	slt.u32 s9, $0xF7A;
	s5 =	simm.s32 @!p2 $0x0  }
0x1d: {  	s5 =	simm.s32 @p1 $0x1;
	p0 =	seq.s32 s7, s2  }
0x1e: {  	s7 =	smul.u32 @!p0 $0xF7A, s2;
	p2 =	seq.s32 @!p0 s5, $0x0  }
0x1f: {  	s9 =	smul.u32 $0xF7A, s1;
	s8 =	simm.s32 @!p0 $0x1BF5;
	p2 =	por !p2, p0  }
0x20: {  	[sflag:s8] =	ssyncset.s32 @!p0 $0xFFFFF086;
	s6 =	sadd.s32 @!p0 s3, s7;
	s7 =	simm.s32 @!p0 $0x108  }
0x21: {  	s3 =	sadd.s32 s3, s9;
	s6 =	sadd.s32 @!p0 $0x88, s6;
	s7 =	simm.s32 @p2 $0x1082  }
0x22: {  	[simem:s7], [sflag:s8] =	dma.local @!p0 [hbm:s6], $0xF7A  }
0x23: {  	s9 =	sor.u32 $0xD0000000, s2;
	s6 =	simm.s32 $0x108;
	_ =	swait.ge @!p0 [sflag:s8], $0x0  }
0x24: {  	s3 =	sadd.s32 $0x88, s3;
	s6 =	simm.s32 @!p1 $0x1082;
	[sflag:s4] =	ssyncset.s32 $0xFFFFF086  }
0x25: {  	[simem:s6], [sflag:s4] =	dma.local [hbm:s3], $0xF7A  }
0x26: {  	[smem:$0x3F97] =	sst s1;
	(tag) =	ssettag s2;
	_ =	strace s9  }
0x27: {  	s1 =	sld [smem:$0x3FA7]  }
0x28: {  	s2 =	sld [smem:$0x3FA8]  }
0x29: {  	s4 =	sld [smem:$0x3FAA]  }
0x2a: {  	p0 =	seq.s32 s5, $0x0;
	s5 =	sld [smem:$0x3FAB]  }
0x2b: {  	s6 =	sld [smem:$0x3FAC]  }
0x2c: {  	s7 =	sld [smem:$0x3FAD]  }
0x2d: {  	s3 =	simm.s32 $0x108;
	s8 =	sld [smem:$0x3FAE]  }
0x2e: {  	s3 =	simm.s32 @!p0 $0x1082;
	s9 =	sld [smem:$0x3FAF]  }
0x2f: {  	lr =	sadd.s32 s0, s3;
	s0 =	sld [smem:$0x3FA6]  }
0x30: {  	s3 =	sld [smem:$0x3FA9]  }
0x31: {  	[smem:$0x3FB2] =	sst s10  }
0x32: {  	s10 =	sld [smem:$0x3FB0];
	_ =	sdelay $0x3  }
0x33: {  	p0 =	seq.s32 s10, $0x1;
	s10 =	sld [smem:$0x3FB2];
	_ =	sdelay $0x3  }
0x34: {  	[smem:$0x3FB2] =	sst s10  }
0x35: {  	s10 =	sld [smem:$0x3FB1];
	_ =	sdelay $0x3  }
0x36: {  	p1 =	seq.s32 s10, $0x1;
	s10 =	sld [smem:$0x3FB2];
	_ =	sdelay $0x3  }
0x37: {  	[smem:$0x3FB2] =	sst s10  }
0x38: {  	s10 =	sld [smem:$0x3FB3]  }
0x39: {  	_ = 	snop;
	(pc) =	sbr.ind lr, $3  }
0x3a: {  	_ = 	snop  }
0x3b: {  	_ = 	snop  }
0x3c: {  	p2 =	seq.s32 s10, $0x1;
	s10 =	sld [smem:$0x3FB2]  }
0x3d: {  	_ =	shalt  }
0x3e: {  	_ =	shalt  }
0x3f: {  	_ =	shalt  }
0x40: {  	_ =	shalt  }
0x41: {  	_ =	shalt  }
0x42: {  	_ =	shalt  }
0x43: {  	_ =	shalt  }
0x44: {  	_ =	shalt  }
0x45: {  	_ =	shalt  }
0x46: {  	_ =	shalt  }
0x47: {  	_ =	shalt  }
0x48: {  	_ =	shalt  }
0x49: {  	_ =	shalt  }
0x4a: {  	_ =	shalt  }
0x4b: {  	_ =	shalt  }
0x4c: {  	_ =	shalt  }
0x4d: {  	_ =	shalt  }
0x4e: {  	_ =	shalt  }
0x4f: {  	_ =	shalt  }
0x50: {  	_ =	shalt  }
0x51: {  	_ =	shalt  }
0x52: {  	_ =	shalt  }
0x53: {  	_ =	shalt  }
0x54: {  	_ =	shalt  }
0x55: {  	_ =	shalt  }
0x56: {  	_ =	shalt  }
0x57: {  	_ =	shalt  }
0x58: {  	_ =	shalt  }
0x59: {  	_ =	shalt  }
0x5a: {  	_ =	shalt  }
0x5b: {  	_ =	shalt  }
0x5c: {  	_ =	shalt  }
0x5d: {  	_ =	shalt  }
0x5e: {  	_ =	shalt  }
0x5f: {  	_ =	shalt  }
0x60: {  	_ =	shalt  }
0x61: {  	_ =	shalt  }
0x62: {  	_ =	shalt  }
0x63: {  	_ =	shalt  }
0x64: {  	_ =	shalt  }
0x65: {  	_ =	shalt  }
0x66: {  	_ =	shalt  }
0x67: {  	_ =	shalt  }
0x68: {  	_ =	shalt  }
0x69: {  	_ =	shalt  }
0x6a: {  	_ =	shalt  }
0x6b: {  	_ =	shalt  }
0x6c: {  	_ =	shalt  }
0x6d: {  	_ =	shalt  }
0x6e: {  	_ =	shalt  }
0x6f: {  	_ =	shalt  }
0x70: {  	_ =	shalt  }
0x71: {  	_ =	shalt  }
0x72: {  	_ =	shalt  }
0x73: {  	_ =	shalt  }
0x74: {  	_ =	shalt  }
0x75: {  	_ =	shalt  }
0x76: {  	_ =	shalt  }
0x77: {  	_ =	shalt  }
0x78: {  	_ =	shalt  }
0x79: {  	_ =	shalt  }
0x7a: {  	_ =	shalt  }
0x7b: {  	_ =	shalt  }
0x7c: {  	_ =	shalt  }
0x7d: {  	_ =	shalt  }
0x7e: {  	_ =	shalt  }
0x7f: {  	_ =	shalt  }
0x80: {  	_ =	shalt  }
0x81: {  	_ =	shalt  }
0x82: {  	_ =	shalt  }
0x83: {  	_ =	shalt  }
0x84: {  	_ =	shalt  }
0x85: {  	_ =	shalt  }
0x86: {  	_ =	shalt  }
0x87: {  	_ =	shalt  }
.Lfunc_end0:
.L_simem_size_0:
called_computation_lowered:
.L_overlay_start_0:
0x88: {  	s2 =	sld [smem:$0x3FD9]  }
0x89: {  	s3 =	sld [smem:$0x3FFE];
	_ =	sdelay $0x1  }
0x8a: {  	s1 =	srdreg.scid  }
0x8b: {  	s0 =	sand.u32 $0x1, s1  }
0x8c: {  	s16 =	sshll.u32 s0, $0xA;
	s2 =	sadd.s32 s3, s2  }
0x8d: {  	s2 =	sadd.s32 s2, s16  }
0x8e: {  	[smem:$0x3FBE] =	sst s2  }
0x8f: {  	_ = 	snop  }
0x90: {  	(tm) =	ssettm $0x1  }
0x91: {  	s17 =	sld [smem:$0x3FFB];
	_ =	sdelay $0x3  }
0x92: {  	_ =	strace s17  }
0x93: {  	s2 =	sld [smem:$0x3FFC];
	_ =	sdelay $0x3  }
0x94: {  	_ =	strace s2  }
0x95: {  	s2 =	sld [smem:$0x3FFD];
	_ =	sdelay $0x3  }
0x96: {  	_ =	strace s2  }
0x97: {  	_ =	strace $0x8FFFFFFF  }
0x98: {  	s18 =	sld [smem:$0x3FDB];
	_ =	sdelay $0x1  }
0x99: {  	s19 =	simm.s32 $_scs_section_size  }
0x9a: {  	s4 =	simm.s32 $_size__tile_overlayer_lowered;
	s5 =	simm.s32 $_tile_overlayer_lowered  }
0x9b: {  	s22 =	simm.s32 $0x1BFF;
	s21 =	sshll.u32 s5, $0x1;
	s2 =	sadd.s32 s19, s18  }
0x9c: {  	s6 =	simm.s32 $0x0;
	s20 =	sshll.u32 s4, $0x1;
	s4 =	sadd.s32 s21, s2  }
0x9d: {  	[timem:s6], [sflag:s22] =	dma.local [hbm:s4], s20  }
0x9e: {  	_ =	swait.ge [sflag:s22], s20  }
0x9f: {  	s3 =	ssub.s32 $0x0, s20;
	[sflag:s22] =	ssyncset.done $0x0  }
0xa0: {  	[sflag:s22] =	ssyncadd.s32 s3;
	_ =	sdelay $0x1  }
0xa1: {  	s23 =	simm.s32 $0x1B8B  }
0xa2: {  	_ =	swait.ge [sflag:s23], $0x1  }
0xa3: {  	[sflag:s23] =	ssyncset.done $0x0  }
0xa4: {  	s25 =	simm.s32 $0x1B8E;
	s24 =	sld [smem:$0x3FFE];
	[sflag:s23] =	ssyncadd.s32 $0xFFFFFFFF  }
0xa5: {  	s26 =	simm.s32 $execute0_lowered;
	[smem:$0x3FD2] =	sst s25  }
0xa6: {  	s4 =	sshll.u32 s26, $0x1;
	_ =	strace $0x80000049;
	[dreg:$0x1] =	wrdreg $0xFFFFFFFF  }
0xa7: {  	s28 =	simm.s32 $_size_execute0_lowered;
	s2 =	sadd.s32 s2, s4;
	[dreg:$0x0] =	wrdreg $0x0  }
0xa8: {  	s4 =	sshll.u32 s28, $0x1;
	[dreg:$0x2] =	wrdreg s2  }
0xa9: {  	[dreg:$0x3] =	wrdreg s4  }
0xaa: {  	[dreg:$0x4] =	wrdreg $0xC0  }
0xab: {  	_ =	task [dreg:s6], $0x5FFFF  }
0xac: {  	[dreg:$0x1] =	wrdreg $0xFFFFFFFF  }
0xad: {  	[dreg:$0x0] =	wrdreg $0x60  }
0xae: {  	[dreg:$0x2] =	wrdreg s24  }
0xaf: {  	[dreg:$0x3] =	wrdreg $0xA  }
0xb0: {  	_ =	task.clear_ibuf [dreg:s6], $0x4FFFF;
	_ =	strace $0x90000049  }
0xb1: {  	s29 =	simm.s32 $0xA;
	_ =	strace $0x8000004B  }
0xb2: {  	_ =	swait.ge [sflag:s29], $0x1  }
0xb3: {  	[sflag:s29] =	ssyncadd.s32 $0xFFFFFFFF  }
0xb4: {  	_ =	strace $0x9000004B  }
0xb5: {  	_ =	sfence  }
0xb6: {  	s30 =	sld [smem:$0x0];
	_ =	sdelay $0x2  }
0xb7: {  	s31 =	sshll.u32 s1, $0xD;
	s1 =	sshrl.u32 s1, $0x2  }
0xb8: {  	s3 =	sand.u32 $0x4000, s31;
	s1 =	sadd.s32 s1, s30  }
0xb9: {  	s0 =	sor.u32 s3, s0;
	s1 =	sshll.u32 s1, $0x11  }
0xba: {  	s0 =	sor.u32 s1, s0  }
0xbb: {  	s0 =	sadd.s32 $0x8F2B, s0  }
0xbc: {  	[sflag:s0] =	ssyncadd.remote.s32 $0x1  }
0xbd: {  	_ =	sfence.sel $0xFFFF  }
0xbe: {  	[dreg:$0x0] =	wrdreg $0xFFFFFFFF;
	(pc) =	sbr.abs _section_cstart, $3  }
0xbf: {  	[dreg:$0x1] =	wrdreg $0xFFFFFFFF  }
0xc0: {  	_ =	task.clear_ibuf [dreg:s6], $0x2FFFF;
	_ =	strace $0x9FFFFFFF  }
0xc1: {  	(tm) =	ssettm $0x7FFFFFFF  }
tec
execute0_lowered:
.L_overlay_start_1:
0x0: {  	(tag) =	ssettag $0x1  }
0x1: {  	s7 =	rddreg [dreg:$0x0]  }
0x2: {  	s0 =	rddreg [dreg:$0x1];
	_ =	strace $0x8000004A  }
0x3: {  	s1 =	srdreg.scid;
	s4 =	simm.s32 $0x1;
	s9 =	simm.s32 $0x3  }
0x4: {  	s11 =	simm.s32 $0x0;
	p0 =	por $0x0, $0x0;
	s5 =	sshll.u32 s1, $0x4  }
.Ltmp0:
0x5: {  	s1 =	stileid.u32;
	s5 =	sand.u32 $0x10, s5;
	(pc) =	sbr.rel .LBB2_1-.Ltmp0, $4  }
0x6: {  	s2 =	sadd.s32 $0x5800, s7;
	s3 =	sadd.s32 $0x4E00, s7;
	s6 =	sor.u32 s1, s5  }
0x7: {  	[sflag:s4] =	ssyncpa.u1 $0x0;
	s5 =	simm.s32 $0x2;
	s6 =	sshll.u32 s6, $0x9  }
0x8: {  	s7 =	sadd.s32 $0xB87600, s7;
	[sflag:s5] =	ssyncpa.u1 $0x0;
	s8 =	sadd.s32 $0x200, s6  }
0x9: {  	vm0 =	vmmov $0xff;
	vm1 =	vcmask $0x3F20;
	[sflag:s9] =	ssyncpa.u1 $0x0;
	s10 =	smov.u32 s6;
	s9 =	simm.s32 $0x0  }
.LBB2_7:
0xa: {  	p1 =	slt.u32 s9, $0x2;
	s11 =	sadd.s32 $0x100, s10  }
0xb: {  	s13 =	smov.u32 s6;
	s9 =	sadd.s32 $0x1, s9;
	p2 =	slt.s32 s11, s8  }
0xc: {  	s13 =	smov.u32 @p2 s11;
	p2 =	sne.s32 s9, $0x4  }
.Ltmp1:
0xd: {  	_ = 	snop;
	(pc) =	sbr.rel @!p2 .LBB2_8-.Ltmp1, $4  }
0xe: {  	s12 =	simm.s32 @!p1 $0x3  }
0xf: {  	_ =	swait.ge @!p1 [sflag:s12], $0x8000  }
0x10: {  	p0 =	por !p0, !p0;
	[sflag:s12] =	ssyncset.done @!p1 $0x0  }
0x11: {  	s11 =	smov.u32 s10;
	s10 =	smov.u32 s13;
	[sflag:s12] =	ssyncadd.s32 @!p1 $0xFFFF8000  }
.LBB2_1:
0x12: {  	p1 =	sgt.u32 s9, $0x1  }
0x13: {  	s12 =	sshll.u32 @!p1 s9, $0x8;
	s13 =	sshrl.u32 @!p1 s10, $0x3  }
0x14: {  	s14 =	sand.u32 @!p1 $0x7, s10;
	s12 =	sxor.u32 @!p1 $0x100, s12;
	s13 =	sadd.s32 @!p1 s3, s13  }
0x15: {  	[tilespmem:s12], [sflag:$0x2] =	stream.linear.gather @!p1 [hbm4b:s13+s14], $0x100, $0x38;
	[tilespmem:$0x10200] =	vst v63  }
0x16: {  	p1 =	seq.s32 s9, $0x0  }
0x17: {  	p2 =	seq.s32 @!p1 s9, $0x3  }
0x18: {  	p1 =	por p1, p2  }
.Ltmp2:
0x19: {  	_ = 	snop;
	(pc) =	sbr.rel @p1 .LBB2_7-.Ltmp2, $1  }
0x1a: {  	_ =	sdelay $0x3  }
0x1b: {  	s12 =	simm.s32 $0x1  }
0x1c: {  	_ =	swait.ge [sflag:s5], $0x100;
	s12 =	simm.s32 @!p0 $0x0  }
0x1d: {  	[sflag:s5] =	ssyncset.done $0x0;
	s14 =	sshll.u32 s12, $0x8  }
0x1e: {  	[sflag:s5] =	ssyncadd.s32 $0xFFFFFF00;
	s13 =	sadd.s32 $0x0, s14  }
0x1f: {  	v0 =	vld.msk [tilespmem:s13+$0x0 ss:$0x1], $0xffff;
	_ =	sdelay $0x4  }
0x20: {  	vm2 =	vgt.s32 v0, $0x0  }
0x21: {  	v0 =	vnsel vm2, $0x0, v0  }
0x22: {  	v0 =	vmin.u32 v0, $0x1869F  }
0x23: {  	v0 =	vshll.u32 v0, $0x4;
	_ =	sdelay $0x2  }
0x24: {  	s12 =	sshll.u32 s12, $0xF  }
0x25: {  	s12 =	sor.u32 $0x200, s12  }
0x26: {  	[tilespmem:s12], [sflag:$0x1] =	stream.indirect_vreg.gather [hbm:s2], $0x80, v0, vm0, $0x38;
	[tilespmem:$0x10200] =	vst v63  }
0x27: {  	s15 =	sadd.s32 $0x10, s14;
	s13 =	sadd.s32 $0x400, s12  }
0x28: {  	[tilespmem:s13], [sflag:$0x1] =	stream.indirect_vreg.gather [hbm:s2], $0x80, v0, vm1, $0x38;
	[tilespmem:$0x10200] =	vst v63  }
0x29: {  	s16 =	simm.s32 $0x80;
	v0 =	vld.msk [tilespmem:s15+$0x0 ss:$0x1], $0xffff;
	s15 =	smov.u32 s12  }
.LBB2_3:
0x2a: {  	p1 =	sne.s32 s16, $0x3C0;
	_ =	sdelay $0x4  }
0x2b: {  	vm2 =	vgt.s32 v0, $0x0  }
0x2c: {  	v0 =	vnsel vm2, $0x0, v0  }
0x2d: {  	v0 =	vmin.u32 v0, $0x1869F  }
0x2e: {  	v0 =	vshll.u32 v0, $0x4;
	_ =	sdelay $0x3  }
.Ltmp3:
0x2f: {  	s17 =	sshra.s32 s16, $0x2;
	s15 =	sadd.s32 $0x800, s15;
	(pc) =	sbr.rel @p1 .LBB2_3-.Ltmp3, $4  }
0x30: {  	[tilespmem:s15], [sflag:$0x1] =	stream.indirect_vreg.gather [hbm:s2], $0x80, v0, vm0, $0x38;
	[tilespmem:$0x10200] =	vst v63  }
0x31: {  	s17 =	sadd.s32 s17, s14;
	s18 =	sadd.s32 $0x400, s15  }
0x32: {  	[tilespmem:s18], [sflag:$0x1] =	stream.indirect_vreg.gather [hbm:s2], $0x80, v0, vm1, $0x38;
	[tilespmem:$0x10200] =	vst v63  }
0x33: {  	s16 =	sadd.s32 $0x40, s16;
	v0 =	vld.msk [tilespmem:s17+$0x0 ss:$0x1], $0xffff  }
0x34: {  	_ =	sdelay $0x3  }
0x35: {  	vm2 =	vgt.s32 v0, $0x0  }
0x36: {  	v0 =	vnsel vm2, $0x0, v0  }
0x37: {  	v0 =	vmin.u32 v0, $0x1869F  }
0x38: {  	v0 =	vshll.u32 v0, $0x4;
	_ =	sdelay $0x3  }
0x39: {  	s14 =	sadd.s32 $0x800, s15  }
0x3a: {  	[tilespmem:s14], [sflag:$0x1] =	stream.indirect_vreg.gather [hbm:s2], $0x80, v0, vm0, $0x38;
	[tilespmem:$0x10200] =	vst v63  }
0x3b: {  	s14 =	sadd.s32 $0x400, s14  }
0x3c: {  	[tilespmem:s14], [sflag:$0x1] =	stream.indirect_vreg.gather [hbm:s2], $0x80, v0, vm1, $0x38;
	[tilespmem:$0x10200] =	vst v63  }
0x3d: {  	s11 =	sshll.u32 s11, $0x4;
	_ =	swait.ge [sflag:s4], $0x8000  }
0x3e: {  	s11 =	sadd.s32 s11, s7;
	[sflag:s4] =	ssyncset.done $0x0  }
0x3f: {  	s15 =	sadd.s32 $0x0, s11;
	s14 =	simm.s32 $0x80;
	[sflag:s4] =	ssyncadd.s32 $0xFFFF8000  }
.LBB2_5:
0x40: {  	[hbm:s15] =	stream.linear.scatter [tilespmem:s12], [sflag:$0x3], $0x400, $0x38;
	[tilespmem:$0x10200] =	vst v63  }
0x41: {  	s15 =	smov.u32 s14;
	s12 =	smov.u32 s13;
	p1 =	sne.s32 s14, $0xF80  }
.Ltmp4:
0x42: {  	s14 =	sadd.s32 $0x80, s14;
	(pc) =	sbr.rel @p1 .LBB2_5-.Ltmp4, $2  }
0x43: {  	_ =	sdelay $0x2  }
0x44: {  	s13 =	sadd.s32 $0x400, s13;
	s15 =	sadd.s32 s15, s11  }
.Ltmp5:
0x45: {  	(pc) =	sbr.rel .LBB2_7-.Ltmp5, $2  }
0x46: {  	_ =	sdelay $0x2  }
0x47: {  	[hbm:s15] =	stream.linear.scatter [tilespmem:s12], [sflag:$0x3], $0x400, $0x38;
	[tilespmem:$0x10200] =	vst v63  }
.LBB2_8:
0x48: {  	_ =	sfence.sel $0x180000  }
0x49: {  	s2 =	simm.s32 $0x2;
	[bflag:$0x0] =	sbarrier.arrive $0xFFFF  }
0x4a: {  	s30 =	simm.s32 $0x3;
	[sflag:s2] =	ssyncpa.u1 $0x1  }
0x4b: {  	s31 =	simm.s32 $0x1;
	[sflag:s30] =	ssyncpa.u1 $0x1  }
0x4c: {  	[sflag:s31] =	ssyncpa.u1 $0x1  }
0x4d: {  	p0 =	sne.s32 s1, $0x0;
	_ =	strace $0x9000004A  }
0x4e: {  	s0 =	sadd.s32 @!p0 $0x100000, s0;
	[bflag:$0x2] =	sbarrier.arrive $0xFFFF  }
0x4f: {  	[sflag:s0] =	ssyncadd.tile.s32 @!p0 $0x1;
	_ =	shalt  }
.Lfunc_end2:
_tile_overlayer_lowered:
.L_overlay_start_2:
0x50: {  	(tag) =	ssettag $0x2  }
0x51: {  	s0 =	rddreg [dreg:$0x0];
	s2 =	stileid.u32  }
0x52: {  	s1 =	rddreg [dreg:$0x1];
	p0 =	sne.s32 s2, $0x0  }
0x53: {  	s3 =	rddreg [dreg:$0x2];
	[bflag:$0x3] =	sbarrier.arrive $0xFFFF;
	s2 =	simm.s32 @!p0 $0x1C01  }
0x54: {  	[timem:s3], [sflag:s2] =	dma.local @!p0 [hbm:s0], s1  }
0x55: {  	s0 =	simm.s32 @!p0 $0x1  }
0x56: {  	_ =	swait.ge @!p0 [sflag:s0], s1  }
0x57: {  	s1 =	ssub.s32 @!p0 $0x0, s1;
	[sflag:s0] =	ssyncset.done @!p0 $0x0  }
0x58: {  	[sflag:s0] =	ssyncadd.s32 @!p0 s1  }
0x59: {  	[bflag:$0x3] =	sbarrier.arrive $0xFFFF  }
0x5a: {  	_ =	shalt  }

// kernel: kernel.5.cloned.1.call-start
scs
__scs_entry_jumppad:
0x0: {  	(pc) =	sbr.rel $0x88, $3  }
0x1: {  	(tag) =	ssettag $0x0;
	lr =	simm.s32 $0x1  }
0x2: {  	[smem:$0x3F97] =	sst lr;
	_ =	strace $0xD0000000  }
0x3: {  	_ = 	snop  }
0x4: {  	_ = 	snop  }
0x5: {  	_ = 	snop  }
0x6: {  	_ = 	snop  }
0x7: {  	_ = 	snop  }
__scs_overlays_trampoline_lowered:
0x8: {  	[smem:$0x3FA6] =	sst s0  }
0x9: {  	[smem:$0x3FA7] =	sst s1  }
0xa: {  	[smem:$0x3FA8] =	sst s2  }
0xb: {  	[smem:$0x3FA9] =	sst s3  }
0xc: {  	[smem:$0x3FAA] =	sst s4  }
0xd: {  	[smem:$0x3FAB] =	sst s5  }
0xe: {  	[smem:$0x3FAC] =	sst s6  }
0xf: {  	[smem:$0x3FAD] =	sst s7  }
0x10: {  	[smem:$0x3FAE] =	sst s8  }
0x11: {  	[smem:$0x3FAF] =	sst s9;
	s0 =	simm.s32 @!p0 $0x0  }
0x12: {  	s1 =	sld [smem:$0x3F95];
	s0 =	simm.s32 @p0 $0x1  }
0x13: {  	[smem:$0x3FB0] =	sst s0;
	s0 =	simm.s32 @!p1 $0x0  }
0x14: {  	s2 =	sld [smem:$0x3F94];
	s0 =	simm.s32 @p1 $0x1  }
0x15: {  	[smem:$0x3FB1] =	sst s0;
	s0 =	simm.s32 @!p2 $0x0  }
0x16: {  	s3 =	sld [smem:$0x3FDB];
	s0 =	simm.s32 @p2 $0x1  }
0x17: {  	s4 =	simm.s32 $0x1BF5;
	[smem:$0x3FB3] =	sst s0  }
0x18: {  	s0 =	sld [smem:$0x3F96];
	_ =	swait.ge [sflag:s4], $0x0  }
0x19: {  	s7 =	sld [smem:$0x3F97]  }
0x1a: {  	s8 =	sadd.s32 $0xFFFFE003, lr  }
0x1b: {  	s9 =	sadd.s32 $0xFFFFFEF7, lr;
	s5 =	simm.s32 $0xFFFFFFFF;
	p2 =	slt.u32 s8, $0xFFFFF086  }
0x1c: {  	p1 =	slt.u32 s9, $0xF7A;
	s5 =	simm.s32 @!p2 $0x0  }
0x1d: {  	s5 =	simm.s32 @p1 $0x1;
	p0 =	seq.s32 s7, s2  }
0x1e: {  	s7 =	smul.u32 @!p0 $0xF7A, s2;
	p2 =	seq.s32 @!p0 s5, $0x0  }
0x1f: {  	s9 =	smul.u32 $0xF7A, s1;
	s8 =	simm.s32 @!p0 $0x1BF5;
	p2 =	por !p2, p0  }
0x20: {  	[sflag:s8] =	ssyncset.s32 @!p0 $0xFFFFF086;
	s6 =	sadd.s32 @!p0 s3, s7;
	s7 =	simm.s32 @!p0 $0x108  }
0x21: {  	s3 =	sadd.s32 s3, s9;
	s6 =	sadd.s32 @!p0 $0x88, s6;
	s7 =	simm.s32 @p2 $0x1082  }
0x22: {  	[simem:s7], [sflag:s8] =	dma.local @!p0 [hbm:s6], $0xF7A  }
0x23: {  	s9 =	sor.u32 $0xD0000000, s2;
	s6 =	simm.s32 $0x108;
	_ =	swait.ge @!p0 [sflag:s8], $0x0  }
0x24: {  	s3 =	sadd.s32 $0x88, s3;
	s6 =	simm.s32 @!p1 $0x1082;
	[sflag:s4] =	ssyncset.s32 $0xFFFFF086  }
0x25: {  	[simem:s6], [sflag:s4] =	dma.local [hbm:s3], $0xF7A  }
0x26: {  	[smem:$0x3F97] =	sst s1;
	(tag) =	ssettag s2;
	_ =	strace s9  }
0x27: {  	s1 =	sld [smem:$0x3FA7]  }
0x28: {  	s2 =	sld [smem:$0x3FA8]  }
0x29: {  	s4 =	sld [smem:$0x3FAA]  }
0x2a: {  	p0 =	seq.s32 s5, $0x0;
	s5 =	sld [smem:$0x3FAB]  }
0x2b: {  	s6 =	sld [smem:$0x3FAC]  }
0x2c: {  	s7 =	sld [smem:$0x3FAD]  }
0x2d: {  	s3 =	simm.s32 $0x108;
	s8 =	sld [smem:$0x3FAE]  }
0x2e: {  	s3 =	simm.s32 @!p0 $0x1082;
	s9 =	sld [smem:$0x3FAF]  }
0x2f: {  	lr =	sadd.s32 s0, s3;
	s0 =	sld [smem:$0x3FA6]  }
0x30: {  	s3 =	sld [smem:$0x3FA9]  }
0x31: {  	[smem:$0x3FB2] =	sst s10  }
0x32: {  	s10 =	sld [smem:$0x3FB0];
	_ =	sdelay $0x3  }
0x33: {  	p0 =	seq.s32 s10, $0x1;
	s10 =	sld [smem:$0x3FB2];
	_ =	sdelay $0x3  }
0x34: {  	[smem:$0x3FB2] =	sst s10  }
0x35: {  	s10 =	sld [smem:$0x3FB1];
	_ =	sdelay $0x3  }
0x36: {  	p1 =	seq.s32 s10, $0x1;
	s10 =	sld [smem:$0x3FB2];
	_ =	sdelay $0x3  }
0x37: {  	[smem:$0x3FB2] =	sst s10  }
0x38: {  	s10 =	sld [smem:$0x3FB3]  }
0x39: {  	_ = 	snop;
	(pc) =	sbr.ind lr, $3  }
0x3a: {  	_ = 	snop  }
0x3b: {  	_ = 	snop  }
0x3c: {  	p2 =	seq.s32 s10, $0x1;
	s10 =	sld [smem:$0x3FB2]  }
0x3d: {  	_ =	shalt  }
0x3e: {  	_ =	shalt  }
0x3f: {  	_ =	shalt  }
0x40: {  	_ =	shalt  }
0x41: {  	_ =	shalt  }
0x42: {  	_ =	shalt  }
0x43: {  	_ =	shalt  }
0x44: {  	_ =	shalt  }
0x45: {  	_ =	shalt  }
0x46: {  	_ =	shalt  }
0x47: {  	_ =	shalt  }
0x48: {  	_ =	shalt  }
0x49: {  	_ =	shalt  }
0x4a: {  	_ =	shalt  }
0x4b: {  	_ =	shalt  }
0x4c: {  	_ =	shalt  }
0x4d: {  	_ =	shalt  }
0x4e: {  	_ =	shalt  }
0x4f: {  	_ =	shalt  }
0x50: {  	_ =	shalt  }
0x51: {  	_ =	shalt  }
0x52: {  	_ =	shalt  }
0x53: {  	_ =	shalt  }
0x54: {  	_ =	shalt  }
0x55: {  	_ =	shalt  }
0x56: {  	_ =	shalt  }
0x57: {  	_ =	shalt  }
0x58: {  	_ =	shalt  }
0x59: {  	_ =	shalt  }
0x5a: {  	_ =	shalt  }
0x5b: {  	_ =	shalt  }
0x5c: {  	_ =	shalt  }
0x5d: {  	_ =	shalt  }
0x5e: {  	_ =	shalt  }
0x5f: {  	_ =	shalt  }
0x60: {  	_ =	shalt  }
0x61: {  	_ =	shalt  }
0x62: {  	_ =	shalt  }
0x63: {  	_ =	shalt  }
0x64: {  	_ =	shalt  }
0x65: {  	_ =	shalt  }
0x66: {  	_ =	shalt  }
0x67: {  	_ =	shalt  }
0x68: {  	_ =	shalt  }
0x69: {  	_ =	shalt  }
0x6a: {  	_ =	shalt  }
0x6b: {  	_ =	shalt  }
0x6c: {  	_ =	shalt  }
0x6d: {  	_ =	shalt  }
0x6e: {  	_ =	shalt  }
0x6f: {  	_ =	shalt  }
0x70: {  	_ =	shalt  }
0x71: {  	_ =	shalt  }
0x72: {  	_ =	shalt  }
0x73: {  	_ =	shalt  }
0x74: {  	_ =	shalt  }
0x75: {  	_ =	shalt  }
0x76: {  	_ =	shalt  }
0x77: {  	_ =	shalt  }
0x78: {  	_ =	shalt  }
0x79: {  	_ =	shalt  }
0x7a: {  	_ =	shalt  }
0x7b: {  	_ =	shalt  }
0x7c: {  	_ =	shalt  }
0x7d: {  	_ =	shalt  }
0x7e: {  	_ =	shalt  }
0x7f: {  	_ =	shalt  }
0x80: {  	_ =	shalt  }
0x81: {  	_ =	shalt  }
0x82: {  	_ =	shalt  }
0x83: {  	_ =	shalt  }
0x84: {  	_ =	shalt  }
0x85: {  	_ =	shalt  }
0x86: {  	_ =	shalt  }
0x87: {  	_ =	shalt  }
.Lfunc_end0:
.L_simem_size_0:
called_computation.5_lowered:
.L_overlay_start_0:
0x88: {  	s2 =	sld [smem:$0x3FD9]  }
0x89: {  	s3 =	sld [smem:$0x3FFE];
	_ =	sdelay $0x1  }
0x8a: {  	s1 =	srdreg.scid  }
0x8b: {  	s0 =	sand.u32 $0x1, s1  }
0x8c: {  	s17 =	sshll.u32 s0, $0xA;
	s2 =	sadd.s32 s3, s2  }
0x8d: {  	s2 =	sadd.s32 s2, s17  }
0x8e: {  	[smem:$0x3FBE] =	sst s2  }
0x8f: {  	_ = 	snop  }
0x90: {  	(tm) =	ssettm $0x1  }
0x91: {  	s18 =	sld [smem:$0x3FFB];
	_ =	sdelay $0x3  }
0x92: {  	_ =	strace s18  }
0x93: {  	s2 =	sld [smem:$0x3FFC];
	_ =	sdelay $0x3  }
0x94: {  	_ =	strace s2  }
0x95: {  	s2 =	sld [smem:$0x3FFD];
	_ =	sdelay $0x3  }
0x96: {  	_ =	strace s2  }
0x97: {  	_ =	strace $0x8FFFFFFF  }
0x98: {  	s19 =	sld [smem:$0x3FDB];
	_ =	sdelay $0x1  }
0x99: {  	s20 =	simm.s32 $_scs_section_size  }
0x9a: {  	s4 =	simm.s32 $_size__tile_overlayer_lowered;
	s5 =	simm.s32 $_tile_overlayer_lowered  }
0x9b: {  	s6 =	simm.s32 $0x1BFF;
	s21 =	sshll.u32 s5, $0x1;
	s3 =	sadd.s32 s20, s19  }
0x9c: {  	s22 =	simm.s32 $0x0;
	s4 =	sshll.u32 s4, $0x1;
	s5 =	sadd.s32 s21, s3  }
0x9d: {  	[timem:s22], [sflag:s6] =	dma.local [hbm:s5], s4  }
0x9e: {  	_ =	swait.ge [sflag:s6], s4  }
0x9f: {  	s4 =	ssub.s32 $0x0, s4;
	[sflag:s6] =	ssyncset.done $0x0  }
0xa0: {  	[sflag:s6] =	ssyncadd.s32 s4;
	_ =	sdelay $0x1  }
0xa1: {  	s23 =	simm.s32 $0x1B8B  }
0xa2: {  	_ =	swait.ge [sflag:s23], $0x1  }
0xa3: {  	[sflag:s23] =	ssyncset.done $0x0  }
0xa4: {  	[sflag:s23] =	ssyncadd.s32 $0xFFFFFFFF  }
0xa5: {  	s4 =	sld [smem:$0x0]  }
0xa6: {  	s5 =	sand.u32 $0xFFFFFFFE, s1  }
0xa7: {  	p0 =	sne.s32 s1, s5  }
0xa8: {  	s5 =	sshll.u32 @p0 s5, $0xE  }
0xa9: {  	s5 =	sadd.s32 @p0 $0x11B8D, s5;
	s6 =	sshll.u32 @p0 s4, $0x11  }
0xaa: {  	s5 =	sor.u32 @p0 s6, s5  }
0xab: {  	[sflag:s5] =	ssyncadd.remote.s32 @p0 $0x1;
	_ =	sdelay $0x1  }
0xac: {  	s5 =	simm.s32 @p0 $0x1B8D  }
0xad: {  	_ =	swait.eq @p0 [sflag:s5], $0x1  }
0xae: {  	[sflag:s5] =	ssyncadd.s32 @p0 $0xFFFFFFFF  }
0xaf: {  	s6 =	sshll.u32 @!p0 s1, $0xE  }
0xb0: {  	s6 =	sor.u32 @!p0 $0x4000, s6;
	s5 =	simm.s32 @!p0 $0x1B8D  }
0xb1: {  	s4 =	sshll.u32 @!p0 s4, $0x11;
	s6 =	sadd.s32 @!p0 $0x11B8D, s6;
	_ =	swait.eq @!p0 [sflag:s5], $0x1  }
0xb2: {  	s4 =	sor.u32 @!p0 s4, s6;
	[sflag:s5] =	ssyncadd.s32 @!p0 $0xFFFFFFFF  }
0xb3: {  	s25 =	simm.s32 $0x1B8E;
	s24 =	sld [smem:$0x3FFE];
	[sflag:s4] =	ssyncadd.remote.s32 @!p0 $0x1  }
0xb4: {  	s26 =	simm.s32 $execute0_lowered;
	[smem:$0x3FD2] =	sst s25  }
0xb5: {  	s5 =	sshll.u32 s26, $0x1;
	_ =	strace $0x80000055;
	[dreg:$0x1] =	wrdreg $0xFFFFFFFF  }
0xb6: {  	s28 =	simm.s32 $_size_execute0_lowered;
	s3 =	sadd.s32 s3, s5;
	[dreg:$0x0] =	wrdreg $0x0  }
0xb7: {  	s5 =	sshll.u32 s28, $0x1;
	[dreg:$0x2] =	wrdreg s3  }
0xb8: {  	[dreg:$0x3] =	wrdreg s5  }
0xb9: {  	[dreg:$0x4] =	wrdreg $0xC0  }
0xba: {  	_ =	task [dreg:s22], $0x5FFFF  }
0xbb: {  	[dreg:$0x1] =	wrdreg $0xFFFFFFFF  }
0xbc: {  	[dreg:$0x0] =	wrdreg $0x60  }
0xbd: {  	[dreg:$0x2] =	wrdreg s24  }
0xbe: {  	[dreg:$0x3] =	wrdreg $0x9  }
0xbf: {  	_ =	task.clear_ibuf [dreg:s22], $0x4FFFF;
	_ =	strace $0x90000055  }
0xc0: {  	s29 =	simm.s32 $0x9;
	_ =	strace $0x80000057  }
0xc1: {  	_ =	swait.ge [sflag:s29], $0x1  }
0xc2: {  	[sflag:s29] =	ssyncadd.s32 $0xFFFFFFFF  }
0xc3: {  	_ =	strace $0x90000057  }
0xc4: {  	_ =	sfence  }
0xc5: {  	s30 =	sld [smem:$0x0];
	_ =	sdelay $0x2  }
0xc6: {  	s31 =	sshll.u32 s1, $0xD;
	s1 =	sshrl.u32 s1, $0x2  }
0xc7: {  	s4 =	sand.u32 $0x4000, s31;
	s1 =	sadd.s32 s1, s30  }
0xc8: {  	s0 =	sor.u32 s4, s0;
	s1 =	sshll.u32 s1, $0x11  }
0xc9: {  	s0 =	sor.u32 s1, s0  }
0xca: {  	s0 =	sadd.s32 $0x8F2B, s0  }
0xcb: {  	[sflag:s0] =	ssyncadd.remote.s32 $0x1  }
0xcc: {  	_ =	sfence.sel $0xFFFF  }
0xcd: {  	[dreg:$0x0] =	wrdreg $0xFFFFFFFF;
	(pc) =	sbr.abs _section_cstart, $3  }
0xce: {  	[dreg:$0x1] =	wrdreg $0xFFFFFFFF  }
0xcf: {  	_ =	task.clear_ibuf [dreg:s22], $0x2FFFF;
	_ =	strace $0x9FFFFFFF  }
0xd0: {  	(tm) =	ssettm $0x7FFFFFFF  }
0xd1: {  	_ =	shalt  }
tec
execute0_lowered:
.L_overlay_start_1:
0x0: {  	(tag) =	ssettag $0x1  }
0x1: {  	s3 =	rddreg [dreg:$0x0];
	s2 =	simm.s32 $0x0;
	s0 =	srdreg.scid  }
0x2: {  	s1 =	stileid.u32;
	p0 =	por $0x0, $0x0;
	s30 =	simm.s32 $0x7  }
0x3: {  	s29 =	simm.s32 $0x8;
	[smem:$0x7FF] =	sst s2;
	s6 =	sand.u32 $0x1, s0  }
0x4: {  	s14 =	sshll.u32 s1, $0x1;
	s15 =	sadd.s32 $0xB87600, s3;
	s7 =	sadd.s32 $0xE60600, s3  }
0x5: {  	s31 =	sadd.s32 $0xF47C00, s3;
	_ =	strace $0x80000056;
	s1 =	sor.u32 s6, s14  }
0x6: {  	s6 =	ssub.s32 $0x2, s6;
	s4 =	sshll.u32 s1, $0xC;
	s5 =	sshll.u32 s1, $0x9  }
0x7: {  	s19 =	sshll.u32 s1, $0xD;
	s5 =	sadd.s32 s15, s5;
	s8 =	sor.u32 $0x400, s4  }
0x8: {  	s9 =	sor.u32 $0x800, s4;
	s11 =	sor.u32 $0xC00, s4;
	s4 =	smul.u32 $0x5000, s1  }
0x9: {  	s1 =	smul.u32 $0xA000, s1;
	[dreg:$0x2] =	wrdreg s5;
	s16 =	sshrl.u32 s8, $0x3  }
0xa: {  	s10 =	sshrl.u32 s9, $0x3;
	s18 =	sshrl.u32 s11, $0x3;
	s20 =	sshll.u32 s8, $0x1  }
0xb: {  	s26 =	sshll.u32 s9, $0x1;
	s12 =	sshll.u32 s11, $0x1;
	s5 =	sadd.s32 s15, s16  }
0xc: {  	s17 =	sadd.s32 s15, s10;
	s0 =	sadd.s32 s15, s18;
	s21 =	sshrl.u32 s4, $0x3  }
0xd: {  	s22 =	sor.u32 $0x400, s4;
	s9 =	sadd.s32 s7, s26;
	[dreg:$0x3] =	wrdreg s5  }
0xe: {  	s13 =	sor.u32 $0x800, s4;
	s14 =	sadd.s32 s7, s12;
	[dreg:$0x4] =	wrdreg s17  }
0xf: {  	s16 =	sor.u32 $0xC00, s4;
	s12 =	sadd.s32 $0x1800, s4;
	[dreg:$0x5] =	wrdreg s0  }
0x10: {  	s5 =	sadd.s32 s7, s19;
	s0 =	sadd.s32 $0xE4C600, s3;
	[dreg:$0xa] =	wrdreg s9  }
0x11: {  	s24 =	sshrl.u32 s22, $0x3;
	[dreg:$0xb] =	wrdreg s14;
	s15 =	sshrl.u32 s13, $0x3  }
0x12: {  	s18 =	sshrl.u32 s16, $0x3;
	s9 =	sshll.u32 s13, $0x1;
	s13 =	sshll.u32 s16, $0x1  }
0x13: {  	s14 =	sshrl.u32 s12, $0x3;
	[dreg:$0x6] =	wrdreg s5;
	s5 =	sadd.s32 s7, s20  }
0x14: {  	s23 =	sadd.s32 s0, s21;
	s25 =	sadd.s32 s0, s24;
	[dreg:$0x7] =	wrdreg s5  }
0x15: {  	s17 =	sadd.s32 s0, s15;
	s19 =	sadd.s32 s0, s18;
	[dreg:$0x8] =	wrdreg s23  }
0x16: {  	s20 =	sadd.s32 $0x1000, s4;
	s21 =	sshll.u32 s22, $0x1;
	[dreg:$0x9] =	wrdreg s25  }
0x17: {  	s15 =	sadd.s32 $0x1C00, s4;
	s16 =	sadd.s32 s0, s14;
	[dreg:$0xc] =	wrdreg s17  }
0x18: {  	s5 =	sadd.s32 $0xBCC600, s3;
	[dreg:$0xd] =	wrdreg s19;
	s22 =	sshrl.u32 s20, $0x3  }
0x19: {  	s23 =	sadd.s32 $0x1400, s4;
	s17 =	sshrl.u32 s15, $0x3;
	[dreg:$0x14] =	wrdreg s16  }
0x1a: {  	s19 =	sshll.u32 s20, $0x1;
	s3 =	sadd.s32 $0x92D400, s3;
	s1 =	sadd.s32 s5, s1  }
0x1b: {  	s24 =	sadd.s32 s0, s22;
	s25 =	sshrl.u32 s23, $0x3;
	s10 =	sadd.s32 s5, s9  }
0x1c: {  	s18 =	sadd.s32 s0, s17;
	s20 =	sadd.s32 s5, s19;
	[dreg:$0xe] =	wrdreg s1  }
0x1d: {  	s22 =	sshll.u32 s23, $0x1;
	s9 =	sshll.u32 s12, $0x1;
	[dreg:$0x10] =	wrdreg s24  }
0x1e: {  	s19 =	sshrl.u32 s6, $0x1;
	s1 =	sadd.s32 s5, s21;
	[dreg:$0x12] =	wrdreg s10  }
0x1f: {  	s26 =	sadd.s32 s0, s25;
	[dreg:$0x15] =	wrdreg s18;
	s21 =	sadd.s32 $0x2000, s4  }
0x20: {  	[dreg:$0x16] =	wrdreg s20;
	s24 =	sadd.s32 $0x2400, s4;
	s12 =	sadd.s32 s5, s9  }
0x21: {  	s11 =	ssub.s32 s6, s19;
	s10 =	simm.s32 $0xD000;
	[dreg:$0xf] =	wrdreg s1  }
0x22: {  	[dreg:$0x11] =	wrdreg s26;
	s1 =	sadd.s32 s5, s13;
	s23 =	sshrl.u32 s21, $0x3  }
0x23: {  	s26 =	sshrl.u32 s24, $0x3;
	[dreg:$0x1a] =	wrdreg s12;
	s13 =	sshll.u32 s15, $0x1  }
0x24: {  	s15 =	sadd.s32 $0x2C00, s4;
	s7 =	sshll.u32 s21, $0x1;
	s21 =	sadd.s32 $0x3000, s4  }
0x25: {  	s12 =	sadd.s32 $0x3400, s4;
	[dreg:$0x13] =	wrdreg s1;
	s1 =	sadd.s32 s5, s22  }
0x26: {  	s25 =	sadd.s32 s0, s23;
	s8 =	sadd.s32 s0, s26;
	s17 =	sshrl.u32 s15, $0x3  }
0x27: {  	s20 =	sadd.s32 s5, s7;
	s22 =	sshll.u32 s24, $0x1;
	[dreg:$0x17] =	wrdreg s1  }
0x28: {  	s23 =	sshrl.u32 s21, $0x3;
	s7 =	sshll.u32 s21, $0x1;
	[dreg:$0x18] =	wrdreg s25  }
0x29: {  	[dreg:$0x19] =	wrdreg s8;
	s8 =	sadd.s32 $0x2800, s4;
	s1 =	sadd.s32 s5, s13  }
0x2a: {  	s18 =	sadd.s32 s0, s17;
	[dreg:$0x1e] =	wrdreg s20;
	s24 =	sadd.s32 s0, s23  }
0x2b: {  	s25 =	sshrl.u32 s12, $0x3;
	s13 =	sadd.s32 $0x3800, s4;
	s20 =	sadd.s32 $0x4000, s4  }
0x2c: {  	s21 =	sadd.s32 s5, s7;
	s23 =	sshll.u32 s12, $0x1;
	[dreg:$0x1b] =	wrdreg s1  }
0x2d: {  	s12 =	simm.s32 $0x9000;
	s14 =	sshrl.u32 s8, $0x3;
	[dreg:$0x1d] =	wrdreg s18  }
0x2e: {  	s1 =	sadd.s32 s5, s22;
	[smem:$0x7F6] =	sst s24;
	s26 =	sadd.s32 s0, s25  }
0x2f: {  	s8 =	sshll.u32 s8, $0x1;
	s22 =	sadd.s32 $0x4800, s4;
	[smem:$0x7FC] =	sst s21  }
0x30: {  	s24 =	sshrl.u32 s20, $0x3;
	s25 =	sadd.s32 $0x4400, s4;
	[dreg:$0x1f] =	wrdreg s1  }
0x31: {  	s7 =	sshll.u32 s13, $0x1;
	s16 =	sadd.s32 s0, s14;
	[smem:$0x7F7] =	sst s26  }
0x32: {  	s9 =	sadd.s32 s5, s8;
	s14 =	sshll.u32 s15, $0x1;
	s15 =	sshrl.u32 s13, $0x3  }
0x33: {  	s28 =	sadd.s32 s0, s24;
	s26 =	sshrl.u32 s25, $0x3;
	s13 =	sadd.s32 $0x4C00, s4  }
0x34: {  	s21 =	sshll.u32 s22, $0x1;
	s24 =	simm.s32 $0xC00;
	[dreg:$0x1c] =	wrdreg s16  }
0x35: {  	s8 =	simm.s32 $0x6;
	[smem:$0x7F8] =	sst s9;
	s1 =	sadd.s32 s5, s14  }
0x36: {  	s16 =	sadd.s32 $0x3C00, s4;
	s17 =	sadd.s32 s0, s15;
	s26 =	sadd.s32 s0, s26  }
0x37: {  	s14 =	sshrl.u32 s22, $0x3;
	s15 =	sshrl.u32 s13, $0x3;
	s6 =	sadd.s32 s5, s21  }
0x38: {  	s22 =	smax.u32 s11, $0x1;
	s4 =	simm.s32 $0x9;
	s21 =	simm.s32 $0x2  }
0x39: {  	s11 =	simm.s32 $0x5;
	[smem:$0x7F9] =	sst s1;
	s18 =	sshrl.u32 s16, $0x3  }
0x3a: {  	[smem:$0x7FA] =	sst s17;
	s1 =	sadd.s32 s5, s23;
	s9 =	sshll.u32 s16, $0x1  }
0x3b: {  	s17 =	sadd.s32 s5, s7;
	s16 =	sadd.s32 s0, s14;
	s15 =	sadd.s32 s0, s15  }
0x3c: {  	s14 =	simm.s32 $0x5000;
	s23 =	simm.s32 $0x800;
	p1 =	sne.s32 s22, $0x1  }
0x3d: {  	s19 =	sadd.s32 s0, s18;
	[smem:$0x7FD] =	sst s1;
	s18 =	sadd.s32 s5, s9  }
.Ltmp0:
0x3e: {  	s1 =	sshll.u32 s13, $0x1;
	s13 =	simm.s32 $0x1000;
	(pc) =	sbr.rel @!p1 .LBB2_3-.Ltmp0, $4  }
0x3f: {  	s0 =	sadd.s32 $0xFFFFFFFF, s22;
	s22 =	simm.s32 $0x3;
	[smem:$0x7FB] =	sst s19  }
0x40: {  	s19 =	sshll.u32 s20, $0x1;
	s20 =	sshll.u32 s25, $0x1;
	s25 =	simm.s32 $0x1  }
0x41: {  	s7 =	sadd.s32 s5, s19;
	s9 =	sadd.s32 s5, s20;
	s5 =	sadd.s32 s5, s1  }
0x42: {  	s19 =	simm.s32 $0x400;
	s20 =	simm.s32 $0x4;
	s1 =	rddreg [dreg:$0x2]  }
0x43: {  	[tilespmem:s2], [sflag:$0x9] =	stream.linear.gather [hbm4b:s1+s2], $0x400, $0x38;
	[tilespmem:$0x11000] =	vst v63  }
0x44: {  	_ =	swait.ge [sflag:s4], $0x400  }
0x45: {  	[sflag:s4] =	ssyncset.done $0x0  }
0x46: {  	s1 =	rddreg [dreg:$0x3];
	[sflag:s4] =	ssyncadd.s32 $0xFFFFFC00  }
0x47: {  	[tilespmem:s19], [sflag:$0x9] =	stream.linear.gather [hbm4b:s1+s2], $0x400, $0x38;
	[tilespmem:$0x11000] =	vst v63  }
0x48: {  	_ =	swait.ge [sflag:s4], $0x400  }
0x49: {  	[sflag:s4] =	ssyncset.done $0x0  }
0x4a: {  	[sflag:s4] =	ssyncadd.s32 $0xFFFFFC00  }
0x4b: {  	[tilespmem:s13], [sflag:$0x1] =	stream.indirect.gather [hbm4b:s31+s19], $0x10, s2, s19, $0xb8;
	[tilespmem:$0x11000] =	vst v63  }
0x4c: {  	_ = 	snop  }
0x4d: {  	[tilespmem:s14], [sflag:$0x2] =	stream.indirect.gather [hbm4b:s31+s19], $0x10, s19, s19, $0xb8;
	[tilespmem:$0x11000] =	vst v63  }
0x4e: {  	s1 =	rddreg [dreg:$0x4]  }
0x4f: {  	[tilespmem:s23], [sflag:$0x9] =	stream.linear.gather [hbm4b:s1+s2], $0x400, $0x38;
	[tilespmem:$0x11000] =	vst v63  }
0x50: {  	_ =	swait.ge [sflag:s4], $0x400  }
0x51: {  	[sflag:s4] =	ssyncset.done $0x0  }
0x52: {  	s1 =	rddreg [dreg:$0x5];
	[sflag:s4] =	ssyncadd.s32 $0xFFFFFC00  }
0x53: {  	[tilespmem:s24], [sflag:$0x9] =	stream.linear.gather [hbm4b:s1+s2], $0x400, $0x38;
	[tilespmem:$0x11000] =	vst v63  }
0x54: {  	_ =	swait.ge [sflag:s4], $0x400  }
0x55: {  	[sflag:s4] =	ssyncset.done $0x0  }
0x56: {  	[sflag:s4] =	ssyncadd.s32 $0xFFFFFC00  }
0x57: {  	[tilespmem:s12], [sflag:$0x3] =	stream.indirect.gather [hbm4b:s31+s19], $0x10, s23, s19, $0xb8;
	[tilespmem:$0x11000] =	vst v63  }
0x58: {  	_ = 	snop  }
0x59: {  	[tilespmem:s10], [sflag:$0x4] =	stream.indirect.gather [hbm4b:s31+s19], $0x10, s24, s19, $0xb8;
	[tilespmem:$0x11000] =	vst v63  }
0x5a: {  	_ =	swait.ge [sflag:s25], $0x4000  }
0x5b: {  	[sflag:s25] =	ssyncset.done $0x0  }
0x5c: {  	[sflag:s25] =	ssyncadd.s32 $0xFFFFC000  }
0x5d: {  	_ =	swait.ge [sflag:s21], $0x4000  }
0x5e: {  	s1 =	rddreg [dreg:$0x6];
	[sflag:s21] =	ssyncset.done $0x0  }
0x5f: {  	[smem:$0x7F4] =	sst s0;
	[sflag:s21] =	ssyncadd.s32 $0xFFFFC000  }
0x60: {  	[hbm4b:s1+s2] =	stream.linear.scatter [tilespmem:s13], [sflag:$0x5], $0x4000, $0x38;
	[tilespmem:$0x11000] =	vst v63  }
0x61: {  	s0 =	rddreg [dreg:$0x7]  }
0x62: {  	[hbm4b:s0+s2] =	stream.linear.scatter [tilespmem:s14], [sflag:$0x6], $0x4000, $0x38;
	[tilespmem:$0x11000] =	vst v63  }
0x63: {  	_ =	swait.ge [sflag:s11], $0x4000  }
0x64: {  	[sflag:s11] =	ssyncset.done $0x0  }
0x65: {  	[sflag:s11] =	ssyncadd.s32 $0xFFFFC000  }
0x66: {  	_ =	swait.ge [sflag:s8], $0x4000  }
0x67: {  	[sflag:s8] =	ssyncset.done $0x0  }
0x68: {  	s1 =	rddreg [dreg:$0x8];
	[sflag:s8] =	ssyncadd.s32 $0xFFFFC000  }
0x69: {  	[tilespmem:s2], [sflag:$0x9] =	stream.linear.gather [hbm4b:s1+s2], $0x400, $0x38;
	[tilespmem:$0x11000] =	vst v63  }
0x6a: {  	_ =	swait.ge [sflag:s4], $0x400  }
0x6b: {  	[sflag:s4] =	ssyncset.done $0x0  }
0x6c: {  	s1 =	rddreg [dreg:$0x9];
	[sflag:s4] =	ssyncadd.s32 $0xFFFFFC00  }
0x6d: {  	[tilespmem:s19], [sflag:$0x9] =	stream.linear.gather [hbm4b:s1+s2], $0x400, $0x38;
	[tilespmem:$0x11000] =	vst v63  }
0x6e: {  	_ =	swait.ge [sflag:s4], $0x400  }
0x6f: {  	[sflag:s4] =	ssyncset.done $0x0  }
0x70: {  	[sflag:s4] =	ssyncadd.s32 $0xFFFFFC00  }
0x71: {  	[tilespmem:s13], [sflag:$0x1] =	stream.indirect.gather [hbm4b:s3+s19], $0x10, s2, s19, $0xb8;
	[tilespmem:$0x11000] =	vst v63  }
0x72: {  	_ = 	snop  }
0x73: {  	[tilespmem:s14], [sflag:$0x2] =	stream.indirect.gather [hbm4b:s3+s19], $0x10, s19, s19, $0xb8;
	[tilespmem:$0x11000] =	vst v63  }
0x74: {  	_ =	swait.ge [sflag:s22], $0x4000  }
0x75: {  	[sflag:s22] =	ssyncset.done $0x0  }
0x76: {  	[sflag:s22] =	ssyncadd.s32 $0xFFFFC000  }
0x77: {  	_ =	swait.ge [sflag:s20], $0x4000  }
0x78: {  	[sflag:s20] =	ssyncset.done $0x0  }
0x79: {  	s0 =	rddreg [dreg:$0xa];
	[sflag:s20] =	ssyncadd.s32 $0xFFFFC000  }
0x7a: {  	[hbm4b:s0+s2] =	stream.linear.scatter [tilespmem:s12], [sflag:$0x7], $0x4000, $0x38;
	[tilespmem:$0x11000] =	vst v63  }
0x7b: {  	s1 =	rddreg [dreg:$0xb]  }
0x7c: {  	[hbm4b:s1+s2] =	stream.linear.scatter [tilespmem:s10], [sflag:$0x8], $0x4000, $0x38;
	[tilespmem:$0x11000] =	vst v63  }
0x7d: {  	_ =	swait.ge [sflag:s30], $0x4000  }
0x7e: {  	[sflag:s30] =	ssyncset.done $0x0  }
0x7f: {  	[sflag:s30] =	ssyncadd.s32 $0xFFFFC000  }
0x80: {  	_ =	swait.ge [sflag:s29], $0x4000  }
0x81: {  	[sflag:s29] =	ssyncset.done $0x0  }
0x82: {  	s1 =	rddreg [dreg:$0xc];
	[sflag:s29] =	ssyncadd.s32 $0xFFFFC000  }
0x83: {  	[tilespmem:s23], [sflag:$0x9] =	stream.linear.gather [hbm4b:s1+s2], $0x400, $0x38;
	[tilespmem:$0x11000] =	vst v63  }
0x84: {  	_ =	swait.ge [sflag:s4], $0x400  }
0x85: {  	[sflag:s4] =	ssyncset.done $0x0  }
0x86: {  	s1 =	rddreg [dreg:$0xd];
	[sflag:s4] =	ssyncadd.s32 $0xFFFFFC00  }
0x87: {  	[tilespmem:s24], [sflag:$0x9] =	stream.linear.gather [hbm4b:s1+s2], $0x400, $0x38;
	[tilespmem:$0x11000] =	vst v63  }
0x88: {  	_ =	swait.ge [sflag:s4], $0x400  }
0x89: {  	[sflag:s4] =	ssyncset.done $0x0  }
0x8a: {  	[sflag:s4] =	ssyncadd.s32 $0xFFFFFC00  }
0x8b: {  	[tilespmem:s12], [sflag:$0x3] =	stream.indirect.gather [hbm4b:s3+s19], $0x10, s23, s19, $0xb8;
	[tilespmem:$0x11000] =	vst v63  }
0x8c: {  	_ = 	snop  }
0x8d: {  	[tilespmem:s10], [sflag:$0x4] =	stream.indirect.gather [hbm4b:s3+s19], $0x10, s24, s19, $0xb8;
	[tilespmem:$0x11000] =	vst v63  }
0x8e: {  	_ =	swait.ge [sflag:s25], $0x4000  }
0x8f: {  	[sflag:s25] =	ssyncset.done $0x0  }
0x90: {  	[sflag:s25] =	ssyncadd.s32 $0xFFFFC000  }
0x91: {  	_ =	swait.ge [sflag:s21], $0x4000  }
0x92: {  	[sflag:s21] =	ssyncset.done $0x0  }
0x93: {  	s0 =	rddreg [dreg:$0xe];
	[sflag:s21] =	ssyncadd.s32 $0xFFFFC000  }
0x94: {  	[hbm4b:s0+s2] =	stream.linear.scatter [tilespmem:s13], [sflag:$0x5], $0x4000, $0x38;
	[tilespmem:$0x11000] =	vst v63  }
0x95: {  	s1 =	rddreg [dreg:$0xf]  }
0x96: {  	[hbm4b:s1+s2] =	stream.linear.scatter [tilespmem:s14], [sflag:$0x6], $0x4000, $0x38;
	[tilespmem:$0x11000] =	vst v63  }
0x97: {  	_ =	swait.ge [sflag:s11], $0x4000  }
0x98: {  	[sflag:s11] =	ssyncset.done $0x0  }
0x99: {  	[sflag:s11] =	ssyncadd.s32 $0xFFFFC000  }
0x9a: {  	_ =	swait.ge [sflag:s8], $0x4000  }
0x9b: {  	[sflag:s8] =	ssyncset.done $0x0  }
0x9c: {  	s1 =	rddreg [dreg:$0x10];
	[sflag:s8] =	ssyncadd.s32 $0xFFFFC000  }
0x9d: {  	[tilespmem:s2], [sflag:$0x9] =	stream.linear.gather [hbm4b:s1+s2], $0x400, $0x38;
	[tilespmem:$0x11000] =	vst v63  }
0x9e: {  	_ =	swait.ge [sflag:s4], $0x400  }
0x9f: {  	[sflag:s4] =	ssyncset.done $0x0  }
0xa0: {  	s1 =	rddreg [dreg:$0x11];
	[sflag:s4] =	ssyncadd.s32 $0xFFFFFC00  }
0xa1: {  	[tilespmem:s19], [sflag:$0x9] =	stream.linear.gather [hbm4b:s1+s2], $0x400, $0x38;
	[tilespmem:$0x11000] =	vst v63  }
0xa2: {  	_ =	swait.ge [sflag:s4], $0x400  }
0xa3: {  	[sflag:s4] =	ssyncset.done $0x0  }
0xa4: {  	[sflag:s4] =	ssyncadd.s32 $0xFFFFFC00  }
0xa5: {  	[tilespmem:s13], [sflag:$0x1] =	stream.indirect.gather [hbm4b:s3+s19], $0x10, s2, s19, $0xb8;
	[tilespmem:$0x11000] =	vst v63  }
0xa6: {  	_ = 	snop  }
0xa7: {  	[tilespmem:s14], [sflag:$0x2] =	stream.indirect.gather [hbm4b:s3+s19], $0x10, s19, s19, $0xb8;
	[tilespmem:$0x11000] =	vst v63  }
0xa8: {  	_ =	swait.ge [sflag:s22], $0x4000  }
0xa9: {  	[sflag:s22] =	ssyncset.done $0x0  }
0xaa: {  	[sflag:s22] =	ssyncadd.s32 $0xFFFFC000  }
0xab: {  	_ =	swait.ge [sflag:s20], $0x4000  }
0xac: {  	[sflag:s20] =	ssyncset.done $0x0  }
0xad: {  	s0 =	rddreg [dreg:$0x12];
	[sflag:s20] =	ssyncadd.s32 $0xFFFFC000  }
0xae: {  	[hbm4b:s0+s2] =	stream.linear.scatter [tilespmem:s12], [sflag:$0x7], $0x4000, $0x38;
	[tilespmem:$0x11000] =	vst v63  }
0xaf: {  	s1 =	rddreg [dreg:$0x13]  }
0xb0: {  	[hbm4b:s1+s2] =	stream.linear.scatter [tilespmem:s10], [sflag:$0x8], $0x4000, $0x38;
	[tilespmem:$0x11000] =	vst v63  }
0xb1: {  	_ =	swait.ge [sflag:s30], $0x4000  }
0xb2: {  	[sflag:s30] =	ssyncset.done $0x0  }
0xb3: {  	[sflag:s30] =	ssyncadd.s32 $0xFFFFC000  }
0xb4: {  	_ =	swait.ge [sflag:s29], $0x4000  }
0xb5: {  	[sflag:s29] =	ssyncset.done $0x0  }
0xb6: {  	s1 =	rddreg [dreg:$0x14];
	[sflag:s29] =	ssyncadd.s32 $0xFFFFC000  }
0xb7: {  	[tilespmem:s23], [sflag:$0x9] =	stream.linear.gather [hbm4b:s1+s2], $0x400, $0x38;
	[tilespmem:$0x11000] =	vst v63  }
0xb8: {  	_ =	swait.ge [sflag:s4], $0x400  }
0xb9: {  	[sflag:s4] =	ssyncset.done $0x0  }
0xba: {  	s1 =	rddreg [dreg:$0x15];
	[sflag:s4] =	ssyncadd.s32 $0xFFFFFC00  }
0xbb: {  	[tilespmem:s24], [sflag:$0x9] =	stream.linear.gather [hbm4b:s1+s2], $0x400, $0x38;
	[tilespmem:$0x11000] =	vst v63  }
0xbc: {  	_ =	swait.ge [sflag:s4], $0x400  }
0xbd: {  	[sflag:s4] =	ssyncset.done $0x0  }
0xbe: {  	[sflag:s4] =	ssyncadd.s32 $0xFFFFFC00  }
0xbf: {  	[tilespmem:s12], [sflag:$0x3] =	stream.indirect.gather [hbm4b:s3+s19], $0x10, s23, s19, $0xb8;
	[tilespmem:$0x11000] =	vst v63  }
0xc0: {  	_ = 	snop  }
0xc1: {  	[tilespmem:s10], [sflag:$0x4] =	stream.indirect.gather [hbm4b:s3+s19], $0x10, s24, s19, $0xb8;
	[tilespmem:$0x11000] =	vst v63  }
0xc2: {  	_ =	swait.ge [sflag:s25], $0x4000  }
0xc3: {  	[sflag:s25] =	ssyncset.done $0x0  }
0xc4: {  	[sflag:s25] =	ssyncadd.s32 $0xFFFFC000  }
0xc5: {  	_ =	swait.ge [sflag:s21], $0x4000  }
0xc6: {  	[sflag:s21] =	ssyncset.done $0x0  }
0xc7: {  	s0 =	rddreg [dreg:$0x16];
	[sflag:s21] =	ssyncadd.s32 $0xFFFFC000  }
0xc8: {  	[hbm4b:s0+s2] =	stream.linear.scatter [tilespmem:s13], [sflag:$0x5], $0x4000, $0x38;
	[tilespmem:$0x11000] =	vst v63  }
0xc9: {  	s1 =	rddreg [dreg:$0x17]  }
0xca: {  	[hbm4b:s1+s2] =	stream.linear.scatter [tilespmem:s14], [sflag:$0x6], $0x4000, $0x38;
	[tilespmem:$0x11000] =	vst v63  }
0xcb: {  	_ =	swait.ge [sflag:s11], $0x4000  }
0xcc: {  	[sflag:s11] =	ssyncset.done $0x0  }
0xcd: {  	[sflag:s11] =	ssyncadd.s32 $0xFFFFC000  }
0xce: {  	_ =	swait.ge [sflag:s8], $0x4000  }
0xcf: {  	[sflag:s8] =	ssyncset.done $0x0  }
0xd0: {  	s1 =	rddreg [dreg:$0x18];
	[sflag:s8] =	ssyncadd.s32 $0xFFFFC000  }
0xd1: {  	[tilespmem:s2], [sflag:$0x9] =	stream.linear.gather [hbm4b:s1+s2], $0x400, $0x38;
	[tilespmem:$0x11000] =	vst v63  }
0xd2: {  	_ =	swait.ge [sflag:s4], $0x400  }
0xd3: {  	[sflag:s4] =	ssyncset.done $0x0  }
0xd4: {  	s1 =	rddreg [dreg:$0x19];
	[sflag:s4] =	ssyncadd.s32 $0xFFFFFC00  }
0xd5: {  	[tilespmem:s19], [sflag:$0x9] =	stream.linear.gather [hbm4b:s1+s2], $0x400, $0x38;
	[tilespmem:$0x11000] =	vst v63  }
0xd6: {  	_ =	swait.ge [sflag:s4], $0x400  }
0xd7: {  	[sflag:s4] =	ssyncset.done $0x0  }
0xd8: {  	[sflag:s4] =	ssyncadd.s32 $0xFFFFFC00  }
0xd9: {  	[tilespmem:s13], [sflag:$0x1] =	stream.indirect.gather [hbm4b:s3+s19], $0x10, s2, s19, $0xb8;
	[tilespmem:$0x11000] =	vst v63  }
0xda: {  	_ = 	snop  }
0xdb: {  	[tilespmem:s14], [sflag:$0x2] =	stream.indirect.gather [hbm4b:s3+s19], $0x10, s19, s19, $0xb8;
	[tilespmem:$0x11000] =	vst v63  }
0xdc: {  	_ =	swait.ge [sflag:s22], $0x4000  }
0xdd: {  	[sflag:s22] =	ssyncset.done $0x0  }
0xde: {  	[sflag:s22] =	ssyncadd.s32 $0xFFFFC000  }
0xdf: {  	_ =	swait.ge [sflag:s20], $0x4000  }
0xe0: {  	[sflag:s20] =	ssyncset.done $0x0  }
0xe1: {  	s0 =	rddreg [dreg:$0x1a];
	[sflag:s20] =	ssyncadd.s32 $0xFFFFC000  }
0xe2: {  	[hbm4b:s0+s2] =	stream.linear.scatter [tilespmem:s12], [sflag:$0x7], $0x4000, $0x38;
	[tilespmem:$0x11000] =	vst v63  }
0xe3: {  	s1 =	rddreg [dreg:$0x1b]  }
0xe4: {  	[hbm4b:s1+s2] =	stream.linear.scatter [tilespmem:s10], [sflag:$0x8], $0x4000, $0x38;
	[tilespmem:$0x11000] =	vst v63  }
0xe5: {  	_ =	swait.ge [sflag:s30], $0x4000  }
0xe6: {  	[sflag:s30] =	ssyncset.done $0x0  }
0xe7: {  	[sflag:s30] =	ssyncadd.s32 $0xFFFFC000  }
0xe8: {  	_ =	swait.ge [sflag:s29], $0x4000  }
0xe9: {  	[sflag:s29] =	ssyncset.done $0x0  }
0xea: {  	s1 =	rddreg [dreg:$0x1c];
	[sflag:s29] =	ssyncadd.s32 $0xFFFFC000  }
0xeb: {  	[tilespmem:s23], [sflag:$0x9] =	stream.linear.gather [hbm4b:s1+s2], $0x400, $0x38;
	[tilespmem:$0x11000] =	vst v63  }
0xec: {  	_ =	swait.ge [sflag:s4], $0x400  }
0xed: {  	[sflag:s4] =	ssyncset.done $0x0  }
0xee: {  	s1 =	rddreg [dreg:$0x1d];
	[sflag:s4] =	ssyncadd.s32 $0xFFFFFC00  }
0xef: {  	[tilespmem:s24], [sflag:$0x9] =	stream.linear.gather [hbm4b:s1+s2], $0x400, $0x38;
	[tilespmem:$0x11000] =	vst v63  }
0xf0: {  	_ =	swait.ge [sflag:s4], $0x400  }
0xf1: {  	[sflag:s4] =	ssyncset.done $0x0  }
0xf2: {  	[sflag:s4] =	ssyncadd.s32 $0xFFFFFC00  }
0xf3: {  	[tilespmem:s12], [sflag:$0x3] =	stream.indirect.gather [hbm4b:s3+s19], $0x10, s23, s19, $0xb8;
	[tilespmem:$0x11000] =	vst v63  }
0xf4: {  	_ = 	snop  }
0xf5: {  	[tilespmem:s10], [sflag:$0x4] =	stream.indirect.gather [hbm4b:s3+s19], $0x10, s24, s19, $0xb8;
	[tilespmem:$0x11000] =	vst v63  }
0xf6: {  	_ =	swait.ge [sflag:s25], $0x4000  }
0xf7: {  	[sflag:s25] =	ssyncset.done $0x0  }
0xf8: {  	[sflag:s25] =	ssyncadd.s32 $0xFFFFC000  }
0xf9: {  	_ =	swait.ge [sflag:s21], $0x4000  }
0xfa: {  	[sflag:s21] =	ssyncset.done $0x0  }
0xfb: {  	s0 =	rddreg [dreg:$0x1e];
	[sflag:s21] =	ssyncadd.s32 $0xFFFFC000  }
0xfc: {  	[hbm4b:s0+s2] =	stream.linear.scatter [tilespmem:s13], [sflag:$0x5], $0x4000, $0x38;
	[tilespmem:$0x11000] =	vst v63  }
0xfd: {  	s1 =	rddreg [dreg:$0x1f]  }
0xfe: {  	[hbm4b:s1+s2] =	stream.linear.scatter [tilespmem:s14], [sflag:$0x6], $0x4000, $0x38;
	[tilespmem:$0x11000] =	vst v63  }
0xff: {  	_ =	swait.ge [sflag:s11], $0x4000  }
0x100: {  	[sflag:s11] =	ssyncset.done $0x0  }
0x101: {  	[sflag:s11] =	ssyncadd.s32 $0xFFFFC000  }
0x102: {  	_ =	swait.ge [sflag:s8], $0x4000  }
0x103: {  	s1 =	sld [smem:$0x7F6]  }
0x104: {  	[sflag:s8] =	ssyncset.done $0x0  }
0x105: {  	[sflag:s8] =	ssyncadd.s32 $0xFFFFC000  }
0x106: {  	[tilespmem:s2], [sflag:$0x9] =	stream.linear.gather [hbm4b:s1+s2], $0x400, $0x38;
	[tilespmem:$0x11000] =	vst v63  }
0x107: {  	_ =	swait.ge [sflag:s4], $0x400  }
0x108: {  	s1 =	sld [smem:$0x7F7]  }
0x109: {  	[sflag:s4] =	ssyncset.done $0x0  }
0x10a: {  	[sflag:s4] =	ssyncadd.s32 $0xFFFFFC00  }
0x10b: {  	[tilespmem:s19], [sflag:$0x9] =	stream.linear.gather [hbm4b:s1+s2], $0x400, $0x38;
	[tilespmem:$0x11000] =	vst v63  }
0x10c: {  	_ =	swait.ge [sflag:s4], $0x400  }
0x10d: {  	[sflag:s4] =	ssyncset.done $0x0  }
0x10e: {  	[sflag:s4] =	ssyncadd.s32 $0xFFFFFC00  }
0x10f: {  	[tilespmem:s13], [sflag:$0x1] =	stream.indirect.gather [hbm4b:s3+s19], $0x10, s2, s19, $0xb8;
	[tilespmem:$0x11000] =	vst v63  }
0x110: {  	_ = 	snop  }
0x111: {  	[tilespmem:s14], [sflag:$0x2] =	stream.indirect.gather [hbm4b:s3+s19], $0x10, s19, s19, $0xb8;
	[tilespmem:$0x11000] =	vst v63  }
0x112: {  	_ =	swait.ge [sflag:s22], $0x4000  }
0x113: {  	[sflag:s22] =	ssyncset.done $0x0  }
0x114: {  	[sflag:s22] =	ssyncadd.s32 $0xFFFFC000  }
0x115: {  	_ =	swait.ge [sflag:s20], $0x4000  }
0x116: {  	s0 =	sld [smem:$0x7F8]  }
0x117: {  	[sflag:s20] =	ssyncset.done $0x0  }
0x118: {  	s1 =	sld [smem:$0x7F9];
	[sflag:s20] =	ssyncadd.s32 $0xFFFFC000  }
0x119: {  	[hbm4b:s0+s2] =	stream.linear.scatter [tilespmem:s12], [sflag:$0x7], $0x4000, $0x38;
	[tilespmem:$0x11000] =	vst v63  }
0x11a: {  	_ = 	snop  }
0x11b: {  	[hbm4b:s1+s2] =	stream.linear.scatter [tilespmem:s10], [sflag:$0x8], $0x4000, $0x38;
	[tilespmem:$0x11000] =	vst v63  }
0x11c: {  	_ =	swait.ge [sflag:s30], $0x4000  }
0x11d: {  	[sflag:s30] =	ssyncset.done $0x0  }
0x11e: {  	[sflag:s30] =	ssyncadd.s32 $0xFFFFC000  }
0x11f: {  	_ =	swait.ge [sflag:s29], $0x4000  }
0x120: {  	s1 =	sld [smem:$0x7FA]  }
0x121: {  	[sflag:s29] =	ssyncset.done $0x0  }
0x122: {  	[sflag:s29] =	ssyncadd.s32 $0xFFFFC000  }
0x123: {  	[tilespmem:s23], [sflag:$0x9] =	stream.linear.gather [hbm4b:s1+s2], $0x400, $0x38;
	[tilespmem:$0x11000] =	vst v63  }
0x124: {  	_ =	swait.ge [sflag:s4], $0x400  }
0x125: {  	s1 =	sld [smem:$0x7FB]  }
0x126: {  	[sflag:s4] =	ssyncset.done $0x0  }
0x127: {  	[sflag:s4] =	ssyncadd.s32 $0xFFFFFC00  }
0x128: {  	[tilespmem:s24], [sflag:$0x9] =	stream.linear.gather [hbm4b:s1+s2], $0x400, $0x38;
	[tilespmem:$0x11000] =	vst v63  }
0x129: {  	_ =	swait.ge [sflag:s4], $0x400  }
0x12a: {  	[sflag:s4] =	ssyncset.done $0x0  }
0x12b: {  	[sflag:s4] =	ssyncadd.s32 $0xFFFFFC00  }
0x12c: {  	[tilespmem:s12], [sflag:$0x3] =	stream.indirect.gather [hbm4b:s3+s19], $0x10, s23, s19, $0xb8;
	[tilespmem:$0x11000] =	vst v63  }
0x12d: {  	_ = 	snop  }
0x12e: {  	[tilespmem:s10], [sflag:$0x4] =	stream.indirect.gather [hbm4b:s3+s19], $0x10, s24, s19, $0xb8;
	[tilespmem:$0x11000] =	vst v63  }
0x12f: {  	_ =	swait.ge [sflag:s25], $0x4000  }
0x130: {  	[sflag:s25] =	ssyncset.done $0x0  }
0x131: {  	[sflag:s25] =	ssyncadd.s32 $0xFFFFC000  }
0x132: {  	_ =	swait.ge [sflag:s21], $0x4000  }
0x133: {  	s0 =	sld [smem:$0x7FC]  }
0x134: {  	[sflag:s21] =	ssyncset.done $0x0  }
0x135: {  	s1 =	sld [smem:$0x7FD];
	[sflag:s21] =	ssyncadd.s32 $0xFFFFC000  }
0x136: {  	[hbm4b:s0+s2] =	stream.linear.scatter [tilespmem:s13], [sflag:$0x5], $0x4000, $0x38;
	[tilespmem:$0x11000] =	vst v63  }
0x137: {  	_ = 	snop  }
0x138: {  	[hbm4b:s1+s2] =	stream.linear.scatter [tilespmem:s14], [sflag:$0x6], $0x4000, $0x38;
	[tilespmem:$0x11000] =	vst v63  }
0x139: {  	_ =	swait.ge [sflag:s11], $0x4000  }
0x13a: {  	[sflag:s11] =	ssyncset.done $0x0  }
0x13b: {  	[sflag:s11] =	ssyncadd.s32 $0xFFFFC000  }
0x13c: {  	_ =	swait.ge [sflag:s8], $0x4000  }
0x13d: {  	[sflag:s8] =	ssyncset.done $0x0  }
0x13e: {  	[sflag:s8] =	ssyncadd.s32 $0xFFFFC000  }
0x13f: {  	[tilespmem:s2], [sflag:$0x9] =	stream.linear.gather [hbm4b:s28+s2], $0x400, $0x38;
	[tilespmem:$0x11000] =	vst v63  }
0x140: {  	_ =	swait.ge [sflag:s4], $0x400  }
0x141: {  	[sflag:s4] =	ssyncset.done $0x0  }
0x142: {  	[sflag:s4] =	ssyncadd.s32 $0xFFFFFC00  }
0x143: {  	[tilespmem:s19], [sflag:$0x9] =	stream.linear.gather [hbm4b:s26+s2], $0x400, $0x38;
	[tilespmem:$0x11000] =	vst v63  }
0x144: {  	_ =	swait.ge [sflag:s4], $0x400  }
0x145: {  	[sflag:s4] =	ssyncset.done $0x0  }
0x146: {  	[sflag:s4] =	ssyncadd.s32 $0xFFFFFC00  }
0x147: {  	[tilespmem:s13], [sflag:$0x1] =	stream.indirect.gather [hbm4b:s3+s19], $0x10, s2, s19, $0xb8;
	[tilespmem:$0x11000] =	vst v63  }
0x148: {  	_ = 	snop  }
0x149: {  	[tilespmem:s14], [sflag:$0x2] =	stream.indirect.gather [hbm4b:s3+s19], $0x10, s19, s19, $0xb8;
	[tilespmem:$0x11000] =	vst v63  }
0x14a: {  	_ =	swait.ge [sflag:s22], $0x4000  }
0x14b: {  	[sflag:s22] =	ssyncset.done $0x0  }
0x14c: {  	[sflag:s22] =	ssyncadd.s32 $0xFFFFC000  }
0x14d: {  	_ =	swait.ge [sflag:s20], $0x4000  }
0x14e: {  	[sflag:s20] =	ssyncset.done $0x0  }
0x14f: {  	[sflag:s20] =	ssyncadd.s32 $0xFFFFC000  }
0x150: {  	[hbm4b:s17+s2] =	stream.linear.scatter [tilespmem:s12], [sflag:$0x7], $0x4000, $0x38;
	[tilespmem:$0x11000] =	vst v63  }
0x151: {  	_ = 	snop  }
0x152: {  	[hbm4b:s18+s2] =	stream.linear.scatter [tilespmem:s10], [sflag:$0x8], $0x4000, $0x38;
	[tilespmem:$0x11000] =	vst v63  }
0x153: {  	_ =	swait.ge [sflag:s30], $0x4000  }
0x154: {  	[sflag:s30] =	ssyncset.done $0x0  }
0x155: {  	[sflag:s30] =	ssyncadd.s32 $0xFFFFC000  }
0x156: {  	_ =	swait.ge [sflag:s29], $0x4000  }
0x157: {  	[sflag:s29] =	ssyncset.done $0x0  }
0x158: {  	[sflag:s29] =	ssyncadd.s32 $0xFFFFC000  }
0x159: {  	[tilespmem:s23], [sflag:$0x9] =	stream.linear.gather [hbm4b:s16+s2], $0x400, $0x38;
	[tilespmem:$0x11000] =	vst v63  }
0x15a: {  	_ =	swait.ge [sflag:s4], $0x400  }
0x15b: {  	[sflag:s4] =	ssyncset.done $0x0  }
0x15c: {  	[sflag:s4] =	ssyncadd.s32 $0xFFFFFC00  }
0x15d: {  	[tilespmem:s24], [sflag:$0x9] =	stream.linear.gather [hbm4b:s15+s2], $0x400, $0x38;
	[tilespmem:$0x11000] =	vst v63  }
0x15e: {  	_ =	swait.ge [sflag:s4], $0x400  }
0x15f: {  	[sflag:s4] =	ssyncset.done $0x0  }
0x160: {  	[sflag:s4] =	ssyncadd.s32 $0xFFFFFC00  }
0x161: {  	[tilespmem:s12], [sflag:$0x3] =	stream.indirect.gather [hbm4b:s3+s19], $0x10, s23, s19, $0xb8;
	[tilespmem:$0x11000] =	vst v63  }
0x162: {  	_ = 	snop  }
0x163: {  	[tilespmem:s10], [sflag:$0x4] =	stream.indirect.gather [hbm4b:s3+s19], $0x10, s24, s19, $0xb8;
	[tilespmem:$0x11000] =	vst v63  }
0x164: {  	_ =	swait.ge [sflag:s25], $0x4000  }
0x165: {  	[sflag:s25] =	ssyncset.done $0x0  }
0x166: {  	[sflag:s25] =	ssyncadd.s32 $0xFFFFC000  }
0x167: {  	_ =	swait.ge [sflag:s21], $0x4000  }
0x168: {  	[sflag:s21] =	ssyncset.done $0x0  }
0x169: {  	[sflag:s21] =	ssyncadd.s32 $0xFFFFC000  }
0x16a: {  	[hbm4b:s7+s2] =	stream.linear.scatter [tilespmem:s13], [sflag:$0x5], $0x4000, $0x38;
	[tilespmem:$0x11000] =	vst v63  }
0x16b: {  	_ = 	snop  }
0x16c: {  	[hbm4b:s9+s2] =	stream.linear.scatter [tilespmem:s14], [sflag:$0x6], $0x4000, $0x38;
	[tilespmem:$0x11000] =	vst v63  }
0x16d: {  	_ =	swait.ge [sflag:s22], $0x4000  }
0x16e: {  	[sflag:s22] =	ssyncset.done $0x0  }
0x16f: {  	[sflag:s22] =	ssyncadd.s32 $0xFFFFC000  }
0x170: {  	_ =	swait.ge [sflag:s20], $0x4000  }
0x171: {  	[sflag:s20] =	ssyncset.done $0x0  }
0x172: {  	[sflag:s20] =	ssyncadd.s32 $0xFFFFC000  }
0x173: {  	[hbm4b:s6+s2] =	stream.linear.scatter [tilespmem:s12], [sflag:$0x9], $0x4000, $0x38;
	[tilespmem:$0x11000] =	vst v63  }
0x174: {  	_ =	swait.ge [sflag:s4], $0x4000  }
0x175: {  	[sflag:s4] =	ssyncset.done $0x0  }
0x176: {  	[sflag:s4] =	ssyncadd.s32 $0xFFFFC000  }
0x177: {  	[hbm4b:s5+s2] =	stream.linear.scatter [tilespmem:s10], [sflag:$0x9], $0x4000, $0x38;
	[tilespmem:$0x11000] =	vst v63  }
0x178: {  	_ =	swait.ge [sflag:s4], $0x4000  }
0x179: {  	[sflag:s4] =	ssyncset.done $0x0  }
0x17a: {  	[sflag:s4] =	ssyncadd.s32 $0xFFFFC000  }
0x17b: {  	_ =	swait.ge [sflag:s11], $0x4000  }
0x17c: {  	s1 =	sld [smem:$0x7F4];
	_ =	sdelay $0x2  }
0x17d: {  	p1 =	sne.s32 s1, $0x1  }
.Ltmp1:
0x17e: {  	[sflag:s11] =	ssyncset.done $0x0;
	(pc) =	sbr.rel @!p1 .LBB2_3-.Ltmp1, $4  }
0x17f: {  	[sflag:s11] =	ssyncadd.s32 $0xFFFFC000  }
0x180: {  	_ =	swait.ge [sflag:s8], $0x4000  }
0x181: {  	s0 =	sadd.s32 $0xFFFFFFFF, s1;
	s1 =	rddreg [dreg:$0x2]  }
0x182: {  	p0 =	por $0x1, $0x1;
	[sflag:s8] =	ssyncset.done $0x0;
	[smem:$0x7F5] =	sst s31  }
.LBB2_2:
0x183: {  	[sflag:s8] =	ssyncadd.s32 $0xFFFFC000  }
0x184: {  	[tilespmem:s2], [sflag:$0x9] =	stream.linear.gather [hbm4b:s1+s2], $0x400, $0x38;
	[tilespmem:$0x11000] =	vst v63  }
0x185: {  	_ =	swait.ge [sflag:s4], $0x400  }
0x186: {  	[sflag:s4] =	ssyncset.done $0x0  }
0x187: {  	s1 =	rddreg [dreg:$0x3];
	[sflag:s4] =	ssyncadd.s32 $0xFFFFFC00  }
0x188: {  	[tilespmem:s19], [sflag:$0x9] =	stream.linear.gather [hbm4b:s1+s2], $0x400, $0x38;
	[tilespmem:$0x11000] =	vst v63  }
0x189: {  	_ =	swait.ge [sflag:s4], $0x400  }
0x18a: {  	[sflag:s4] =	ssyncset.done $0x0  }
0x18b: {  	[sflag:s4] =	ssyncadd.s32 $0xFFFFFC00  }
0x18c: {  	[tilespmem:s13], [sflag:$0x1] =	stream.indirect.gather [hbm4b:s31+s19], $0x10, s2, s19, $0xb8;
	[tilespmem:$0x11000] =	vst v63  }
0x18d: {  	_ = 	snop  }
0x18e: {  	[tilespmem:s14], [sflag:$0x2] =	stream.indirect.gather [hbm4b:s31+s19], $0x10, s19, s19, $0xb8;
	[tilespmem:$0x11000] =	vst v63  }
0x18f: {  	s1 =	rddreg [dreg:$0x4]  }
0x190: {  	[tilespmem:s23], [sflag:$0x9] =	stream.linear.gather [hbm4b:s1+s2], $0x400, $0x38;
	[tilespmem:$0x11000] =	vst v63  }
0x191: {  	_ =	swait.ge [sflag:s4], $0x400  }
0x192: {  	[sflag:s4] =	ssyncset.done $0x0  }
0x193: {  	s1 =	rddreg [dreg:$0x5];
	[sflag:s4] =	ssyncadd.s32 $0xFFFFFC00  }
0x194: {  	[tilespmem:s24], [sflag:$0x9] =	stream.linear.gather [hbm4b:s1+s2], $0x400, $0x38;
	[tilespmem:$0x11000] =	vst v63  }
0x195: {  	_ =	swait.ge [sflag:s4], $0x400  }
0x196: {  	[sflag:s4] =	ssyncset.done $0x0  }
0x197: {  	[sflag:s4] =	ssyncadd.s32 $0xFFFFFC00  }
0x198: {  	[tilespmem:s12], [sflag:$0x3] =	stream.indirect.gather [hbm4b:s31+s19], $0x10, s23, s19, $0xb8;
	[tilespmem:$0x11000] =	vst v63  }
0x199: {  	_ = 	snop  }
0x19a: {  	[tilespmem:s10], [sflag:$0x4] =	stream.indirect.gather [hbm4b:s31+s19], $0x10, s24, s19, $0xb8;
	[tilespmem:$0x11000] =	vst v63  }
0x19b: {  	_ =	swait.ge [sflag:s25], $0x4000  }
0x19c: {  	s31 =	smov.u32 s28;
	[sflag:s25] =	ssyncset.done $0x0  }
0x19d: {  	s28 =	smov.u32 s26;
	s26 =	smov.u32 s18;
	[sflag:s25] =	ssyncadd.s32 $0xFFFFC000  }
0x19e: {  	s18 =	smov.u32 s17;
	s17 =	smov.u32 s16;
	_ =	swait.ge [sflag:s21], $0x4000  }
0x19f: {  	s16 =	smov.u32 s15;
	s15 =	smov.u32 s9;
	[sflag:s21] =	ssyncset.done $0x0  }
0x1a0: {  	s9 =	smov.u32 s7;
	s1 =	rddreg [dreg:$0x6];
	[sflag:s21] =	ssyncadd.s32 $0xFFFFC000  }
0x1a1: {  	[hbm4b:s1+s2] =	stream.linear.scatter [tilespmem:s13], [sflag:$0x5], $0x4000, $0x38;
	[tilespmem:$0x11000] =	vst v63  }
0x1a2: {  	s7 =	smov.u32 s6;
	s6 =	smov.u32 s5;
	s5 =	rddreg [dreg:$0x7]  }
0x1a3: {  	[hbm4b:s5+s2] =	stream.linear.scatter [tilespmem:s14], [sflag:$0x6], $0x4000, $0x38;
	[tilespmem:$0x11000] =	vst v63  }
0x1a4: {  	_ =	swait.ge [sflag:s11], $0x4000  }
0x1a5: {  	[sflag:s11] =	ssyncset.done $0x0  }
0x1a6: {  	[sflag:s11] =	ssyncadd.s32 $0xFFFFC000  }
0x1a7: {  	_ =	swait.ge [sflag:s8], $0x4000  }
0x1a8: {  	[sflag:s8] =	ssyncset.done $0x0  }
0x1a9: {  	s5 =	rddreg [dreg:$0x8];
	[sflag:s8] =	ssyncadd.s32 $0xFFFFC000  }
0x1aa: {  	[tilespmem:s2], [sflag:$0x9] =	stream.linear.gather [hbm4b:s5+s2], $0x400, $0x38;
	[tilespmem:$0x11000] =	vst v63  }
0x1ab: {  	_ =	swait.ge [sflag:s4], $0x400  }
0x1ac: {  	[sflag:s4] =	ssyncset.done $0x0  }
0x1ad: {  	s5 =	rddreg [dreg:$0x9];
	[sflag:s4] =	ssyncadd.s32 $0xFFFFFC00  }
0x1ae: {  	[tilespmem:s19], [sflag:$0x9] =	stream.linear.gather [hbm4b:s5+s2], $0x400, $0x38;
	[tilespmem:$0x11000] =	vst v63  }
0x1af: {  	_ =	swait.ge [sflag:s4], $0x400  }
0x1b0: {  	[sflag:s4] =	ssyncset.done $0x0  }
0x1b1: {  	[sflag:s4] =	ssyncadd.s32 $0xFFFFFC00  }
0x1b2: {  	[tilespmem:s13], [sflag:$0x1] =	stream.indirect.gather [hbm4b:s3+s19], $0x10, s2, s19, $0xb8;
	[tilespmem:$0x11000] =	vst v63  }
0x1b3: {  	_ = 	snop  }
0x1b4: {  	[tilespmem:s14], [sflag:$0x2] =	stream.indirect.gather [hbm4b:s3+s19], $0x10, s19, s19, $0xb8;
	[tilespmem:$0x11000] =	vst v63  }
0x1b5: {  	_ =	swait.ge [sflag:s22], $0x4000  }
0x1b6: {  	[sflag:s22] =	ssyncset.done $0x0  }
0x1b7: {  	[sflag:s22] =	ssyncadd.s32 $0xFFFFC000  }
0x1b8: {  	_ =	swait.ge [sflag:s20], $0x4000  }
0x1b9: {  	[sflag:s20] =	ssyncset.done $0x0  }
0x1ba: {  	s1 =	rddreg [dreg:$0xa];
	[sflag:s20] =	ssyncadd.s32 $0xFFFFC000  }
0x1bb: {  	[hbm4b:s1+s2] =	stream.linear.scatter [tilespmem:s12], [sflag:$0x7], $0x4000, $0x38;
	[tilespmem:$0x11000] =	vst v63  }
0x1bc: {  	s5 =	rddreg [dreg:$0xb]  }
0x1bd: {  	[hbm4b:s5+s2] =	stream.linear.scatter [tilespmem:s10], [sflag:$0x8], $0x4000, $0x38;
	[tilespmem:$0x11000] =	vst v63  }
0x1be: {  	_ =	swait.ge [sflag:s30], $0x4000  }
0x1bf: {  	[sflag:s30] =	ssyncset.done $0x0  }
0x1c0: {  	[sflag:s30] =	ssyncadd.s32 $0xFFFFC000  }
0x1c1: {  	_ =	swait.ge [sflag:s29], $0x4000  }
0x1c2: {  	[sflag:s29] =	ssyncset.done $0x0  }
0x1c3: {  	s5 =	rddreg [dreg:$0xc];
	[sflag:s29] =	ssyncadd.s32 $0xFFFFC000  }
0x1c4: {  	[tilespmem:s23], [sflag:$0x9] =	stream.linear.gather [hbm4b:s5+s2], $0x400, $0x38;
	[tilespmem:$0x11000] =	vst v63  }
0x1c5: {  	_ =	swait.ge [sflag:s4], $0x400  }
0x1c6: {  	[sflag:s4] =	ssyncset.done $0x0  }
0x1c7: {  	s5 =	rddreg [dreg:$0xd];
	[sflag:s4] =	ssyncadd.s32 $0xFFFFFC00  }
0x1c8: {  	[tilespmem:s24], [sflag:$0x9] =	stream.linear.gather [hbm4b:s5+s2], $0x400, $0x38;
	[tilespmem:$0x11000] =	vst v63  }
0x1c9: {  	_ =	swait.ge [sflag:s4], $0x400  }
0x1ca: {  	[sflag:s4] =	ssyncset.done $0x0  }
0x1cb: {  	[sflag:s4] =	ssyncadd.s32 $0xFFFFFC00  }
0x1cc: {  	[tilespmem:s12], [sflag:$0x3] =	stream.indirect.gather [hbm4b:s3+s19], $0x10, s23, s19, $0xb8;
	[tilespmem:$0x11000] =	vst v63  }
0x1cd: {  	_ = 	snop  }
0x1ce: {  	[tilespmem:s10], [sflag:$0x4] =	stream.indirect.gather [hbm4b:s3+s19], $0x10, s24, s19, $0xb8;
	[tilespmem:$0x11000] =	vst v63  }
0x1cf: {  	_ =	swait.ge [sflag:s25], $0x4000  }
0x1d0: {  	[sflag:s25] =	ssyncset.done $0x0  }
0x1d1: {  	[sflag:s25] =	ssyncadd.s32 $0xFFFFC000  }
0x1d2: {  	_ =	swait.ge [sflag:s21], $0x4000  }
0x1d3: {  	[sflag:s21] =	ssyncset.done $0x0  }
0x1d4: {  	s1 =	rddreg [dreg:$0xe];
	[sflag:s21] =	ssyncadd.s32 $0xFFFFC000  }
0x1d5: {  	[hbm4b:s1+s2] =	stream.linear.scatter [tilespmem:s13], [sflag:$0x5], $0x4000, $0x38;
	[tilespmem:$0x11000] =	vst v63  }
0x1d6: {  	s5 =	rddreg [dreg:$0xf]  }
0x1d7: {  	[hbm4b:s5+s2] =	stream.linear.scatter [tilespmem:s14], [sflag:$0x6], $0x4000, $0x38;
	[tilespmem:$0x11000] =	vst v63  }
0x1d8: {  	_ =	swait.ge [sflag:s11], $0x4000  }
0x1d9: {  	[sflag:s11] =	ssyncset.done $0x0  }
0x1da: {  	[sflag:s11] =	ssyncadd.s32 $0xFFFFC000  }
0x1db: {  	_ =	swait.ge [sflag:s8], $0x4000  }
0x1dc: {  	[sflag:s8] =	ssyncset.done $0x0  }
0x1dd: {  	s5 =	rddreg [dreg:$0x10];
	[sflag:s8] =	ssyncadd.s32 $0xFFFFC000  }
0x1de: {  	[tilespmem:s2], [sflag:$0x9] =	stream.linear.gather [hbm4b:s5+s2], $0x400, $0x38;
	[tilespmem:$0x11000] =	vst v63  }
0x1df: {  	_ =	swait.ge [sflag:s4], $0x400  }
0x1e0: {  	[sflag:s4] =	ssyncset.done $0x0  }
0x1e1: {  	s5 =	rddreg [dreg:$0x11];
	[sflag:s4] =	ssyncadd.s32 $0xFFFFFC00  }
0x1e2: {  	[tilespmem:s19], [sflag:$0x9] =	stream.linear.gather [hbm4b:s5+s2], $0x400, $0x38;
	[tilespmem:$0x11000] =	vst v63  }
0x1e3: {  	_ =	swait.ge [sflag:s4], $0x400  }
0x1e4: {  	[sflag:s4] =	ssyncset.done $0x0  }
0x1e5: {  	[sflag:s4] =	ssyncadd.s32 $0xFFFFFC00  }
0x1e6: {  	[tilespmem:s13], [sflag:$0x1] =	stream.indirect.gather [hbm4b:s3+s19], $0x10, s2, s19, $0xb8;
	[tilespmem:$0x11000] =	vst v63  }
0x1e7: {  	_ = 	snop  }
0x1e8: {  	[tilespmem:s14], [sflag:$0x2] =	stream.indirect.gather [hbm4b:s3+s19], $0x10, s19, s19, $0xb8;
	[tilespmem:$0x11000] =	vst v63  }
0x1e9: {  	_ =	swait.ge [sflag:s22], $0x4000  }
0x1ea: {  	[sflag:s22] =	ssyncset.done $0x0  }
0x1eb: {  	[sflag:s22] =	ssyncadd.s32 $0xFFFFC000  }
0x1ec: {  	_ =	swait.ge [sflag:s20], $0x4000  }
0x1ed: {  	[sflag:s20] =	ssyncset.done $0x0  }
0x1ee: {  	s1 =	rddreg [dreg:$0x12];
	[sflag:s20] =	ssyncadd.s32 $0xFFFFC000  }
0x1ef: {  	[hbm4b:s1+s2] =	stream.linear.scatter [tilespmem:s12], [sflag:$0x7], $0x4000, $0x38;
	[tilespmem:$0x11000] =	vst v63  }
0x1f0: {  	s5 =	rddreg [dreg:$0x13]  }
0x1f1: {  	[hbm4b:s5+s2] =	stream.linear.scatter [tilespmem:s10], [sflag:$0x8], $0x4000, $0x38;
	[tilespmem:$0x11000] =	vst v63  }
0x1f2: {  	_ =	swait.ge [sflag:s30], $0x4000  }
0x1f3: {  	[sflag:s30] =	ssyncset.done $0x0  }
0x1f4: {  	[sflag:s30] =	ssyncadd.s32 $0xFFFFC000  }
0x1f5: {  	_ =	swait.ge [sflag:s29], $0x4000  }
0x1f6: {  	[sflag:s29] =	ssyncset.done $0x0  }
0x1f7: {  	s5 =	rddreg [dreg:$0x14];
	[sflag:s29] =	ssyncadd.s32 $0xFFFFC000  }
0x1f8: {  	[tilespmem:s23], [sflag:$0x9] =	stream.linear.gather [hbm4b:s5+s2], $0x400, $0x38;
	[tilespmem:$0x11000] =	vst v63  }
0x1f9: {  	_ =	swait.ge [sflag:s4], $0x400  }
0x1fa: {  	[sflag:s4] =	ssyncset.done $0x0  }
0x1fb: {  	s5 =	rddreg [dreg:$0x15];
	[sflag:s4] =	ssyncadd.s32 $0xFFFFFC00  }
0x1fc: {  	[tilespmem:s24], [sflag:$0x9] =	stream.linear.gather [hbm4b:s5+s2], $0x400, $0x38;
	[tilespmem:$0x11000] =	vst v63  }
0x1fd: {  	_ =	swait.ge [sflag:s4], $0x400  }
0x1fe: {  	[sflag:s4] =	ssyncset.done $0x0  }
0x1ff: {  	[sflag:s4] =	ssyncadd.s32 $0xFFFFFC00  }
0x200: {  	[tilespmem:s12], [sflag:$0x3] =	stream.indirect.gather [hbm4b:s3+s19], $0x10, s23, s19, $0xb8;
	[tilespmem:$0x11000] =	vst v63  }
0x201: {  	_ = 	snop  }
0x202: {  	[tilespmem:s10], [sflag:$0x4] =	stream.indirect.gather [hbm4b:s3+s19], $0x10, s24, s19, $0xb8;
	[tilespmem:$0x11000] =	vst v63  }
0x203: {  	_ =	swait.ge [sflag:s25], $0x4000  }
0x204: {  	[sflag:s25] =	ssyncset.done $0x0  }
0x205: {  	[sflag:s25] =	ssyncadd.s32 $0xFFFFC000  }
0x206: {  	_ =	swait.ge [sflag:s21], $0x4000  }
0x207: {  	[sflag:s21] =	ssyncset.done $0x0  }
0x208: {  	s1 =	rddreg [dreg:$0x16];
	[sflag:s21] =	ssyncadd.s32 $0xFFFFC000  }
0x209: {  	[hbm4b:s1+s2] =	stream.linear.scatter [tilespmem:s13], [sflag:$0x5], $0x4000, $0x38;
	[tilespmem:$0x11000] =	vst v63  }
0x20a: {  	s5 =	rddreg [dreg:$0x17]  }
0x20b: {  	[hbm4b:s5+s2] =	stream.linear.scatter [tilespmem:s14], [sflag:$0x6], $0x4000, $0x38;
	[tilespmem:$0x11000] =	vst v63  }
0x20c: {  	_ =	swait.ge [sflag:s11], $0x4000  }
0x20d: {  	[sflag:s11] =	ssyncset.done $0x0  }
0x20e: {  	[sflag:s11] =	ssyncadd.s32 $0xFFFFC000  }
0x20f: {  	_ =	swait.ge [sflag:s8], $0x4000  }
0x210: {  	[sflag:s8] =	ssyncset.done $0x0  }
0x211: {  	s5 =	rddreg [dreg:$0x18];
	[sflag:s8] =	ssyncadd.s32 $0xFFFFC000  }
0x212: {  	[tilespmem:s2], [sflag:$0x9] =	stream.linear.gather [hbm4b:s5+s2], $0x400, $0x38;
	[tilespmem:$0x11000] =	vst v63  }
0x213: {  	_ =	swait.ge [sflag:s4], $0x400  }
0x214: {  	[sflag:s4] =	ssyncset.done $0x0  }
0x215: {  	s5 =	rddreg [dreg:$0x19];
	[sflag:s4] =	ssyncadd.s32 $0xFFFFFC00  }
0x216: {  	[tilespmem:s19], [sflag:$0x9] =	stream.linear.gather [hbm4b:s5+s2], $0x400, $0x38;
	[tilespmem:$0x11000] =	vst v63  }
0x217: {  	_ =	swait.ge [sflag:s4], $0x400  }
0x218: {  	[sflag:s4] =	ssyncset.done $0x0  }
0x219: {  	[sflag:s4] =	ssyncadd.s32 $0xFFFFFC00  }
0x21a: {  	[tilespmem:s13], [sflag:$0x1] =	stream.indirect.gather [hbm4b:s3+s19], $0x10, s2, s19, $0xb8;
	[tilespmem:$0x11000] =	vst v63  }
0x21b: {  	_ = 	snop  }
0x21c: {  	[tilespmem:s14], [sflag:$0x2] =	stream.indirect.gather [hbm4b:s3+s19], $0x10, s19, s19, $0xb8;
	[tilespmem:$0x11000] =	vst v63  }
0x21d: {  	_ =	swait.ge [sflag:s22], $0x4000  }
0x21e: {  	[sflag:s22] =	ssyncset.done $0x0  }
0x21f: {  	[sflag:s22] =	ssyncadd.s32 $0xFFFFC000  }
0x220: {  	_ =	swait.ge [sflag:s20], $0x4000  }
0x221: {  	[sflag:s20] =	ssyncset.done $0x0  }
0x222: {  	s1 =	rddreg [dreg:$0x1a];
	[sflag:s20] =	ssyncadd.s32 $0xFFFFC000  }
0x223: {  	[hbm4b:s1+s2] =	stream.linear.scatter [tilespmem:s12], [sflag:$0x7], $0x4000, $0x38;
	[tilespmem:$0x11000] =	vst v63  }
0x224: {  	s5 =	rddreg [dreg:$0x1b]  }
0x225: {  	[hbm4b:s5+s2] =	stream.linear.scatter [tilespmem:s10], [sflag:$0x8], $0x4000, $0x38;
	[tilespmem:$0x11000] =	vst v63  }
0x226: {  	_ =	swait.ge [sflag:s30], $0x4000  }
0x227: {  	[sflag:s30] =	ssyncset.done $0x0  }
0x228: {  	[sflag:s30] =	ssyncadd.s32 $0xFFFFC000  }
0x229: {  	_ =	swait.ge [sflag:s29], $0x4000  }
0x22a: {  	[sflag:s29] =	ssyncset.done $0x0  }
0x22b: {  	s5 =	rddreg [dreg:$0x1c];
	[sflag:s29] =	ssyncadd.s32 $0xFFFFC000  }
0x22c: {  	[tilespmem:s23], [sflag:$0x9] =	stream.linear.gather [hbm4b:s5+s2], $0x400, $0x38;
	[tilespmem:$0x11000] =	vst v63  }
0x22d: {  	_ =	swait.ge [sflag:s4], $0x400  }
0x22e: {  	[sflag:s4] =	ssyncset.done $0x0  }
0x22f: {  	s5 =	rddreg [dreg:$0x1d];
	[sflag:s4] =	ssyncadd.s32 $0xFFFFFC00  }
0x230: {  	[tilespmem:s24], [sflag:$0x9] =	stream.linear.gather [hbm4b:s5+s2], $0x400, $0x38;
	[tilespmem:$0x11000] =	vst v63  }
0x231: {  	_ =	swait.ge [sflag:s4], $0x400  }
0x232: {  	[sflag:s4] =	ssyncset.done $0x0  }
0x233: {  	[sflag:s4] =	ssyncadd.s32 $0xFFFFFC00  }
0x234: {  	[tilespmem:s12], [sflag:$0x3] =	stream.indirect.gather [hbm4b:s3+s19], $0x10, s23, s19, $0xb8;
	[tilespmem:$0x11000] =	vst v63  }
0x235: {  	_ = 	snop  }
0x236: {  	[tilespmem:s10], [sflag:$0x4] =	stream.indirect.gather [hbm4b:s3+s19], $0x10, s24, s19, $0xb8;
	[tilespmem:$0x11000] =	vst v63  }
0x237: {  	_ =	swait.ge [sflag:s25], $0x4000  }
0x238: {  	[sflag:s25] =	ssyncset.done $0x0  }
0x239: {  	[sflag:s25] =	ssyncadd.s32 $0xFFFFC000  }
0x23a: {  	_ =	swait.ge [sflag:s21], $0x4000  }
0x23b: {  	[sflag:s21] =	ssyncset.done $0x0  }
0x23c: {  	s1 =	rddreg [dreg:$0x1e];
	[sflag:s21] =	ssyncadd.s32 $0xFFFFC000  }
0x23d: {  	[hbm4b:s1+s2] =	stream.linear.scatter [tilespmem:s13], [sflag:$0x5], $0x4000, $0x38;
	[tilespmem:$0x11000] =	vst v63  }
0x23e: {  	s5 =	rddreg [dreg:$0x1f]  }
0x23f: {  	[hbm4b:s5+s2] =	stream.linear.scatter [tilespmem:s14], [sflag:$0x6], $0x4000, $0x38;
	[tilespmem:$0x11000] =	vst v63  }
0x240: {  	_ =	swait.ge [sflag:s11], $0x4000  }
0x241: {  	[sflag:s11] =	ssyncset.done $0x0  }
0x242: {  	[sflag:s11] =	ssyncadd.s32 $0xFFFFC000  }
0x243: {  	_ =	swait.ge [sflag:s8], $0x4000  }
0x244: {  	s5 =	sld [smem:$0x7F6]  }
0x245: {  	[sflag:s8] =	ssyncset.done $0x0  }
0x246: {  	[sflag:s8] =	ssyncadd.s32 $0xFFFFC000  }
0x247: {  	[tilespmem:s2], [sflag:$0x9] =	stream.linear.gather [hbm4b:s5+s2], $0x400, $0x38;
	[tilespmem:$0x11000] =	vst v63  }
0x248: {  	_ =	swait.ge [sflag:s4], $0x400  }
0x249: {  	s5 =	sld [smem:$0x7F7]  }
0x24a: {  	[sflag:s4] =	ssyncset.done $0x0  }
0x24b: {  	[sflag:s4] =	ssyncadd.s32 $0xFFFFFC00  }
0x24c: {  	[tilespmem:s19], [sflag:$0x9] =	stream.linear.gather [hbm4b:s5+s2], $0x400, $0x38;
	[tilespmem:$0x11000] =	vst v63  }
0x24d: {  	_ =	swait.ge [sflag:s4], $0x400  }
0x24e: {  	[sflag:s4] =	ssyncset.done $0x0  }
0x24f: {  	[sflag:s4] =	ssyncadd.s32 $0xFFFFFC00  }
0x250: {  	[tilespmem:s13], [sflag:$0x1] =	stream.indirect.gather [hbm4b:s3+s19], $0x10, s2, s19, $0xb8;
	[tilespmem:$0x11000] =	vst v63  }
0x251: {  	_ = 	snop  }
0x252: {  	[tilespmem:s14], [sflag:$0x2] =	stream.indirect.gather [hbm4b:s3+s19], $0x10, s19, s19, $0xb8;
	[tilespmem:$0x11000] =	vst v63  }
0x253: {  	_ =	swait.ge [sflag:s22], $0x4000  }
0x254: {  	[sflag:s22] =	ssyncset.done $0x0  }
0x255: {  	[sflag:s22] =	ssyncadd.s32 $0xFFFFC000  }
0x256: {  	_ =	swait.ge [sflag:s20], $0x4000  }
0x257: {  	s1 =	sld [smem:$0x7F8]  }
0x258: {  	[sflag:s20] =	ssyncset.done $0x0  }
0x259: {  	s5 =	sld [smem:$0x7F9];
	[sflag:s20] =	ssyncadd.s32 $0xFFFFC000  }
0x25a: {  	[hbm4b:s1+s2] =	stream.linear.scatter [tilespmem:s12], [sflag:$0x7], $0x4000, $0x38;
	[tilespmem:$0x11000] =	vst v63  }
0x25b: {  	_ = 	snop  }
0x25c: {  	[hbm4b:s5+s2] =	stream.linear.scatter [tilespmem:s10], [sflag:$0x8], $0x4000, $0x38;
	[tilespmem:$0x11000] =	vst v63  }
0x25d: {  	_ =	swait.ge [sflag:s30], $0x4000  }
0x25e: {  	[sflag:s30] =	ssyncset.done $0x0  }
0x25f: {  	[sflag:s30] =	ssyncadd.s32 $0xFFFFC000  }
0x260: {  	_ =	swait.ge [sflag:s29], $0x4000  }
0x261: {  	s5 =	sld [smem:$0x7FA]  }
0x262: {  	[sflag:s29] =	ssyncset.done $0x0  }
0x263: {  	[sflag:s29] =	ssyncadd.s32 $0xFFFFC000  }
0x264: {  	[tilespmem:s23], [sflag:$0x9] =	stream.linear.gather [hbm4b:s5+s2], $0x400, $0x38;
	[tilespmem:$0x11000] =	vst v63  }
0x265: {  	_ =	swait.ge [sflag:s4], $0x400  }
0x266: {  	s5 =	sld [smem:$0x7FB]  }
0x267: {  	[sflag:s4] =	ssyncset.done $0x0  }
0x268: {  	[sflag:s4] =	ssyncadd.s32 $0xFFFFFC00  }
0x269: {  	[tilespmem:s24], [sflag:$0x9] =	stream.linear.gather [hbm4b:s5+s2], $0x400, $0x38;
	[tilespmem:$0x11000] =	vst v63  }
0x26a: {  	_ =	swait.ge [sflag:s4], $0x400  }
0x26b: {  	[sflag:s4] =	ssyncset.done $0x0  }
0x26c: {  	[sflag:s4] =	ssyncadd.s32 $0xFFFFFC00  }
0x26d: {  	[tilespmem:s12], [sflag:$0x3] =	stream.indirect.gather [hbm4b:s3+s19], $0x10, s23, s19, $0xb8;
	[tilespmem:$0x11000] =	vst v63  }
0x26e: {  	_ = 	snop  }
0x26f: {  	[tilespmem:s10], [sflag:$0x4] =	stream.indirect.gather [hbm4b:s3+s19], $0x10, s24, s19, $0xb8;
	[tilespmem:$0x11000] =	vst v63  }
0x270: {  	_ =	swait.ge [sflag:s25], $0x4000  }
0x271: {  	[sflag:s25] =	ssyncset.done $0x0  }
0x272: {  	[sflag:s25] =	ssyncadd.s32 $0xFFFFC000  }
0x273: {  	_ =	swait.ge [sflag:s21], $0x4000  }
0x274: {  	s1 =	sld [smem:$0x7FC]  }
0x275: {  	[sflag:s21] =	ssyncset.done $0x0  }
0x276: {  	s5 =	sld [smem:$0x7FD];
	[sflag:s21] =	ssyncadd.s32 $0xFFFFC000  }
0x277: {  	[hbm4b:s1+s2] =	stream.linear.scatter [tilespmem:s13], [sflag:$0x5], $0x4000, $0x38;
	[tilespmem:$0x11000] =	vst v63  }
0x278: {  	_ = 	snop  }
0x279: {  	[hbm4b:s5+s2] =	stream.linear.scatter [tilespmem:s14], [sflag:$0x6], $0x4000, $0x38;
	[tilespmem:$0x11000] =	vst v63  }
0x27a: {  	s5 =	smov.u32 s6;
	s6 =	smov.u32 s7;
	s7 =	smov.u32 s9  }
0x27b: {  	s9 =	smov.u32 s15;
	s15 =	smov.u32 s16;
	s16 =	smov.u32 s17  }
0x27c: {  	s17 =	smov.u32 s18;
	s18 =	smov.u32 s26;
	s26 =	smov.u32 s28  }
0x27d: {  	s28 =	smov.u32 s31;
	s31 =	sld [smem:$0x7F5];
	_ =	swait.ge [sflag:s11], $0x4000  }
0x27e: {  	[sflag:s11] =	ssyncset.done $0x0  }
0x27f: {  	[sflag:s11] =	ssyncadd.s32 $0xFFFFC000  }
0x280: {  	_ =	swait.ge [sflag:s8], $0x4000  }
0x281: {  	[sflag:s8] =	ssyncset.done $0x0  }
0x282: {  	[sflag:s8] =	ssyncadd.s32 $0xFFFFC000  }
0x283: {  	[tilespmem:s2], [sflag:$0x9] =	stream.linear.gather [hbm4b:s28+s2], $0x400, $0x38;
	[tilespmem:$0x11000] =	vst v63  }
0x284: {  	_ =	swait.ge [sflag:s4], $0x400  }
0x285: {  	[sflag:s4] =	ssyncset.done $0x0  }
0x286: {  	[sflag:s4] =	ssyncadd.s32 $0xFFFFFC00  }
0x287: {  	[tilespmem:s19], [sflag:$0x9] =	stream.linear.gather [hbm4b:s26+s2], $0x400, $0x38;
	[tilespmem:$0x11000] =	vst v63  }
0x288: {  	_ =	swait.ge [sflag:s4], $0x400  }
0x289: {  	[sflag:s4] =	ssyncset.done $0x0  }
0x28a: {  	[sflag:s4] =	ssyncadd.s32 $0xFFFFFC00  }
0x28b: {  	[tilespmem:s13], [sflag:$0x1] =	stream.indirect.gather [hbm4b:s3+s19], $0x10, s2, s19, $0xb8;
	[tilespmem:$0x11000] =	vst v63  }
0x28c: {  	_ = 	snop  }
0x28d: {  	[tilespmem:s14], [sflag:$0x2] =	stream.indirect.gather [hbm4b:s3+s19], $0x10, s19, s19, $0xb8;
	[tilespmem:$0x11000] =	vst v63  }
0x28e: {  	_ =	swait.ge [sflag:s22], $0x4000  }
0x28f: {  	[sflag:s22] =	ssyncset.done $0x0  }
0x290: {  	[sflag:s22] =	ssyncadd.s32 $0xFFFFC000  }
0x291: {  	_ =	swait.ge [sflag:s20], $0x4000  }
0x292: {  	[sflag:s20] =	ssyncset.done $0x0  }
0x293: {  	[sflag:s20] =	ssyncadd.s32 $0xFFFFC000  }
0x294: {  	[hbm4b:s17+s2] =	stream.linear.scatter [tilespmem:s12], [sflag:$0x7], $0x4000, $0x38;
	[tilespmem:$0x11000] =	vst v63  }
0x295: {  	_ = 	snop  }
0x296: {  	[hbm4b:s18+s2] =	stream.linear.scatter [tilespmem:s10], [sflag:$0x8], $0x4000, $0x38;
	[tilespmem:$0x11000] =	vst v63  }
0x297: {  	_ =	swait.ge [sflag:s30], $0x4000  }
0x298: {  	[sflag:s30] =	ssyncset.done $0x0  }
0x299: {  	[sflag:s30] =	ssyncadd.s32 $0xFFFFC000  }
0x29a: {  	_ =	swait.ge [sflag:s29], $0x4000  }
0x29b: {  	[sflag:s29] =	ssyncset.done $0x0  }
0x29c: {  	[sflag:s29] =	ssyncadd.s32 $0xFFFFC000  }
0x29d: {  	[tilespmem:s23], [sflag:$0x9] =	stream.linear.gather [hbm4b:s16+s2], $0x400, $0x38;
	[tilespmem:$0x11000] =	vst v63  }
0x29e: {  	_ =	swait.ge [sflag:s4], $0x400  }
0x29f: {  	[sflag:s4] =	ssyncset.done $0x0  }
0x2a0: {  	[sflag:s4] =	ssyncadd.s32 $0xFFFFFC00  }
0x2a1: {  	[tilespmem:s24], [sflag:$0x9] =	stream.linear.gather [hbm4b:s15+s2], $0x400, $0x38;
	[tilespmem:$0x11000] =	vst v63  }
0x2a2: {  	_ =	swait.ge [sflag:s4], $0x400  }
0x2a3: {  	[sflag:s4] =	ssyncset.done $0x0  }
0x2a4: {  	[sflag:s4] =	ssyncadd.s32 $0xFFFFFC00  }
0x2a5: {  	[tilespmem:s12], [sflag:$0x3] =	stream.indirect.gather [hbm4b:s3+s19], $0x10, s23, s19, $0xb8;
	[tilespmem:$0x11000] =	vst v63  }
0x2a6: {  	_ = 	snop  }
0x2a7: {  	[tilespmem:s10], [sflag:$0x4] =	stream.indirect.gather [hbm4b:s3+s19], $0x10, s24, s19, $0xb8;
	[tilespmem:$0x11000] =	vst v63  }
0x2a8: {  	_ =	swait.ge [sflag:s25], $0x4000  }
0x2a9: {  	[sflag:s25] =	ssyncset.done $0x0  }
0x2aa: {  	[sflag:s25] =	ssyncadd.s32 $0xFFFFC000  }
0x2ab: {  	_ =	swait.ge [sflag:s21], $0x4000  }
0x2ac: {  	[sflag:s21] =	ssyncset.done $0x0  }
0x2ad: {  	[sflag:s21] =	ssyncadd.s32 $0xFFFFC000  }
0x2ae: {  	[hbm4b:s7+s2] =	stream.linear.scatter [tilespmem:s13], [sflag:$0x5], $0x4000, $0x38;
	[tilespmem:$0x11000] =	vst v63  }
0x2af: {  	_ = 	snop  }
0x2b0: {  	[hbm4b:s9+s2] =	stream.linear.scatter [tilespmem:s14], [sflag:$0x6], $0x4000, $0x38;
	[tilespmem:$0x11000] =	vst v63  }
0x2b1: {  	_ =	swait.ge [sflag:s22], $0x4000  }
0x2b2: {  	[sflag:s22] =	ssyncset.done $0x0  }
0x2b3: {  	[sflag:s22] =	ssyncadd.s32 $0xFFFFC000  }
0x2b4: {  	_ =	swait.ge [sflag:s20], $0x4000  }
0x2b5: {  	[sflag:s20] =	ssyncset.done $0x0  }
0x2b6: {  	[sflag:s20] =	ssyncadd.s32 $0xFFFFC000  }
0x2b7: {  	[hbm4b:s6+s2] =	stream.linear.scatter [tilespmem:s12], [sflag:$0x9], $0x4000, $0x38;
	[tilespmem:$0x11000] =	vst v63  }
0x2b8: {  	_ =	swait.ge [sflag:s4], $0x4000  }
0x2b9: {  	[sflag:s4] =	ssyncset.done $0x0  }
0x2ba: {  	[sflag:s4] =	ssyncadd.s32 $0xFFFFC000  }
0x2bb: {  	[hbm4b:s5+s2] =	stream.linear.scatter [tilespmem:s10], [sflag:$0x9], $0x4000, $0x38;
	[tilespmem:$0x11000] =	vst v63  }
0x2bc: {  	_ =	swait.ge [sflag:s4], $0x4000  }
0x2bd: {  	[sflag:s4] =	ssyncset.done $0x0  }
0x2be: {  	p1 =	sne.s32 s0, $0x1;
	[sflag:s4] =	ssyncadd.s32 $0xFFFFC000  }
.Ltmp2:
0x2bf: {  	_ =	swait.ge [sflag:s11], $0x4000;
	(pc) =	sbr.rel @p1 .LBB2_2-.Ltmp2, $4  }
0x2c0: {  	[sflag:s11] =	ssyncset.done $0x0  }
0x2c1: {  	[sflag:s11] =	ssyncadd.s32 $0xFFFFC000  }
0x2c2: {  	_ =	swait.ge [sflag:s8], $0x4000  }
0x2c3: {  	s0 =	sadd.s32 $0xFFFFFFFF, s0;
	s1 =	rddreg [dreg:$0x2];
	[sflag:s8] =	ssyncset.done $0x0  }
.LBB2_3:
0x2c4: {  	[sflag:s8] =	ssyncadd.s32 @p0 $0xFFFFC000  }
0x2c5: {  	[tilespmem:s2], [sflag:$0x9] =	stream.linear.gather [hbm4b:s1+s2], $0x400, $0x38;
	[tilespmem:$0x11000] =	vst v63  }
0x2c6: {  	_ =	swait.ge [sflag:s4], $0x400  }
0x2c7: {  	[sflag:s4] =	ssyncset.done $0x0  }
0x2c8: {  	s0 =	rddreg [dreg:$0x3];
	[sflag:s4] =	ssyncadd.s32 $0xFFFFFC00  }
0x2c9: {  	[tilespmem:s19], [sflag:$0x9] =	stream.linear.gather [hbm4b:s0+s2], $0x400, $0x38;
	[tilespmem:$0x11000] =	vst v63  }
0x2ca: {  	_ =	swait.ge [sflag:s4], $0x400  }
0x2cb: {  	[sflag:s4] =	ssyncset.done $0x0  }
0x2cc: {  	[sflag:s4] =	ssyncadd.s32 $0xFFFFFC00  }
0x2cd: {  	[tilespmem:s13], [sflag:$0x1] =	stream.indirect.gather [hbm4b:s31+s19], $0x10, s2, s19, $0xb8;
	[tilespmem:$0x11000] =	vst v63  }
0x2ce: {  	_ = 	snop  }
0x2cf: {  	[tilespmem:s14], [sflag:$0x2] =	stream.indirect.gather [hbm4b:s31+s19], $0x10, s19, s19, $0xb8;
	[tilespmem:$0x11000] =	vst v63  }
0x2d0: {  	s1 =	rddreg [dreg:$0x4]  }
0x2d1: {  	[tilespmem:s23], [sflag:$0x9] =	stream.linear.gather [hbm4b:s1+s2], $0x400, $0x38;
	[tilespmem:$0x11000] =	vst v63  }
0x2d2: {  	_ =	swait.ge [sflag:s4], $0x400  }
0x2d3: {  	[sflag:s4] =	ssyncset.done $0x0  }
0x2d4: {  	s1 =	rddreg [dreg:$0x5];
	[sflag:s4] =	ssyncadd.s32 $0xFFFFFC00  }
0x2d5: {  	[tilespmem:s24], [sflag:$0x9] =	stream.linear.gather [hbm4b:s1+s2], $0x400, $0x38;
	[tilespmem:$0x11000] =	vst v63  }
0x2d6: {  	_ =	swait.ge [sflag:s4], $0x400  }
0x2d7: {  	[sflag:s4] =	ssyncset.done $0x0  }
0x2d8: {  	[sflag:s4] =	ssyncadd.s32 $0xFFFFFC00  }
0x2d9: {  	[tilespmem:s12], [sflag:$0x3] =	stream.indirect.gather [hbm4b:s31+s19], $0x10, s23, s19, $0xb8;
	[tilespmem:$0x11000] =	vst v63  }
0x2da: {  	_ = 	snop  }
0x2db: {  	[tilespmem:s10], [sflag:$0x4] =	stream.indirect.gather [hbm4b:s31+s19], $0x10, s24, s19, $0xb8;
	[tilespmem:$0x11000] =	vst v63  }
0x2dc: {  	_ =	swait.ge [sflag:s25], $0x4000  }
0x2dd: {  	[sflag:s25] =	ssyncset.done $0x0  }
0x2de: {  	[sflag:s25] =	ssyncadd.s32 $0xFFFFC000  }
0x2df: {  	_ =	swait.ge [sflag:s21], $0x4000  }
0x2e0: {  	[sflag:s21] =	ssyncset.done $0x0  }
0x2e1: {  	s1 =	rddreg [dreg:$0x6];
	[sflag:s21] =	ssyncadd.s32 $0xFFFFC000  }
0x2e2: {  	[hbm4b:s1+s2] =	stream.linear.scatter [tilespmem:s13], [sflag:$0x5], $0x4000, $0x38;
	[tilespmem:$0x11000] =	vst v63  }
0x2e3: {  	s31 =	rddreg [dreg:$0x7]  }
0x2e4: {  	[hbm4b:s31+s2] =	stream.linear.scatter [tilespmem:s14], [sflag:$0x6], $0x4000, $0x38;
	[tilespmem:$0x11000] =	vst v63  }
0x2e5: {  	_ =	swait.ge [sflag:s11], $0x4000  }
0x2e6: {  	[sflag:s11] =	ssyncset.done $0x0  }
0x2e7: {  	[sflag:s11] =	ssyncadd.s32 $0xFFFFC000  }
0x2e8: {  	_ =	swait.ge [sflag:s8], $0x4000  }
0x2e9: {  	[sflag:s8] =	ssyncset.done $0x0  }
0x2ea: {  	s1 =	rddreg [dreg:$0x8];
	[sflag:s8] =	ssyncadd.s32 $0xFFFFC000  }
0x2eb: {  	[tilespmem:s2], [sflag:$0x9] =	stream.linear.gather [hbm4b:s1+s2], $0x400, $0x38;
	[tilespmem:$0x11000] =	vst v63  }
0x2ec: {  	_ =	swait.ge [sflag:s4], $0x400  }
0x2ed: {  	[sflag:s4] =	ssyncset.done $0x0  }
0x2ee: {  	s31 =	rddreg [dreg:$0x9];
	[sflag:s4] =	ssyncadd.s32 $0xFFFFFC00  }
0x2ef: {  	[tilespmem:s19], [sflag:$0x9] =	stream.linear.gather [hbm4b:s31+s2], $0x400, $0x38;
	[tilespmem:$0x11000] =	vst v63  }
0x2f0: {  	_ =	swait.ge [sflag:s4], $0x400  }
0x2f1: {  	[sflag:s4] =	ssyncset.done $0x0  }
0x2f2: {  	[sflag:s4] =	ssyncadd.s32 $0xFFFFFC00  }
0x2f3: {  	[tilespmem:s13], [sflag:$0x1] =	stream.indirect.gather [hbm4b:s3+s19], $0x10, s2, s19, $0xb8;
	[tilespmem:$0x11000] =	vst v63  }
0x2f4: {  	_ = 	snop  }
0x2f5: {  	[tilespmem:s14], [sflag:$0x2] =	stream.indirect.gather [hbm4b:s3+s19], $0x10, s19, s19, $0xb8;
	[tilespmem:$0x11000] =	vst v63  }
0x2f6: {  	_ =	swait.ge [sflag:s22], $0x4000  }
0x2f7: {  	[sflag:s22] =	ssyncset.done $0x0  }
0x2f8: {  	[sflag:s22] =	ssyncadd.s32 $0xFFFFC000  }
0x2f9: {  	_ =	swait.ge [sflag:s20], $0x4000  }
0x2fa: {  	[sflag:s20] =	ssyncset.done $0x0  }
0x2fb: {  	s1 =	rddreg [dreg:$0xa];
	[sflag:s20] =	ssyncadd.s32 $0xFFFFC000  }
0x2fc: {  	[hbm4b:s1+s2] =	stream.linear.scatter [tilespmem:s12], [sflag:$0x7], $0x4000, $0x38;
	[tilespmem:$0x11000] =	vst v63  }
0x2fd: {  	s31 =	rddreg [dreg:$0xb]  }
0x2fe: {  	[hbm4b:s31+s2] =	stream.linear.scatter [tilespmem:s10], [sflag:$0x8], $0x4000, $0x38;
	[tilespmem:$0x11000] =	vst v63  }
0x2ff: {  	_ =	swait.ge [sflag:s30], $0x4000  }
0x300: {  	[sflag:s30] =	ssyncset.done $0x0  }
0x301: {  	[sflag:s30] =	ssyncadd.s32 $0xFFFFC000  }
0x302: {  	_ =	swait.ge [sflag:s29], $0x4000  }
0x303: {  	[sflag:s29] =	ssyncset.done $0x0  }
0x304: {  	s1 =	rddreg [dreg:$0xc];
	[sflag:s29] =	ssyncadd.s32 $0xFFFFC000  }
0x305: {  	[tilespmem:s23], [sflag:$0x9] =	stream.linear.gather [hbm4b:s1+s2], $0x400, $0x38;
	[tilespmem:$0x11000] =	vst v63  }
0x306: {  	_ =	swait.ge [sflag:s4], $0x400  }
0x307: {  	[sflag:s4] =	ssyncset.done $0x0  }
0x308: {  	s31 =	rddreg [dreg:$0xd];
	[sflag:s4] =	ssyncadd.s32 $0xFFFFFC00  }
0x309: {  	[tilespmem:s24], [sflag:$0x9] =	stream.linear.gather [hbm4b:s31+s2], $0x400, $0x38;
	[tilespmem:$0x11000] =	vst v63  }
0x30a: {  	_ =	swait.ge [sflag:s4], $0x400  }
0x30b: {  	[sflag:s4] =	ssyncset.done $0x0  }
0x30c: {  	[sflag:s4] =	ssyncadd.s32 $0xFFFFFC00  }
0x30d: {  	[tilespmem:s12], [sflag:$0x3] =	stream.indirect.gather [hbm4b:s3+s19], $0x10, s23, s19, $0xb8;
	[tilespmem:$0x11000] =	vst v63  }
0x30e: {  	_ = 	snop  }
0x30f: {  	[tilespmem:s10], [sflag:$0x4] =	stream.indirect.gather [hbm4b:s3+s19], $0x10, s24, s19, $0xb8;
	[tilespmem:$0x11000] =	vst v63  }
0x310: {  	_ =	swait.ge [sflag:s25], $0x4000  }
0x311: {  	[sflag:s25] =	ssyncset.done $0x0  }
0x312: {  	[sflag:s25] =	ssyncadd.s32 $0xFFFFC000  }
0x313: {  	_ =	swait.ge [sflag:s21], $0x4000  }
0x314: {  	[sflag:s21] =	ssyncset.done $0x0  }
0x315: {  	s1 =	rddreg [dreg:$0xe];
	[sflag:s21] =	ssyncadd.s32 $0xFFFFC000  }
0x316: {  	[hbm4b:s1+s2] =	stream.linear.scatter [tilespmem:s13], [sflag:$0x5], $0x4000, $0x38;
	[tilespmem:$0x11000] =	vst v63  }
0x317: {  	s31 =	rddreg [dreg:$0xf]  }
0x318: {  	[hbm4b:s31+s2] =	stream.linear.scatter [tilespmem:s14], [sflag:$0x6], $0x4000, $0x38;
	[tilespmem:$0x11000] =	vst v63  }
0x319: {  	_ =	swait.ge [sflag:s11], $0x4000  }
0x31a: {  	[sflag:s11] =	ssyncset.done $0x0  }
0x31b: {  	[sflag:s11] =	ssyncadd.s32 $0xFFFFC000  }
0x31c: {  	_ =	swait.ge [sflag:s8], $0x4000  }
0x31d: {  	[sflag:s8] =	ssyncset.done $0x0  }
0x31e: {  	s1 =	rddreg [dreg:$0x10];
	[sflag:s8] =	ssyncadd.s32 $0xFFFFC000  }
0x31f: {  	[tilespmem:s2], [sflag:$0x9] =	stream.linear.gather [hbm4b:s1+s2], $0x400, $0x38;
	[tilespmem:$0x11000] =	vst v63  }
0x320: {  	_ =	swait.ge [sflag:s4], $0x400  }
0x321: {  	[sflag:s4] =	ssyncset.done $0x0  }
0x322: {  	s31 =	rddreg [dreg:$0x11];
	[sflag:s4] =	ssyncadd.s32 $0xFFFFFC00  }
0x323: {  	[tilespmem:s19], [sflag:$0x9] =	stream.linear.gather [hbm4b:s31+s2], $0x400, $0x38;
	[tilespmem:$0x11000] =	vst v63  }
0x324: {  	_ =	swait.ge [sflag:s4], $0x400  }
0x325: {  	[sflag:s4] =	ssyncset.done $0x0  }
0x326: {  	[sflag:s4] =	ssyncadd.s32 $0xFFFFFC00  }
0x327: {  	[tilespmem:s13], [sflag:$0x1] =	stream.indirect.gather [hbm4b:s3+s19], $0x10, s2, s19, $0xb8;
	[tilespmem:$0x11000] =	vst v63  }
0x328: {  	_ = 	snop  }
0x329: {  	[tilespmem:s14], [sflag:$0x2] =	stream.indirect.gather [hbm4b:s3+s19], $0x10, s19, s19, $0xb8;
	[tilespmem:$0x11000] =	vst v63  }
0x32a: {  	_ =	swait.ge [sflag:s22], $0x4000  }
0x32b: {  	[sflag:s22] =	ssyncset.done $0x0  }
0x32c: {  	[sflag:s22] =	ssyncadd.s32 $0xFFFFC000  }
0x32d: {  	_ =	swait.ge [sflag:s20], $0x4000  }
0x32e: {  	[sflag:s20] =	ssyncset.done $0x0  }
0x32f: {  	s1 =	rddreg [dreg:$0x12];
	[sflag:s20] =	ssyncadd.s32 $0xFFFFC000  }
0x330: {  	[hbm4b:s1+s2] =	stream.linear.scatter [tilespmem:s12], [sflag:$0x7], $0x4000, $0x38;
	[tilespmem:$0x11000] =	vst v63  }
0x331: {  	s31 =	rddreg [dreg:$0x13]  }
0x332: {  	[hbm4b:s31+s2] =	stream.linear.scatter [tilespmem:s10], [sflag:$0x8], $0x4000, $0x38;
	[tilespmem:$0x11000] =	vst v63  }
0x333: {  	_ =	swait.ge [sflag:s30], $0x4000  }
0x334: {  	[sflag:s30] =	ssyncset.done $0x0  }
0x335: {  	[sflag:s30] =	ssyncadd.s32 $0xFFFFC000  }
0x336: {  	_ =	swait.ge [sflag:s29], $0x4000  }
0x337: {  	[sflag:s29] =	ssyncset.done $0x0  }
0x338: {  	s1 =	rddreg [dreg:$0x14];
	[sflag:s29] =	ssyncadd.s32 $0xFFFFC000  }
0x339: {  	[tilespmem:s23], [sflag:$0x9] =	stream.linear.gather [hbm4b:s1+s2], $0x400, $0x38;
	[tilespmem:$0x11000] =	vst v63  }
0x33a: {  	_ =	swait.ge [sflag:s4], $0x400  }
0x33b: {  	[sflag:s4] =	ssyncset.done $0x0  }
0x33c: {  	s31 =	rddreg [dreg:$0x15];
	[sflag:s4] =	ssyncadd.s32 $0xFFFFFC00  }
0x33d: {  	[tilespmem:s24], [sflag:$0x9] =	stream.linear.gather [hbm4b:s31+s2], $0x400, $0x38;
	[tilespmem:$0x11000] =	vst v63  }
0x33e: {  	_ =	swait.ge [sflag:s4], $0x400  }
0x33f: {  	[sflag:s4] =	ssyncset.done $0x0  }
0x340: {  	[sflag:s4] =	ssyncadd.s32 $0xFFFFFC00  }
0x341: {  	[tilespmem:s12], [sflag:$0x3] =	stream.indirect.gather [hbm4b:s3+s19], $0x10, s23, s19, $0xb8;
	[tilespmem:$0x11000] =	vst v63  }
0x342: {  	_ = 	snop  }
0x343: {  	[tilespmem:s10], [sflag:$0x4] =	stream.indirect.gather [hbm4b:s3+s19], $0x10, s24, s19, $0xb8;
	[tilespmem:$0x11000] =	vst v63  }
0x344: {  	_ =	swait.ge [sflag:s25], $0x4000  }
0x345: {  	[sflag:s25] =	ssyncset.done $0x0  }
0x346: {  	[sflag:s25] =	ssyncadd.s32 $0xFFFFC000  }
0x347: {  	_ =	swait.ge [sflag:s21], $0x4000  }
0x348: {  	[sflag:s21] =	ssyncset.done $0x0  }
0x349: {  	s1 =	rddreg [dreg:$0x16];
	[sflag:s21] =	ssyncadd.s32 $0xFFFFC000  }
0x34a: {  	[hbm4b:s1+s2] =	stream.linear.scatter [tilespmem:s13], [sflag:$0x5], $0x4000, $0x38;
	[tilespmem:$0x11000] =	vst v63  }
0x34b: {  	s31 =	rddreg [dreg:$0x17]  }
0x34c: {  	[hbm4b:s31+s2] =	stream.linear.scatter [tilespmem:s14], [sflag:$0x6], $0x4000, $0x38;
	[tilespmem:$0x11000] =	vst v63  }
0x34d: {  	_ =	swait.ge [sflag:s11], $0x4000  }
0x34e: {  	[sflag:s11] =	ssyncset.done $0x0  }
0x34f: {  	[sflag:s11] =	ssyncadd.s32 $0xFFFFC000  }
0x350: {  	_ =	swait.ge [sflag:s8], $0x4000  }
0x351: {  	[sflag:s8] =	ssyncset.done $0x0  }
0x352: {  	s1 =	rddreg [dreg:$0x18];
	[sflag:s8] =	ssyncadd.s32 $0xFFFFC000  }
0x353: {  	[tilespmem:s2], [sflag:$0x9] =	stream.linear.gather [hbm4b:s1+s2], $0x400, $0x38;
	[tilespmem:$0x11000] =	vst v63  }
0x354: {  	_ =	swait.ge [sflag:s4], $0x400  }
0x355: {  	[sflag:s4] =	ssyncset.done $0x0  }
0x356: {  	s31 =	rddreg [dreg:$0x19];
	[sflag:s4] =	ssyncadd.s32 $0xFFFFFC00  }
0x357: {  	[tilespmem:s19], [sflag:$0x9] =	stream.linear.gather [hbm4b:s31+s2], $0x400, $0x38;
	[tilespmem:$0x11000] =	vst v63  }
0x358: {  	_ =	swait.ge [sflag:s4], $0x400  }
0x359: {  	[sflag:s4] =	ssyncset.done $0x0  }
0x35a: {  	[sflag:s4] =	ssyncadd.s32 $0xFFFFFC00  }
0x35b: {  	[tilespmem:s13], [sflag:$0x1] =	stream.indirect.gather [hbm4b:s3+s19], $0x10, s2, s19, $0xb8;
	[tilespmem:$0x11000] =	vst v63  }
0x35c: {  	_ = 	snop  }
0x35d: {  	[tilespmem:s14], [sflag:$0x2] =	stream.indirect.gather [hbm4b:s3+s19], $0x10, s19, s19, $0xb8;
	[tilespmem:$0x11000] =	vst v63  }
0x35e: {  	_ =	swait.ge [sflag:s22], $0x4000  }
0x35f: {  	[sflag:s22] =	ssyncset.done $0x0  }
0x360: {  	[sflag:s22] =	ssyncadd.s32 $0xFFFFC000  }
0x361: {  	_ =	swait.ge [sflag:s20], $0x4000  }
0x362: {  	[sflag:s20] =	ssyncset.done $0x0  }
0x363: {  	s1 =	rddreg [dreg:$0x1a];
	[sflag:s20] =	ssyncadd.s32 $0xFFFFC000  }
0x364: {  	[hbm4b:s1+s2] =	stream.linear.scatter [tilespmem:s12], [sflag:$0x7], $0x4000, $0x38;
	[tilespmem:$0x11000] =	vst v63  }
0x365: {  	s31 =	rddreg [dreg:$0x1b]  }
0x366: {  	[hbm4b:s31+s2] =	stream.linear.scatter [tilespmem:s10], [sflag:$0x8], $0x4000, $0x38;
	[tilespmem:$0x11000] =	vst v63  }
0x367: {  	_ =	swait.ge [sflag:s30], $0x4000  }
0x368: {  	[sflag:s30] =	ssyncset.done $0x0  }
0x369: {  	[sflag:s30] =	ssyncadd.s32 $0xFFFFC000  }
0x36a: {  	_ =	swait.ge [sflag:s29], $0x4000  }
0x36b: {  	[sflag:s29] =	ssyncset.done $0x0  }
0x36c: {  	s1 =	rddreg [dreg:$0x1c];
	[sflag:s29] =	ssyncadd.s32 $0xFFFFC000  }
0x36d: {  	[tilespmem:s23], [sflag:$0x9] =	stream.linear.gather [hbm4b:s1+s2], $0x400, $0x38;
	[tilespmem:$0x11000] =	vst v63  }
0x36e: {  	_ =	swait.ge [sflag:s4], $0x400  }
0x36f: {  	[sflag:s4] =	ssyncset.done $0x0  }
0x370: {  	s31 =	rddreg [dreg:$0x1d];
	[sflag:s4] =	ssyncadd.s32 $0xFFFFFC00  }
0x371: {  	[tilespmem:s24], [sflag:$0x9] =	stream.linear.gather [hbm4b:s31+s2], $0x400, $0x38;
	[tilespmem:$0x11000] =	vst v63  }
0x372: {  	_ =	swait.ge [sflag:s4], $0x400  }
0x373: {  	[sflag:s4] =	ssyncset.done $0x0  }
0x374: {  	[sflag:s4] =	ssyncadd.s32 $0xFFFFFC00  }
0x375: {  	[tilespmem:s12], [sflag:$0x3] =	stream.indirect.gather [hbm4b:s3+s19], $0x10, s23, s19, $0xb8;
	[tilespmem:$0x11000] =	vst v63  }
0x376: {  	_ = 	snop  }
0x377: {  	[tilespmem:s10], [sflag:$0x4] =	stream.indirect.gather [hbm4b:s3+s19], $0x10, s24, s19, $0xb8;
	[tilespmem:$0x11000] =	vst v63  }
0x378: {  	_ =	swait.ge [sflag:s25], $0x4000  }
0x379: {  	[sflag:s25] =	ssyncset.done $0x0  }
0x37a: {  	[sflag:s25] =	ssyncadd.s32 $0xFFFFC000  }
0x37b: {  	_ =	swait.ge [sflag:s21], $0x4000  }
0x37c: {  	[sflag:s21] =	ssyncset.done $0x0  }
0x37d: {  	s1 =	rddreg [dreg:$0x1e];
	[sflag:s21] =	ssyncadd.s32 $0xFFFFC000  }
0x37e: {  	[hbm4b:s1+s2] =	stream.linear.scatter [tilespmem:s13], [sflag:$0x5], $0x4000, $0x38;
	[tilespmem:$0x11000] =	vst v63  }
0x37f: {  	s31 =	rddreg [dreg:$0x1f]  }
0x380: {  	[hbm4b:s31+s2] =	stream.linear.scatter [tilespmem:s14], [sflag:$0x6], $0x4000, $0x38;
	[tilespmem:$0x11000] =	vst v63  }
0x381: {  	_ =	swait.ge [sflag:s11], $0x4000  }
0x382: {  	[sflag:s11] =	ssyncset.done $0x0  }
0x383: {  	[sflag:s11] =	ssyncadd.s32 $0xFFFFC000  }
0x384: {  	_ =	swait.ge [sflag:s8], $0x4000  }
0x385: {  	s1 =	sld [smem:$0x7F6]  }
0x386: {  	[sflag:s8] =	ssyncset.done $0x0  }
0x387: {  	[sflag:s8] =	ssyncadd.s32 $0xFFFFC000  }
0x388: {  	[tilespmem:s2], [sflag:$0x9] =	stream.linear.gather [hbm4b:s1+s2], $0x400, $0x38;
	[tilespmem:$0x11000] =	vst v63  }
0x389: {  	_ =	swait.ge [sflag:s4], $0x400  }
0x38a: {  	s31 =	sld [smem:$0x7F7]  }
0x38b: {  	[sflag:s4] =	ssyncset.done $0x0  }
0x38c: {  	[sflag:s4] =	ssyncadd.s32 $0xFFFFFC00  }
0x38d: {  	[tilespmem:s19], [sflag:$0x9] =	stream.linear.gather [hbm4b:s31+s2], $0x400, $0x38;
	[tilespmem:$0x11000] =	vst v63  }
0x38e: {  	_ =	swait.ge [sflag:s4], $0x400  }
0x38f: {  	[sflag:s4] =	ssyncset.done $0x0  }
0x390: {  	[sflag:s4] =	ssyncadd.s32 $0xFFFFFC00  }
0x391: {  	[tilespmem:s13], [sflag:$0x1] =	stream.indirect.gather [hbm4b:s3+s19], $0x10, s2, s19, $0xb8;
	[tilespmem:$0x11000] =	vst v63  }
0x392: {  	_ = 	snop  }
0x393: {  	[tilespmem:s14], [sflag:$0x2] =	stream.indirect.gather [hbm4b:s3+s19], $0x10, s19, s19, $0xb8;
	[tilespmem:$0x11000] =	vst v63  }
0x394: {  	_ =	swait.ge [sflag:s22], $0x4000  }
0x395: {  	[sflag:s22] =	ssyncset.done $0x0  }
0x396: {  	[sflag:s22] =	ssyncadd.s32 $0xFFFFC000  }
0x397: {  	_ =	swait.ge [sflag:s20], $0x4000  }
0x398: {  	s1 =	sld [smem:$0x7F8]  }
0x399: {  	[sflag:s20] =	ssyncset.done $0x0  }
0x39a: {  	s31 =	sld [smem:$0x7F9];
	[sflag:s20] =	ssyncadd.s32 $0xFFFFC000  }
0x39b: {  	[hbm4b:s1+s2] =	stream.linear.scatter [tilespmem:s12], [sflag:$0x7], $0x4000, $0x38;
	[tilespmem:$0x11000] =	vst v63  }
0x39c: {  	_ = 	snop  }
0x39d: {  	[hbm4b:s31+s2] =	stream.linear.scatter [tilespmem:s10], [sflag:$0x8], $0x4000, $0x38;
	[tilespmem:$0x11000] =	vst v63  }
0x39e: {  	_ =	swait.ge [sflag:s30], $0x4000  }
0x39f: {  	[sflag:s30] =	ssyncset.done $0x0  }
0x3a0: {  	[sflag:s30] =	ssyncadd.s32 $0xFFFFC000  }
0x3a1: {  	_ =	swait.ge [sflag:s29], $0x4000  }
0x3a2: {  	s1 =	sld [smem:$0x7FA]  }
0x3a3: {  	[sflag:s29] =	ssyncset.done $0x0  }
0x3a4: {  	[sflag:s29] =	ssyncadd.s32 $0xFFFFC000  }
0x3a5: {  	[tilespmem:s23], [sflag:$0x9] =	stream.linear.gather [hbm4b:s1+s2], $0x400, $0x38;
	[tilespmem:$0x11000] =	vst v63  }
0x3a6: {  	_ =	swait.ge [sflag:s4], $0x400  }
0x3a7: {  	s31 =	sld [smem:$0x7FB]  }
0x3a8: {  	[sflag:s4] =	ssyncset.done $0x0  }
0x3a9: {  	[sflag:s4] =	ssyncadd.s32 $0xFFFFFC00  }
0x3aa: {  	[tilespmem:s24], [sflag:$0x9] =	stream.linear.gather [hbm4b:s31+s2], $0x400, $0x38;
	[tilespmem:$0x11000] =	vst v63  }
0x3ab: {  	_ =	swait.ge [sflag:s4], $0x400  }
0x3ac: {  	[sflag:s4] =	ssyncset.done $0x0  }
0x3ad: {  	[sflag:s4] =	ssyncadd.s32 $0xFFFFFC00  }
0x3ae: {  	[tilespmem:s12], [sflag:$0x3] =	stream.indirect.gather [hbm4b:s3+s19], $0x10, s23, s19, $0xb8;
	[tilespmem:$0x11000] =	vst v63  }
0x3af: {  	_ = 	snop  }
0x3b0: {  	[tilespmem:s10], [sflag:$0x4] =	stream.indirect.gather [hbm4b:s3+s19], $0x10, s24, s19, $0xb8;
	[tilespmem:$0x11000] =	vst v63  }
0x3b1: {  	_ =	swait.ge [sflag:s25], $0x4000  }
0x3b2: {  	[sflag:s25] =	ssyncset.done $0x0  }
0x3b3: {  	[sflag:s25] =	ssyncadd.s32 $0xFFFFC000  }
0x3b4: {  	_ =	swait.ge [sflag:s21], $0x4000  }
0x3b5: {  	s1 =	sld [smem:$0x7FC]  }
0x3b6: {  	[sflag:s21] =	ssyncset.done $0x0  }
0x3b7: {  	s31 =	sld [smem:$0x7FD];
	[sflag:s21] =	ssyncadd.s32 $0xFFFFC000  }
0x3b8: {  	[hbm4b:s1+s2] =	stream.linear.scatter [tilespmem:s13], [sflag:$0x5], $0x4000, $0x38;
	[tilespmem:$0x11000] =	vst v63  }
0x3b9: {  	_ = 	snop  }
0x3ba: {  	[hbm4b:s31+s2] =	stream.linear.scatter [tilespmem:s14], [sflag:$0x6], $0x4000, $0x38;
	[tilespmem:$0x11000] =	vst v63  }
0x3bb: {  	_ =	swait.ge [sflag:s11], $0x4000  }
0x3bc: {  	[sflag:s11] =	ssyncset.done $0x0  }
0x3bd: {  	[sflag:s11] =	ssyncadd.s32 $0xFFFFC000  }
0x3be: {  	_ =	swait.ge [sflag:s8], $0x4000  }
0x3bf: {  	[sflag:s8] =	ssyncset.done $0x0  }
0x3c0: {  	[sflag:s8] =	ssyncadd.s32 $0xFFFFC000  }
0x3c1: {  	[tilespmem:s2], [sflag:$0x9] =	stream.linear.gather [hbm4b:s28+s2], $0x400, $0x38;
	[tilespmem:$0x11000] =	vst v63  }
0x3c2: {  	_ =	swait.ge [sflag:s4], $0x400  }
0x3c3: {  	[sflag:s4] =	ssyncset.done $0x0  }
0x3c4: {  	[sflag:s4] =	ssyncadd.s32 $0xFFFFFC00  }
0x3c5: {  	[tilespmem:s19], [sflag:$0x9] =	stream.linear.gather [hbm4b:s26+s2], $0x400, $0x38;
	[tilespmem:$0x11000] =	vst v63  }
0x3c6: {  	_ =	swait.ge [sflag:s4], $0x400  }
0x3c7: {  	[sflag:s4] =	ssyncset.done $0x0  }
0x3c8: {  	[sflag:s4] =	ssyncadd.s32 $0xFFFFFC00  }
0x3c9: {  	[tilespmem:s13], [sflag:$0x1] =	stream.indirect.gather [hbm4b:s3+s19], $0x10, s2, s19, $0xb8;
	[tilespmem:$0x11000] =	vst v63  }
0x3ca: {  	_ = 	snop  }
0x3cb: {  	[tilespmem:s14], [sflag:$0x2] =	stream.indirect.gather [hbm4b:s3+s19], $0x10, s19, s19, $0xb8;
	[tilespmem:$0x11000] =	vst v63  }
0x3cc: {  	_ =	swait.ge [sflag:s22], $0x4000  }
0x3cd: {  	[sflag:s22] =	ssyncset.done $0x0  }
0x3ce: {  	[sflag:s22] =	ssyncadd.s32 $0xFFFFC000  }
0x3cf: {  	_ =	swait.ge [sflag:s20], $0x4000  }
0x3d0: {  	[sflag:s20] =	ssyncset.done $0x0  }
0x3d1: {  	[sflag:s20] =	ssyncadd.s32 $0xFFFFC000  }
0x3d2: {  	[hbm4b:s17+s2] =	stream.linear.scatter [tilespmem:s12], [sflag:$0x7], $0x4000, $0x38;
	[tilespmem:$0x11000] =	vst v63  }
0x3d3: {  	_ = 	snop  }
0x3d4: {  	[hbm4b:s18+s2] =	stream.linear.scatter [tilespmem:s10], [sflag:$0x8], $0x4000, $0x38;
	[tilespmem:$0x11000] =	vst v63  }
0x3d5: {  	_ =	swait.ge [sflag:s30], $0x4000  }
0x3d6: {  	[sflag:s30] =	ssyncset.done $0x0  }
0x3d7: {  	[sflag:s30] =	ssyncadd.s32 $0xFFFFC000  }
0x3d8: {  	_ =	swait.ge [sflag:s29], $0x4000  }
0x3d9: {  	[sflag:s29] =	ssyncset.done $0x0  }
0x3da: {  	[sflag:s29] =	ssyncadd.s32 $0xFFFFC000  }
0x3db: {  	[tilespmem:s23], [sflag:$0x9] =	stream.linear.gather [hbm4b:s16+s2], $0x400, $0x38;
	[tilespmem:$0x11000] =	vst v63  }
0x3dc: {  	_ =	swait.ge [sflag:s4], $0x400  }
0x3dd: {  	[sflag:s4] =	ssyncset.done $0x0  }
0x3de: {  	[sflag:s4] =	ssyncadd.s32 $0xFFFFFC00  }
0x3df: {  	[tilespmem:s24], [sflag:$0x9] =	stream.linear.gather [hbm4b:s15+s2], $0x400, $0x38;
	[tilespmem:$0x11000] =	vst v63  }
0x3e0: {  	_ =	swait.ge [sflag:s4], $0x400  }
0x3e1: {  	[sflag:s4] =	ssyncset.done $0x0  }
0x3e2: {  	[sflag:s4] =	ssyncadd.s32 $0xFFFFFC00  }
0x3e3: {  	[tilespmem:s12], [sflag:$0x3] =	stream.indirect.gather [hbm4b:s3+s19], $0x10, s23, s19, $0xb8;
	[tilespmem:$0x11000] =	vst v63  }
0x3e4: {  	_ = 	snop  }
0x3e5: {  	[tilespmem:s10], [sflag:$0x4] =	stream.indirect.gather [hbm4b:s3+s19], $0x10, s24, s19, $0xb8;
	[tilespmem:$0x11000] =	vst v63  }
0x3e6: {  	_ =	swait.ge [sflag:s25], $0x4000  }
0x3e7: {  	[sflag:s25] =	ssyncset.done $0x0  }
0x3e8: {  	[sflag:s25] =	ssyncadd.s32 $0xFFFFC000  }
0x3e9: {  	_ =	swait.ge [sflag:s21], $0x4000  }
0x3ea: {  	[sflag:s21] =	ssyncset.done $0x0  }
0x3eb: {  	[sflag:s21] =	ssyncadd.s32 $0xFFFFC000  }
0x3ec: {  	[hbm4b:s7+s2] =	stream.linear.scatter [tilespmem:s13], [sflag:$0x5], $0x4000, $0x38;
	[tilespmem:$0x11000] =	vst v63  }
0x3ed: {  	_ = 	snop  }
0x3ee: {  	[hbm4b:s9+s2] =	stream.linear.scatter [tilespmem:s14], [sflag:$0x6], $0x4000, $0x38;
	[tilespmem:$0x11000] =	vst v63  }
0x3ef: {  	_ =	swait.ge [sflag:s22], $0x4000  }
0x3f0: {  	[sflag:s22] =	ssyncset.done $0x0  }
0x3f1: {  	[sflag:s22] =	ssyncadd.s32 $0xFFFFC000  }
0x3f2: {  	_ =	swait.ge [sflag:s20], $0x4000  }
0x3f3: {  	[sflag:s20] =	ssyncset.done $0x0  }
0x3f4: {  	[sflag:s20] =	ssyncadd.s32 $0xFFFFC000  }
0x3f5: {  	[hbm4b:s6+s2] =	stream.linear.scatter [tilespmem:s12], [sflag:$0x9], $0x4000, $0x38;
	[tilespmem:$0x11000] =	vst v63  }
0x3f6: {  	_ =	swait.ge [sflag:s4], $0x4000  }
0x3f7: {  	[sflag:s4] =	ssyncset.done $0x0  }
0x3f8: {  	[sflag:s4] =	ssyncadd.s32 $0xFFFFC000  }
0x3f9: {  	[hbm4b:s5+s2] =	stream.linear.scatter [tilespmem:s10], [sflag:$0x9], $0x4000, $0x38;
	[tilespmem:$0x11000] =	vst v63  }
0x3fa: {  	_ =	swait.ge [sflag:s4], $0x4000  }
0x3fb: {  	[sflag:s4] =	ssyncset.done $0x0  }
0x3fc: {  	[sflag:s4] =	ssyncadd.s32 $0xFFFFC000  }
0x3fd: {  	_ =	swait.ge [sflag:s11], $0x4000  }
0x3fe: {  	[sflag:s11] =	ssyncset.done $0x0  }
0x3ff: {  	[sflag:s11] =	ssyncadd.s32 $0xFFFFC000  }
0x400: {  	_ =	swait.ge [sflag:s8], $0x4000  }
0x401: {  	[sflag:s8] =	ssyncset.done $0x0  }
0x402: {  	[sflag:s8] =	ssyncadd.s32 $0xFFFFC000  }
0x403: {  	_ =	sfence.sel $0x180000  }
0x404: {  	[bflag:$0x0] =	sbarrier.arrive $0xFFFF  }
0x405: {  	_ =	strace $0x90000056  }
0x406: {  	s31 =	stileid.u32;
	[bflag:$0x2] =	sbarrier.arrive $0xFFFF  }
0x407: {  	p0 =	sne.s32 s31, $0x0;
	s0 =	rddreg [dreg:$0x1]  }
0x408: {  	s0 =	sadd.s32 @!p0 $0x100000, s0  }
0x409: {  	[sflag:s0] =	ssyncadd.tile.s32 @!p0 $0x1;
	_ =	shalt  }
.Lfunc_end2:
_tile_overlayer_lowered:
.L_overlay_start_2:
0x40a: {  	(tag) =	ssettag $0x2  }
0x40b: {  	s0 =	rddreg [dreg:$0x0];
	s2 =	stileid.u32  }
0x40c: {  	s1 =	rddreg [dreg:$0x1];
	p0 =	sne.s32 s2, $0x0  }
0x40d: {  	s3 =	rddreg [dreg:$0x2];
	[bflag:$0x3] =	sbarrier.arrive $0xFFFF;
	s2 =	simm.s32 @!p0 $0x1C09  }
0x40e: {  	[timem:s3], [sflag:s2] =	dma.local @!p0 [hbm:s0], s1  }
0x40f: {  	s0 =	simm.s32 @!p0 $0x9  }
0x410: {  	_ =	swait.ge @!p0 [sflag:s0], s1  }
0x411: {  	s1 =	ssub.s32 @!p0 $0x0, s1;
	[sflag:s0] =	ssyncset.done @!p0 $0x0  }
0x412: {  	[sflag:s0] =	ssyncadd.s32 @!p0 s1  }
0x413: {  	[bflag:$0x3] =	sbarrier.arrive $0xFFFF  }
0x414: {  	_ =	shalt  }

</sc_bundles>
